<compile_context>
chip_gen: v7x
topology: tpu7x:2x2x1
jax: 0.10.2.dev20260603
libtpu: 0.0.44.dev20260713+nightly
codegen_flags: <defaults>
</compile_context>

<pallas_src>
import functools

import jax
import jax.numpy as jnp
from jax import lax
from jax.experimental import pallas as pl
from jax.experimental.pallas import tpu as pltpu
from jax.experimental.pallas import tpu_sc as plsc

_NC = 1
_NS = 16
_NW = _NC * _NS
_L = 16
_NEG = -1.0e30
_PW = 272


def _prep_body(alf, arf, alb, arb, wf, wb, out):
    dn = (((1,), (1,)), ((), ()))
    out[0:1, :] = lax.dot_general(alf[:], wf[:], dn, preferred_element_type=jnp.float32)
    out[1:2, :] = lax.dot_general(arf[:], wf[:], dn, preferred_element_type=jnp.float32)
    out[2:3, :] = lax.dot_general(alb[:], wb[:], dn, preferred_element_type=jnp.float32)
    out[3:4, :] = lax.dot_general(arb[:], wb[:], dn, preferred_element_type=jnp.float32)


def _make_scan(E, N, D):
    EPW = E // _NW
    BLK = 25
    NB = EPW // (BLK * _L)
    assert EPW * _NW == E and NB * BLK * _L == EPW and D == 128
    NCH = D // _L

    def body(ei_hbm, feat_hbm, wv_hbm, op_hbm, par_hbm,
             wf_hbm, wb_hbm, bf_hbm, bb_hbm,
             final, parts,
             srcb, dstb, flist_f, flist_b, wvbuf, opbuf, idxs, idxd,
             rows_s, rows_d, accbuf, mdbuf, parbuf, parrows,
             wmat, bbuf, pbuf, wbuf, outbuf, scal, cnts, sem, sem2):
        tid = lax.axis_index("s")
        base = tid * EPW

        stage1 = pltpu.async_copy(ei_hbm.at[pl.ds(base, EPW)], srcb, sem2)
        stage2 = pltpu.async_copy(ei_hbm.at[pl.ds(E + base, EPW)], dstb, sem2)
        pltpu.sync_copy(wv_hbm, wvbuf)
        pltpu.sync_copy(op_hbm, opbuf)

        opv = opbuf[...]
        opn = opv[0]
        idxs[:] = opv
        pltpu.async_copy(feat_hbm.at[idxs], rows_s, sem).wait()

        def dot_row(ref_a, ia, wbase):
            a = ref_a[ia, pl.ds(0, _L)] * wvbuf[pl.ds(wbase, _L)]
            for c in range(1, NCH):
                a = a + ref_a[ia, pl.ds(c * _L, _L)] * wvbuf[pl.ds(wbase + c * _L, _L)]
            return jnp.sum(a)

        er_f = dot_row(rows_s, 0, D)
        er_b = dot_row(rows_s, 0, 3 * D)

        @pl.when(tid == 2)
        def _():
            for c in range(NCH):
                outbuf[pl.ds(c * _L, _L)] = rows_s[0, pl.ds(c * _L, _L)]

        scal[0] = _NEG
        scal[1] = 0.0
        scal[2] = _NEG
        scal[3] = 0.0
        cnts[0] = 0
        cnts[1] = 0
        for c in range(2 * NCH):
            accbuf[pl.ds(c * _L, _L)] = jnp.zeros((_L,), jnp.float32)

        def exp_scalar(x):
            return jnp.max(jnp.exp(jnp.full((_L,), x, jnp.float32)))

        def online_update(dirn, s, rowref, j):
            m_old = scal[2 * dirn]
            d_old = scal[2 * dirn + 1]

            @pl.when(s <= m_old)
            def _():
                w = exp_scalar(s - m_old)
                scal[2 * dirn + 1] = d_old + w
                for c in range(NCH):
                    ds_ = pl.ds(dirn * D + c * _L, _L)
                    accbuf[ds_] = accbuf[ds_] + w * rowref[j, pl.ds(c * _L, _L)]

            @pl.when(s > m_old)
            def _():
                sc = exp_scalar(m_old - s)
                scal[2 * dirn] = s
                scal[2 * dirn + 1] = d_old * sc + 1.0
                for c in range(NCH):
                    ds_ = pl.ds(dirn * D + c * _L, _L)
                    accbuf[ds_] = accbuf[ds_] * sc + rowref[j, pl.ds(c * _L, _L)]

        stage1.wait()
        stage2.wait()

        @pl.when(tid == 0)
        def _():
            pltpu.async_copy(wf_hbm, wmat, sem2)
            pltpu.async_copy(bf_hbm, bbuf, sem2)

        @pl.when(tid == 1)
        def _():
            pltpu.async_copy(wb_hbm, wmat, sem2)
            pltpu.async_copy(bb_hbm, bbuf, sem2)

        def record_vreg(off):
            sv = srcb[pl.ds(off, _L)]
            dv = dstb[pl.ds(off, _L)]
            mf = dv == opv
            mb = sv == opv
            cf = cnts[0]
            cb = cnts[1]
            plsc.store_compressed(flist_f.at[pl.ds(cf, _L)], sv, mask=mf)
            plsc.store_compressed(flist_b.at[pl.ds(cb, _L)], dv, mask=mb)
            cnts[0] = cf + plsc.all_reduce_population_count(mf)[0]
            cnts[1] = cb + plsc.all_reduce_population_count(mb)[0]

        def block(b, carry):
            bbase = b * (BLK * _L)
            hit = srcb[pl.ds(bbase, _L)] == opv
            hit = hit | (dstb[pl.ds(bbase, _L)] == opv)
            for u in range(1, BLK):
                hit = hit | (srcb[pl.ds(bbase + u * _L, _L)] == opv)
                hit = hit | (dstb[pl.ds(bbase + u * _L, _L)] == opv)
            cnt = jnp.sum(jnp.where(hit, 1, 0))

            @pl.when(cnt > 0)
            def _():
                def rescan(u, c2):
                    record_vreg(bbase + u * _L)
                    return c2
                lax.fori_loop(0, BLK, rescan, 0)
            return carry

        lax.fori_loop(0, NB, block, 0)

        lane = lax.broadcasted_iota(jnp.int32, (_L,), 0)

        def post_pass(dirn, flist, idxbuf, rows, wbase, er):
            cnt = cnts[dirn]

            def chunk(ci, carry):
                i = ci * _L
                raw = flist[pl.ds(i, _L)]
                valid = (lane + i) < jnp.full((_L,), cnt, jnp.int32)
                idxbuf[:] = jnp.where(valid, raw, 0)
                pltpu.async_copy(feat_hbm.at[idxbuf], rows, sem).wait()

                def lane_body(j, c3):
                    @pl.when(i + j < cnt)
                    def _():
                        x = dot_row(rows, j, wbase) + er
                        online_update(dirn, jnp.where(x >= 0.0, x, 0.2 * x),
                                      rows, j)
                    return c3

                lax.fori_loop(0, _L, lane_body, 0)
                return carry

            lax.fori_loop(0, (cnt + _L - 1) // _L, chunk, 0)

        post_pass(0, flist_f, idxs, rows_s, 0, er_f)
        post_pass(1, flist_b, idxd, rows_d, 2 * D, er_b)

        mdv = jnp.zeros((_L,), jnp.float32)
        for k in range(4):
            mdv = jnp.where(lane == k, scal[k], mdv)
        mdbuf[:] = mdv
        pltpu.sync_copy(mdbuf, parts.at[pl.ds(tid * _PW, _L)])
        pltpu.sync_copy(accbuf, parts.at[pl.ds(tid * _PW + _L, 2 * D)])
        plsc.subcore_barrier()

        @pl.when(tid < 2)
        def _():
            pltpu.make_async_copy(wf_hbm, wmat, sem2).wait()
            pltpu.make_async_copy(bf_hbm, bbuf, sem2).wait()
            pltpu.sync_copy(parts, pbuf)
            accoff = _L + tid * D

            ms, ds_l = [], []
            for t in range(_NW):
                mv = pbuf[pl.ds(t * _PW, _L)]
                ms.append(jnp.where(tid == 0, mv[0], mv[2]))
                ds_l.append(jnp.where(tid == 0, mv[1], mv[3]))
            mx = ms[0]
            for t in range(1, _NW):
                mx = jnp.maximum(mx, ms[t])
            ws = [exp_scalar(ms[t] - mx) for t in range(_NW)]
            dtot = ds_l[0] * ws[0]
            for t in range(1, _NW):
                dtot = dtot + ds_l[t] * ws[t]
            dvec = jnp.full((_L,), dtot, jnp.float32)
            inv = jnp.where(dvec > 0.0, jnp.ones((_L,), jnp.float32) / dvec,
                            jnp.zeros((_L,), jnp.float32))
            for c in range(NCH):
                a = pbuf[pl.ds(accoff + c * _L, _L)] * ws[0]
                for t in range(1, _NW):
                    a = a + pbuf[pl.ds(t * _PW + accoff + c * _L, _L)] * ws[t]
                wbuf[pl.ds(c * _L, _L)] = a * inv

            def mv_step(k, acc):
                wk = wbuf[pl.ds(k, _L)][0]
                return tuple(acc[c] + wk * wmat[pl.ds(k * D + c * _L, _L)]
                             for c in range(NCH))

            zero = jnp.zeros((_L,), jnp.float32)
            fh = lax.fori_loop(0, D, mv_step, (zero,) * NCH)
            for c in range(NCH):
                outbuf[pl.ds(c * _L, _L)] = fh[c] + bbuf[pl.ds(c * _L, _L)]
            pltpu.sync_copy(outbuf, final.at[pl.ds(tid * D, D)])

        @pl.when(tid == 2)
        def _():
            pltpu.sync_copy(outbuf, final.at[pl.ds(2 * D, D)])

        @pl.when(tid == 3)
        def _():
            pltpu.sync_copy(par_hbm, parbuf)
            pltpu.async_copy(feat_hbm.at[parbuf], parrows, sem).wait()
            for c in range(NCH):
                s = parrows[0, pl.ds(c * _L, _L)]
                for r in range(1, parrows.shape[0]):
                    s = s + parrows[r, pl.ds(c * _L, _L)]
                outbuf[pl.ds(c * _L, _L)] = s
            pltpu.sync_copy(outbuf, final.at[pl.ds(3 * D, D)])

    mesh = plsc.VectorSubcoreMesh(core_axis_name="c", subcore_axis_name="s",
                                  num_cores=_NC, num_subcores=_NS)
    return pl.kernel(
        body,
        out_type=(
            jax.ShapeDtypeStruct((4 * D,), jnp.float32),
            jax.ShapeDtypeStruct((_NW * _PW,), jnp.float32),
        ),
        mesh=mesh,
        compiler_params=pltpu.CompilerParams(needs_layout_passes=False),
        scratch_types=[
            pltpu.VMEM((EPW,), jnp.int32),
            pltpu.VMEM((EPW,), jnp.int32),
            pltpu.VMEM((EPW + _L,), jnp.int32),
            pltpu.VMEM((EPW + _L,), jnp.int32),
            pltpu.VMEM((4 * D,), jnp.float32),
            pltpu.VMEM((_L,), jnp.int32),
            pltpu.VMEM((_L,), jnp.int32),
            pltpu.VMEM((_L,), jnp.int32),
            pltpu.VMEM((_L, D), jnp.float32),
            pltpu.VMEM((_L, D), jnp.float32),
            pltpu.VMEM((2 * D,), jnp.float32),
            pltpu.VMEM((_L,), jnp.float32),
            pltpu.VMEM((8,), jnp.int32),
            pltpu.VMEM((8, D), jnp.float32),
            pltpu.VMEM((D * D,), jnp.float32),
            pltpu.VMEM((D,), jnp.float32),
            pltpu.VMEM((_NW * _PW,), jnp.float32),
            pltpu.VMEM((D + _L,), jnp.float32),
            pltpu.VMEM((D,), jnp.float32),
            pltpu.SMEM((8,), jnp.float32),
            pltpu.SMEM((8,), jnp.int32),
            pltpu.SemaphoreType.DMA,
            pltpu.SemaphoreType.DMA,
        ],
    )


def kernel(feat, edge_index, op, parallel, W_f, al_f, ar_f, b_f,
           W_b, al_b, ar_b, b_b):
    N, D = feat.shape
    E = edge_index.shape[1]
    H = al_f.shape[0]
    assert H == 1 and D == 128

    wv = pl.pallas_call(
        _prep_body,
        out_shape=jax.ShapeDtypeStruct((4, D), jnp.float32),
    )(al_f, ar_f, al_b, ar_b, W_f, W_b)

    op_arr = jnp.full((_L,), op, dtype=jnp.int32)
    par = parallel.astype(jnp.int32)

    final, _ = _make_scan(E, N, D)(
        edge_index.reshape(2 * E), feat, wv.reshape(4 * D), op_arr, par,
        W_f.reshape(D * D), W_b.reshape(D * D), b_f, b_b)
    return final

# --- scband reference (transcript-rebuilt; emitter-appended) ---
"""Pipeline reference for scband-dev-net-62036507623577 (READ-ONLY COPY).

The authoritative reference and input builder live on the scoring server;
editing this copy changes nothing except your own understanding.
"""

import jax, jax.numpy as jnp
import numpy as np

N = 10000
E = 320000
IN_DIM = 128
OUT_DIM = 128
H = 1


def setup_inputs(seed: int = 0):
    key = jax.random.key(seed)
    ks = jax.random.split(key, 11)
    feat = jax.random.normal(ks[0], (N, IN_DIM), dtype=jnp.float32)
    edge_index = jax.random.randint(ks[1], (2, E), 0, N, dtype=jnp.int32)
    parallel = jax.random.randint(ks[2], (8,), 0, N, dtype=jnp.int32)
    op = 7
    s = 0.05
    W_f = jax.random.normal(ks[3], (IN_DIM, H * OUT_DIM), dtype=jnp.float32) * s
    al_f = jax.random.normal(ks[4], (H, OUT_DIM), dtype=jnp.float32) * s
    ar_f = jax.random.normal(ks[5], (H, OUT_DIM), dtype=jnp.float32) * s
    b_f = jnp.zeros((H * OUT_DIM,), dtype=jnp.float32)
    W_b = jax.random.normal(ks[6], (IN_DIM, H * OUT_DIM), dtype=jnp.float32) * s
    al_b = jax.random.normal(ks[7], (H, OUT_DIM), dtype=jnp.float32) * s
    ar_b = jax.random.normal(ks[8], (H, OUT_DIM), dtype=jnp.float32) * s
    b_b = jnp.zeros((H * OUT_DIM,), dtype=jnp.float32)
    return {
        "feat": feat,
        "edge_index": edge_index,
        "op": op,
        "parallel": parallel,
        "W_f": W_f,
        "al_f": al_f,
        "ar_f": ar_f,
        "b_f": b_f,
        "W_b": W_b,
        "al_b": al_b,
        "ar_b": ar_b,
        "b_b": b_b,
    }


def _gat(feat, src, dst, W, al, ar, b):
    # DGL GATConv (eval mode, no dropout, allow_zero_in_degree=True, default bias,
    # negative_slope=0.2)
    h = (feat @ W).reshape(N, H, OUT_DIM)
    el = jnp.sum(h * al[None, :, :], axis=-1)  # [N, H]
    er = jnp.sum(h * ar[None, :, :], axis=-1)  # [N, H]
    e = jax.nn.leaky_relu(el[src] + er[dst], negative_slope=0.2)  # [E, H]
    # edge softmax grouped by destination node
    emax = jax.lax.stop_gradient(jax.ops.segment_max(e, dst, num_segments=N))
    emax = jnp.where(jnp.isfinite(emax), emax, 0.0)
    ee = jnp.exp(e - emax[dst])
    denom = jax.ops.segment_sum(ee, dst, num_segments=N)
    alpha = ee / denom[dst]  # [E, H]
    rst = jax.ops.segment_sum(alpha[:, :, None] * h[src], dst, num_segments=N)
    return rst + b.reshape(1, H, OUT_DIM)


def reference(feat, edge_index, op, parallel, W_f, al_f, ar_f, b_f, W_b, al_b, ar_b, b_b):
    # batch_size == 1 path of DevNet.forward
    src = edge_index[0]
    dst = edge_index[1]
    fh = jnp.mean(_gat(feat, src, dst, W_f, al_f, ar_f, b_f), axis=1)[op]
    # dgl.reverse(graph): swap src/dst
    bh = jnp.mean(_gat(feat, dst, src, W_b, al_b, ar_b, b_b), axis=1)[op]
    para = jnp.sum(feat[parallel], axis=0)
    return jnp.concatenate([fh, bh, feat[op], para])

if __name__ == "__main__":
    import jax
    _d = setup_inputs()
    print(jax.jit(kernel)(*tuple(_d.values())))

</pallas_src>

<mosaic_0001>
#map = affine_map<(d0, d1) -> (0)>
#map1 = affine_map<(d0, d1) -> (0, 0)>
module attributes {stable_mosaic.version = 14 : i64} {
  func.func @body(%arg0: i32, %arg1: i32, %arg2: memref<640000xi32, #tpu.memory_space<hbm>>, %arg3: memref<10000x128xf32, #tpu.memory_space<hbm>>, %arg4: memref<512xf32, #tpu.memory_space<hbm>>, %arg5: memref<16xi32, #tpu.memory_space<hbm>>, %arg6: memref<8xi32, #tpu.memory_space<hbm>>, %arg7: memref<16384xf32, #tpu.memory_space<hbm>>, %arg8: memref<16384xf32, #tpu.memory_space<hbm>>, %arg9: memref<128xf32, #tpu.memory_space<hbm>>, %arg10: memref<128xf32, #tpu.memory_space<hbm>>, %arg11: memref<512xf32, #tpu.memory_space<hbm>>, %arg12: memref<4352xf32, #tpu.memory_space<hbm>>, %arg13: memref<20000xi32, #tpu.memory_space<vmem>>, %arg14: memref<20000xi32, #tpu.memory_space<vmem>>, %arg15: memref<20016xi32, #tpu.memory_space<vmem>>, %arg16: memref<20016xi32, #tpu.memory_space<vmem>>, %arg17: memref<512xf32, #tpu.memory_space<vmem>>, %arg18: memref<16xi32, #tpu.memory_space<vmem>>, %arg19: memref<16xi32, #tpu.memory_space<vmem>>, %arg20: memref<16xi32, #tpu.memory_space<vmem>>, %arg21: memref<16x128xf32, #tpu.memory_space<vmem>>, %arg22: memref<16x128xf32, #tpu.memory_space<vmem>>, %arg23: memref<256xf32, #tpu.memory_space<vmem>>, %arg24: memref<16xf32, #tpu.memory_space<vmem>>, %arg25: memref<8xi32, #tpu.memory_space<vmem>>, %arg26: memref<8x128xf32, #tpu.memory_space<vmem>>, %arg27: memref<16384xf32, #tpu.memory_space<vmem>>, %arg28: memref<128xf32, #tpu.memory_space<vmem>>, %arg29: memref<4352xf32, #tpu.memory_space<vmem>>, %arg30: memref<144xf32, #tpu.memory_space<vmem>>, %arg31: memref<128xf32, #tpu.memory_space<vmem>>, %arg32: memref<8xf32, #tpu.memory_space<smem>>, %arg33: memref<8xi32, #tpu.memory_space<smem>>, %arg34: memref<!tpu.dma_semaphore, #tpu.memory_space<semaphore_mem>>, %arg35: memref<!tpu.dma_semaphore, #tpu.memory_space<semaphore_mem>>) attributes {dimension_semantics = [#tpu.dimension_semantics<core_parallel>, #tpu.dimension_semantics<subcore_parallel>], iteration_bounds = array<i64: 1, 16>, scalar_prefetch = 0 : i64, scratch_operands = 23 : i64, tpu.core_type = #tpu.core_type<sc_vector_subcore>, window_params = [{transform_indices = #map}, {transform_indices = #map1}, {transform_indices = #map}, {transform_indices = #map}, {transform_indices = #map}, {transform_indices = #map}, {transform_indices = #map}, {transform_indices = #map}, {transform_indices = #map}, {transform_indices = #map}, {transform_indices = #map}]} {
    %mul3A = arith.constant 20000 : i32
    %mul3A_0 = arith.muli %arg1, %mul3A : i32
    %dma_start3A = tpu.memref_slice %arg2[%mul3A_0] : memref<640000xi32, #tpu.memory_space<hbm>> -> memref<20000xi32, #tpu.memory_space<hbm>>
    %dma_start3A_1 = tpu.memref_slice %arg2[%mul3A_0] : memref<640000xi32, #tpu.memory_space<hbm>> -> memref<20000xi32, #tpu.memory_space<hbm>>
    tpu.enqueue_dma source(%dma_start3A_1 : memref<20000xi32, #tpu.memory_space<hbm>>) target(%arg13 : memref<20000xi32, #tpu.memory_space<vmem>>) target_semaphore(%arg35 : memref<!tpu.dma_semaphore, #tpu.memory_space<semaphore_mem>>)
    %add3A = arith.constant 320000 : i32
    %add3A_2 = arith.addi %add3A, %mul3A_0 : i32
    %dma_start3A_3 = tpu.memref_slice %arg2[%add3A_2] : memref<640000xi32, #tpu.memory_space<hbm>> -> memref<20000xi32, #tpu.memory_space<hbm>>
    %dma_start3A_4 = tpu.memref_slice %arg2[%add3A_2] : memref<640000xi32, #tpu.memory_space<hbm>> -> memref<20000xi32, #tpu.memory_space<hbm>>
    tpu.enqueue_dma source(%dma_start3A_4 : memref<20000xi32, #tpu.memory_space<hbm>>) target(%arg14 : memref<20000xi32, #tpu.memory_space<vmem>>) target_semaphore(%arg35 : memref<!tpu.dma_semaphore, #tpu.memory_space<semaphore_mem>>)
    "tpu.region"() ({
      %run_scoped3A = tpu.sem_alloc : memref<!tpu.dma_semaphore, #tpu.memory_space<semaphore_mem>>
      tpu.enqueue_dma source(%arg4 : memref<512xf32, #tpu.memory_space<hbm>>) target(%arg17 : memref<512xf32, #tpu.memory_space<vmem>>) target_semaphore(%run_scoped3A : memref<!tpu.dma_semaphore, #tpu.memory_space<semaphore_mem>>)
      tpu.wait_dma2 semaphore(%run_scoped3A : memref<!tpu.dma_semaphore, #tpu.memory_space<semaphore_mem>>) src(%arg4 : memref<512xf32, #tpu.memory_space<hbm>>) dst(%arg17 : memref<512xf32, #tpu.memory_space<vmem>>)
      tpu.yield
    }) : () -> ()
    "tpu.region"() ({
      %run_scoped3A = tpu.sem_alloc : memref<!tpu.dma_semaphore, #tpu.memory_space<semaphore_mem>>
      tpu.enqueue_dma source(%arg5 : memref<16xi32, #tpu.memory_space<hbm>>) target(%arg18 : memref<16xi32, #tpu.memory_space<vmem>>) target_semaphore(%run_scoped3A : memref<!tpu.dma_semaphore, #tpu.memory_space<semaphore_mem>>)
      tpu.wait_dma2 semaphore(%run_scoped3A : memref<!tpu.dma_semaphore, #tpu.memory_space<semaphore_mem>>) src(%arg5 : memref<16xi32, #tpu.memory_space<hbm>>) dst(%arg18 : memref<16xi32, #tpu.memory_space<vmem>>)
      tpu.yield
    }) : () -> ()
    %get3A = arith.constant 0 : index
    %get3A_5 = tpu.vector_load %arg18[%get3A] {strides = array<i32>} : memref<16xi32, #tpu.memory_space<vmem>>, vector<16xi32>,
    %slice3A = vector.extract_strided_slice %get3A_5 {offsets = [0], sizes = [1], strides = [1]} : vector<16xi32> to vector<1xi32>
    %squeeze3A = vector.extract %slice3A[0] : i32 from vector<1xi32>
    %swap3A = arith.constant 0 : index
    %swap3A_6 = tpu.vector_load %arg19[%swap3A] {strides = array<i32>} : memref<16xi32, #tpu.memory_space<vmem>>, vector<16xi32>,
    tpu.vector_store %arg19[%swap3A], %get3A_5 {strides = array<i32>} : memref<16xi32, #tpu.memory_space<vmem>>, vector<16xi32>,
    %dma_start3A_7 = arith.constant 0 : i32
    %dma_start3A_8 = arith.constant 0 : i32
    %dma_start3A_9 = tpu.memref_slice %arg3[%dma_start3A_7, %dma_start3A_8] : memref<10000x128xf32, #tpu.memory_space<hbm>> -> memref<10000x128xf32, #tpu.memory_space<hbm>>
    tpu.enqueue_indirect_dma source(%dma_start3A_9 : memref<10000x128xf32, #tpu.memory_space<hbm>>) target(%arg21 : memref<16x128xf32, #tpu.memory_space<vmem>>) offsets(%arg19 : memref<16xi32, #tpu.memory_space<vmem>>) semaphore(%arg34 : memref<!tpu.dma_semaphore, #tpu.memory_space<semaphore_mem>>)
    %dma_wait3A = arith.constant 0 : i32
    %dma_wait3A_10 = arith.constant 0 : i32
    %dma_wait3A_11 = tpu.memref_slice %arg3[%dma_wait3A, %dma_wait3A_10] : memref<10000x128xf32, #tpu.memory_space<hbm>> -> memref<10000x128xf32, #tpu.memory_space<hbm>>
    tpu.wait_indirect_dma semaphore(%arg34 : memref<!tpu.dma_semaphore, #tpu.memory_space<semaphore_mem>>) src(%dma_wait3A_11 : memref<10000x128xf32, #tpu.memory_space<hbm>>) dst(%arg21 : memref<16x128xf32, #tpu.memory_space<vmem>>)
    %get3A_12 = arith.constant 0 : i32
    %get3A_13 = arith.index_cast %get3A_12 : i32 to index
    %get3A_14 = arith.constant 0 : index
    %get3A_15 = tpu.vector_load %arg21[%get3A_13, %get3A_14] {strides = array<i32>} : memref<16x128xf32, #tpu.memory_space<vmem>>, vector<16xf32>,
    %get3A_16 = arith.constant 128 : index
    %get3A_17 = tpu.vector_load %arg17[%get3A_16] {strides = array<i32>} : memref<512xf32, #tpu.memory_space<vmem>>, vector<16xf32>,
    %mul3A_18 = arith.mulf %get3A_15, %get3A_17 : vector<16xf32>
    %get3A_19 = arith.constant 0 : i32
    %get3A_20 = arith.index_cast %get3A_19 : i32 to index
    %get3A_21 = arith.constant 16 : index
    %get3A_22 = tpu.vector_load %arg21[%get3A_20, %get3A_21] {strides = array<i32>} : memref<16x128xf32, #tpu.memory_space<vmem>>, vector<16xf32>,
    %get3A_23 = arith.constant 144 : index
    %get3A_24 = tpu.vector_load %arg17[%get3A_23] {strides = array<i32>} : memref<512xf32, #tpu.memory_space<vmem>>, vector<16xf32>,
    %mul3A_25 = arith.mulf %get3A_22, %get3A_24 : vector<16xf32>
    %add3A_26 = arith.addf %mul3A_18, %mul3A_25 : vector<16xf32>
    %get3A_27 = arith.constant 0 : i32
    %get3A_28 = arith.index_cast %get3A_27 : i32 to index
    %get3A_29 = arith.constant 32 : index
    %get3A_30 = tpu.vector_load %arg21[%get3A_28, %get3A_29] {strides = array<i32>} : memref<16x128xf32, #tpu.memory_space<vmem>>, vector<16xf32>,
    %get3A_31 = arith.constant 160 : index
    %get3A_32 = tpu.vector_load %arg17[%get3A_31] {strides = array<i32>} : memref<512xf32, #tpu.memory_space<vmem>>, vector<16xf32>,
    %mul3A_33 = arith.mulf %get3A_30, %get3A_32 : vector<16xf32>
    %add3A_34 = arith.addf %add3A_26, %mul3A_33 : vector<16xf32>
    %get3A_35 = arith.constant 0 : i32
    %get3A_36 = arith.index_cast %get3A_35 : i32 to index
    %get3A_37 = arith.constant 48 : index
    %get3A_38 = tpu.vector_load %arg21[%get3A_36, %get3A_37] {strides = array<i32>} : memref<16x128xf32, #tpu.memory_space<vmem>>, vector<16xf32>,
    %get3A_39 = arith.constant 176 : index
    %get3A_40 = tpu.vector_load %arg17[%get3A_39] {strides = array<i32>} : memref<512xf32, #tpu.memory_space<vmem>>, vector<16xf32>,
    %mul3A_41 = arith.mulf %get3A_38, %get3A_40 : vector<16xf32>
    %add3A_42 = arith.addf %add3A_34, %mul3A_41 : vector<16xf32>
    %get3A_43 = arith.constant 0 : i32
    %get3A_44 = arith.index_cast %get3A_43 : i32 to index
    %get3A_45 = arith.constant 64 : index
    %get3A_46 = tpu.vector_load %arg21[%get3A_44, %get3A_45] {strides = array<i32>} : memref<16x128xf32, #tpu.memory_space<vmem>>, vector<16xf32>,
    %get3A_47 = arith.constant 192 : index
    %get3A_48 = tpu.vector_load %arg17[%get3A_47] {strides = array<i32>} : memref<512xf32, #tpu.memory_space<vmem>>, vector<16xf32>,
    %mul3A_49 = arith.mulf %get3A_46, %get3A_48 : vector<16xf32>
    %add3A_50 = arith.addf %add3A_42, %mul3A_49 : vector<16xf32>
    %get3A_51 = arith.constant 0 : i32
    %get3A_52 = arith.index_cast %get3A_51 : i32 to index
    %get3A_53 = arith.constant 80 : index
    %get3A_54 = tpu.vector_load %arg21[%get3A_52, %get3A_53] {strides = array<i32>} : memref<16x128xf32, #tpu.memory_space<vmem>>, vector<16xf32>,
    %get3A_55 = arith.constant 208 : index
    %get3A_56 = tpu.vector_load %arg17[%get3A_55] {strides = array<i32>} : memref<512xf32, #tpu.memory_space<vmem>>, vector<16xf32>,
    %mul3A_57 = arith.mulf %get3A_54, %get3A_56 : vector<16xf32>
    %add3A_58 = arith.addf %add3A_50, %mul3A_57 : vector<16xf32>
    %get3A_59 = arith.constant 0 : i32
    %get3A_60 = arith.index_cast %get3A_59 : i32 to index
    %get3A_61 = arith.constant 96 : index
    %get3A_62 = tpu.vector_load %arg21[%get3A_60, %get3A_61] {strides = array<i32>} : memref<16x128xf32, #tpu.memory_space<vmem>>, vector<16xf32>,
    %get3A_63 = arith.constant 224 : index
    %get3A_64 = tpu.vector_load %arg17[%get3A_63] {strides = array<i32>} : memref<512xf32, #tpu.memory_space<vmem>>, vector<16xf32>,
    %mul3A_65 = arith.mulf %get3A_62, %get3A_64 : vector<16xf32>
    %add3A_66 = arith.addf %add3A_58, %mul3A_65 : vector<16xf32>
    %get3A_67 = arith.constant 0 : i32
    %get3A_68 = arith.index_cast %get3A_67 : i32 to index
    %get3A_69 = arith.constant 112 : index
    %get3A_70 = tpu.vector_load %arg21[%get3A_68, %get3A_69] {strides = array<i32>} : memref<16x128xf32, #tpu.memory_space<vmem>>, vector<16xf32>,
    %get3A_71 = arith.constant 240 : index
    %get3A_72 = tpu.vector_load %arg17[%get3A_71] {strides = array<i32>} : memref<512xf32, #tpu.memory_space<vmem>>, vector<16xf32>,
    %mul3A_73 = arith.mulf %get3A_70, %get3A_72 : vector<16xf32>
    %add3A_74 = arith.addf %add3A_66, %mul3A_73 : vector<16xf32>
    %reduce_sum3A = arith.constant true
    %reduce_sum3A_75 = vector.broadcast %reduce_sum3A : i1 to vector<16xi1>
    %reduce_sum3A_76 = tpu.scan <sum>, %add3A_74 masked %reduce_sum3A_75 : vector<16xf32>, vector<16xi1> -> vector<16xf32>
    %reduce_sum3A_77 = vector.extract %reduce_sum3A_76[15] : f32 from vector<16xf32>
    %get3A_78 = arith.constant 0 : i32
    %get3A_79 = arith.index_cast %get3A_78 : i32 to index
    %get3A_80 = arith.constant 0 : index
    %get3A_81 = tpu.vector_load %arg21[%get3A_79, %get3A_80] {strides = array<i32>} : memref<16x128xf32, #tpu.memory_space<vmem>>, vector<16xf32>,
    %get3A_82 = arith.constant 384 : index
    %get3A_83 = tpu.vector_load %arg17[%get3A_82] {strides = array<i32>} : memref<512xf32, #tpu.memory_space<vmem>>, vector<16xf32>,
    %mul3A_84 = arith.mulf %get3A_81, %get3A_83 : vector<16xf32>
    %get3A_85 = arith.constant 0 : i32
    %get3A_86 = arith.index_cast %get3A_85 : i32 to index
    %get3A_87 = arith.constant 16 : index
    %get3A_88 = tpu.vector_load %arg21[%get3A_86, %get3A_87] {strides = array<i32>} : memref<16x128xf32, #tpu.memory_space<vmem>>, vector<16xf32>,
    %get3A_89 = arith.constant 400 : index
    %get3A_90 = tpu.vector_load %arg17[%get3A_89] {strides = array<i32>} : memref<512xf32, #tpu.memory_space<vmem>>, vector<16xf32>,
    %mul3A_91 = arith.mulf %get3A_88, %get3A_90 : vector<16xf32>
    %add3A_92 = arith.addf %mul3A_84, %mul3A_91 : vector<16xf32>
    %get3A_93 = arith.constant 0 : i32
    %get3A_94 = arith.index_cast %get3A_93 : i32 to index
    %get3A_95 = arith.constant 32 : index
    %get3A_96 = tpu.vector_load %arg21[%get3A_94, %get3A_95] {strides = array<i32>} : memref<16x128xf32, #tpu.memory_space<vmem>>, vector<16xf32>,
    %get3A_97 = arith.constant 416 : index
    %get3A_98 = tpu.vector_load %arg17[%get3A_97] {strides = array<i32>} : memref<512xf32, #tpu.memory_space<vmem>>, vector<16xf32>,
    %mul3A_99 = arith.mulf %get3A_96, %get3A_98 : vector<16xf32>
    %add3A_100 = arith.addf %add3A_92, %mul3A_99 : vector<16xf32>
    %get3A_101 = arith.constant 0 : i32
    %get3A_102 = arith.index_cast %get3A_101 : i32 to index
    %get3A_103 = arith.constant 48 : index
    %get3A_104 = tpu.vector_load %arg21[%get3A_102, %get3A_103] {strides = array<i32>} : memref<16x128xf32, #tpu.memory_space<vmem>>, vector<16xf32>,
    %get3A_105 = arith.constant 432 : index
    %get3A_106 = tpu.vector_load %arg17[%get3A_105] {strides = array<i32>} : memref<512xf32, #tpu.memory_space<vmem>>, vector<16xf32>,
    %mul3A_107 = arith.mulf %get3A_104, %get3A_106 : vector<16xf32>
    %add3A_108 = arith.addf %add3A_100, %mul3A_107 : vector<16xf32>
    %get3A_109 = arith.constant 0 : i32
    %get3A_110 = arith.index_cast %get3A_109 : i32 to index
    %get3A_111 = arith.constant 64 : index
    %get3A_112 = tpu.vector_load %arg21[%get3A_110, %get3A_111] {strides = array<i32>} : memref<16x128xf32, #tpu.memory_space<vmem>>, vector<16xf32>,
    %get3A_113 = arith.constant 448 : index
    %get3A_114 = tpu.vector_load %arg17[%get3A_113] {strides = array<i32>} : memref<512xf32, #tpu.memory_space<vmem>>, vector<16xf32>,
    %mul3A_115 = arith.mulf %get3A_112, %get3A_114 : vector<16xf32>
    %add3A_116 = arith.addf %add3A_108, %mul3A_115 : vector<16xf32>
    %get3A_117 = arith.constant 0 : i32
    %get3A_118 = arith.index_cast %get3A_117 : i32 to index
    %get3A_119 = arith.constant 80 : index
    %get3A_120 = tpu.vector_load %arg21[%get3A_118, %get3A_119] {strides = array<i32>} : memref<16x128xf32, #tpu.memory_space<vmem>>, vector<16xf32>,
    %get3A_121 = arith.constant 464 : index
    %get3A_122 = tpu.vector_load %arg17[%get3A_121] {strides = array<i32>} : memref<512xf32, #tpu.memory_space<vmem>>, vector<16xf32>,
    %mul3A_123 = arith.mulf %get3A_120, %get3A_122 : vector<16xf32>
    %add3A_124 = arith.addf %add3A_116, %mul3A_123 : vector<16xf32>
    %get3A_125 = arith.constant 0 : i32
    %get3A_126 = arith.index_cast %get3A_125 : i32 to index
    %get3A_127 = arith.constant 96 : index
    %get3A_128 = tpu.vector_load %arg21[%get3A_126, %get3A_127] {strides = array<i32>} : memref<16x128xf32, #tpu.memory_space<vmem>>, vector<16xf32>,
    %get3A_129 = arith.constant 480 : index
    %get3A_130 = tpu.vector_load %arg17[%get3A_129] {strides = array<i32>} : memref<512xf32, #tpu.memory_space<vmem>>, vector<16xf32>,
    %mul3A_131 = arith.mulf %get3A_128, %get3A_130 : vector<16xf32>
    %add3A_132 = arith.addf %add3A_124, %mul3A_131 : vector<16xf32>
    %get3A_133 = arith.constant 0 : i32
    %get3A_134 = arith.index_cast %get3A_133 : i32 to index
    %get3A_135 = arith.constant 112 : index
    %get3A_136 = tpu.vector_load %arg21[%get3A_134, %get3A_135] {strides = array<i32>} : memref<16x128xf32, #tpu.memory_space<vmem>>, vector<16xf32>,
    %get3A_137 = arith.constant 496 : index
    %get3A_138 = tpu.vector_load %arg17[%get3A_137] {strides = array<i32>} : memref<512xf32, #tpu.memory_space<vmem>>, vector<16xf32>,
    %mul3A_139 = arith.mulf %get3A_136, %get3A_138 : vector<16xf32>
    %add3A_140 = arith.addf %add3A_132, %mul3A_139 : vector<16xf32>
    %reduce_sum3A_141 = arith.constant true
    %reduce_sum3A_142 = vector.broadcast %reduce_sum3A_141 : i1 to vector<16xi1>
    %reduce_sum3A_143 = tpu.scan <sum>, %add3A_140 masked %reduce_sum3A_142 : vector<16xf32>, vector<16xi1> -> vector<16xf32>
    %reduce_sum3A_144 = vector.extract %reduce_sum3A_143[15] : f32 from vector<16xf32>
    %eq3A = arith.constant 2 : i32
    %eq3A_145 = arith.cmpi eq, %arg1, %eq3A : i32
    %convert_element_type3A = arith.extui %eq3A_145 : i1 to i32
    %cond3A = arith.constant 0 : i32
    %cond3A_146 = arith.cmpi ne, %convert_element_type3A, %cond3A : i32
    scf.if %cond3A_146 {
      %get3A_382 = arith.constant 0 : i32
      %get3A_383 = arith.index_cast %get3A_382 : i32 to index
      %get3A_384 = arith.constant 0 : index
      %get3A_385 = tpu.vector_load %arg21[%get3A_383, %get3A_384] {strides = array<i32>} : memref<16x128xf32, #tpu.memory_space<vmem>>, vector<16xf32>,
      %swap3A_386 = arith.constant 0 : index
      %swap3A_387 = tpu.vector_load %arg31[%swap3A_386] {strides = array<i32>} : memref<128xf32, #tpu.memory_space<vmem>>, vector<16xf32>,
      tpu.vector_store %arg31[%swap3A_386], %get3A_385 {strides = array<i32>} : memref<128xf32, #tpu.memory_space<vmem>>, vector<16xf32>,
      %get3A_388 = arith.constant 0 : i32
      %get3A_389 = arith.index_cast %get3A_388 : i32 to index
      %get3A_390 = arith.constant 16 : index
      %get3A_391 = tpu.vector_load %arg21[%get3A_389, %get3A_390] {strides = array<i32>} : memref<16x128xf32, #tpu.memory_space<vmem>>, vector<16xf32>,
      %swap3A_392 = arith.constant 16 : index
      %swap3A_393 = tpu.vector_load %arg31[%swap3A_392] {strides = array<i32>} : memref<128xf32, #tpu.memory_space<vmem>>, vector<16xf32>,
      tpu.vector_store %arg31[%swap3A_392], %get3A_391 {strides = array<i32>} : memref<128xf32, #tpu.memory_space<vmem>>, vector<16xf32>,
      %get3A_394 = arith.constant 0 : i32
      %get3A_395 = arith.index_cast %get3A_394 : i32 to index
      %get3A_396 = arith.constant 32 : index
      %get3A_397 = tpu.vector_load %arg21[%get3A_395, %get3A_396] {strides = array<i32>} : memref<16x128xf32, #tpu.memory_space<vmem>>, vector<16xf32>,
      %swap3A_398 = arith.constant 32 : index
      %swap3A_399 = tpu.vector_load %arg31[%swap3A_398] {strides = array<i32>} : memref<128xf32, #tpu.memory_space<vmem>>, vector<16xf32>,
      tpu.vector_store %arg31[%swap3A_398], %get3A_397 {strides = array<i32>} : memref<128xf32, #tpu.memory_space<vmem>>, vector<16xf32>,
      %get3A_400 = arith.constant 0 : i32
      %get3A_401 = arith.index_cast %get3A_400 : i32 to index
      %get3A_402 = arith.constant 48 : index
      %get3A_403 = tpu.vector_load %arg21[%get3A_401, %get3A_402] {strides = array<i32>} : memref<16x128xf32, #tpu.memory_space<vmem>>, vector<16xf32>,
      %swap3A_404 = arith.constant 48 : index
      %swap3A_405 = tpu.vector_load %arg31[%swap3A_404] {strides = array<i32>} : memref<128xf32, #tpu.memory_space<vmem>>, vector<16xf32>,
      tpu.vector_store %arg31[%swap3A_404], %get3A_403 {strides = array<i32>} : memref<128xf32, #tpu.memory_space<vmem>>, vector<16xf32>,
      %get3A_406 = arith.constant 0 : i32
      %get3A_407 = arith.index_cast %get3A_406 : i32 to index
      %get3A_408 = arith.constant 64 : index
      %get3A_409 = tpu.vector_load %arg21[%get3A_407, %get3A_408] {strides = array<i32>} : memref<16x128xf32, #tpu.memory_space<vmem>>, vector<16xf32>,
      %swap3A_410 = arith.constant 64 : index
      %swap3A_411 = tpu.vector_load %arg31[%swap3A_410] {strides = array<i32>} : memref<128xf32, #tpu.memory_space<vmem>>, vector<16xf32>,
      tpu.vector_store %arg31[%swap3A_410], %get3A_409 {strides = array<i32>} : memref<128xf32, #tpu.memory_space<vmem>>, vector<16xf32>,
      %get3A_412 = arith.constant 0 : i32
      %get3A_413 = arith.index_cast %get3A_412 : i32 to index
      %get3A_414 = arith.constant 80 : index
      %get3A_415 = tpu.vector_load %arg21[%get3A_413, %get3A_414] {strides = array<i32>} : memref<16x128xf32, #tpu.memory_space<vmem>>, vector<16xf32>,
      %swap3A_416 = arith.constant 80 : index
      %swap3A_417 = tpu.vector_load %arg31[%swap3A_416] {strides = array<i32>} : memref<128xf32, #tpu.memory_space<vmem>>, vector<16xf32>,
      tpu.vector_store %arg31[%swap3A_416], %get3A_415 {strides = array<i32>} : memref<128xf32, #tpu.memory_space<vmem>>, vector<16xf32>,
      %get3A_418 = arith.constant 0 : i32
      %get3A_419 = arith.index_cast %get3A_418 : i32 to index
      %get3A_420 = arith.constant 96 : index
      %get3A_421 = tpu.vector_load %arg21[%get3A_419, %get3A_420] {strides = array<i32>} : memref<16x128xf32, #tpu.memory_space<vmem>>, vector<16xf32>,
      %swap3A_422 = arith.constant 96 : index
      %swap3A_423 = tpu.vector_load %arg31[%swap3A_422] {strides = array<i32>} : memref<128xf32, #tpu.memory_space<vmem>>, vector<16xf32>,
      tpu.vector_store %arg31[%swap3A_422], %get3A_421 {strides = array<i32>} : memref<128xf32, #tpu.memory_space<vmem>>, vector<16xf32>,
      %get3A_424 = arith.constant 0 : i32
      %get3A_425 = arith.index_cast %get3A_424 : i32 to index
      %get3A_426 = arith.constant 112 : index
      %get3A_427 = tpu.vector_load %arg21[%get3A_425, %get3A_426] {strides = array<i32>} : memref<16x128xf32, #tpu.memory_space<vmem>>, vector<16xf32>,
      %swap3A_428 = arith.constant 112 : index
      %swap3A_429 = tpu.vector_load %arg31[%swap3A_428] {strides = array<i32>} : memref<128xf32, #tpu.memory_space<vmem>>, vector<16xf32>,
      tpu.vector_store %arg31[%swap3A_428], %get3A_427 {strides = array<i32>} : memref<128xf32, #tpu.memory_space<vmem>>, vector<16xf32>,
    } else {
    }
    %swap3A_147 = arith.constant -1.000000e+30 : f32
    %swap3A_148 = arith.constant 0 : i32
    %swap3A_149 = arith.index_cast %swap3A_148 : i32 to index
    %swap3A_150 = memref.load %arg32[%swap3A_149] : memref<8xf32, #tpu.memory_space<smem>>
    memref.store %swap3A_147, %arg32[%swap3A_149] : memref<8xf32, #tpu.memory_space<smem>>
    %swap3A_151 = arith.constant 0.000000e+00 : f32
    %swap3A_152 = arith.constant 1 : i32
    %swap3A_153 = arith.index_cast %swap3A_152 : i32 to index
    %swap3A_154 = memref.load %arg32[%swap3A_153] : memref<8xf32, #tpu.memory_space<smem>>
    memref.store %swap3A_151, %arg32[%swap3A_153] : memref<8xf32, #tpu.memory_space<smem>>
    %swap3A_155 = arith.constant -1.000000e+30 : f32
    %swap3A_156 = arith.constant 2 : i32
    %swap3A_157 = arith.index_cast %swap3A_156 : i32 to index
    %swap3A_158 = memref.load %arg32[%swap3A_157] : memref<8xf32, #tpu.memory_space<smem>>
    memref.store %swap3A_155, %arg32[%swap3A_157] : memref<8xf32, #tpu.memory_space<smem>>
    %swap3A_159 = arith.constant 0.000000e+00 : f32
    %swap3A_160 = arith.constant 3 : i32
    %swap3A_161 = arith.index_cast %swap3A_160 : i32 to index
    %swap3A_162 = memref.load %arg32[%swap3A_161] : memref<8xf32, #tpu.memory_space<smem>>
    memref.store %swap3A_159, %arg32[%swap3A_161] : memref<8xf32, #tpu.memory_space<smem>>
    %swap3A_163 = arith.constant 0 : i32
    %swap3A_164 = arith.constant 0 : i32
    %swap3A_165 = arith.index_cast %swap3A_164 : i32 to index
    %swap3A_166 = memref.load %arg33[%swap3A_165] : memref<8xi32, #tpu.memory_space<smem>>
    memref.store %swap3A_163, %arg33[%swap3A_165] : memref<8xi32, #tpu.memory_space<smem>>
    %swap3A_167 = arith.constant 0 : i32
    %swap3A_168 = arith.constant 1 : i32
    %swap3A_169 = arith.index_cast %swap3A_168 : i32 to index
    %swap3A_170 = memref.load %arg33[%swap3A_169] : memref<8xi32, #tpu.memory_space<smem>>
    memref.store %swap3A_167, %arg33[%swap3A_169] : memref<8xi32, #tpu.memory_space<smem>>
    %broadcast_in_dim3A = arith.constant 0.000000e+00 : f32
    %broadcast_in_dim3A_171 = vector.broadcast %broadcast_in_dim3A : f32 to vector<16xf32>
    %swap3A_172 = arith.constant 0 : index
    %swap3A_173 = tpu.vector_load %arg23[%swap3A_172] {strides = array<i32>} : memref<256xf32, #tpu.memory_space<vmem>>, vector<16xf32>,
    tpu.vector_store %arg23[%swap3A_172], %broadcast_in_dim3A_171 {strides = array<i32>} : memref<256xf32, #tpu.memory_space<vmem>>, vector<16xf32>,
    %broadcast_in_dim3A_174 = arith.constant 0.000000e+00 : f32
    %broadcast_in_dim3A_175 = vector.broadcast %broadcast_in_dim3A_174 : f32 to vector<16xf32>
    %swap3A_176 = arith.constant 16 : index
    %swap3A_177 = tpu.vector_load %arg23[%swap3A_176] {strides = array<i32>} : memref<256xf32, #tpu.memory_space<vmem>>, vector<16xf32>,
    tpu.vector_store %arg23[%swap3A_176], %broadcast_in_dim3A_175 {strides = array<i32>} : memref<256xf32, #tpu.memory_space<vmem>>, vector<16xf32>,
    %broadcast_in_dim3A_178 = arith.constant 0.000000e+00 : f32
    %broadcast_in_dim3A_179 = vector.broadcast %broadcast_in_dim3A_178 : f32 to vector<16xf32>
    %swap3A_180 = arith.constant 32 : index
    %swap3A_181 = tpu.vector_load %arg23[%swap3A_180] {strides = array<i32>} : memref<256xf32, #tpu.memory_space<vmem>>, vector<16xf32>,
    tpu.vector_store %arg23[%swap3A_180], %broadcast_in_dim3A_179 {strides = array<i32>} : memref<256xf32, #tpu.memory_space<vmem>>, vector<16xf32>,
    %broadcast_in_dim3A_182 = arith.constant 0.000000e+00 : f32
    %broadcast_in_dim3A_183 = vector.broadcast %broadcast_in_dim3A_182 : f32 to vector<16xf32>
    %swap3A_184 = arith.constant 48 : index
    %swap3A_185 = tpu.vector_load %arg23[%swap3A_184] {strides = array<i32>} : memref<256xf32, #tpu.memory_space<vmem>>, vector<16xf32>,
    tpu.vector_store %arg23[%swap3A_184], %broadcast_in_dim3A_183 {strides = array<i32>} : memref<256xf32, #tpu.memory_space<vmem>>, vector<16xf32>,
    %broadcast_in_dim3A_186 = arith.constant 0.000000e+00 : f32
    %broadcast_in_dim3A_187 = vector.broadcast %broadcast_in_dim3A_186 : f32 to vector<16xf32>
    %swap3A_188 = arith.constant 64 : index
    %swap3A_189 = tpu.vector_load %arg23[%swap3A_188] {strides = array<i32>} : memref<256xf32, #tpu.memory_space<vmem>>, vector<16xf32>,
    tpu.vector_store %arg23[%swap3A_188], %broadcast_in_dim3A_187 {strides = array<i32>} : memref<256xf32, #tpu.memory_space<vmem>>, vector<16xf32>,
    %broadcast_in_dim3A_190 = arith.constant 0.000000e+00 : f32
    %broadcast_in_dim3A_191 = vector.broadcast %broadcast_in_dim3A_190 : f32 to vector<16xf32>
    %swap3A_192 = arith.constant 80 : index
    %swap3A_193 = tpu.vector_load %arg23[%swap3A_192] {strides = array<i32>} : memref<256xf32, #tpu.memory_space<vmem>>, vector<16xf32>,
    tpu.vector_store %arg23[%swap3A_192], %broadcast_in_dim3A_191 {strides = array<i32>} : memref<256xf32, #tpu.memory_space<vmem>>, vector<16xf32>,
    %broadcast_in_dim3A_194 = arith.constant 0.000000e+00 : f32
    %broadcast_in_dim3A_195 = vector.broadcast %broadcast_in_dim3A_194 : f32 to vector<16xf32>
    %swap3A_196 = arith.constant 96 : index
    %swap3A_197 = tpu.vector_load %arg23[%swap3A_196] {strides = array<i32>} : memref<256xf32, #tpu.memory_space<vmem>>, vector<16xf32>,
    tpu.vector_store %arg23[%swap3A_196], %broadcast_in_dim3A_195 {strides = array<i32>} : memref<256xf32, #tpu.memory_space<vmem>>, vector<16xf32>,
    %broadcast_in_dim3A_198 = arith.constant 0.000000e+00 : f32
    %broadcast_in_dim3A_199 = vector.broadcast %broadcast_in_dim3A_198 : f32 to vector<16xf32>
    %swap3A_200 = arith.constant 112 : index
    %swap3A_201 = tpu.vector_load %arg23[%swap3A_200] {strides = array<i32>} : memref<256xf32, #tpu.memory_space<vmem>>, vector<16xf32>,
    tpu.vector_store %arg23[%swap3A_200], %broadcast_in_dim3A_199 {strides = array<i32>} : memref<256xf32, #tpu.memory_space<vmem>>, vector<16xf32>,
    %broadcast_in_dim3A_202 = arith.constant 0.000000e+00 : f32
    %broadcast_in_dim3A_203 = vector.broadcast %broadcast_in_dim3A_202 : f32 to vector<16xf32>
    %swap3A_204 = arith.constant 128 : index
    %swap3A_205 = tpu.vector_load %arg23[%swap3A_204] {strides = array<i32>} : memref<256xf32, #tpu.memory_space<vmem>>, vector<16xf32>,
    tpu.vector_store %arg23[%swap3A_204], %broadcast_in_dim3A_203 {strides = array<i32>} : memref<256xf32, #tpu.memory_space<vmem>>, vector<16xf32>,
    %broadcast_in_dim3A_206 = arith.constant 0.000000e+00 : f32
    %broadcast_in_dim3A_207 = vector.broadcast %broadcast_in_dim3A_206 : f32 to vector<16xf32>
    %swap3A_208 = arith.constant 144 : index
    %swap3A_209 = tpu.vector_load %arg23[%swap3A_208] {strides = array<i32>} : memref<256xf32, #tpu.memory_space<vmem>>, vector<16xf32>,
    tpu.vector_store %arg23[%swap3A_208], %broadcast_in_dim3A_207 {strides = array<i32>} : memref<256xf32, #tpu.memory_space<vmem>>, vector<16xf32>,
    %broadcast_in_dim3A_210 = arith.constant 0.000000e+00 : f32
    %broadcast_in_dim3A_211 = vector.broadcast %broadcast_in_dim3A_210 : f32 to vector<16xf32>
    %swap3A_212 = arith.constant 160 : index
    %swap3A_213 = tpu.vector_load %arg23[%swap3A_212] {strides = array<i32>} : memref<256xf32, #tpu.memory_space<vmem>>, vector<16xf32>,
    tpu.vector_store %arg23[%swap3A_212], %broadcast_in_dim3A_211 {strides = array<i32>} : memref<256xf32, #tpu.memory_space<vmem>>, vector<16xf32>,
    %broadcast_in_dim3A_214 = arith.constant 0.000000e+00 : f32
    %broadcast_in_dim3A_215 = vector.broadcast %broadcast_in_dim3A_214 : f32 to vector<16xf32>
    %swap3A_216 = arith.constant 176 : index
    %swap3A_217 = tpu.vector_load %arg23[%swap3A_216] {strides = array<i32>} : memref<256xf32, #tpu.memory_space<vmem>>, vector<16xf32>,
    tpu.vector_store %arg23[%swap3A_216], %broadcast_in_dim3A_215 {strides = array<i32>} : memref<256xf32, #tpu.memory_space<vmem>>, vector<16xf32>,
    %broadcast_in_dim3A_218 = arith.constant 0.000000e+00 : f32
    %broadcast_in_dim3A_219 = vector.broadcast %broadcast_in_dim3A_218 : f32 to vector<16xf32>
    %swap3A_220 = arith.constant 192 : index
    %swap3A_221 = tpu.vector_load %arg23[%swap3A_220] {strides = array<i32>} : memref<256xf32, #tpu.memory_space<vmem>>, vector<16xf32>,
    tpu.vector_store %arg23[%swap3A_220], %broadcast_in_dim3A_219 {strides = array<i32>} : memref<256xf32, #tpu.memory_space<vmem>>, vector<16xf32>,
    %broadcast_in_dim3A_222 = arith.constant 0.000000e+00 : f32
    %broadcast_in_dim3A_223 = vector.broadcast %broadcast_in_dim3A_222 : f32 to vector<16xf32>
    %swap3A_224 = arith.constant 208 : index
    %swap3A_225 = tpu.vector_load %arg23[%swap3A_224] {strides = array<i32>} : memref<256xf32, #tpu.memory_space<vmem>>, vector<16xf32>,
    tpu.vector_store %arg23[%swap3A_224], %broadcast_in_dim3A_223 {strides = array<i32>} : memref<256xf32, #tpu.memory_space<vmem>>, vector<16xf32>,
    %broadcast_in_dim3A_226 = arith.constant 0.000000e+00 : f32
    %broadcast_in_dim3A_227 = vector.broadcast %broadcast_in_dim3A_226 : f32 to vector<16xf32>
    %swap3A_228 = arith.constant 224 : index
    %swap3A_229 = tpu.vector_load %arg23[%swap3A_228] {strides = array<i32>} : memref<256xf32, #tpu.memory_space<vmem>>, vector<16xf32>,
    tpu.vector_store %arg23[%swap3A_228], %broadcast_in_dim3A_227 {strides = array<i32>} : memref<256xf32, #tpu.memory_space<vmem>>, vector<16xf32>,
    %broadcast_in_dim3A_230 = arith.constant 0.000000e+00 : f32
    %broadcast_in_dim3A_231 = vector.broadcast %broadcast_in_dim3A_230 : f32 to vector<16xf32>
    %swap3A_232 = arith.constant 240 : index
    %swap3A_233 = tpu.vector_load %arg23[%swap3A_232] {strides = array<i32>} : memref<256xf32, #tpu.memory_space<vmem>>, vector<16xf32>,
    tpu.vector_store %arg23[%swap3A_232], %broadcast_in_dim3A_231 {strides = array<i32>} : memref<256xf32, #tpu.memory_space<vmem>>, vector<16xf32>,
    %dma_wait3A_234 = tpu.memref_slice %arg2[%mul3A_0] : memref<640000xi32, #tpu.memory_space<hbm>> -> memref<20000xi32, #tpu.memory_space<hbm>>
    %dma_wait3A_235 = tpu.memref_slice %arg2[%mul3A_0] : memref<640000xi32, #tpu.memory_space<hbm>> -> memref<20000xi32, #tpu.memory_space<hbm>>
    tpu.wait_dma2 semaphore(%arg35 : memref<!tpu.dma_semaphore, #tpu.memory_space<semaphore_mem>>) src(%dma_wait3A_235 : memref<20000xi32, #tpu.memory_space<hbm>>) dst(%arg13 : memref<20000xi32, #tpu.memory_space<vmem>>)
    %dma_wait3A_236 = tpu.memref_slice %arg2[%add3A_2] : memref<640000xi32, #tpu.memory_space<hbm>> -> memref<20000xi32, #tpu.memory_space<hbm>>
    %dma_wait3A_237 = tpu.memref_slice %arg2[%add3A_2] : memref<640000xi32, #tpu.memory_space<hbm>> -> memref<20000xi32, #tpu.memory_space<hbm>>
    tpu.wait_dma2 semaphore(%arg35 : memref<!tpu.dma_semaphore, #tpu.memory_space<semaphore_mem>>) src(%dma_wait3A_237 : memref<20000xi32, #tpu.memory_space<hbm>>) dst(%arg14 : memref<20000xi32, #tpu.memory_space<vmem>>)
    %eq3A_238 = arith.constant 0 : i32
    %eq3A_239 = arith.cmpi eq, %arg1, %eq3A_238 : i32
    %convert_element_type3A_240 = arith.extui %eq3A_239 : i1 to i32
    %cond3A_241 = arith.constant 0 : i32
    %cond3A_242 = arith.cmpi ne, %convert_element_type3A_240, %cond3A_241 : i32
    scf.if %cond3A_242 {
      tpu.enqueue_dma source(%arg7 : memref<16384xf32, #tpu.memory_space<hbm>>) target(%arg27 : memref<16384xf32, #tpu.memory_space<vmem>>) target_semaphore(%arg35 : memref<!tpu.dma_semaphore, #tpu.memory_space<semaphore_mem>>)
      tpu.enqueue_dma source(%arg9 : memref<128xf32, #tpu.memory_space<hbm>>) target(%arg28 : memref<128xf32, #tpu.memory_space<vmem>>) target_semaphore(%arg35 : memref<!tpu.dma_semaphore, #tpu.memory_space<semaphore_mem>>)
    } else {
    }
    %eq3A_243 = arith.constant 1 : i32
    %eq3A_244 = arith.cmpi eq, %arg1, %eq3A_243 : i32
    %convert_element_type3A_245 = arith.extui %eq3A_244 : i1 to i32
    %cond3A_246 = arith.constant 0 : i32
    %cond3A_247 = arith.cmpi ne, %convert_element_type3A_245, %cond3A_246 : i32
    scf.if %cond3A_247 {
      tpu.enqueue_dma source(%arg8 : memref<16384xf32, #tpu.memory_space<hbm>>) target(%arg27 : memref<16384xf32, #tpu.memory_space<vmem>>) target_semaphore(%arg35 : memref<!tpu.dma_semaphore, #tpu.memory_space<semaphore_mem>>)
      tpu.enqueue_dma source(%arg10 : memref<128xf32, #tpu.memory_space<hbm>>) target(%arg28 : memref<128xf32, #tpu.memory_space<vmem>>) target_semaphore(%arg35 : memref<!tpu.dma_semaphore, #tpu.memory_space<semaphore_mem>>)
    } else {
    }
    %scan3A = arith.constant 0 : i32
    %scan3A_248 = arith.constant 0 : i32
    %scan3A_249 = arith.constant 50 : i32
    %scan3A_250 = arith.addi %scan3A_248, %scan3A_249 : i32
    %scan3A_251 = arith.constant 1 : i32
    scf.for %scan3A_382 = %scan3A_248 to %scan3A_250 step %scan3A_251  : i32 {
      %mul3A_383 = arith.constant 400 : i32
      %mul3A_384 = arith.muli %scan3A_382, %mul3A_383 : i32
      %get3A_385 = arith.index_cast %mul3A_384 : i32 to index
      %get3A_386 = tpu.vector_load %arg13[%get3A_385] {strides = array<i32>} : memref<20000xi32, #tpu.memory_space<vmem>>, vector<16xi32>,
      %eq3A_387 = arith.cmpi eq, %get3A_386, %get3A_5 : vector<16xi32>
      %get3A_388 = arith.index_cast %mul3A_384 : i32 to index
      %get3A_389 = tpu.vector_load %arg14[%get3A_388] {strides = array<i32>} : memref<20000xi32, #tpu.memory_space<vmem>>, vector<16xi32>,
      %eq3A_390 = arith.cmpi eq, %get3A_389, %get3A_5 : vector<16xi32>
      %or3A = arith.ori %eq3A_387, %eq3A_390 : vector<16xi1>
      %add3A_391 = arith.constant 16 : i32
      %add3A_392 = arith.addi %mul3A_384, %add3A_391 : i32
      %get3A_393 = arith.index_cast %add3A_392 : i32 to index
      %get3A_394 = tpu.vector_load %arg13[%get3A_393] {strides = array<i32>} : memref<20000xi32, #tpu.memory_space<vmem>>, vector<16xi32>,
      %eq3A_395 = arith.cmpi eq, %get3A_394, %get3A_5 : vector<16xi32>
      %or3A_396 = arith.ori %or3A, %eq3A_395 : vector<16xi1>
      %add3A_397 = arith.constant 16 : i32
      %add3A_398 = arith.addi %mul3A_384, %add3A_397 : i32
      %get3A_399 = arith.index_cast %add3A_398 : i32 to index
      %get3A_400 = tpu.vector_load %arg14[%get3A_399] {strides = array<i32>} : memref<20000xi32, #tpu.memory_space<vmem>>, vector<16xi32>,
      %eq3A_401 = arith.cmpi eq, %get3A_400, %get3A_5 : vector<16xi32>
      %or3A_402 = arith.ori %or3A_396, %eq3A_401 : vector<16xi1>
      %add3A_403 = arith.constant 32 : i32
      %add3A_404 = arith.addi %mul3A_384, %add3A_403 : i32
      %get3A_405 = arith.index_cast %add3A_404 : i32 to index
      %get3A_406 = tpu.vector_load %arg13[%get3A_405] {strides = array<i32>} : memref<20000xi32, #tpu.memory_space<vmem>>, vector<16xi32>,
      %eq3A_407 = arith.cmpi eq, %get3A_406, %get3A_5 : vector<16xi32>
      %or3A_408 = arith.ori %or3A_402, %eq3A_407 : vector<16xi1>
      %add3A_409 = arith.constant 32 : i32
      %add3A_410 = arith.addi %mul3A_384, %add3A_409 : i32
      %get3A_411 = arith.index_cast %add3A_410 : i32 to index
      %get3A_412 = tpu.vector_load %arg14[%get3A_411] {strides = array<i32>} : memref<20000xi32, #tpu.memory_space<vmem>>, vector<16xi32>,
      %eq3A_413 = arith.cmpi eq, %get3A_412, %get3A_5 : vector<16xi32>
      %or3A_414 = arith.ori %or3A_408, %eq3A_413 : vector<16xi1>
      %add3A_415 = arith.constant 48 : i32
      %add3A_416 = arith.addi %mul3A_384, %add3A_415 : i32
      %get3A_417 = arith.index_cast %add3A_416 : i32 to index
      %get3A_418 = tpu.vector_load %arg13[%get3A_417] {strides = array<i32>} : memref<20000xi32, #tpu.memory_space<vmem>>, vector<16xi32>,
      %eq3A_419 = arith.cmpi eq, %get3A_418, %get3A_5 : vector<16xi32>
      %or3A_420 = arith.ori %or3A_414, %eq3A_419 : vector<16xi1>
      %add3A_421 = arith.constant 48 : i32
      %add3A_422 = arith.addi %mul3A_384, %add3A_421 : i32
      %get3A_423 = arith.index_cast %add3A_422 : i32 to index
      %get3A_424 = tpu.vector_load %arg14[%get3A_423] {strides = array<i32>} : memref<20000xi32, #tpu.memory_space<vmem>>, vector<16xi32>,
      %eq3A_425 = arith.cmpi eq, %get3A_424, %get3A_5 : vector<16xi32>
      %or3A_426 = arith.ori %or3A_420, %eq3A_425 : vector<16xi1>
      %add3A_427 = arith.constant 64 : i32
      %add3A_428 = arith.addi %mul3A_384, %add3A_427 : i32
      %get3A_429 = arith.index_cast %add3A_428 : i32 to index
      %get3A_430 = tpu.vector_load %arg13[%get3A_429] {strides = array<i32>} : memref<20000xi32, #tpu.memory_space<vmem>>, vector<16xi32>,
      %eq3A_431 = arith.cmpi eq, %get3A_430, %get3A_5 : vector<16xi32>
      %or3A_432 = arith.ori %or3A_426, %eq3A_431 : vector<16xi1>
      %add3A_433 = arith.constant 64 : i32
      %add3A_434 = arith.addi %mul3A_384, %add3A_433 : i32
      %get3A_435 = arith.index_cast %add3A_434 : i32 to index
      %get3A_436 = tpu.vector_load %arg14[%get3A_435] {strides = array<i32>} : memref<20000xi32, #tpu.memory_space<vmem>>, vector<16xi32>,
      %eq3A_437 = arith.cmpi eq, %get3A_436, %get3A_5 : vector<16xi32>
      %or3A_438 = arith.ori %or3A_432, %eq3A_437 : vector<16xi1>
      %add3A_439 = arith.constant 80 : i32
      %add3A_440 = arith.addi %mul3A_384, %add3A_439 : i32
      %get3A_441 = arith.index_cast %add3A_440 : i32 to index
      %get3A_442 = tpu.vector_load %arg13[%get3A_441] {strides = array<i32>} : memref<20000xi32, #tpu.memory_space<vmem>>, vector<16xi32>,
      %eq3A_443 = arith.cmpi eq, %get3A_442, %get3A_5 : vector<16xi32>
      %or3A_444 = arith.ori %or3A_438, %eq3A_443 : vector<16xi1>
      %add3A_445 = arith.constant 80 : i32
      %add3A_446 = arith.addi %mul3A_384, %add3A_445 : i32
      %get3A_447 = arith.index_cast %add3A_446 : i32 to index
      %get3A_448 = tpu.vector_load %arg14[%get3A_447] {strides = array<i32>} : memref<20000xi32, #tpu.memory_space<vmem>>, vector<16xi32>,
      %eq3A_449 = arith.cmpi eq, %get3A_448, %get3A_5 : vector<16xi32>
      %or3A_450 = arith.ori %or3A_444, %eq3A_449 : vector<16xi1>
      %add3A_451 = arith.constant 96 : i32
      %add3A_452 = arith.addi %mul3A_384, %add3A_451 : i32
      %get3A_453 = arith.index_cast %add3A_452 : i32 to index
      %get3A_454 = tpu.vector_load %arg13[%get3A_453] {strides = array<i32>} : memref<20000xi32, #tpu.memory_space<vmem>>, vector<16xi32>,
      %eq3A_455 = arith.cmpi eq, %get3A_454, %get3A_5 : vector<16xi32>
      %or3A_456 = arith.ori %or3A_450, %eq3A_455 : vector<16xi1>
      %add3A_457 = arith.constant 96 : i32
      %add3A_458 = arith.addi %mul3A_384, %add3A_457 : i32
      %get3A_459 = arith.index_cast %add3A_458 : i32 to index
      %get3A_460 = tpu.vector_load %arg14[%get3A_459] {strides = array<i32>} : memref<20000xi32, #tpu.memory_space<vmem>>, vector<16xi32>,
      %eq3A_461 = arith.cmpi eq, %get3A_460, %get3A_5 : vector<16xi32>
      %or3A_462 = arith.ori %or3A_456, %eq3A_461 : vector<16xi1>
      %add3A_463 = arith.constant 112 : i32
      %add3A_464 = arith.addi %mul3A_384, %add3A_463 : i32
      %get3A_465 = arith.index_cast %add3A_464 : i32 to index
      %get3A_466 = tpu.vector_load %arg13[%get3A_465] {strides = array<i32>} : memref<20000xi32, #tpu.memory_space<vmem>>, vector<16xi32>,
      %eq3A_467 = arith.cmpi eq, %get3A_466, %get3A_5 : vector<16xi32>
      %or3A_468 = arith.ori %or3A_462, %eq3A_467 : vector<16xi1>
      %add3A_469 = arith.constant 112 : i32
      %add3A_470 = arith.addi %mul3A_384, %add3A_469 : i32
      %get3A_471 = arith.index_cast %add3A_470 : i32 to index
      %get3A_472 = tpu.vector_load %arg14[%get3A_471] {strides = array<i32>} : memref<20000xi32, #tpu.memory_space<vmem>>, vector<16xi32>,
      %eq3A_473 = arith.cmpi eq, %get3A_472, %get3A_5 : vector<16xi32>
      %or3A_474 = arith.ori %or3A_468, %eq3A_473 : vector<16xi1>
      %add3A_475 = arith.constant 128 : i32
      %add3A_476 = arith.addi %mul3A_384, %add3A_475 : i32
      %get3A_477 = arith.index_cast %add3A_476 : i32 to index
      %get3A_478 = tpu.vector_load %arg13[%get3A_477] {strides = array<i32>} : memref<20000xi32, #tpu.memory_space<vmem>>, vector<16xi32>,
      %eq3A_479 = arith.cmpi eq, %get3A_478, %get3A_5 : vector<16xi32>
      %or3A_480 = arith.ori %or3A_474, %eq3A_479 : vector<16xi1>
      %add3A_481 = arith.constant 128 : i32
      %add3A_482 = arith.addi %mul3A_384, %add3A_481 : i32
      %get3A_483 = arith.index_cast %add3A_482 : i32 to index
      %get3A_484 = tpu.vector_load %arg14[%get3A_483] {strides = array<i32>} : memref<20000xi32, #tpu.memory_space<vmem>>, vector<16xi32>,
      %eq3A_485 = arith.cmpi eq, %get3A_484, %get3A_5 : vector<16xi32>
      %or3A_486 = arith.ori %or3A_480, %eq3A_485 : vector<16xi1>
      %add3A_487 = arith.constant 144 : i32
      %add3A_488 = arith.addi %mul3A_384, %add3A_487 : i32
      %get3A_489 = arith.index_cast %add3A_488 : i32 to index
      %get3A_490 = tpu.vector_load %arg13[%get3A_489] {strides = array<i32>} : memref<20000xi32, #tpu.memory_space<vmem>>, vector<16xi32>,
      %eq3A_491 = arith.cmpi eq, %get3A_490, %get3A_5 : vector<16xi32>
      %or3A_492 = arith.ori %or3A_486, %eq3A_491 : vector<16xi1>
      %add3A_493 = arith.constant 144 : i32
      %add3A_494 = arith.addi %mul3A_384, %add3A_493 : i32
      %get3A_495 = arith.index_cast %add3A_494 : i32 to index
      %get3A_496 = tpu.vector_load %arg14[%get3A_495] {strides = array<i32>} : memref<20000xi32, #tpu.memory_space<vmem>>, vector<16xi32>,
      %eq3A_497 = arith.cmpi eq, %get3A_496, %get3A_5 : vector<16xi32>
      %or3A_498 = arith.ori %or3A_492, %eq3A_497 : vector<16xi1>
      %add3A_499 = arith.constant 160 : i32
      %add3A_500 = arith.addi %mul3A_384, %add3A_499 : i32
      %get3A_501 = arith.index_cast %add3A_500 : i32 to index
      %get3A_502 = tpu.vector_load %arg13[%get3A_501] {strides = array<i32>} : memref<20000xi32, #tpu.memory_space<vmem>>, vector<16xi32>,
      %eq3A_503 = arith.cmpi eq, %get3A_502, %get3A_5 : vector<16xi32>
      %or3A_504 = arith.ori %or3A_498, %eq3A_503 : vector<16xi1>
      %add3A_505 = arith.constant 160 : i32
      %add3A_506 = arith.addi %mul3A_384, %add3A_505 : i32
      %get3A_507 = arith.index_cast %add3A_506 : i32 to index
      %get3A_508 = tpu.vector_load %arg14[%get3A_507] {strides = array<i32>} : memref<20000xi32, #tpu.memory_space<vmem>>, vector<16xi32>,
      %eq3A_509 = arith.cmpi eq, %get3A_508, %get3A_5 : vector<16xi32>
      %or3A_510 = arith.ori %or3A_504, %eq3A_509 : vector<16xi1>
      %add3A_511 = arith.constant 176 : i32
      %add3A_512 = arith.addi %mul3A_384, %add3A_511 : i32
      %get3A_513 = arith.index_cast %add3A_512 : i32 to index
      %get3A_514 = tpu.vector_load %arg13[%get3A_513] {strides = array<i32>} : memref<20000xi32, #tpu.memory_space<vmem>>, vector<16xi32>,
      %eq3A_515 = arith.cmpi eq, %get3A_514, %get3A_5 : vector<16xi32>
      %or3A_516 = arith.ori %or3A_510, %eq3A_515 : vector<16xi1>
      %add3A_517 = arith.constant 176 : i32
      %add3A_518 = arith.addi %mul3A_384, %add3A_517 : i32
      %get3A_519 = arith.index_cast %add3A_518 : i32 to index
      %get3A_520 = tpu.vector_load %arg14[%get3A_519] {strides = array<i32>} : memref<20000xi32, #tpu.memory_space<vmem>>, vector<16xi32>,
      %eq3A_521 = arith.cmpi eq, %get3A_520, %get3A_5 : vector<16xi32>
      %or3A_522 = arith.ori %or3A_516, %eq3A_521 : vector<16xi1>
      %add3A_523 = arith.constant 192 : i32
      %add3A_524 = arith.addi %mul3A_384, %add3A_523 : i32
      %get3A_525 = arith.index_cast %add3A_524 : i32 to index
      %get3A_526 = tpu.vector_load %arg13[%get3A_525] {strides = array<i32>} : memref<20000xi32, #tpu.memory_space<vmem>>, vector<16xi32>,
      %eq3A_527 = arith.cmpi eq, %get3A_526, %get3A_5 : vector<16xi32>
      %or3A_528 = arith.ori %or3A_522, %eq3A_527 : vector<16xi1>
      %add3A_529 = arith.constant 192 : i32
      %add3A_530 = arith.addi %mul3A_384, %add3A_529 : i32
      %get3A_531 = arith.index_cast %add3A_530 : i32 to index
      %get3A_532 = tpu.vector_load %arg14[%get3A_531] {strides = array<i32>} : memref<20000xi32, #tpu.memory_space<vmem>>, vector<16xi32>,
      %eq3A_533 = arith.cmpi eq, %get3A_532, %get3A_5 : vector<16xi32>
      %or3A_534 = arith.ori %or3A_528, %eq3A_533 : vector<16xi1>
      %add3A_535 = arith.constant 208 : i32
      %add3A_536 = arith.addi %mul3A_384, %add3A_535 : i32
      %get3A_537 = arith.index_cast %add3A_536 : i32 to index
      %get3A_538 = tpu.vector_load %arg13[%get3A_537] {strides = array<i32>} : memref<20000xi32, #tpu.memory_space<vmem>>, vector<16xi32>,
      %eq3A_539 = arith.cmpi eq, %get3A_538, %get3A_5 : vector<16xi32>
      %or3A_540 = arith.ori %or3A_534, %eq3A_539 : vector<16xi1>
      %add3A_541 = arith.constant 208 : i32
      %add3A_542 = arith.addi %mul3A_384, %add3A_541 : i32
      %get3A_543 = arith.index_cast %add3A_542 : i32 to index
      %get3A_544 = tpu.vector_load %arg14[%get3A_543] {strides = array<i32>} : memref<20000xi32, #tpu.memory_space<vmem>>, vector<16xi32>,
      %eq3A_545 = arith.cmpi eq, %get3A_544, %get3A_5 : vector<16xi32>
      %or3A_546 = arith.ori %or3A_540, %eq3A_545 : vector<16xi1>
      %add3A_547 = arith.constant 224 : i32
      %add3A_548 = arith.addi %mul3A_384, %add3A_547 : i32
      %get3A_549 = arith.index_cast %add3A_548 : i32 to index
      %get3A_550 = tpu.vector_load %arg13[%get3A_549] {strides = array<i32>} : memref<20000xi32, #tpu.memory_space<vmem>>, vector<16xi32>,
      %eq3A_551 = arith.cmpi eq, %get3A_550, %get3A_5 : vector<16xi32>
      %or3A_552 = arith.ori %or3A_546, %eq3A_551 : vector<16xi1>
      %add3A_553 = arith.constant 224 : i32
      %add3A_554 = arith.addi %mul3A_384, %add3A_553 : i32
      %get3A_555 = arith.index_cast %add3A_554 : i32 to index
      %get3A_556 = tpu.vector_load %arg14[%get3A_555] {strides = array<i32>} : memref<20000xi32, #tpu.memory_space<vmem>>, vector<16xi32>,
      %eq3A_557 = arith.cmpi eq, %get3A_556, %get3A_5 : vector<16xi32>
      %or3A_558 = arith.ori %or3A_552, %eq3A_557 : vector<16xi1>
      %add3A_559 = arith.constant 240 : i32
      %add3A_560 = arith.addi %mul3A_384, %add3A_559 : i32
      %get3A_561 = arith.index_cast %add3A_560 : i32 to index
      %get3A_562 = tpu.vector_load %arg13[%get3A_561] {strides = array<i32>} : memref<20000xi32, #tpu.memory_space<vmem>>, vector<16xi32>,
      %eq3A_563 = arith.cmpi eq, %get3A_562, %get3A_5 : vector<16xi32>
      %or3A_564 = arith.ori %or3A_558, %eq3A_563 : vector<16xi1>
      %add3A_565 = arith.constant 240 : i32
      %add3A_566 = arith.addi %mul3A_384, %add3A_565 : i32
      %get3A_567 = arith.index_cast %add3A_566 : i32 to index
      %get3A_568 = tpu.vector_load %arg14[%get3A_567] {strides = array<i32>} : memref<20000xi32, #tpu.memory_space<vmem>>, vector<16xi32>,
      %eq3A_569 = arith.cmpi eq, %get3A_568, %get3A_5 : vector<16xi32>
      %or3A_570 = arith.ori %or3A_564, %eq3A_569 : vector<16xi1>
      %add3A_571 = arith.constant 256 : i32
      %add3A_572 = arith.addi %mul3A_384, %add3A_571 : i32
      %get3A_573 = arith.index_cast %add3A_572 : i32 to index
      %get3A_574 = tpu.vector_load %arg13[%get3A_573] {strides = array<i32>} : memref<20000xi32, #tpu.memory_space<vmem>>, vector<16xi32>,
      %eq3A_575 = arith.cmpi eq, %get3A_574, %get3A_5 : vector<16xi32>
      %or3A_576 = arith.ori %or3A_570, %eq3A_575 : vector<16xi1>
      %add3A_577 = arith.constant 256 : i32
      %add3A_578 = arith.addi %mul3A_384, %add3A_577 : i32
      %get3A_579 = arith.index_cast %add3A_578 : i32 to index
      %get3A_580 = tpu.vector_load %arg14[%get3A_579] {strides = array<i32>} : memref<20000xi32, #tpu.memory_space<vmem>>, vector<16xi32>,
      %eq3A_581 = arith.cmpi eq, %get3A_580, %get3A_5 : vector<16xi32>
      %or3A_582 = arith.ori %or3A_576, %eq3A_581 : vector<16xi1>
      %add3A_583 = arith.constant 272 : i32
      %add3A_584 = arith.addi %mul3A_384, %add3A_583 : i32
      %get3A_585 = arith.index_cast %add3A_584 : i32 to index
      %get3A_586 = tpu.vector_load %arg13[%get3A_585] {strides = array<i32>} : memref<20000xi32, #tpu.memory_space<vmem>>, vector<16xi32>,
      %eq3A_587 = arith.cmpi eq, %get3A_586, %get3A_5 : vector<16xi32>
      %or3A_588 = arith.ori %or3A_582, %eq3A_587 : vector<16xi1>
      %add3A_589 = arith.constant 272 : i32
      %add3A_590 = arith.addi %mul3A_384, %add3A_589 : i32
      %get3A_591 = arith.index_cast %add3A_590 : i32 to index
      %get3A_592 = tpu.vector_load %arg14[%get3A_591] {strides = array<i32>} : memref<20000xi32, #tpu.memory_space<vmem>>, vector<16xi32>,
      %eq3A_593 = arith.cmpi eq, %get3A_592, %get3A_5 : vector<16xi32>
      %or3A_594 = arith.ori %or3A_588, %eq3A_593 : vector<16xi1>
      %add3A_595 = arith.constant 288 : i32
      %add3A_596 = arith.addi %mul3A_384, %add3A_595 : i32
      %get3A_597 = arith.index_cast %add3A_596 : i32 to index
      %get3A_598 = tpu.vector_load %arg13[%get3A_597] {strides = array<i32>} : memref<20000xi32, #tpu.memory_space<vmem>>, vector<16xi32>,
      %eq3A_599 = arith.cmpi eq, %get3A_598, %get3A_5 : vector<16xi32>
      %or3A_600 = arith.ori %or3A_594, %eq3A_599 : vector<16xi1>
      %add3A_601 = arith.constant 288 : i32
      %add3A_602 = arith.addi %mul3A_384, %add3A_601 : i32
      %get3A_603 = arith.index_cast %add3A_602 : i32 to index
      %get3A_604 = tpu.vector_load %arg14[%get3A_603] {strides = array<i32>} : memref<20000xi32, #tpu.memory_space<vmem>>, vector<16xi32>,
      %eq3A_605 = arith.cmpi eq, %get3A_604, %get3A_5 : vector<16xi32>
      %or3A_606 = arith.ori %or3A_600, %eq3A_605 : vector<16xi1>
      %add3A_607 = arith.constant 304 : i32
      %add3A_608 = arith.addi %mul3A_384, %add3A_607 : i32
      %get3A_609 = arith.index_cast %add3A_608 : i32 to index
      %get3A_610 = tpu.vector_load %arg13[%get3A_609] {strides = array<i32>} : memref<20000xi32, #tpu.memory_space<vmem>>, vector<16xi32>,
      %eq3A_611 = arith.cmpi eq, %get3A_610, %get3A_5 : vector<16xi32>
      %or3A_612 = arith.ori %or3A_606, %eq3A_611 : vector<16xi1>
      %add3A_613 = arith.constant 304 : i32
      %add3A_614 = arith.addi %mul3A_384, %add3A_613 : i32
      %get3A_615 = arith.index_cast %add3A_614 : i32 to index
      %get3A_616 = tpu.vector_load %arg14[%get3A_615] {strides = array<i32>} : memref<20000xi32, #tpu.memory_space<vmem>>, vector<16xi32>,
      %eq3A_617 = arith.cmpi eq, %get3A_616, %get3A_5 : vector<16xi32>
      %or3A_618 = arith.ori %or3A_612, %eq3A_617 : vector<16xi1>
      %add3A_619 = arith.constant 320 : i32
      %add3A_620 = arith.addi %mul3A_384, %add3A_619 : i32
      %get3A_621 = arith.index_cast %add3A_620 : i32 to index
      %get3A_622 = tpu.vector_load %arg13[%get3A_621] {strides = array<i32>} : memref<20000xi32, #tpu.memory_space<vmem>>, vector<16xi32>,
      %eq3A_623 = arith.cmpi eq, %get3A_622, %get3A_5 : vector<16xi32>
      %or3A_624 = arith.ori %or3A_618, %eq3A_623 : vector<16xi1>
      %add3A_625 = arith.constant 320 : i32
      %add3A_626 = arith.addi %mul3A_384, %add3A_625 : i32
      %get3A_627 = arith.index_cast %add3A_626 : i32 to index
      %get3A_628 = tpu.vector_load %arg14[%get3A_627] {strides = array<i32>} : memref<20000xi32, #tpu.memory_space<vmem>>, vector<16xi32>,
      %eq3A_629 = arith.cmpi eq, %get3A_628, %get3A_5 : vector<16xi32>
      %or3A_630 = arith.ori %or3A_624, %eq3A_629 : vector<16xi1>
      %add3A_631 = arith.constant 336 : i32
      %add3A_632 = arith.addi %mul3A_384, %add3A_631 : i32
      %get3A_633 = arith.index_cast %add3A_632 : i32 to index
      %get3A_634 = tpu.vector_load %arg13[%get3A_633] {strides = array<i32>} : memref<20000xi32, #tpu.memory_space<vmem>>, vector<16xi32>,
      %eq3A_635 = arith.cmpi eq, %get3A_634, %get3A_5 : vector<16xi32>
      %or3A_636 = arith.ori %or3A_630, %eq3A_635 : vector<16xi1>
      %add3A_637 = arith.constant 336 : i32
      %add3A_638 = arith.addi %mul3A_384, %add3A_637 : i32
      %get3A_639 = arith.index_cast %add3A_638 : i32 to index
      %get3A_640 = tpu.vector_load %arg14[%get3A_639] {strides = array<i32>} : memref<20000xi32, #tpu.memory_space<vmem>>, vector<16xi32>,
      %eq3A_641 = arith.cmpi eq, %get3A_640, %get3A_5 : vector<16xi32>
      %or3A_642 = arith.ori %or3A_636, %eq3A_641 : vector<16xi1>
      %add3A_643 = arith.constant 352 : i32
      %add3A_644 = arith.addi %mul3A_384, %add3A_643 : i32
      %get3A_645 = arith.index_cast %add3A_644 : i32 to index
      %get3A_646 = tpu.vector_load %arg13[%get3A_645] {strides = array<i32>} : memref<20000xi32, #tpu.memory_space<vmem>>, vector<16xi32>,
      %eq3A_647 = arith.cmpi eq, %get3A_646, %get3A_5 : vector<16xi32>
      %or3A_648 = arith.ori %or3A_642, %eq3A_647 : vector<16xi1>
      %add3A_649 = arith.constant 352 : i32
      %add3A_650 = arith.addi %mul3A_384, %add3A_649 : i32
      %get3A_651 = arith.index_cast %add3A_650 : i32 to index
      %get3A_652 = tpu.vector_load %arg14[%get3A_651] {strides = array<i32>} : memref<20000xi32, #tpu.memory_space<vmem>>, vector<16xi32>,
      %eq3A_653 = arith.cmpi eq, %get3A_652, %get3A_5 : vector<16xi32>
      %or3A_654 = arith.ori %or3A_648, %eq3A_653 : vector<16xi1>
      %add3A_655 = arith.constant 368 : i32
      %add3A_656 = arith.addi %mul3A_384, %add3A_655 : i32
      %get3A_657 = arith.index_cast %add3A_656 : i32 to index
      %get3A_658 = tpu.vector_load %arg13[%get3A_657] {strides = array<i32>} : memref<20000xi32, #tpu.memory_space<vmem>>, vector<16xi32>,
      %eq3A_659 = arith.cmpi eq, %get3A_658, %get3A_5 : vector<16xi32>
      %or3A_660 = arith.ori %or3A_654, %eq3A_659 : vector<16xi1>
      %add3A_661 = arith.constant 368 : i32
      %add3A_662 = arith.addi %mul3A_384, %add3A_661 : i32
      %get3A_663 = arith.index_cast %add3A_662 : i32 to index
      %get3A_664 = tpu.vector_load %arg14[%get3A_663] {strides = array<i32>} : memref<20000xi32, #tpu.memory_space<vmem>>, vector<16xi32>,
      %eq3A_665 = arith.cmpi eq, %get3A_664, %get3A_5 : vector<16xi32>
      %or3A_666 = arith.ori %or3A_660, %eq3A_665 : vector<16xi1>
      %add3A_667 = arith.constant 384 : i32
      %add3A_668 = arith.addi %mul3A_384, %add3A_667 : i32
      %get3A_669 = arith.index_cast %add3A_668 : i32 to index
      %get3A_670 = tpu.vector_load %arg13[%get3A_669] {strides = array<i32>} : memref<20000xi32, #tpu.memory_space<vmem>>, vector<16xi32>,
      %eq3A_671 = arith.cmpi eq, %get3A_670, %get3A_5 : vector<16xi32>
      %or3A_672 = arith.ori %or3A_666, %eq3A_671 : vector<16xi1>
      %add3A_673 = arith.constant 384 : i32
      %add3A_674 = arith.addi %mul3A_384, %add3A_673 : i32
      %get3A_675 = arith.index_cast %add3A_674 : i32 to index
      %get3A_676 = tpu.vector_load %arg14[%get3A_675] {strides = array<i32>} : memref<20000xi32, #tpu.memory_space<vmem>>, vector<16xi32>,
      %eq3A_677 = arith.cmpi eq, %get3A_676, %get3A_5 : vector<16xi32>
      %or3A_678 = arith.ori %or3A_672, %eq3A_677 : vector<16xi1>
      %jit3A_679 = arith.constant 1 : i32
      %jit3A_680 = arith.constant 0 : i32
      %broadcast_in_dim3A_681 = vector.broadcast %jit3A_679 : i32 to vector<16xi32>
      %broadcast_in_dim3A_682 = vector.broadcast %jit3A_680 : i32 to vector<16xi32>
      %select_n3A_683 = arith.select %or3A_678, %broadcast_in_dim3A_681, %broadcast_in_dim3A_682 : vector<16xi1>, vector<16xi32>
      %reduce_sum3A_684 = arith.constant true
      %reduce_sum3A_685 = vector.broadcast %reduce_sum3A_684 : i1 to vector<16xi1>
      %reduce_sum3A_686 = tpu.scan <sum>, %select_n3A_683 masked %reduce_sum3A_685 : vector<16xi32>, vector<16xi1> -> vector<16xi32>
      %reduce_sum3A_687 = vector.extract %reduce_sum3A_686[15] : i32 from vector<16xi32>
      %gt3A = arith.constant 0 : i32
      %gt3A_688 = arith.cmpi sgt, %reduce_sum3A_687, %gt3A : i32
      %convert_element_type3A_689 = arith.extui %gt3A_688 : i1 to i32
      %cond3A_690 = arith.constant 0 : i32
      %cond3A_691 = arith.cmpi ne, %convert_element_type3A_689, %cond3A_690 : i32
      scf.if %cond3A_691 {
        %scan3A_692 = arith.constant 0 : i32
        %scan3A_693 = arith.constant 0 : i32
        %scan3A_694 = arith.constant 25 : i32
        %scan3A_695 = arith.addi %scan3A_693, %scan3A_694 : i32
        %scan3A_696 = arith.constant 1 : i32
        scf.for %scan3A_698 = %scan3A_693 to %scan3A_695 step %scan3A_696  : i32 {
          %mul3A_699 = arith.constant 16 : i32
          %mul3A_700 = arith.muli %scan3A_698, %mul3A_699 : i32
          %add3A_701 = arith.addi %mul3A_384, %mul3A_700 : i32
          %get3A_702 = arith.index_cast %add3A_701 : i32 to index
          %get3A_703 = tpu.vector_load %arg13[%get3A_702] {strides = array<i32>} : memref<20000xi32, #tpu.memory_space<vmem>>, vector<16xi32>,
          %get3A_704 = arith.index_cast %add3A_701 : i32 to index
          %get3A_705 = tpu.vector_load %arg14[%get3A_704] {strides = array<i32>} : memref<20000xi32, #tpu.memory_space<vmem>>, vector<16xi32>,
          %eq3A_706 = arith.cmpi eq, %get3A_705, %get3A_5 : vector<16xi32>
          %eq3A_707 = arith.cmpi eq, %get3A_703, %get3A_5 : vector<16xi32>
          %get3A_708 = arith.constant 0 : i32
          %get3A_709 = arith.index_cast %get3A_708 : i32 to index
          %get3A_710 = memref.load %arg33[%get3A_709] : memref<8xi32, #tpu.memory_space<smem>>
          %get3A_711 = arith.constant 1 : i32
          %get3A_712 = arith.index_cast %get3A_711 : i32 to index
          %get3A_713 = memref.load %arg33[%get3A_712] : memref<8xi32, #tpu.memory_space<smem>>
          %swap3A_714 = arith.index_cast %get3A_710 : i32 to index
          %swap3A_715 = tpu.vector_load %arg15[%swap3A_714] masked %eq3A_706 {strides = array<i32>} : memref<20016xi32, #tpu.memory_space<vmem>>, vector<16xi32>, vector<16xi1>
          tpu.vector_store %arg15[%swap3A_714], %get3A_703 masked %eq3A_706 {strides = array<i32>} : memref<20016xi32, #tpu.memory_space<vmem>>, vector<16xi32>, vector<16xi1>
          %swap3A_716 = arith.index_cast %get3A_713 : i32 to index
          %swap3A_717 = tpu.vector_load %arg16[%swap3A_716] masked %eq3A_707 {strides = array<i32>} : memref<20016xi32, #tpu.memory_space<vmem>>, vector<16xi32>, vector<16xi1>
          tpu.vector_store %arg16[%swap3A_716], %get3A_705 masked %eq3A_707 {strides = array<i32>} : memref<20016xi32, #tpu.memory_space<vmem>>, vector<16xi32>, vector<16xi1>
          %all_reduce_population_count3A = tpu.all_reduce %eq3A_706 {dim = 0 : i64, kind = #tpu.reduction_kind<sum>} : vector<16xi1> -> vector<16xi32>
          %slice3A_718 = vector.extract_strided_slice %all_reduce_population_count3A {offsets = [0], sizes = [1], strides = [1]} : vector<16xi32> to vector<1xi32>
          %squeeze3A_719 = vector.extract %slice3A_718[0] : i32 from vector<1xi32>
          %add3A_720 = arith.addi %get3A_710, %squeeze3A_719 : i32
          %swap3A_721 = arith.constant 0 : i32
          %swap3A_722 = arith.index_cast %swap3A_721 : i32 to index
          %swap3A_723 = memref.load %arg33[%swap3A_722] : memref<8xi32, #tpu.memory_space<smem>>
          memref.store %add3A_720, %arg33[%swap3A_722] : memref<8xi32, #tpu.memory_space<smem>>
          %all_reduce_population_count3A_724 = tpu.all_reduce %eq3A_707 {dim = 0 : i64, kind = #tpu.reduction_kind<sum>} : vector<16xi1> -> vector<16xi32>
          %slice3A_725 = vector.extract_strided_slice %all_reduce_population_count3A_724 {offsets = [0], sizes = [1], strides = [1]} : vector<16xi32> to vector<1xi32>
          %squeeze3A_726 = vector.extract %slice3A_725[0] : i32 from vector<1xi32>
          %add3A_727 = arith.addi %get3A_713, %squeeze3A_726 : i32
          %swap3A_728 = arith.constant 1 : i32
          %swap3A_729 = arith.index_cast %swap3A_728 : i32 to index
          %swap3A_730 = memref.load %arg33[%swap3A_729] : memref<8xi32, #tpu.memory_space<smem>>
          memref.store %add3A_727, %arg33[%swap3A_729] : memref<8xi32, #tpu.memory_space<smem>>
        }
        %scan3A_697 = arith.constant 25 : i32
      } else {
      }
    }
    %scan3A_252 = arith.constant 50 : i32
    %iota3A = tpu.iota {dimensions = array<i32: 0>} : vector<16xi32>
    %get3A_253 = arith.constant 0 : i32
    %get3A_254 = arith.index_cast %get3A_253 : i32 to index
    %get3A_255 = memref.load %arg33[%get3A_254] : memref<8xi32, #tpu.memory_space<smem>>
    %add3A_256 = arith.constant 16 : i32
    %add3A_257 = arith.addi %get3A_255, %add3A_256 : i32
    %sub3A = arith.constant 1 : i32
    %sub3A_258 = arith.subi %add3A_257, %sub3A : i32
    %jit3A = arith.constant 16 : i32
    %div3A = arith.divsi %sub3A_258, %jit3A : i32
    %sign3A = arith.constant 0 : i32
    %sign3A_259 = arith.cmpi sgt, %sub3A_258, %sign3A : i32
    %sign3A_260 = arith.extui %sign3A_259 : i1 to i32
    %sign3A_261 = arith.constant 0 : i32
    %sign3A_262 = arith.cmpi slt, %sub3A_258, %sign3A_261 : i32
    %sign3A_263 = arith.extui %sign3A_262 : i1 to i32
    %sign3A_264 = arith.subi %sign3A_260, %sign3A_263 : i32
    %sign3A_265 = arith.constant 0 : i32
    %sign3A_266 = arith.cmpi sgt, %jit3A, %sign3A_265 : i32
    %sign3A_267 = arith.extui %sign3A_266 : i1 to i32
    %sign3A_268 = arith.constant 0 : i32
    %sign3A_269 = arith.cmpi slt, %jit3A, %sign3A_268 : i32
    %sign3A_270 = arith.extui %sign3A_269 : i1 to i32
    %sign3A_271 = arith.subi %sign3A_267, %sign3A_270 : i32
    %ne3A = arith.cmpi ne, %sign3A_264, %sign3A_271 : i32
    %rem3A = arith.remsi %sub3A_258, %jit3A : i32
    %ne3A_272 = arith.constant 0 : i32
    %ne3A_273 = arith.cmpi ne, %rem3A, %ne3A_272 : i32
    %and3A = arith.andi %ne3A, %ne3A_273 : i1
    %sub3A_274 = arith.constant 1 : i32
    %sub3A_275 = arith.subi %div3A, %sub3A_274 : i32
    %select_n3A = arith.select %and3A, %sub3A_275, %div3A : i32
    %while3A = arith.constant 0 : i32
    %while3A_276 = arith.constant 0 : i32
    %while3A_277 = arith.subi %select_n3A, %while3A_276 : i32
    %while3A_278 = arith.addi %while3A_276, %while3A_277 : i32
    %while3A_279 = arith.constant 1 : i32
    %while3A_280 = arith.divsi %while3A_277, %while3A_279 : i32
    %while3A_281 = arith.muli %while3A_280, %while3A_279 : i32
    %while3A_282 = arith.addi %while3A_276, %while3A_281 : i32
    %while3A_283 = arith.constant 1 : i32
    scf.for %while3A_382 = %while3A_276 to %while3A_282 step %while3A_283  : i32 {
      %mul3A_383 = arith.constant 16 : i32
      %mul3A_384 = arith.muli %while3A_382, %mul3A_383 : i32
      %get3A_385 = arith.index_cast %mul3A_384 : i32 to index
      %get3A_386 = tpu.vector_load %arg15[%get3A_385] {strides = array<i32>} : memref<20016xi32, #tpu.memory_space<vmem>>, vector<16xi32>,
      %add3A_387 = vector.broadcast %mul3A_384 : i32 to vector<16xi32>
      %add3A_388 = arith.addi %iota3A, %add3A_387 : vector<16xi32>
      %broadcast_in_dim3A_389 = vector.broadcast %get3A_255 : i32 to vector<16xi32>
      %lt3A_390 = arith.cmpi slt, %add3A_388, %broadcast_in_dim3A_389 : vector<16xi32>
      %jit3A_391 = arith.constant 0 : i32
      %broadcast_in_dim3A_392 = vector.broadcast %jit3A_391 : i32 to vector<16xi32>
      %select_n3A_393 = arith.select %lt3A_390, %get3A_386, %broadcast_in_dim3A_392 : vector<16xi1>, vector<16xi32>
      %swap3A_394 = arith.constant 0 : index
      %swap3A_395 = tpu.vector_load %arg19[%swap3A_394] {strides = array<i32>} : memref<16xi32, #tpu.memory_space<vmem>>, vector<16xi32>,
      tpu.vector_store %arg19[%swap3A_394], %select_n3A_393 {strides = array<i32>} : memref<16xi32, #tpu.memory_space<vmem>>, vector<16xi32>,
      %dma_start3A_396 = arith.constant 0 : i32
      %dma_start3A_397 = arith.constant 0 : i32
      %dma_start3A_398 = tpu.memref_slice %arg3[%dma_start3A_396, %dma_start3A_397] : memref<10000x128xf32, #tpu.memory_space<hbm>> -> memref<10000x128xf32, #tpu.memory_space<hbm>>
      tpu.enqueue_indirect_dma source(%dma_start3A_398 : memref<10000x128xf32, #tpu.memory_space<hbm>>) target(%arg21 : memref<16x128xf32, #tpu.memory_space<vmem>>) offsets(%arg19 : memref<16xi32, #tpu.memory_space<vmem>>) semaphore(%arg34 : memref<!tpu.dma_semaphore, #tpu.memory_space<semaphore_mem>>)
      %dma_wait3A_399 = arith.constant 0 : i32
      %dma_wait3A_400 = arith.constant 0 : i32
      %dma_wait3A_401 = tpu.memref_slice %arg3[%dma_wait3A_399, %dma_wait3A_400] : memref<10000x128xf32, #tpu.memory_space<hbm>> -> memref<10000x128xf32, #tpu.memory_space<hbm>>
      tpu.wait_indirect_dma semaphore(%arg34 : memref<!tpu.dma_semaphore, #tpu.memory_space<semaphore_mem>>) src(%dma_wait3A_401 : memref<10000x128xf32, #tpu.memory_space<hbm>>) dst(%arg21 : memref<16x128xf32, #tpu.memory_space<vmem>>)
      %scan3A_402 = arith.constant 0 : i32
      %scan3A_403 = arith.constant 0 : i32
      %scan3A_404 = arith.constant 16 : i32
      %scan3A_405 = arith.addi %scan3A_403, %scan3A_404 : i32
      %scan3A_406 = arith.constant 1 : i32
      scf.for %scan3A_408 = %scan3A_403 to %scan3A_405 step %scan3A_406  : i32 {
        %add3A_409 = arith.addi %mul3A_384, %scan3A_408 : i32
        %lt3A_410 = arith.cmpi slt, %add3A_409, %get3A_255 : i32
        %convert_element_type3A_411 = arith.extui %lt3A_410 : i1 to i32
        %cond3A_412 = arith.constant 0 : i32
        %cond3A_413 = arith.cmpi ne, %convert_element_type3A_411, %cond3A_412 : i32
        scf.if %cond3A_413 {
          %get3A_414 = arith.index_cast %scan3A_408 : i32 to index
          %get3A_415 = arith.constant 0 : index
          %get3A_416 = tpu.vector_load %arg21[%get3A_414, %get3A_415] {strides = array<i32>} : memref<16x128xf32, #tpu.memory_space<vmem>>, vector<16xf32>,
          %get3A_417 = arith.constant 0 : index
          %get3A_418 = tpu.vector_load %arg17[%get3A_417] {strides = array<i32>} : memref<512xf32, #tpu.memory_space<vmem>>, vector<16xf32>,
          %mul3A_419 = arith.mulf %get3A_416, %get3A_418 : vector<16xf32>
          %get3A_420 = arith.index_cast %scan3A_408 : i32 to index
          %get3A_421 = arith.constant 16 : index
          %get3A_422 = tpu.vector_load %arg21[%get3A_420, %get3A_421] {strides = array<i32>} : memref<16x128xf32, #tpu.memory_space<vmem>>, vector<16xf32>,
          %get3A_423 = arith.constant 16 : index
          %get3A_424 = tpu.vector_load %arg17[%get3A_423] {strides = array<i32>} : memref<512xf32, #tpu.memory_space<vmem>>, vector<16xf32>,
          %mul3A_425 = arith.mulf %get3A_422, %get3A_424 : vector<16xf32>
          %add3A_426 = arith.addf %mul3A_419, %mul3A_425 : vector<16xf32>
          %get3A_427 = arith.index_cast %scan3A_408 : i32 to index
          %get3A_428 = arith.constant 32 : index
          %get3A_429 = tpu.vector_load %arg21[%get3A_427, %get3A_428] {strides = array<i32>} : memref<16x128xf32, #tpu.memory_space<vmem>>, vector<16xf32>,
          %get3A_430 = arith.constant 32 : index
          %get3A_431 = tpu.vector_load %arg17[%get3A_430] {strides = array<i32>} : memref<512xf32, #tpu.memory_space<vmem>>, vector<16xf32>,
          %mul3A_432 = arith.mulf %get3A_429, %get3A_431 : vector<16xf32>
          %add3A_433 = arith.addf %add3A_426, %mul3A_432 : vector<16xf32>
          %get3A_434 = arith.index_cast %scan3A_408 : i32 to index
          %get3A_435 = arith.constant 48 : index
          %get3A_436 = tpu.vector_load %arg21[%get3A_434, %get3A_435] {strides = array<i32>} : memref<16x128xf32, #tpu.memory_space<vmem>>, vector<16xf32>,
          %get3A_437 = arith.constant 48 : index
          %get3A_438 = tpu.vector_load %arg17[%get3A_437] {strides = array<i32>} : memref<512xf32, #tpu.memory_space<vmem>>, vector<16xf32>,
          %mul3A_439 = arith.mulf %get3A_436, %get3A_438 : vector<16xf32>
          %add3A_440 = arith.addf %add3A_433, %mul3A_439 : vector<16xf32>
          %get3A_441 = arith.index_cast %scan3A_408 : i32 to index
          %get3A_442 = arith.constant 64 : index
          %get3A_443 = tpu.vector_load %arg21[%get3A_441, %get3A_442] {strides = array<i32>} : memref<16x128xf32, #tpu.memory_space<vmem>>, vector<16xf32>,
          %get3A_444 = arith.constant 64 : index
          %get3A_445 = tpu.vector_load %arg17[%get3A_444] {strides = array<i32>} : memref<512xf32, #tpu.memory_space<vmem>>, vector<16xf32>,
          %mul3A_446 = arith.mulf %get3A_443, %get3A_445 : vector<16xf32>
          %add3A_447 = arith.addf %add3A_440, %mul3A_446 : vector<16xf32>
          %get3A_448 = arith.index_cast %scan3A_408 : i32 to index
          %get3A_449 = arith.constant 80 : index
          %get3A_450 = tpu.vector_load %arg21[%get3A_448, %get3A_449] {strides = array<i32>} : memref<16x128xf32, #tpu.memory_space<vmem>>, vector<16xf32>,
          %get3A_451 = arith.constant 80 : index
          %get3A_452 = tpu.vector_load %arg17[%get3A_451] {strides = array<i32>} : memref<512xf32, #tpu.memory_space<vmem>>, vector<16xf32>,
          %mul3A_453 = arith.mulf %get3A_450, %get3A_452 : vector<16xf32>
          %add3A_454 = arith.addf %add3A_447, %mul3A_453 : vector<16xf32>
          %get3A_455 = arith.index_cast %scan3A_408 : i32 to index
          %get3A_456 = arith.constant 96 : index
          %get3A_457 = tpu.vector_load %arg21[%get3A_455, %get3A_456] {strides = array<i32>} : memref<16x128xf32, #tpu.memory_space<vmem>>, vector<16xf32>,
          %get3A_458 = arith.constant 96 : index
          %get3A_459 = tpu.vector_load %arg17[%get3A_458] {strides = array<i32>} : memref<512xf32, #tpu.memory_space<vmem>>, vector<16xf32>,
          %mul3A_460 = arith.mulf %get3A_457, %get3A_459 : vector<16xf32>
          %add3A_461 = arith.addf %add3A_454, %mul3A_460 : vector<16xf32>
          %get3A_462 = arith.index_cast %scan3A_408 : i32 to index
          %get3A_463 = arith.constant 112 : index
          %get3A_464 = tpu.vector_load %arg21[%get3A_462, %get3A_463] {strides = array<i32>} : memref<16x128xf32, #tpu.memory_space<vmem>>, vector<16xf32>,
          %get3A_465 = arith.constant 112 : index
          %get3A_466 = tpu.vector_load %arg17[%get3A_465] {strides = array<i32>} : memref<512xf32, #tpu.memory_space<vmem>>, vector<16xf32>,
          %mul3A_467 = arith.mulf %get3A_464, %get3A_466 : vector<16xf32>
          %add3A_468 = arith.addf %add3A_461, %mul3A_467 : vector<16xf32>
          %reduce_sum3A_469 = arith.constant true
          %reduce_sum3A_470 = vector.broadcast %reduce_sum3A_469 : i1 to vector<16xi1>
          %reduce_sum3A_471 = tpu.scan <sum>, %add3A_468 masked %reduce_sum3A_470 : vector<16xf32>, vector<16xi1> -> vector<16xf32>
          %reduce_sum3A_472 = vector.extract %reduce_sum3A_471[15] : f32 from vector<16xf32>
          %add3A_473 = arith.addf %reduce_sum3A_472, %reduce_sum3A_77 : f32
          %ge3A = arith.constant 0.000000e+00 : f32
          %ge3A_474 = arith.cmpf oge, %add3A_473, %ge3A : f32
          %mul3A_475 = arith.constant 2.000000e-01 : f32
          %mul3A_476 = arith.mulf %mul3A_475, %add3A_473 : f32
          %select_n3A_477 = arith.select %ge3A_474, %add3A_473, %mul3A_476 : f32
          %get3A_478 = arith.constant 0 : i32
          %get3A_479 = arith.index_cast %get3A_478 : i32 to index
          %get3A_480 = memref.load %arg32[%get3A_479] : memref<8xf32, #tpu.memory_space<smem>>
          %get3A_481 = arith.constant 1 : i32
          %get3A_482 = arith.index_cast %get3A_481 : i32 to index
          %get3A_483 = memref.load %arg32[%get3A_482] : memref<8xf32, #tpu.memory_space<smem>>
          %le3A = arith.cmpf ole, %select_n3A_477, %get3A_480 : f32
          %convert_element_type3A_484 = arith.extui %le3A : i1 to i32
          %cond3A_485 = arith.constant 0 : i32
          %cond3A_486 = arith.cmpi ne, %convert_element_type3A_484, %cond3A_485 : i32
          scf.if %cond3A_486 {
            %sub3A_490 = arith.subf %select_n3A_477, %get3A_480 : f32
            %broadcast_in_dim3A_491 = vector.broadcast %sub3A_490 : f32 to vector<16xf32>
            %exp3A = math.exp %broadcast_in_dim3A_491 : vector<16xf32>
            %reduce_max3A = arith.constant true
            %reduce_max3A_492 = vector.broadcast %reduce_max3A : i1 to vector<16xi1>
            %reduce_max3A_493 = tpu.scan <max>, %exp3A masked %reduce_max3A_492 : vector<16xf32>, vector<16xi1> -> vector<16xf32>
            %reduce_max3A_494 = vector.extract %reduce_max3A_493[15] : f32 from vector<16xf32>
            %add3A_495 = arith.addf %get3A_483, %reduce_max3A_494 : f32
            %swap3A_496 = arith.constant 1 : i32
            %swap3A_497 = arith.index_cast %swap3A_496 : i32 to index
            %swap3A_498 = memref.load %arg32[%swap3A_497] : memref<8xf32, #tpu.memory_space<smem>>
            memref.store %add3A_495, %arg32[%swap3A_497] : memref<8xf32, #tpu.memory_space<smem>>
            %get3A_499 = arith.constant 0 : index
            %get3A_500 = tpu.vector_load %arg23[%get3A_499] {strides = array<i32>} : memref<256xf32, #tpu.memory_space<vmem>>, vector<16xf32>,
            %get3A_501 = arith.index_cast %scan3A_408 : i32 to index
            %get3A_502 = arith.constant 0 : index
            %get3A_503 = tpu.vector_load %arg21[%get3A_501, %get3A_502] {strides = array<i32>} : memref<16x128xf32, #tpu.memory_space<vmem>>, vector<16xf32>,
            %mul3A_504 = vector.broadcast %reduce_max3A_494 : f32 to vector<16xf32>
            %mul3A_505 = arith.mulf %mul3A_504, %get3A_503 : vector<16xf32>
            %add3A_506 = arith.addf %get3A_500, %mul3A_505 : vector<16xf32>
            %swap3A_507 = arith.constant 0 : index
            %swap3A_508 = tpu.vector_load %arg23[%swap3A_507] {strides = array<i32>} : memref<256xf32, #tpu.memory_space<vmem>>, vector<16xf32>,
            tpu.vector_store %arg23[%swap3A_507], %add3A_506 {strides = array<i32>} : memref<256xf32, #tpu.memory_space<vmem>>, vector<16xf32>,
            %get3A_509 = arith.constant 16 : index
            %get3A_510 = tpu.vector_load %arg23[%get3A_509] {strides = array<i32>} : memref<256xf32, #tpu.memory_space<vmem>>, vector<16xf32>,
            %get3A_511 = arith.index_cast %scan3A_408 : i32 to index
            %get3A_512 = arith.constant 16 : index
            %get3A_513 = tpu.vector_load %arg21[%get3A_511, %get3A_512] {strides = array<i32>} : memref<16x128xf32, #tpu.memory_space<vmem>>, vector<16xf32>,
            %mul3A_514 = vector.broadcast %reduce_max3A_494 : f32 to vector<16xf32>
            %mul3A_515 = arith.mulf %mul3A_514, %get3A_513 : vector<16xf32>
            %add3A_516 = arith.addf %get3A_510, %mul3A_515 : vector<16xf32>
            %swap3A_517 = arith.constant 16 : index
            %swap3A_518 = tpu.vector_load %arg23[%swap3A_517] {strides = array<i32>} : memref<256xf32, #tpu.memory_space<vmem>>, vector<16xf32>,
            tpu.vector_store %arg23[%swap3A_517], %add3A_516 {strides = array<i32>} : memref<256xf32, #tpu.memory_space<vmem>>, vector<16xf32>,
            %get3A_519 = arith.constant 32 : index
            %get3A_520 = tpu.vector_load %arg23[%get3A_519] {strides = array<i32>} : memref<256xf32, #tpu.memory_space<vmem>>, vector<16xf32>,
            %get3A_521 = arith.index_cast %scan3A_408 : i32 to index
            %get3A_522 = arith.constant 32 : index
            %get3A_523 = tpu.vector_load %arg21[%get3A_521, %get3A_522] {strides = array<i32>} : memref<16x128xf32, #tpu.memory_space<vmem>>, vector<16xf32>,
            %mul3A_524 = vector.broadcast %reduce_max3A_494 : f32 to vector<16xf32>
            %mul3A_525 = arith.mulf %mul3A_524, %get3A_523 : vector<16xf32>
            %add3A_526 = arith.addf %get3A_520, %mul3A_525 : vector<16xf32>
            %swap3A_527 = arith.constant 32 : index
            %swap3A_528 = tpu.vector_load %arg23[%swap3A_527] {strides = array<i32>} : memref<256xf32, #tpu.memory_space<vmem>>, vector<16xf32>,
            tpu.vector_store %arg23[%swap3A_527], %add3A_526 {strides = array<i32>} : memref<256xf32, #tpu.memory_space<vmem>>, vector<16xf32>,
            %get3A_529 = arith.constant 48 : index
            %get3A_530 = tpu.vector_load %arg23[%get3A_529] {strides = array<i32>} : memref<256xf32, #tpu.memory_space<vmem>>, vector<16xf32>,
            %get3A_531 = arith.index_cast %scan3A_408 : i32 to index
            %get3A_532 = arith.constant 48 : index
            %get3A_533 = tpu.vector_load %arg21[%get3A_531, %get3A_532] {strides = array<i32>} : memref<16x128xf32, #tpu.memory_space<vmem>>, vector<16xf32>,
            %mul3A_534 = vector.broadcast %reduce_max3A_494 : f32 to vector<16xf32>
            %mul3A_535 = arith.mulf %mul3A_534, %get3A_533 : vector<16xf32>
            %add3A_536 = arith.addf %get3A_530, %mul3A_535 : vector<16xf32>
            %swap3A_537 = arith.constant 48 : index
            %swap3A_538 = tpu.vector_load %arg23[%swap3A_537] {strides = array<i32>} : memref<256xf32, #tpu.memory_space<vmem>>, vector<16xf32>,
            tpu.vector_store %arg23[%swap3A_537], %add3A_536 {strides = array<i32>} : memref<256xf32, #tpu.memory_space<vmem>>, vector<16xf32>,
            %get3A_539 = arith.constant 64 : index
            %get3A_540 = tpu.vector_load %arg23[%get3A_539] {strides = array<i32>} : memref<256xf32, #tpu.memory_space<vmem>>, vector<16xf32>,
            %get3A_541 = arith.index_cast %scan3A_408 : i32 to index
            %get3A_542 = arith.constant 64 : index
            %get3A_543 = tpu.vector_load %arg21[%get3A_541, %get3A_542] {strides = array<i32>} : memref<16x128xf32, #tpu.memory_space<vmem>>, vector<16xf32>,
            %mul3A_544 = vector.broadcast %reduce_max3A_494 : f32 to vector<16xf32>
            %mul3A_545 = arith.mulf %mul3A_544, %get3A_543 : vector<16xf32>
            %add3A_546 = arith.addf %get3A_540, %mul3A_545 : vector<16xf32>
            %swap3A_547 = arith.constant 64 : index
            %swap3A_548 = tpu.vector_load %arg23[%swap3A_547] {strides = array<i32>} : memref<256xf32, #tpu.memory_space<vmem>>, vector<16xf32>,
            tpu.vector_store %arg23[%swap3A_547], %add3A_546 {strides = array<i32>} : memref<256xf32, #tpu.memory_space<vmem>>, vector<16xf32>,
            %get3A_549 = arith.constant 80 : index
            %get3A_550 = tpu.vector_load %arg23[%get3A_549] {strides = array<i32>} : memref<256xf32, #tpu.memory_space<vmem>>, vector<16xf32>,
            %get3A_551 = arith.index_cast %scan3A_408 : i32 to index
            %get3A_552 = arith.constant 80 : index
            %get3A_553 = tpu.vector_load %arg21[%get3A_551, %get3A_552] {strides = array<i32>} : memref<16x128xf32, #tpu.memory_space<vmem>>, vector<16xf32>,
            %mul3A_554 = vector.broadcast %reduce_max3A_494 : f32 to vector<16xf32>
            %mul3A_555 = arith.mulf %mul3A_554, %get3A_553 : vector<16xf32>
            %add3A_556 = arith.addf %get3A_550, %mul3A_555 : vector<16xf32>
            %swap3A_557 = arith.constant 80 : index
            %swap3A_558 = tpu.vector_load %arg23[%swap3A_557] {strides = array<i32>} : memref<256xf32, #tpu.memory_space<vmem>>, vector<16xf32>,
            tpu.vector_store %arg23[%swap3A_557], %add3A_556 {strides = array<i32>} : memref<256xf32, #tpu.memory_space<vmem>>, vector<16xf32>,
            %get3A_559 = arith.constant 96 : index
            %get3A_560 = tpu.vector_load %arg23[%get3A_559] {strides = array<i32>} : memref<256xf32, #tpu.memory_space<vmem>>, vector<16xf32>,
            %get3A_561 = arith.index_cast %scan3A_408 : i32 to index
            %get3A_562 = arith.constant 96 : index
            %get3A_563 = tpu.vector_load %arg21[%get3A_561, %get3A_562] {strides = array<i32>} : memref<16x128xf32, #tpu.memory_space<vmem>>, vector<16xf32>,
            %mul3A_564 = vector.broadcast %reduce_max3A_494 : f32 to vector<16xf32>
            %mul3A_565 = arith.mulf %mul3A_564, %get3A_563 : vector<16xf32>
            %add3A_566 = arith.addf %get3A_560, %mul3A_565 : vector<16xf32>
            %swap3A_567 = arith.constant 96 : index
            %swap3A_568 = tpu.vector_load %arg23[%swap3A_567] {strides = array<i32>} : memref<256xf32, #tpu.memory_space<vmem>>, vector<16xf32>,
            tpu.vector_store %arg23[%swap3A_567], %add3A_566 {strides = array<i32>} : memref<256xf32, #tpu.memory_space<vmem>>, vector<16xf32>,
            %get3A_569 = arith.constant 112 : index
            %get3A_570 = tpu.vector_load %arg23[%get3A_569] {strides = array<i32>} : memref<256xf32, #tpu.memory_space<vmem>>, vector<16xf32>,
            %get3A_571 = arith.index_cast %scan3A_408 : i32 to index
            %get3A_572 = arith.constant 112 : index
            %get3A_573 = tpu.vector_load %arg21[%get3A_571, %get3A_572] {strides = array<i32>} : memref<16x128xf32, #tpu.memory_space<vmem>>, vector<16xf32>,
            %mul3A_574 = vector.broadcast %reduce_max3A_494 : f32 to vector<16xf32>
            %mul3A_575 = arith.mulf %mul3A_574, %get3A_573 : vector<16xf32>
            %add3A_576 = arith.addf %get3A_570, %mul3A_575 : vector<16xf32>
            %swap3A_577 = arith.constant 112 : index
            %swap3A_578 = tpu.vector_load %arg23[%swap3A_577] {strides = array<i32>} : memref<256xf32, #tpu.memory_space<vmem>>, vector<16xf32>,
            tpu.vector_store %arg23[%swap3A_577], %add3A_576 {strides = array<i32>} : memref<256xf32, #tpu.memory_space<vmem>>, vector<16xf32>,
          } else {
          }
          %gt3A = arith.cmpf ogt, %select_n3A_477, %get3A_480 : f32
          %convert_element_type3A_487 = arith.extui %gt3A : i1 to i32
          %cond3A_488 = arith.constant 0 : i32
          %cond3A_489 = arith.cmpi ne, %convert_element_type3A_487, %cond3A_488 : i32
          scf.if %cond3A_489 {
            %sub3A_490 = arith.subf %get3A_480, %select_n3A_477 : f32
            %broadcast_in_dim3A_491 = vector.broadcast %sub3A_490 : f32 to vector<16xf32>
            %exp3A = math.exp %broadcast_in_dim3A_491 : vector<16xf32>
            %reduce_max3A = arith.constant true
            %reduce_max3A_492 = vector.broadcast %reduce_max3A : i1 to vector<16xi1>
            %reduce_max3A_493 = tpu.scan <max>, %exp3A masked %reduce_max3A_492 : vector<16xf32>, vector<16xi1> -> vector<16xf32>
            %reduce_max3A_494 = vector.extract %reduce_max3A_493[15] : f32 from vector<16xf32>
            %swap3A_495 = arith.constant 0 : i32
            %swap3A_496 = arith.index_cast %swap3A_495 : i32 to index
            %swap3A_497 = memref.load %arg32[%swap3A_496] : memref<8xf32, #tpu.memory_space<smem>>
            memref.store %select_n3A_477, %arg32[%swap3A_496] : memref<8xf32, #tpu.memory_space<smem>>
            %mul3A_498 = arith.mulf %get3A_483, %reduce_max3A_494 : f32
            %add3A_499 = arith.constant 1.000000e+00 : f32
            %add3A_500 = arith.addf %mul3A_498, %add3A_499 : f32
            %swap3A_501 = arith.constant 1 : i32
            %swap3A_502 = arith.index_cast %swap3A_501 : i32 to index
            %swap3A_503 = memref.load %arg32[%swap3A_502] : memref<8xf32, #tpu.memory_space<smem>>
            memref.store %add3A_500, %arg32[%swap3A_502] : memref<8xf32, #tpu.memory_space<smem>>
            %get3A_504 = arith.constant 0 : index
            %get3A_505 = tpu.vector_load %arg23[%get3A_504] {strides = array<i32>} : memref<256xf32, #tpu.memory_space<vmem>>, vector<16xf32>,
            %mul3A_506 = vector.broadcast %reduce_max3A_494 : f32 to vector<16xf32>
            %mul3A_507 = arith.mulf %get3A_505, %mul3A_506 : vector<16xf32>
            %get3A_508 = arith.index_cast %scan3A_408 : i32 to index
            %get3A_509 = arith.constant 0 : index
            %get3A_510 = tpu.vector_load %arg21[%get3A_508, %get3A_509] {strides = array<i32>} : memref<16x128xf32, #tpu.memory_space<vmem>>, vector<16xf32>,
            %add3A_511 = arith.addf %mul3A_507, %get3A_510 : vector<16xf32>
            %swap3A_512 = arith.constant 0 : index
            %swap3A_513 = tpu.vector_load %arg23[%swap3A_512] {strides = array<i32>} : memref<256xf32, #tpu.memory_space<vmem>>, vector<16xf32>,
            tpu.vector_store %arg23[%swap3A_512], %add3A_511 {strides = array<i32>} : memref<256xf32, #tpu.memory_space<vmem>>, vector<16xf32>,
            %get3A_514 = arith.constant 16 : index
            %get3A_515 = tpu.vector_load %arg23[%get3A_514] {strides = array<i32>} : memref<256xf32, #tpu.memory_space<vmem>>, vector<16xf32>,
            %mul3A_516 = vector.broadcast %reduce_max3A_494 : f32 to vector<16xf32>
            %mul3A_517 = arith.mulf %get3A_515, %mul3A_516 : vector<16xf32>
            %get3A_518 = arith.index_cast %scan3A_408 : i32 to index
            %get3A_519 = arith.constant 16 : index
            %get3A_520 = tpu.vector_load %arg21[%get3A_518, %get3A_519] {strides = array<i32>} : memref<16x128xf32, #tpu.memory_space<vmem>>, vector<16xf32>,
            %add3A_521 = arith.addf %mul3A_517, %get3A_520 : vector<16xf32>
            %swap3A_522 = arith.constant 16 : index
            %swap3A_523 = tpu.vector_load %arg23[%swap3A_522] {strides = array<i32>} : memref<256xf32, #tpu.memory_space<vmem>>, vector<16xf32>,
            tpu.vector_store %arg23[%swap3A_522], %add3A_521 {strides = array<i32>} : memref<256xf32, #tpu.memory_space<vmem>>, vector<16xf32>,
            %get3A_524 = arith.constant 32 : index
            %get3A_525 = tpu.vector_load %arg23[%get3A_524] {strides = array<i32>} : memref<256xf32, #tpu.memory_space<vmem>>, vector<16xf32>,
            %mul3A_526 = vector.broadcast %reduce_max3A_494 : f32 to vector<16xf32>
            %mul3A_527 = arith.mulf %get3A_525, %mul3A_526 : vector<16xf32>
            %get3A_528 = arith.index_cast %scan3A_408 : i32 to index
            %get3A_529 = arith.constant 32 : index
            %get3A_530 = tpu.vector_load %arg21[%get3A_528, %get3A_529] {strides = array<i32>} : memref<16x128xf32, #tpu.memory_space<vmem>>, vector<16xf32>,
            %add3A_531 = arith.addf %mul3A_527, %get3A_530 : vector<16xf32>
            %swap3A_532 = arith.constant 32 : index
            %swap3A_533 = tpu.vector_load %arg23[%swap3A_532] {strides = array<i32>} : memref<256xf32, #tpu.memory_space<vmem>>, vector<16xf32>,
            tpu.vector_store %arg23[%swap3A_532], %add3A_531 {strides = array<i32>} : memref<256xf32, #tpu.memory_space<vmem>>, vector<16xf32>,
            %get3A_534 = arith.constant 48 : index
            %get3A_535 = tpu.vector_load %arg23[%get3A_534] {strides = array<i32>} : memref<256xf32, #tpu.memory_space<vmem>>, vector<16xf32>,
            %mul3A_536 = vector.broadcast %reduce_max3A_494 : f32 to vector<16xf32>
            %mul3A_537 = arith.mulf %get3A_535, %mul3A_536 : vector<16xf32>
            %get3A_538 = arith.index_cast %scan3A_408 : i32 to index
            %get3A_539 = arith.constant 48 : index
            %get3A_540 = tpu.vector_load %arg21[%get3A_538, %get3A_539] {strides = array<i32>} : memref<16x128xf32, #tpu.memory_space<vmem>>, vector<16xf32>,
            %add3A_541 = arith.addf %mul3A_537, %get3A_540 : vector<16xf32>
            %swap3A_542 = arith.constant 48 : index
            %swap3A_543 = tpu.vector_load %arg23[%swap3A_542] {strides = array<i32>} : memref<256xf32, #tpu.memory_space<vmem>>, vector<16xf32>,
            tpu.vector_store %arg23[%swap3A_542], %add3A_541 {strides = array<i32>} : memref<256xf32, #tpu.memory_space<vmem>>, vector<16xf32>,
            %get3A_544 = arith.constant 64 : index
            %get3A_545 = tpu.vector_load %arg23[%get3A_544] {strides = array<i32>} : memref<256xf32, #tpu.memory_space<vmem>>, vector<16xf32>,
            %mul3A_546 = vector.broadcast %reduce_max3A_494 : f32 to vector<16xf32>
            %mul3A_547 = arith.mulf %get3A_545, %mul3A_546 : vector<16xf32>
            %get3A_548 = arith.index_cast %scan3A_408 : i32 to index
            %get3A_549 = arith.constant 64 : index
            %get3A_550 = tpu.vector_load %arg21[%get3A_548, %get3A_549] {strides = array<i32>} : memref<16x128xf32, #tpu.memory_space<vmem>>, vector<16xf32>,
            %add3A_551 = arith.addf %mul3A_547, %get3A_550 : vector<16xf32>
            %swap3A_552 = arith.constant 64 : index
            %swap3A_553 = tpu.vector_load %arg23[%swap3A_552] {strides = array<i32>} : memref<256xf32, #tpu.memory_space<vmem>>, vector<16xf32>,
            tpu.vector_store %arg23[%swap3A_552], %add3A_551 {strides = array<i32>} : memref<256xf32, #tpu.memory_space<vmem>>, vector<16xf32>,
            %get3A_554 = arith.constant 80 : index
            %get3A_555 = tpu.vector_load %arg23[%get3A_554] {strides = array<i32>} : memref<256xf32, #tpu.memory_space<vmem>>, vector<16xf32>,
            %mul3A_556 = vector.broadcast %reduce_max3A_494 : f32 to vector<16xf32>
            %mul3A_557 = arith.mulf %get3A_555, %mul3A_556 : vector<16xf32>
            %get3A_558 = arith.index_cast %scan3A_408 : i32 to index
            %get3A_559 = arith.constant 80 : index
            %get3A_560 = tpu.vector_load %arg21[%get3A_558, %get3A_559] {strides = array<i32>} : memref<16x128xf32, #tpu.memory_space<vmem>>, vector<16xf32>,
            %add3A_561 = arith.addf %mul3A_557, %get3A_560 : vector<16xf32>
            %swap3A_562 = arith.constant 80 : index
            %swap3A_563 = tpu.vector_load %arg23[%swap3A_562] {strides = array<i32>} : memref<256xf32, #tpu.memory_space<vmem>>, vector<16xf32>,
            tpu.vector_store %arg23[%swap3A_562], %add3A_561 {strides = array<i32>} : memref<256xf32, #tpu.memory_space<vmem>>, vector<16xf32>,
            %get3A_564 = arith.constant 96 : index
            %get3A_565 = tpu.vector_load %arg23[%get3A_564] {strides = array<i32>} : memref<256xf32, #tpu.memory_space<vmem>>, vector<16xf32>,
            %mul3A_566 = vector.broadcast %reduce_max3A_494 : f32 to vector<16xf32>
            %mul3A_567 = arith.mulf %get3A_565, %mul3A_566 : vector<16xf32>
            %get3A_568 = arith.index_cast %scan3A_408 : i32 to index
            %get3A_569 = arith.constant 96 : index
            %get3A_570 = tpu.vector_load %arg21[%get3A_568, %get3A_569] {strides = array<i32>} : memref<16x128xf32, #tpu.memory_space<vmem>>, vector<16xf32>,
            %add3A_571 = arith.addf %mul3A_567, %get3A_570 : vector<16xf32>
            %swap3A_572 = arith.constant 96 : index
            %swap3A_573 = tpu.vector_load %arg23[%swap3A_572] {strides = array<i32>} : memref<256xf32, #tpu.memory_space<vmem>>, vector<16xf32>,
            tpu.vector_store %arg23[%swap3A_572], %add3A_571 {strides = array<i32>} : memref<256xf32, #tpu.memory_space<vmem>>, vector<16xf32>,
            %get3A_574 = arith.constant 112 : index
            %get3A_575 = tpu.vector_load %arg23[%get3A_574] {strides = array<i32>} : memref<256xf32, #tpu.memory_space<vmem>>, vector<16xf32>,
            %mul3A_576 = vector.broadcast %reduce_max3A_494 : f32 to vector<16xf32>
            %mul3A_577 = arith.mulf %get3A_575, %mul3A_576 : vector<16xf32>
            %get3A_578 = arith.index_cast %scan3A_408 : i32 to index
            %get3A_579 = arith.constant 112 : index
            %get3A_580 = tpu.vector_load %arg21[%get3A_578, %get3A_579] {strides = array<i32>} : memref<16x128xf32, #tpu.memory_space<vmem>>, vector<16xf32>,
            %add3A_581 = arith.addf %mul3A_577, %get3A_580 : vector<16xf32>
            %swap3A_582 = arith.constant 112 : index
            %swap3A_583 = tpu.vector_load %arg23[%swap3A_582] {strides = array<i32>} : memref<256xf32, #tpu.memory_space<vmem>>, vector<16xf32>,
            tpu.vector_store %arg23[%swap3A_582], %add3A_581 {strides = array<i32>} : memref<256xf32, #tpu.memory_space<vmem>>, vector<16xf32>,
          } else {
          }
        } else {
        }
      }
      %scan3A_407 = arith.constant 16 : i32
    }
    %while3A_284 = arith.constant 1 : i32
    scf.for %while3A_382 = %while3A_282 to %while3A_278 step %while3A_284  : i32 {
      %mul3A_383 = arith.constant 16 : i32
      %mul3A_384 = arith.muli %while3A_382, %mul3A_383 : i32
      %get3A_385 = arith.index_cast %mul3A_384 : i32 to index
      %get3A_386 = tpu.vector_load %arg15[%get3A_385] {strides = array<i32>} : memref<20016xi32, #tpu.memory_space<vmem>>, vector<16xi32>,
      %add3A_387 = vector.broadcast %mul3A_384 : i32 to vector<16xi32>
      %add3A_388 = arith.addi %iota3A, %add3A_387 : vector<16xi32>
      %broadcast_in_dim3A_389 = vector.broadcast %get3A_255 : i32 to vector<16xi32>
      %lt3A_390 = arith.cmpi slt, %add3A_388, %broadcast_in_dim3A_389 : vector<16xi32>
      %jit3A_391 = arith.constant 0 : i32
      %broadcast_in_dim3A_392 = vector.broadcast %jit3A_391 : i32 to vector<16xi32>
      %select_n3A_393 = arith.select %lt3A_390, %get3A_386, %broadcast_in_dim3A_392 : vector<16xi1>, vector<16xi32>
      %swap3A_394 = arith.constant 0 : index
      %swap3A_395 = tpu.vector_load %arg19[%swap3A_394] {strides = array<i32>} : memref<16xi32, #tpu.memory_space<vmem>>, vector<16xi32>,
      tpu.vector_store %arg19[%swap3A_394], %select_n3A_393 {strides = array<i32>} : memref<16xi32, #tpu.memory_space<vmem>>, vector<16xi32>,
      %dma_start3A_396 = arith.constant 0 : i32
      %dma_start3A_397 = arith.constant 0 : i32
      %dma_start3A_398 = tpu.memref_slice %arg3[%dma_start3A_396, %dma_start3A_397] : memref<10000x128xf32, #tpu.memory_space<hbm>> -> memref<10000x128xf32, #tpu.memory_space<hbm>>
      tpu.enqueue_indirect_dma source(%dma_start3A_398 : memref<10000x128xf32, #tpu.memory_space<hbm>>) target(%arg21 : memref<16x128xf32, #tpu.memory_space<vmem>>) offsets(%arg19 : memref<16xi32, #tpu.memory_space<vmem>>) semaphore(%arg34 : memref<!tpu.dma_semaphore, #tpu.memory_space<semaphore_mem>>)
      %dma_wait3A_399 = arith.constant 0 : i32
      %dma_wait3A_400 = arith.constant 0 : i32
      %dma_wait3A_401 = tpu.memref_slice %arg3[%dma_wait3A_399, %dma_wait3A_400] : memref<10000x128xf32, #tpu.memory_space<hbm>> -> memref<10000x128xf32, #tpu.memory_space<hbm>>
      tpu.wait_indirect_dma semaphore(%arg34 : memref<!tpu.dma_semaphore, #tpu.memory_space<semaphore_mem>>) src(%dma_wait3A_401 : memref<10000x128xf32, #tpu.memory_space<hbm>>) dst(%arg21 : memref<16x128xf32, #tpu.memory_space<vmem>>)
      %scan3A_402 = arith.constant 0 : i32
      %scan3A_403 = arith.constant 0 : i32
      %scan3A_404 = arith.constant 16 : i32
      %scan3A_405 = arith.addi %scan3A_403, %scan3A_404 : i32
      %scan3A_406 = arith.constant 1 : i32
      scf.for %scan3A_408 = %scan3A_403 to %scan3A_405 step %scan3A_406  : i32 {
        %add3A_409 = arith.addi %mul3A_384, %scan3A_408 : i32
        %lt3A_410 = arith.cmpi slt, %add3A_409, %get3A_255 : i32
        %convert_element_type3A_411 = arith.extui %lt3A_410 : i1 to i32
        %cond3A_412 = arith.constant 0 : i32
        %cond3A_413 = arith.cmpi ne, %convert_element_type3A_411, %cond3A_412 : i32
        scf.if %cond3A_413 {
          %get3A_414 = arith.index_cast %scan3A_408 : i32 to index
          %get3A_415 = arith.constant 0 : index
          %get3A_416 = tpu.vector_load %arg21[%get3A_414, %get3A_415] {strides = array<i32>} : memref<16x128xf32, #tpu.memory_space<vmem>>, vector<16xf32>,
          %get3A_417 = arith.constant 0 : index
          %get3A_418 = tpu.vector_load %arg17[%get3A_417] {strides = array<i32>} : memref<512xf32, #tpu.memory_space<vmem>>, vector<16xf32>,
          %mul3A_419 = arith.mulf %get3A_416, %get3A_418 : vector<16xf32>
          %get3A_420 = arith.index_cast %scan3A_408 : i32 to index
          %get3A_421 = arith.constant 16 : index
          %get3A_422 = tpu.vector_load %arg21[%get3A_420, %get3A_421] {strides = array<i32>} : memref<16x128xf32, #tpu.memory_space<vmem>>, vector<16xf32>,
          %get3A_423 = arith.constant 16 : index
          %get3A_424 = tpu.vector_load %arg17[%get3A_423] {strides = array<i32>} : memref<512xf32, #tpu.memory_space<vmem>>, vector<16xf32>,
          %mul3A_425 = arith.mulf %get3A_422, %get3A_424 : vector<16xf32>
          %add3A_426 = arith.addf %mul3A_419, %mul3A_425 : vector<16xf32>
          %get3A_427 = arith.index_cast %scan3A_408 : i32 to index
          %get3A_428 = arith.constant 32 : index
          %get3A_429 = tpu.vector_load %arg21[%get3A_427, %get3A_428] {strides = array<i32>} : memref<16x128xf32, #tpu.memory_space<vmem>>, vector<16xf32>,
          %get3A_430 = arith.constant 32 : index
          %get3A_431 = tpu.vector_load %arg17[%get3A_430] {strides = array<i32>} : memref<512xf32, #tpu.memory_space<vmem>>, vector<16xf32>,
          %mul3A_432 = arith.mulf %get3A_429, %get3A_431 : vector<16xf32>
          %add3A_433 = arith.addf %add3A_426, %mul3A_432 : vector<16xf32>
          %get3A_434 = arith.index_cast %scan3A_408 : i32 to index
          %get3A_435 = arith.constant 48 : index
          %get3A_436 = tpu.vector_load %arg21[%get3A_434, %get3A_435] {strides = array<i32>} : memref<16x128xf32, #tpu.memory_space<vmem>>, vector<16xf32>,
          %get3A_437 = arith.constant 48 : index
          %get3A_438 = tpu.vector_load %arg17[%get3A_437] {strides = array<i32>} : memref<512xf32, #tpu.memory_space<vmem>>, vector<16xf32>,
          %mul3A_439 = arith.mulf %get3A_436, %get3A_438 : vector<16xf32>
          %add3A_440 = arith.addf %add3A_433, %mul3A_439 : vector<16xf32>
          %get3A_441 = arith.index_cast %scan3A_408 : i32 to index
          %get3A_442 = arith.constant 64 : index
          %get3A_443 = tpu.vector_load %arg21[%get3A_441, %get3A_442] {strides = array<i32>} : memref<16x128xf32, #tpu.memory_space<vmem>>, vector<16xf32>,
          %get3A_444 = arith.constant 64 : index
          %get3A_445 = tpu.vector_load %arg17[%get3A_444] {strides = array<i32>} : memref<512xf32, #tpu.memory_space<vmem>>, vector<16xf32>,
          %mul3A_446 = arith.mulf %get3A_443, %get3A_445 : vector<16xf32>
          %add3A_447 = arith.addf %add3A_440, %mul3A_446 : vector<16xf32>
          %get3A_448 = arith.index_cast %scan3A_408 : i32 to index
          %get3A_449 = arith.constant 80 : index
          %get3A_450 = tpu.vector_load %arg21[%get3A_448, %get3A_449] {strides = array<i32>} : memref<16x128xf32, #tpu.memory_space<vmem>>, vector<16xf32>,
          %get3A_451 = arith.constant 80 : index
          %get3A_452 = tpu.vector_load %arg17[%get3A_451] {strides = array<i32>} : memref<512xf32, #tpu.memory_space<vmem>>, vector<16xf32>,
          %mul3A_453 = arith.mulf %get3A_450, %get3A_452 : vector<16xf32>
          %add3A_454 = arith.addf %add3A_447, %mul3A_453 : vector<16xf32>
          %get3A_455 = arith.index_cast %scan3A_408 : i32 to index
          %get3A_456 = arith.constant 96 : index
          %get3A_457 = tpu.vector_load %arg21[%get3A_455, %get3A_456] {strides = array<i32>} : memref<16x128xf32, #tpu.memory_space<vmem>>, vector<16xf32>,
          %get3A_458 = arith.constant 96 : index
          %get3A_459 = tpu.vector_load %arg17[%get3A_458] {strides = array<i32>} : memref<512xf32, #tpu.memory_space<vmem>>, vector<16xf32>,
          %mul3A_460 = arith.mulf %get3A_457, %get3A_459 : vector<16xf32>
          %add3A_461 = arith.addf %add3A_454, %mul3A_460 : vector<16xf32>
          %get3A_462 = arith.index_cast %scan3A_408 : i32 to index
          %get3A_463 = arith.constant 112 : index
          %get3A_464 = tpu.vector_load %arg21[%get3A_462, %get3A_463] {strides = array<i32>} : memref<16x128xf32, #tpu.memory_space<vmem>>, vector<16xf32>,
          %get3A_465 = arith.constant 112 : index
          %get3A_466 = tpu.vector_load %arg17[%get3A_465] {strides = array<i32>} : memref<512xf32, #tpu.memory_space<vmem>>, vector<16xf32>,
          %mul3A_467 = arith.mulf %get3A_464, %get3A_466 : vector<16xf32>
          %add3A_468 = arith.addf %add3A_461, %mul3A_467 : vector<16xf32>
          %reduce_sum3A_469 = arith.constant true
          %reduce_sum3A_470 = vector.broadcast %reduce_sum3A_469 : i1 to vector<16xi1>
          %reduce_sum3A_471 = tpu.scan <sum>, %add3A_468 masked %reduce_sum3A_470 : vector<16xf32>, vector<16xi1> -> vector<16xf32>
          %reduce_sum3A_472 = vector.extract %reduce_sum3A_471[15] : f32 from vector<16xf32>
          %add3A_473 = arith.addf %reduce_sum3A_472, %reduce_sum3A_77 : f32
          %ge3A = arith.constant 0.000000e+00 : f32
          %ge3A_474 = arith.cmpf oge, %add3A_473, %ge3A : f32
          %mul3A_475 = arith.constant 2.000000e-01 : f32
          %mul3A_476 = arith.mulf %mul3A_475, %add3A_473 : f32
          %select_n3A_477 = arith.select %ge3A_474, %add3A_473, %mul3A_476 : f32
          %get3A_478 = arith.constant 0 : i32
          %get3A_479 = arith.index_cast %get3A_478 : i32 to index
          %get3A_480 = memref.load %arg32[%get3A_479] : memref<8xf32, #tpu.memory_space<smem>>
          %get3A_481 = arith.constant 1 : i32
          %get3A_482 = arith.index_cast %get3A_481 : i32 to index
          %get3A_483 = memref.load %arg32[%get3A_482] : memref<8xf32, #tpu.memory_space<smem>>
          %le3A = arith.cmpf ole, %select_n3A_477, %get3A_480 : f32
          %convert_element_type3A_484 = arith.extui %le3A : i1 to i32
          %cond3A_485 = arith.constant 0 : i32
          %cond3A_486 = arith.cmpi ne, %convert_element_type3A_484, %cond3A_485 : i32
          scf.if %cond3A_486 {
            %sub3A_490 = arith.subf %select_n3A_477, %get3A_480 : f32
            %broadcast_in_dim3A_491 = vector.broadcast %sub3A_490 : f32 to vector<16xf32>
            %exp3A = math.exp %broadcast_in_dim3A_491 : vector<16xf32>
            %reduce_max3A = arith.constant true
            %reduce_max3A_492 = vector.broadcast %reduce_max3A : i1 to vector<16xi1>
            %reduce_max3A_493 = tpu.scan <max>, %exp3A masked %reduce_max3A_492 : vector<16xf32>, vector<16xi1> -> vector<16xf32>
            %reduce_max3A_494 = vector.extract %reduce_max3A_493[15] : f32 from vector<16xf32>
            %add3A_495 = arith.addf %get3A_483, %reduce_max3A_494 : f32
            %swap3A_496 = arith.constant 1 : i32
            %swap3A_497 = arith.index_cast %swap3A_496 : i32 to index
            %swap3A_498 = memref.load %arg32[%swap3A_497] : memref<8xf32, #tpu.memory_space<smem>>
            memref.store %add3A_495, %arg32[%swap3A_497] : memref<8xf32, #tpu.memory_space<smem>>
            %get3A_499 = arith.constant 0 : index
            %get3A_500 = tpu.vector_load %arg23[%get3A_499] {strides = array<i32>} : memref<256xf32, #tpu.memory_space<vmem>>, vector<16xf32>,
            %get3A_501 = arith.index_cast %scan3A_408 : i32 to index
            %get3A_502 = arith.constant 0 : index
            %get3A_503 = tpu.vector_load %arg21[%get3A_501, %get3A_502] {strides = array<i32>} : memref<16x128xf32, #tpu.memory_space<vmem>>, vector<16xf32>,
            %mul3A_504 = vector.broadcast %reduce_max3A_494 : f32 to vector<16xf32>
            %mul3A_505 = arith.mulf %mul3A_504, %get3A_503 : vector<16xf32>
            %add3A_506 = arith.addf %get3A_500, %mul3A_505 : vector<16xf32>
            %swap3A_507 = arith.constant 0 : index
            %swap3A_508 = tpu.vector_load %arg23[%swap3A_507] {strides = array<i32>} : memref<256xf32, #tpu.memory_space<vmem>>, vector<16xf32>,
            tpu.vector_store %arg23[%swap3A_507], %add3A_506 {strides = array<i32>} : memref<256xf32, #tpu.memory_space<vmem>>, vector<16xf32>,
            %get3A_509 = arith.constant 16 : index
            %get3A_510 = tpu.vector_load %arg23[%get3A_509] {strides = array<i32>} : memref<256xf32, #tpu.memory_space<vmem>>, vector<16xf32>,
            %get3A_511 = arith.index_cast %scan3A_408 : i32 to index
            %get3A_512 = arith.constant 16 : index
            %get3A_513 = tpu.vector_load %arg21[%get3A_511, %get3A_512] {strides = array<i32>} : memref<16x128xf32, #tpu.memory_space<vmem>>, vector<16xf32>,
            %mul3A_514 = vector.broadcast %reduce_max3A_494 : f32 to vector<16xf32>
            %mul3A_515 = arith.mulf %mul3A_514, %get3A_513 : vector<16xf32>
            %add3A_516 = arith.addf %get3A_510, %mul3A_515 : vector<16xf32>
            %swap3A_517 = arith.constant 16 : index
            %swap3A_518 = tpu.vector_load %arg23[%swap3A_517] {strides = array<i32>} : memref<256xf32, #tpu.memory_space<vmem>>, vector<16xf32>,
            tpu.vector_store %arg23[%swap3A_517], %add3A_516 {strides = array<i32>} : memref<256xf32, #tpu.memory_space<vmem>>, vector<16xf32>,
            %get3A_519 = arith.constant 32 : index
            %get3A_520 = tpu.vector_load %arg23[%get3A_519] {strides = array<i32>} : memref<256xf32, #tpu.memory_space<vmem>>, vector<16xf32>,
            %get3A_521 = arith.index_cast %scan3A_408 : i32 to index
            %get3A_522 = arith.constant 32 : index
            %get3A_523 = tpu.vector_load %arg21[%get3A_521, %get3A_522] {strides = array<i32>} : memref<16x128xf32, #tpu.memory_space<vmem>>, vector<16xf32>,
            %mul3A_524 = vector.broadcast %reduce_max3A_494 : f32 to vector<16xf32>
            %mul3A_525 = arith.mulf %mul3A_524, %get3A_523 : vector<16xf32>
            %add3A_526 = arith.addf %get3A_520, %mul3A_525 : vector<16xf32>
            %swap3A_527 = arith.constant 32 : index
            %swap3A_528 = tpu.vector_load %arg23[%swap3A_527] {strides = array<i32>} : memref<256xf32, #tpu.memory_space<vmem>>, vector<16xf32>,
            tpu.vector_store %arg23[%swap3A_527], %add3A_526 {strides = array<i32>} : memref<256xf32, #tpu.memory_space<vmem>>, vector<16xf32>,
            %get3A_529 = arith.constant 48 : index
            %get3A_530 = tpu.vector_load %arg23[%get3A_529] {strides = array<i32>} : memref<256xf32, #tpu.memory_space<vmem>>, vector<16xf32>,
            %get3A_531 = arith.index_cast %scan3A_408 : i32 to index
            %get3A_532 = arith.constant 48 : index
            %get3A_533 = tpu.vector_load %arg21[%get3A_531, %get3A_532] {strides = array<i32>} : memref<16x128xf32, #tpu.memory_space<vmem>>, vector<16xf32>,
            %mul3A_534 = vector.broadcast %reduce_max3A_494 : f32 to vector<16xf32>
            %mul3A_535 = arith.mulf %mul3A_534, %get3A_533 : vector<16xf32>
            %add3A_536 = arith.addf %get3A_530, %mul3A_535 : vector<16xf32>
            %swap3A_537 = arith.constant 48 : index
            %swap3A_538 = tpu.vector_load %arg23[%swap3A_537] {strides = array<i32>} : memref<256xf32, #tpu.memory_space<vmem>>, vector<16xf32>,
            tpu.vector_store %arg23[%swap3A_537], %add3A_536 {strides = array<i32>} : memref<256xf32, #tpu.memory_space<vmem>>, vector<16xf32>,
            %get3A_539 = arith.constant 64 : index
            %get3A_540 = tpu.vector_load %arg23[%get3A_539] {strides = array<i32>} : memref<256xf32, #tpu.memory_space<vmem>>, vector<16xf32>,
            %get3A_541 = arith.index_cast %scan3A_408 : i32 to index
            %get3A_542 = arith.constant 64 : index
            %get3A_543 = tpu.vector_load %arg21[%get3A_541, %get3A_542] {strides = array<i32>} : memref<16x128xf32, #tpu.memory_space<vmem>>, vector<16xf32>,
            %mul3A_544 = vector.broadcast %reduce_max3A_494 : f32 to vector<16xf32>
            %mul3A_545 = arith.mulf %mul3A_544, %get3A_543 : vector<16xf32>
            %add3A_546 = arith.addf %get3A_540, %mul3A_545 : vector<16xf32>
            %swap3A_547 = arith.constant 64 : index
            %swap3A_548 = tpu.vector_load %arg23[%swap3A_547] {strides = array<i32>} : memref<256xf32, #tpu.memory_space<vmem>>, vector<16xf32>,
            tpu.vector_store %arg23[%swap3A_547], %add3A_546 {strides = array<i32>} : memref<256xf32, #tpu.memory_space<vmem>>, vector<16xf32>,
            %get3A_549 = arith.constant 80 : index
            %get3A_550 = tpu.vector_load %arg23[%get3A_549] {strides = array<i32>} : memref<256xf32, #tpu.memory_space<vmem>>, vector<16xf32>,
            %get3A_551 = arith.index_cast %scan3A_408 : i32 to index
            %get3A_552 = arith.constant 80 : index
            %get3A_553 = tpu.vector_load %arg21[%get3A_551, %get3A_552] {strides = array<i32>} : memref<16x128xf32, #tpu.memory_space<vmem>>, vector<16xf32>,
            %mul3A_554 = vector.broadcast %reduce_max3A_494 : f32 to vector<16xf32>
            %mul3A_555 = arith.mulf %mul3A_554, %get3A_553 : vector<16xf32>
            %add3A_556 = arith.addf %get3A_550, %mul3A_555 : vector<16xf32>
            %swap3A_557 = arith.constant 80 : index
            %swap3A_558 = tpu.vector_load %arg23[%swap3A_557] {strides = array<i32>} : memref<256xf32, #tpu.memory_space<vmem>>, vector<16xf32>,
            tpu.vector_store %arg23[%swap3A_557], %add3A_556 {strides = array<i32>} : memref<256xf32, #tpu.memory_space<vmem>>, vector<16xf32>,
            %get3A_559 = arith.constant 96 : index
            %get3A_560 = tpu.vector_load %arg23[%get3A_559] {strides = array<i32>} : memref<256xf32, #tpu.memory_space<vmem>>, vector<16xf32>,
            %get3A_561 = arith.index_cast %scan3A_408 : i32 to index
            %get3A_562 = arith.constant 96 : index
            %get3A_563 = tpu.vector_load %arg21[%get3A_561, %get3A_562] {strides = array<i32>} : memref<16x128xf32, #tpu.memory_space<vmem>>, vector<16xf32>,
            %mul3A_564 = vector.broadcast %reduce_max3A_494 : f32 to vector<16xf32>
            %mul3A_565 = arith.mulf %mul3A_564, %get3A_563 : vector<16xf32>
            %add3A_566 = arith.addf %get3A_560, %mul3A_565 : vector<16xf32>
            %swap3A_567 = arith.constant 96 : index
            %swap3A_568 = tpu.vector_load %arg23[%swap3A_567] {strides = array<i32>} : memref<256xf32, #tpu.memory_space<vmem>>, vector<16xf32>,
            tpu.vector_store %arg23[%swap3A_567], %add3A_566 {strides = array<i32>} : memref<256xf32, #tpu.memory_space<vmem>>, vector<16xf32>,
            %get3A_569 = arith.constant 112 : index
            %get3A_570 = tpu.vector_load %arg23[%get3A_569] {strides = array<i32>} : memref<256xf32, #tpu.memory_space<vmem>>, vector<16xf32>,
            %get3A_571 = arith.index_cast %scan3A_408 : i32 to index
            %get3A_572 = arith.constant 112 : index
            %get3A_573 = tpu.vector_load %arg21[%get3A_571, %get3A_572] {strides = array<i32>} : memref<16x128xf32, #tpu.memory_space<vmem>>, vector<16xf32>,
            %mul3A_574 = vector.broadcast %reduce_max3A_494 : f32 to vector<16xf32>
            %mul3A_575 = arith.mulf %mul3A_574, %get3A_573 : vector<16xf32>
            %add3A_576 = arith.addf %get3A_570, %mul3A_575 : vector<16xf32>
            %swap3A_577 = arith.constant 112 : index
            %swap3A_578 = tpu.vector_load %arg23[%swap3A_577] {strides = array<i32>} : memref<256xf32, #tpu.memory_space<vmem>>, vector<16xf32>,
            tpu.vector_store %arg23[%swap3A_577], %add3A_576 {strides = array<i32>} : memref<256xf32, #tpu.memory_space<vmem>>, vector<16xf32>,
          } else {
          }
          %gt3A = arith.cmpf ogt, %select_n3A_477, %get3A_480 : f32
          %convert_element_type3A_487 = arith.extui %gt3A : i1 to i32
          %cond3A_488 = arith.constant 0 : i32
          %cond3A_489 = arith.cmpi ne, %convert_element_type3A_487, %cond3A_488 : i32
          scf.if %cond3A_489 {
            %sub3A_490 = arith.subf %get3A_480, %select_n3A_477 : f32
            %broadcast_in_dim3A_491 = vector.broadcast %sub3A_490 : f32 to vector<16xf32>
            %exp3A = math.exp %broadcast_in_dim3A_491 : vector<16xf32>
            %reduce_max3A = arith.constant true
            %reduce_max3A_492 = vector.broadcast %reduce_max3A : i1 to vector<16xi1>
            %reduce_max3A_493 = tpu.scan <max>, %exp3A masked %reduce_max3A_492 : vector<16xf32>, vector<16xi1> -> vector<16xf32>
            %reduce_max3A_494 = vector.extract %reduce_max3A_493[15] : f32 from vector<16xf32>
            %swap3A_495 = arith.constant 0 : i32
            %swap3A_496 = arith.index_cast %swap3A_495 : i32 to index
            %swap3A_497 = memref.load %arg32[%swap3A_496] : memref<8xf32, #tpu.memory_space<smem>>
            memref.store %select_n3A_477, %arg32[%swap3A_496] : memref<8xf32, #tpu.memory_space<smem>>
            %mul3A_498 = arith.mulf %get3A_483, %reduce_max3A_494 : f32
            %add3A_499 = arith.constant 1.000000e+00 : f32
            %add3A_500 = arith.addf %mul3A_498, %add3A_499 : f32
            %swap3A_501 = arith.constant 1 : i32
            %swap3A_502 = arith.index_cast %swap3A_501 : i32 to index
            %swap3A_503 = memref.load %arg32[%swap3A_502] : memref<8xf32, #tpu.memory_space<smem>>
            memref.store %add3A_500, %arg32[%swap3A_502] : memref<8xf32, #tpu.memory_space<smem>>
            %get3A_504 = arith.constant 0 : index
            %get3A_505 = tpu.vector_load %arg23[%get3A_504] {strides = array<i32>} : memref<256xf32, #tpu.memory_space<vmem>>, vector<16xf32>,
            %mul3A_506 = vector.broadcast %reduce_max3A_494 : f32 to vector<16xf32>
            %mul3A_507 = arith.mulf %get3A_505, %mul3A_506 : vector<16xf32>
            %get3A_508 = arith.index_cast %scan3A_408 : i32 to index
            %get3A_509 = arith.constant 0 : index
            %get3A_510 = tpu.vector_load %arg21[%get3A_508, %get3A_509] {strides = array<i32>} : memref<16x128xf32, #tpu.memory_space<vmem>>, vector<16xf32>,
            %add3A_511 = arith.addf %mul3A_507, %get3A_510 : vector<16xf32>
            %swap3A_512 = arith.constant 0 : index
            %swap3A_513 = tpu.vector_load %arg23[%swap3A_512] {strides = array<i32>} : memref<256xf32, #tpu.memory_space<vmem>>, vector<16xf32>,
            tpu.vector_store %arg23[%swap3A_512], %add3A_511 {strides = array<i32>} : memref<256xf32, #tpu.memory_space<vmem>>, vector<16xf32>,
            %get3A_514 = arith.constant 16 : index
            %get3A_515 = tpu.vector_load %arg23[%get3A_514] {strides = array<i32>} : memref<256xf32, #tpu.memory_space<vmem>>, vector<16xf32>,
            %mul3A_516 = vector.broadcast %reduce_max3A_494 : f32 to vector<16xf32>
            %mul3A_517 = arith.mulf %get3A_515, %mul3A_516 : vector<16xf32>
            %get3A_518 = arith.index_cast %scan3A_408 : i32 to index
            %get3A_519 = arith.constant 16 : index
            %get3A_520 = tpu.vector_load %arg21[%get3A_518, %get3A_519] {strides = array<i32>} : memref<16x128xf32, #tpu.memory_space<vmem>>, vector<16xf32>,
            %add3A_521 = arith.addf %mul3A_517, %get3A_520 : vector<16xf32>
            %swap3A_522 = arith.constant 16 : index
            %swap3A_523 = tpu.vector_load %arg23[%swap3A_522] {strides = array<i32>} : memref<256xf32, #tpu.memory_space<vmem>>, vector<16xf32>,
            tpu.vector_store %arg23[%swap3A_522], %add3A_521 {strides = array<i32>} : memref<256xf32, #tpu.memory_space<vmem>>, vector<16xf32>,
            %get3A_524 = arith.constant 32 : index
            %get3A_525 = tpu.vector_load %arg23[%get3A_524] {strides = array<i32>} : memref<256xf32, #tpu.memory_space<vmem>>, vector<16xf32>,
            %mul3A_526 = vector.broadcast %reduce_max3A_494 : f32 to vector<16xf32>
            %mul3A_527 = arith.mulf %get3A_525, %mul3A_526 : vector<16xf32>
            %get3A_528 = arith.index_cast %scan3A_408 : i32 to index
            %get3A_529 = arith.constant 32 : index
            %get3A_530 = tpu.vector_load %arg21[%get3A_528, %get3A_529] {strides = array<i32>} : memref<16x128xf32, #tpu.memory_space<vmem>>, vector<16xf32>,
            %add3A_531 = arith.addf %mul3A_527, %get3A_530 : vector<16xf32>
            %swap3A_532 = arith.constant 32 : index
            %swap3A_533 = tpu.vector_load %arg23[%swap3A_532] {strides = array<i32>} : memref<256xf32, #tpu.memory_space<vmem>>, vector<16xf32>,
            tpu.vector_store %arg23[%swap3A_532], %add3A_531 {strides = array<i32>} : memref<256xf32, #tpu.memory_space<vmem>>, vector<16xf32>,
            %get3A_534 = arith.constant 48 : index
            %get3A_535 = tpu.vector_load %arg23[%get3A_534] {strides = array<i32>} : memref<256xf32, #tpu.memory_space<vmem>>, vector<16xf32>,
            %mul3A_536 = vector.broadcast %reduce_max3A_494 : f32 to vector<16xf32>
            %mul3A_537 = arith.mulf %get3A_535, %mul3A_536 : vector<16xf32>
            %get3A_538 = arith.index_cast %scan3A_408 : i32 to index
            %get3A_539 = arith.constant 48 : index
            %get3A_540 = tpu.vector_load %arg21[%get3A_538, %get3A_539] {strides = array<i32>} : memref<16x128xf32, #tpu.memory_space<vmem>>, vector<16xf32>,
            %add3A_541 = arith.addf %mul3A_537, %get3A_540 : vector<16xf32>
            %swap3A_542 = arith.constant 48 : index
            %swap3A_543 = tpu.vector_load %arg23[%swap3A_542] {strides = array<i32>} : memref<256xf32, #tpu.memory_space<vmem>>, vector<16xf32>,
            tpu.vector_store %arg23[%swap3A_542], %add3A_541 {strides = array<i32>} : memref<256xf32, #tpu.memory_space<vmem>>, vector<16xf32>,
            %get3A_544 = arith.constant 64 : index
            %get3A_545 = tpu.vector_load %arg23[%get3A_544] {strides = array<i32>} : memref<256xf32, #tpu.memory_space<vmem>>, vector<16xf32>,
            %mul3A_546 = vector.broadcast %reduce_max3A_494 : f32 to vector<16xf32>
            %mul3A_547 = arith.mulf %get3A_545, %mul3A_546 : vector<16xf32>
            %get3A_548 = arith.index_cast %scan3A_408 : i32 to index
            %get3A_549 = arith.constant 64 : index
            %get3A_550 = tpu.vector_load %arg21[%get3A_548, %get3A_549] {strides = array<i32>} : memref<16x128xf32, #tpu.memory_space<vmem>>, vector<16xf32>,
            %add3A_551 = arith.addf %mul3A_547, %get3A_550 : vector<16xf32>
            %swap3A_552 = arith.constant 64 : index
            %swap3A_553 = tpu.vector_load %arg23[%swap3A_552] {strides = array<i32>} : memref<256xf32, #tpu.memory_space<vmem>>, vector<16xf32>,
            tpu.vector_store %arg23[%swap3A_552], %add3A_551 {strides = array<i32>} : memref<256xf32, #tpu.memory_space<vmem>>, vector<16xf32>,
            %get3A_554 = arith.constant 80 : index
            %get3A_555 = tpu.vector_load %arg23[%get3A_554] {strides = array<i32>} : memref<256xf32, #tpu.memory_space<vmem>>, vector<16xf32>,
            %mul3A_556 = vector.broadcast %reduce_max3A_494 : f32 to vector<16xf32>
            %mul3A_557 = arith.mulf %get3A_555, %mul3A_556 : vector<16xf32>
            %get3A_558 = arith.index_cast %scan3A_408 : i32 to index
            %get3A_559 = arith.constant 80 : index
            %get3A_560 = tpu.vector_load %arg21[%get3A_558, %get3A_559] {strides = array<i32>} : memref<16x128xf32, #tpu.memory_space<vmem>>, vector<16xf32>,
            %add3A_561 = arith.addf %mul3A_557, %get3A_560 : vector<16xf32>
            %swap3A_562 = arith.constant 80 : index
            %swap3A_563 = tpu.vector_load %arg23[%swap3A_562] {strides = array<i32>} : memref<256xf32, #tpu.memory_space<vmem>>, vector<16xf32>,
            tpu.vector_store %arg23[%swap3A_562], %add3A_561 {strides = array<i32>} : memref<256xf32, #tpu.memory_space<vmem>>, vector<16xf32>,
            %get3A_564 = arith.constant 96 : index
            %get3A_565 = tpu.vector_load %arg23[%get3A_564] {strides = array<i32>} : memref<256xf32, #tpu.memory_space<vmem>>, vector<16xf32>,
            %mul3A_566 = vector.broadcast %reduce_max3A_494 : f32 to vector<16xf32>
            %mul3A_567 = arith.mulf %get3A_565, %mul3A_566 : vector<16xf32>
            %get3A_568 = arith.index_cast %scan3A_408 : i32 to index
            %get3A_569 = arith.constant 96 : index
            %get3A_570 = tpu.vector_load %arg21[%get3A_568, %get3A_569] {strides = array<i32>} : memref<16x128xf32, #tpu.memory_space<vmem>>, vector<16xf32>,
            %add3A_571 = arith.addf %mul3A_567, %get3A_570 : vector<16xf32>
            %swap3A_572 = arith.constant 96 : index
            %swap3A_573 = tpu.vector_load %arg23[%swap3A_572] {strides = array<i32>} : memref<256xf32, #tpu.memory_space<vmem>>, vector<16xf32>,
            tpu.vector_store %arg23[%swap3A_572], %add3A_571 {strides = array<i32>} : memref<256xf32, #tpu.memory_space<vmem>>, vector<16xf32>,
            %get3A_574 = arith.constant 112 : index
            %get3A_575 = tpu.vector_load %arg23[%get3A_574] {strides = array<i32>} : memref<256xf32, #tpu.memory_space<vmem>>, vector<16xf32>,
            %mul3A_576 = vector.broadcast %reduce_max3A_494 : f32 to vector<16xf32>
            %mul3A_577 = arith.mulf %get3A_575, %mul3A_576 : vector<16xf32>
            %get3A_578 = arith.index_cast %scan3A_408 : i32 to index
            %get3A_579 = arith.constant 112 : index
            %get3A_580 = tpu.vector_load %arg21[%get3A_578, %get3A_579] {strides = array<i32>} : memref<16x128xf32, #tpu.memory_space<vmem>>, vector<16xf32>,
            %add3A_581 = arith.addf %mul3A_577, %get3A_580 : vector<16xf32>
            %swap3A_582 = arith.constant 112 : index
            %swap3A_583 = tpu.vector_load %arg23[%swap3A_582] {strides = array<i32>} : memref<256xf32, #tpu.memory_space<vmem>>, vector<16xf32>,
            tpu.vector_store %arg23[%swap3A_582], %add3A_581 {strides = array<i32>} : memref<256xf32, #tpu.memory_space<vmem>>, vector<16xf32>,
          } else {
          }
        } else {
        }
      }
      %scan3A_407 = arith.constant 16 : i32
    }
    %get3A_285 = arith.constant 1 : i32
    %get3A_286 = arith.index_cast %get3A_285 : i32 to index
    %get3A_287 = memref.load %arg33[%get3A_286] : memref<8xi32, #tpu.memory_space<smem>>
    %add3A_288 = arith.constant 16 : i32
    %add3A_289 = arith.addi %get3A_287, %add3A_288 : i32
    %sub3A_290 = arith.constant 1 : i32
    %sub3A_291 = arith.subi %add3A_289, %sub3A_290 : i32
    %jit3A_292 = arith.constant 16 : i32
    %div3A_293 = arith.divsi %sub3A_291, %jit3A_292 : i32
    %sign3A_294 = arith.constant 0 : i32
    %sign3A_295 = arith.cmpi sgt, %sub3A_291, %sign3A_294 : i32
    %sign3A_296 = arith.extui %sign3A_295 : i1 to i32
    %sign3A_297 = arith.constant 0 : i32
    %sign3A_298 = arith.cmpi slt, %sub3A_291, %sign3A_297 : i32
    %sign3A_299 = arith.extui %sign3A_298 : i1 to i32
    %sign3A_300 = arith.subi %sign3A_296, %sign3A_299 : i32
    %sign3A_301 = arith.constant 0 : i32
    %sign3A_302 = arith.cmpi sgt, %jit3A_292, %sign3A_301 : i32
    %sign3A_303 = arith.extui %sign3A_302 : i1 to i32
    %sign3A_304 = arith.constant 0 : i32
    %sign3A_305 = arith.cmpi slt, %jit3A_292, %sign3A_304 : i32
    %sign3A_306 = arith.extui %sign3A_305 : i1 to i32
    %sign3A_307 = arith.subi %sign3A_303, %sign3A_306 : i32
    %ne3A_308 = arith.cmpi ne, %sign3A_300, %sign3A_307 : i32
    %rem3A_309 = arith.remsi %sub3A_291, %jit3A_292 : i32
    %ne3A_310 = arith.constant 0 : i32
    %ne3A_311 = arith.cmpi ne, %rem3A_309, %ne3A_310 : i32
    %and3A_312 = arith.andi %ne3A_308, %ne3A_311 : i1
    %sub3A_313 = arith.constant 1 : i32
    %sub3A_314 = arith.subi %div3A_293, %sub3A_313 : i32
    %select_n3A_315 = arith.select %and3A_312, %sub3A_314, %div3A_293 : i32
    %while3A_316 = arith.constant 0 : i32
    %while3A_317 = arith.constant 0 : i32
    %while3A_318 = arith.subi %select_n3A_315, %while3A_317 : i32
    %while3A_319 = arith.addi %while3A_317, %while3A_318 : i32
    %while3A_320 = arith.constant 1 : i32
    %while3A_321 = arith.divsi %while3A_318, %while3A_320 : i32
    %while3A_322 = arith.muli %while3A_321, %while3A_320 : i32
    %while3A_323 = arith.addi %while3A_317, %while3A_322 : i32
    %while3A_324 = arith.constant 1 : i32
    scf.for %while3A_382 = %while3A_317 to %while3A_323 step %while3A_324  : i32 {
      %mul3A_383 = arith.constant 16 : i32
      %mul3A_384 = arith.muli %while3A_382, %mul3A_383 : i32
      %get3A_385 = arith.index_cast %mul3A_384 : i32 to index
      %get3A_386 = tpu.vector_load %arg16[%get3A_385] {strides = array<i32>} : memref<20016xi32, #tpu.memory_space<vmem>>, vector<16xi32>,
      %add3A_387 = vector.broadcast %mul3A_384 : i32 to vector<16xi32>
      %add3A_388 = arith.addi %iota3A, %add3A_387 : vector<16xi32>
      %broadcast_in_dim3A_389 = vector.broadcast %get3A_287 : i32 to vector<16xi32>
      %lt3A_390 = arith.cmpi slt, %add3A_388, %broadcast_in_dim3A_389 : vector<16xi32>
      %jit3A_391 = arith.constant 0 : i32
      %broadcast_in_dim3A_392 = vector.broadcast %jit3A_391 : i32 to vector<16xi32>
      %select_n3A_393 = arith.select %lt3A_390, %get3A_386, %broadcast_in_dim3A_392 : vector<16xi1>, vector<16xi32>
      %swap3A_394 = arith.constant 0 : index
      %swap3A_395 = tpu.vector_load %arg20[%swap3A_394] {strides = array<i32>} : memref<16xi32, #tpu.memory_space<vmem>>, vector<16xi32>,
      tpu.vector_store %arg20[%swap3A_394], %select_n3A_393 {strides = array<i32>} : memref<16xi32, #tpu.memory_space<vmem>>, vector<16xi32>,
      %dma_start3A_396 = arith.constant 0 : i32
      %dma_start3A_397 = arith.constant 0 : i32
      %dma_start3A_398 = tpu.memref_slice %arg3[%dma_start3A_396, %dma_start3A_397] : memref<10000x128xf32, #tpu.memory_space<hbm>> -> memref<10000x128xf32, #tpu.memory_space<hbm>>
      tpu.enqueue_indirect_dma source(%dma_start3A_398 : memref<10000x128xf32, #tpu.memory_space<hbm>>) target(%arg22 : memref<16x128xf32, #tpu.memory_space<vmem>>) offsets(%arg20 : memref<16xi32, #tpu.memory_space<vmem>>) semaphore(%arg34 : memref<!tpu.dma_semaphore, #tpu.memory_space<semaphore_mem>>)
      %dma_wait3A_399 = arith.constant 0 : i32
      %dma_wait3A_400 = arith.constant 0 : i32
      %dma_wait3A_401 = tpu.memref_slice %arg3[%dma_wait3A_399, %dma_wait3A_400] : memref<10000x128xf32, #tpu.memory_space<hbm>> -> memref<10000x128xf32, #tpu.memory_space<hbm>>
      tpu.wait_indirect_dma semaphore(%arg34 : memref<!tpu.dma_semaphore, #tpu.memory_space<semaphore_mem>>) src(%dma_wait3A_401 : memref<10000x128xf32, #tpu.memory_space<hbm>>) dst(%arg22 : memref<16x128xf32, #tpu.memory_space<vmem>>)
      %scan3A_402 = arith.constant 0 : i32
      %scan3A_403 = arith.constant 0 : i32
      %scan3A_404 = arith.constant 16 : i32
      %scan3A_405 = arith.addi %scan3A_403, %scan3A_404 : i32
      %scan3A_406 = arith.constant 1 : i32
      scf.for %scan3A_408 = %scan3A_403 to %scan3A_405 step %scan3A_406  : i32 {
        %add3A_409 = arith.addi %mul3A_384, %scan3A_408 : i32
        %lt3A_410 = arith.cmpi slt, %add3A_409, %get3A_287 : i32
        %convert_element_type3A_411 = arith.extui %lt3A_410 : i1 to i32
        %cond3A_412 = arith.constant 0 : i32
        %cond3A_413 = arith.cmpi ne, %convert_element_type3A_411, %cond3A_412 : i32
        scf.if %cond3A_413 {
          %get3A_414 = arith.index_cast %scan3A_408 : i32 to index
          %get3A_415 = arith.constant 0 : index
          %get3A_416 = tpu.vector_load %arg22[%get3A_414, %get3A_415] {strides = array<i32>} : memref<16x128xf32, #tpu.memory_space<vmem>>, vector<16xf32>,
          %get3A_417 = arith.constant 256 : index
          %get3A_418 = tpu.vector_load %arg17[%get3A_417] {strides = array<i32>} : memref<512xf32, #tpu.memory_space<vmem>>, vector<16xf32>,
          %mul3A_419 = arith.mulf %get3A_416, %get3A_418 : vector<16xf32>
          %get3A_420 = arith.index_cast %scan3A_408 : i32 to index
          %get3A_421 = arith.constant 16 : index
          %get3A_422 = tpu.vector_load %arg22[%get3A_420, %get3A_421] {strides = array<i32>} : memref<16x128xf32, #tpu.memory_space<vmem>>, vector<16xf32>,
          %get3A_423 = arith.constant 272 : index
          %get3A_424 = tpu.vector_load %arg17[%get3A_423] {strides = array<i32>} : memref<512xf32, #tpu.memory_space<vmem>>, vector<16xf32>,
          %mul3A_425 = arith.mulf %get3A_422, %get3A_424 : vector<16xf32>
          %add3A_426 = arith.addf %mul3A_419, %mul3A_425 : vector<16xf32>
          %get3A_427 = arith.index_cast %scan3A_408 : i32 to index
          %get3A_428 = arith.constant 32 : index
          %get3A_429 = tpu.vector_load %arg22[%get3A_427, %get3A_428] {strides = array<i32>} : memref<16x128xf32, #tpu.memory_space<vmem>>, vector<16xf32>,
          %get3A_430 = arith.constant 288 : index
          %get3A_431 = tpu.vector_load %arg17[%get3A_430] {strides = array<i32>} : memref<512xf32, #tpu.memory_space<vmem>>, vector<16xf32>,
          %mul3A_432 = arith.mulf %get3A_429, %get3A_431 : vector<16xf32>
          %add3A_433 = arith.addf %add3A_426, %mul3A_432 : vector<16xf32>
          %get3A_434 = arith.index_cast %scan3A_408 : i32 to index
          %get3A_435 = arith.constant 48 : index
          %get3A_436 = tpu.vector_load %arg22[%get3A_434, %get3A_435] {strides = array<i32>} : memref<16x128xf32, #tpu.memory_space<vmem>>, vector<16xf32>,
          %get3A_437 = arith.constant 304 : index
          %get3A_438 = tpu.vector_load %arg17[%get3A_437] {strides = array<i32>} : memref<512xf32, #tpu.memory_space<vmem>>, vector<16xf32>,
          %mul3A_439 = arith.mulf %get3A_436, %get3A_438 : vector<16xf32>
          %add3A_440 = arith.addf %add3A_433, %mul3A_439 : vector<16xf32>
          %get3A_441 = arith.index_cast %scan3A_408 : i32 to index
          %get3A_442 = arith.constant 64 : index
          %get3A_443 = tpu.vector_load %arg22[%get3A_441, %get3A_442] {strides = array<i32>} : memref<16x128xf32, #tpu.memory_space<vmem>>, vector<16xf32>,
          %get3A_444 = arith.constant 320 : index
          %get3A_445 = tpu.vector_load %arg17[%get3A_444] {strides = array<i32>} : memref<512xf32, #tpu.memory_space<vmem>>, vector<16xf32>,
          %mul3A_446 = arith.mulf %get3A_443, %get3A_445 : vector<16xf32>
          %add3A_447 = arith.addf %add3A_440, %mul3A_446 : vector<16xf32>
          %get3A_448 = arith.index_cast %scan3A_408 : i32 to index
          %get3A_449 = arith.constant 80 : index
          %get3A_450 = tpu.vector_load %arg22[%get3A_448, %get3A_449] {strides = array<i32>} : memref<16x128xf32, #tpu.memory_space<vmem>>, vector<16xf32>,
          %get3A_451 = arith.constant 336 : index
          %get3A_452 = tpu.vector_load %arg17[%get3A_451] {strides = array<i32>} : memref<512xf32, #tpu.memory_space<vmem>>, vector<16xf32>,
          %mul3A_453 = arith.mulf %get3A_450, %get3A_452 : vector<16xf32>
          %add3A_454 = arith.addf %add3A_447, %mul3A_453 : vector<16xf32>
          %get3A_455 = arith.index_cast %scan3A_408 : i32 to index
          %get3A_456 = arith.constant 96 : index
          %get3A_457 = tpu.vector_load %arg22[%get3A_455, %get3A_456] {strides = array<i32>} : memref<16x128xf32, #tpu.memory_space<vmem>>, vector<16xf32>,
          %get3A_458 = arith.constant 352 : index
          %get3A_459 = tpu.vector_load %arg17[%get3A_458] {strides = array<i32>} : memref<512xf32, #tpu.memory_space<vmem>>, vector<16xf32>,
          %mul3A_460 = arith.mulf %get3A_457, %get3A_459 : vector<16xf32>
          %add3A_461 = arith.addf %add3A_454, %mul3A_460 : vector<16xf32>
          %get3A_462 = arith.index_cast %scan3A_408 : i32 to index
          %get3A_463 = arith.constant 112 : index
          %get3A_464 = tpu.vector_load %arg22[%get3A_462, %get3A_463] {strides = array<i32>} : memref<16x128xf32, #tpu.memory_space<vmem>>, vector<16xf32>,
          %get3A_465 = arith.constant 368 : index
          %get3A_466 = tpu.vector_load %arg17[%get3A_465] {strides = array<i32>} : memref<512xf32, #tpu.memory_space<vmem>>, vector<16xf32>,
          %mul3A_467 = arith.mulf %get3A_464, %get3A_466 : vector<16xf32>
          %add3A_468 = arith.addf %add3A_461, %mul3A_467 : vector<16xf32>
          %reduce_sum3A_469 = arith.constant true
          %reduce_sum3A_470 = vector.broadcast %reduce_sum3A_469 : i1 to vector<16xi1>
          %reduce_sum3A_471 = tpu.scan <sum>, %add3A_468 masked %reduce_sum3A_470 : vector<16xf32>, vector<16xi1> -> vector<16xf32>
          %reduce_sum3A_472 = vector.extract %reduce_sum3A_471[15] : f32 from vector<16xf32>
          %add3A_473 = arith.addf %reduce_sum3A_472, %reduce_sum3A_144 : f32
          %ge3A = arith.constant 0.000000e+00 : f32
          %ge3A_474 = arith.cmpf oge, %add3A_473, %ge3A : f32
          %mul3A_475 = arith.constant 2.000000e-01 : f32
          %mul3A_476 = arith.mulf %mul3A_475, %add3A_473 : f32
          %select_n3A_477 = arith.select %ge3A_474, %add3A_473, %mul3A_476 : f32
          %get3A_478 = arith.constant 2 : i32
          %get3A_479 = arith.index_cast %get3A_478 : i32 to index
          %get3A_480 = memref.load %arg32[%get3A_479] : memref<8xf32, #tpu.memory_space<smem>>
          %get3A_481 = arith.constant 3 : i32
          %get3A_482 = arith.index_cast %get3A_481 : i32 to index
          %get3A_483 = memref.load %arg32[%get3A_482] : memref<8xf32, #tpu.memory_space<smem>>
          %le3A = arith.cmpf ole, %select_n3A_477, %get3A_480 : f32
          %convert_element_type3A_484 = arith.extui %le3A : i1 to i32
          %cond3A_485 = arith.constant 0 : i32
          %cond3A_486 = arith.cmpi ne, %convert_element_type3A_484, %cond3A_485 : i32
          scf.if %cond3A_486 {
            %sub3A_490 = arith.subf %select_n3A_477, %get3A_480 : f32
            %broadcast_in_dim3A_491 = vector.broadcast %sub3A_490 : f32 to vector<16xf32>
            %exp3A = math.exp %broadcast_in_dim3A_491 : vector<16xf32>
            %reduce_max3A = arith.constant true
            %reduce_max3A_492 = vector.broadcast %reduce_max3A : i1 to vector<16xi1>
            %reduce_max3A_493 = tpu.scan <max>, %exp3A masked %reduce_max3A_492 : vector<16xf32>, vector<16xi1> -> vector<16xf32>
            %reduce_max3A_494 = vector.extract %reduce_max3A_493[15] : f32 from vector<16xf32>
            %add3A_495 = arith.addf %get3A_483, %reduce_max3A_494 : f32
            %swap3A_496 = arith.constant 3 : i32
            %swap3A_497 = arith.index_cast %swap3A_496 : i32 to index
            %swap3A_498 = memref.load %arg32[%swap3A_497] : memref<8xf32, #tpu.memory_space<smem>>
            memref.store %add3A_495, %arg32[%swap3A_497] : memref<8xf32, #tpu.memory_space<smem>>
            %get3A_499 = arith.constant 128 : index
            %get3A_500 = tpu.vector_load %arg23[%get3A_499] {strides = array<i32>} : memref<256xf32, #tpu.memory_space<vmem>>, vector<16xf32>,
            %get3A_501 = arith.index_cast %scan3A_408 : i32 to index
            %get3A_502 = arith.constant 0 : index
            %get3A_503 = tpu.vector_load %arg22[%get3A_501, %get3A_502] {strides = array<i32>} : memref<16x128xf32, #tpu.memory_space<vmem>>, vector<16xf32>,
            %mul3A_504 = vector.broadcast %reduce_max3A_494 : f32 to vector<16xf32>
            %mul3A_505 = arith.mulf %mul3A_504, %get3A_503 : vector<16xf32>
            %add3A_506 = arith.addf %get3A_500, %mul3A_505 : vector<16xf32>
            %swap3A_507 = arith.constant 128 : index
            %swap3A_508 = tpu.vector_load %arg23[%swap3A_507] {strides = array<i32>} : memref<256xf32, #tpu.memory_space<vmem>>, vector<16xf32>,
            tpu.vector_store %arg23[%swap3A_507], %add3A_506 {strides = array<i32>} : memref<256xf32, #tpu.memory_space<vmem>>, vector<16xf32>,
            %get3A_509 = arith.constant 144 : index
            %get3A_510 = tpu.vector_load %arg23[%get3A_509] {strides = array<i32>} : memref<256xf32, #tpu.memory_space<vmem>>, vector<16xf32>,
            %get3A_511 = arith.index_cast %scan3A_408 : i32 to index
            %get3A_512 = arith.constant 16 : index
            %get3A_513 = tpu.vector_load %arg22[%get3A_511, %get3A_512] {strides = array<i32>} : memref<16x128xf32, #tpu.memory_space<vmem>>, vector<16xf32>,
            %mul3A_514 = vector.broadcast %reduce_max3A_494 : f32 to vector<16xf32>
            %mul3A_515 = arith.mulf %mul3A_514, %get3A_513 : vector<16xf32>
            %add3A_516 = arith.addf %get3A_510, %mul3A_515 : vector<16xf32>
            %swap3A_517 = arith.constant 144 : index
            %swap3A_518 = tpu.vector_load %arg23[%swap3A_517] {strides = array<i32>} : memref<256xf32, #tpu.memory_space<vmem>>, vector<16xf32>,
            tpu.vector_store %arg23[%swap3A_517], %add3A_516 {strides = array<i32>} : memref<256xf32, #tpu.memory_space<vmem>>, vector<16xf32>,
            %get3A_519 = arith.constant 160 : index
            %get3A_520 = tpu.vector_load %arg23[%get3A_519] {strides = array<i32>} : memref<256xf32, #tpu.memory_space<vmem>>, vector<16xf32>,
            %get3A_521 = arith.index_cast %scan3A_408 : i32 to index
            %get3A_522 = arith.constant 32 : index
            %get3A_523 = tpu.vector_load %arg22[%get3A_521, %get3A_522] {strides = array<i32>} : memref<16x128xf32, #tpu.memory_space<vmem>>, vector<16xf32>,
            %mul3A_524 = vector.broadcast %reduce_max3A_494 : f32 to vector<16xf32>
            %mul3A_525 = arith.mulf %mul3A_524, %get3A_523 : vector<16xf32>
            %add3A_526 = arith.addf %get3A_520, %mul3A_525 : vector<16xf32>
            %swap3A_527 = arith.constant 160 : index
            %swap3A_528 = tpu.vector_load %arg23[%swap3A_527] {strides = array<i32>} : memref<256xf32, #tpu.memory_space<vmem>>, vector<16xf32>,
            tpu.vector_store %arg23[%swap3A_527], %add3A_526 {strides = array<i32>} : memref<256xf32, #tpu.memory_space<vmem>>, vector<16xf32>,
            %get3A_529 = arith.constant 176 : index
            %get3A_530 = tpu.vector_load %arg23[%get3A_529] {strides = array<i32>} : memref<256xf32, #tpu.memory_space<vmem>>, vector<16xf32>,
            %get3A_531 = arith.index_cast %scan3A_408 : i32 to index
            %get3A_532 = arith.constant 48 : index
            %get3A_533 = tpu.vector_load %arg22[%get3A_531, %get3A_532] {strides = array<i32>} : memref<16x128xf32, #tpu.memory_space<vmem>>, vector<16xf32>,
            %mul3A_534 = vector.broadcast %reduce_max3A_494 : f32 to vector<16xf32>
            %mul3A_535 = arith.mulf %mul3A_534, %get3A_533 : vector<16xf32>
            %add3A_536 = arith.addf %get3A_530, %mul3A_535 : vector<16xf32>
            %swap3A_537 = arith.constant 176 : index
            %swap3A_538 = tpu.vector_load %arg23[%swap3A_537] {strides = array<i32>} : memref<256xf32, #tpu.memory_space<vmem>>, vector<16xf32>,
            tpu.vector_store %arg23[%swap3A_537], %add3A_536 {strides = array<i32>} : memref<256xf32, #tpu.memory_space<vmem>>, vector<16xf32>,
            %get3A_539 = arith.constant 192 : index
            %get3A_540 = tpu.vector_load %arg23[%get3A_539] {strides = array<i32>} : memref<256xf32, #tpu.memory_space<vmem>>, vector<16xf32>,
            %get3A_541 = arith.index_cast %scan3A_408 : i32 to index
            %get3A_542 = arith.constant 64 : index
            %get3A_543 = tpu.vector_load %arg22[%get3A_541, %get3A_542] {strides = array<i32>} : memref<16x128xf32, #tpu.memory_space<vmem>>, vector<16xf32>,
            %mul3A_544 = vector.broadcast %reduce_max3A_494 : f32 to vector<16xf32>
            %mul3A_545 = arith.mulf %mul3A_544, %get3A_543 : vector<16xf32>
            %add3A_546 = arith.addf %get3A_540, %mul3A_545 : vector<16xf32>
            %swap3A_547 = arith.constant 192 : index
            %swap3A_548 = tpu.vector_load %arg23[%swap3A_547] {strides = array<i32>} : memref<256xf32, #tpu.memory_space<vmem>>, vector<16xf32>,
            tpu.vector_store %arg23[%swap3A_547], %add3A_546 {strides = array<i32>} : memref<256xf32, #tpu.memory_space<vmem>>, vector<16xf32>,
            %get3A_549 = arith.constant 208 : index
            %get3A_550 = tpu.vector_load %arg23[%get3A_549] {strides = array<i32>} : memref<256xf32, #tpu.memory_space<vmem>>, vector<16xf32>,
            %get3A_551 = arith.index_cast %scan3A_408 : i32 to index
            %get3A_552 = arith.constant 80 : index
            %get3A_553 = tpu.vector_load %arg22[%get3A_551, %get3A_552] {strides = array<i32>} : memref<16x128xf32, #tpu.memory_space<vmem>>, vector<16xf32>,
            %mul3A_554 = vector.broadcast %reduce_max3A_494 : f32 to vector<16xf32>
            %mul3A_555 = arith.mulf %mul3A_554, %get3A_553 : vector<16xf32>
            %add3A_556 = arith.addf %get3A_550, %mul3A_555 : vector<16xf32>
            %swap3A_557 = arith.constant 208 : index
            %swap3A_558 = tpu.vector_load %arg23[%swap3A_557] {strides = array<i32>} : memref<256xf32, #tpu.memory_space<vmem>>, vector<16xf32>,
            tpu.vector_store %arg23[%swap3A_557], %add3A_556 {strides = array<i32>} : memref<256xf32, #tpu.memory_space<vmem>>, vector<16xf32>,
            %get3A_559 = arith.constant 224 : index
            %get3A_560 = tpu.vector_load %arg23[%get3A_559] {strides = array<i32>} : memref<256xf32, #tpu.memory_space<vmem>>, vector<16xf32>,
            %get3A_561 = arith.index_cast %scan3A_408 : i32 to index
            %get3A_562 = arith.constant 96 : index
            %get3A_563 = tpu.vector_load %arg22[%get3A_561, %get3A_562] {strides = array<i32>} : memref<16x128xf32, #tpu.memory_space<vmem>>, vector<16xf32>,
            %mul3A_564 = vector.broadcast %reduce_max3A_494 : f32 to vector<16xf32>
            %mul3A_565 = arith.mulf %mul3A_564, %get3A_563 : vector<16xf32>
            %add3A_566 = arith.addf %get3A_560, %mul3A_565 : vector<16xf32>
            %swap3A_567 = arith.constant 224 : index
            %swap3A_568 = tpu.vector_load %arg23[%swap3A_567] {strides = array<i32>} : memref<256xf32, #tpu.memory_space<vmem>>, vector<16xf32>,
            tpu.vector_store %arg23[%swap3A_567], %add3A_566 {strides = array<i32>} : memref<256xf32, #tpu.memory_space<vmem>>, vector<16xf32>,
            %get3A_569 = arith.constant 240 : index
            %get3A_570 = tpu.vector_load %arg23[%get3A_569] {strides = array<i32>} : memref<256xf32, #tpu.memory_space<vmem>>, vector<16xf32>,
            %get3A_571 = arith.index_cast %scan3A_408 : i32 to index
            %get3A_572 = arith.constant 112 : index
            %get3A_573 = tpu.vector_load %arg22[%get3A_571, %get3A_572] {strides = array<i32>} : memref<16x128xf32, #tpu.memory_space<vmem>>, vector<16xf32>,
            %mul3A_574 = vector.broadcast %reduce_max3A_494 : f32 to vector<16xf32>
            %mul3A_575 = arith.mulf %mul3A_574, %get3A_573 : vector<16xf32>
            %add3A_576 = arith.addf %get3A_570, %mul3A_575 : vector<16xf32>
            %swap3A_577 = arith.constant 240 : index
            %swap3A_578 = tpu.vector_load %arg23[%swap3A_577] {strides = array<i32>} : memref<256xf32, #tpu.memory_space<vmem>>, vector<16xf32>,
            tpu.vector_store %arg23[%swap3A_577], %add3A_576 {strides = array<i32>} : memref<256xf32, #tpu.memory_space<vmem>>, vector<16xf32>,
          } else {
          }
          %gt3A = arith.cmpf ogt, %select_n3A_477, %get3A_480 : f32
          %convert_element_type3A_487 = arith.extui %gt3A : i1 to i32
          %cond3A_488 = arith.constant 0 : i32
          %cond3A_489 = arith.cmpi ne, %convert_element_type3A_487, %cond3A_488 : i32
          scf.if %cond3A_489 {
            %sub3A_490 = arith.subf %get3A_480, %select_n3A_477 : f32
            %broadcast_in_dim3A_491 = vector.broadcast %sub3A_490 : f32 to vector<16xf32>
            %exp3A = math.exp %broadcast_in_dim3A_491 : vector<16xf32>
            %reduce_max3A = arith.constant true
            %reduce_max3A_492 = vector.broadcast %reduce_max3A : i1 to vector<16xi1>
            %reduce_max3A_493 = tpu.scan <max>, %exp3A masked %reduce_max3A_492 : vector<16xf32>, vector<16xi1> -> vector<16xf32>
            %reduce_max3A_494 = vector.extract %reduce_max3A_493[15] : f32 from vector<16xf32>
            %swap3A_495 = arith.constant 2 : i32
            %swap3A_496 = arith.index_cast %swap3A_495 : i32 to index
            %swap3A_497 = memref.load %arg32[%swap3A_496] : memref<8xf32, #tpu.memory_space<smem>>
            memref.store %select_n3A_477, %arg32[%swap3A_496] : memref<8xf32, #tpu.memory_space<smem>>
            %mul3A_498 = arith.mulf %get3A_483, %reduce_max3A_494 : f32
            %add3A_499 = arith.constant 1.000000e+00 : f32
            %add3A_500 = arith.addf %mul3A_498, %add3A_499 : f32
            %swap3A_501 = arith.constant 3 : i32
            %swap3A_502 = arith.index_cast %swap3A_501 : i32 to index
            %swap3A_503 = memref.load %arg32[%swap3A_502] : memref<8xf32, #tpu.memory_space<smem>>
            memref.store %add3A_500, %arg32[%swap3A_502] : memref<8xf32, #tpu.memory_space<smem>>
            %get3A_504 = arith.constant 128 : index
            %get3A_505 = tpu.vector_load %arg23[%get3A_504] {strides = array<i32>} : memref<256xf32, #tpu.memory_space<vmem>>, vector<16xf32>,
            %mul3A_506 = vector.broadcast %reduce_max3A_494 : f32 to vector<16xf32>
            %mul3A_507 = arith.mulf %get3A_505, %mul3A_506 : vector<16xf32>
            %get3A_508 = arith.index_cast %scan3A_408 : i32 to index
            %get3A_509 = arith.constant 0 : index
            %get3A_510 = tpu.vector_load %arg22[%get3A_508, %get3A_509] {strides = array<i32>} : memref<16x128xf32, #tpu.memory_space<vmem>>, vector<16xf32>,
            %add3A_511 = arith.addf %mul3A_507, %get3A_510 : vector<16xf32>
            %swap3A_512 = arith.constant 128 : index
            %swap3A_513 = tpu.vector_load %arg23[%swap3A_512] {strides = array<i32>} : memref<256xf32, #tpu.memory_space<vmem>>, vector<16xf32>,
            tpu.vector_store %arg23[%swap3A_512], %add3A_511 {strides = array<i32>} : memref<256xf32, #tpu.memory_space<vmem>>, vector<16xf32>,
            %get3A_514 = arith.constant 144 : index
            %get3A_515 = tpu.vector_load %arg23[%get3A_514] {strides = array<i32>} : memref<256xf32, #tpu.memory_space<vmem>>, vector<16xf32>,
            %mul3A_516 = vector.broadcast %reduce_max3A_494 : f32 to vector<16xf32>
            %mul3A_517 = arith.mulf %get3A_515, %mul3A_516 : vector<16xf32>
            %get3A_518 = arith.index_cast %scan3A_408 : i32 to index
            %get3A_519 = arith.constant 16 : index
            %get3A_520 = tpu.vector_load %arg22[%get3A_518, %get3A_519] {strides = array<i32>} : memref<16x128xf32, #tpu.memory_space<vmem>>, vector<16xf32>,
            %add3A_521 = arith.addf %mul3A_517, %get3A_520 : vector<16xf32>
            %swap3A_522 = arith.constant 144 : index
            %swap3A_523 = tpu.vector_load %arg23[%swap3A_522] {strides = array<i32>} : memref<256xf32, #tpu.memory_space<vmem>>, vector<16xf32>,
            tpu.vector_store %arg23[%swap3A_522], %add3A_521 {strides = array<i32>} : memref<256xf32, #tpu.memory_space<vmem>>, vector<16xf32>,
            %get3A_524 = arith.constant 160 : index
            %get3A_525 = tpu.vector_load %arg23[%get3A_524] {strides = array<i32>} : memref<256xf32, #tpu.memory_space<vmem>>, vector<16xf32>,
            %mul3A_526 = vector.broadcast %reduce_max3A_494 : f32 to vector<16xf32>
            %mul3A_527 = arith.mulf %get3A_525, %mul3A_526 : vector<16xf32>
            %get3A_528 = arith.index_cast %scan3A_408 : i32 to index
            %get3A_529 = arith.constant 32 : index
            %get3A_530 = tpu.vector_load %arg22[%get3A_528, %get3A_529] {strides = array<i32>} : memref<16x128xf32, #tpu.memory_space<vmem>>, vector<16xf32>,
            %add3A_531 = arith.addf %mul3A_527, %get3A_530 : vector<16xf32>
            %swap3A_532 = arith.constant 160 : index
            %swap3A_533 = tpu.vector_load %arg23[%swap3A_532] {strides = array<i32>} : memref<256xf32, #tpu.memory_space<vmem>>, vector<16xf32>,
            tpu.vector_store %arg23[%swap3A_532], %add3A_531 {strides = array<i32>} : memref<256xf32, #tpu.memory_space<vmem>>, vector<16xf32>,
            %get3A_534 = arith.constant 176 : index
            %get3A_535 = tpu.vector_load %arg23[%get3A_534] {strides = array<i32>} : memref<256xf32, #tpu.memory_space<vmem>>, vector<16xf32>,
            %mul3A_536 = vector.broadcast %reduce_max3A_494 : f32 to vector<16xf32>
            %mul3A_537 = arith.mulf %get3A_535, %mul3A_536 : vector<16xf32>
            %get3A_538 = arith.index_cast %scan3A_408 : i32 to index
            %get3A_539 = arith.constant 48 : index
            %get3A_540 = tpu.vector_load %arg22[%get3A_538, %get3A_539] {strides = array<i32>} : memref<16x128xf32, #tpu.memory_space<vmem>>, vector<16xf32>,
            %add3A_541 = arith.addf %mul3A_537, %get3A_540 : vector<16xf32>
            %swap3A_542 = arith.constant 176 : index
            %swap3A_543 = tpu.vector_load %arg23[%swap3A_542] {strides = array<i32>} : memref<256xf32, #tpu.memory_space<vmem>>, vector<16xf32>,
            tpu.vector_store %arg23[%swap3A_542], %add3A_541 {strides = array<i32>} : memref<256xf32, #tpu.memory_space<vmem>>, vector<16xf32>,
            %get3A_544 = arith.constant 192 : index
            %get3A_545 = tpu.vector_load %arg23[%get3A_544] {strides = array<i32>} : memref<256xf32, #tpu.memory_space<vmem>>, vector<16xf32>,
            %mul3A_546 = vector.broadcast %reduce_max3A_494 : f32 to vector<16xf32>
            %mul3A_547 = arith.mulf %get3A_545, %mul3A_546 : vector<16xf32>
            %get3A_548 = arith.index_cast %scan3A_408 : i32 to index
            %get3A_549 = arith.constant 64 : index
            %get3A_550 = tpu.vector_load %arg22[%get3A_548, %get3A_549] {strides = array<i32>} : memref<16x128xf32, #tpu.memory_space<vmem>>, vector<16xf32>,
            %add3A_551 = arith.addf %mul3A_547, %get3A_550 : vector<16xf32>
            %swap3A_552 = arith.constant 192 : index
            %swap3A_553 = tpu.vector_load %arg23[%swap3A_552] {strides = array<i32>} : memref<256xf32, #tpu.memory_space<vmem>>, vector<16xf32>,
            tpu.vector_store %arg23[%swap3A_552], %add3A_551 {strides = array<i32>} : memref<256xf32, #tpu.memory_space<vmem>>, vector<16xf32>,
            %get3A_554 = arith.constant 208 : index
            %get3A_555 = tpu.vector_load %arg23[%get3A_554] {strides = array<i32>} : memref<256xf32, #tpu.memory_space<vmem>>, vector<16xf32>,
            %mul3A_556 = vector.broadcast %reduce_max3A_494 : f32 to vector<16xf32>
            %mul3A_557 = arith.mulf %get3A_555, %mul3A_556 : vector<16xf32>
            %get3A_558 = arith.index_cast %scan3A_408 : i32 to index
            %get3A_559 = arith.constant 80 : index
            %get3A_560 = tpu.vector_load %arg22[%get3A_558, %get3A_559] {strides = array<i32>} : memref<16x128xf32, #tpu.memory_space<vmem>>, vector<16xf32>,
            %add3A_561 = arith.addf %mul3A_557, %get3A_560 : vector<16xf32>
            %swap3A_562 = arith.constant 208 : index
            %swap3A_563 = tpu.vector_load %arg23[%swap3A_562] {strides = array<i32>} : memref<256xf32, #tpu.memory_space<vmem>>, vector<16xf32>,
            tpu.vector_store %arg23[%swap3A_562], %add3A_561 {strides = array<i32>} : memref<256xf32, #tpu.memory_space<vmem>>, vector<16xf32>,
            %get3A_564 = arith.constant 224 : index
            %get3A_565 = tpu.vector_load %arg23[%get3A_564] {strides = array<i32>} : memref<256xf32, #tpu.memory_space<vmem>>, vector<16xf32>,
            %mul3A_566 = vector.broadcast %reduce_max3A_494 : f32 to vector<16xf32>
            %mul3A_567 = arith.mulf %get3A_565, %mul3A_566 : vector<16xf32>
            %get3A_568 = arith.index_cast %scan3A_408 : i32 to index
            %get3A_569 = arith.constant 96 : index
            %get3A_570 = tpu.vector_load %arg22[%get3A_568, %get3A_569] {strides = array<i32>} : memref<16x128xf32, #tpu.memory_space<vmem>>, vector<16xf32>,
            %add3A_571 = arith.addf %mul3A_567, %get3A_570 : vector<16xf32>
            %swap3A_572 = arith.constant 224 : index
            %swap3A_573 = tpu.vector_load %arg23[%swap3A_572] {strides = array<i32>} : memref<256xf32, #tpu.memory_space<vmem>>, vector<16xf32>,
            tpu.vector_store %arg23[%swap3A_572], %add3A_571 {strides = array<i32>} : memref<256xf32, #tpu.memory_space<vmem>>, vector<16xf32>,
            %get3A_574 = arith.constant 240 : index
            %get3A_575 = tpu.vector_load %arg23[%get3A_574] {strides = array<i32>} : memref<256xf32, #tpu.memory_space<vmem>>, vector<16xf32>,
            %mul3A_576 = vector.broadcast %reduce_max3A_494 : f32 to vector<16xf32>
            %mul3A_577 = arith.mulf %get3A_575, %mul3A_576 : vector<16xf32>
            %get3A_578 = arith.index_cast %scan3A_408 : i32 to index
            %get3A_579 = arith.constant 112 : index
            %get3A_580 = tpu.vector_load %arg22[%get3A_578, %get3A_579] {strides = array<i32>} : memref<16x128xf32, #tpu.memory_space<vmem>>, vector<16xf32>,
            %add3A_581 = arith.addf %mul3A_577, %get3A_580 : vector<16xf32>
            %swap3A_582 = arith.constant 240 : index
            %swap3A_583 = tpu.vector_load %arg23[%swap3A_582] {strides = array<i32>} : memref<256xf32, #tpu.memory_space<vmem>>, vector<16xf32>,
            tpu.vector_store %arg23[%swap3A_582], %add3A_581 {strides = array<i32>} : memref<256xf32, #tpu.memory_space<vmem>>, vector<16xf32>,
          } else {
          }
        } else {
        }
      }
      %scan3A_407 = arith.constant 16 : i32
    }
    %while3A_325 = arith.constant 1 : i32
    scf.for %while3A_382 = %while3A_323 to %while3A_319 step %while3A_325  : i32 {
      %mul3A_383 = arith.constant 16 : i32
      %mul3A_384 = arith.muli %while3A_382, %mul3A_383 : i32
      %get3A_385 = arith.index_cast %mul3A_384 : i32 to index
      %get3A_386 = tpu.vector_load %arg16[%get3A_385] {strides = array<i32>} : memref<20016xi32, #tpu.memory_space<vmem>>, vector<16xi32>,
      %add3A_387 = vector.broadcast %mul3A_384 : i32 to vector<16xi32>
      %add3A_388 = arith.addi %iota3A, %add3A_387 : vector<16xi32>
      %broadcast_in_dim3A_389 = vector.broadcast %get3A_287 : i32 to vector<16xi32>
      %lt3A_390 = arith.cmpi slt, %add3A_388, %broadcast_in_dim3A_389 : vector<16xi32>
      %jit3A_391 = arith.constant 0 : i32
      %broadcast_in_dim3A_392 = vector.broadcast %jit3A_391 : i32 to vector<16xi32>
      %select_n3A_393 = arith.select %lt3A_390, %get3A_386, %broadcast_in_dim3A_392 : vector<16xi1>, vector<16xi32>
      %swap3A_394 = arith.constant 0 : index
      %swap3A_395 = tpu.vector_load %arg20[%swap3A_394] {strides = array<i32>} : memref<16xi32, #tpu.memory_space<vmem>>, vector<16xi32>,
      tpu.vector_store %arg20[%swap3A_394], %select_n3A_393 {strides = array<i32>} : memref<16xi32, #tpu.memory_space<vmem>>, vector<16xi32>,
      %dma_start3A_396 = arith.constant 0 : i32
      %dma_start3A_397 = arith.constant 0 : i32
      %dma_start3A_398 = tpu.memref_slice %arg3[%dma_start3A_396, %dma_start3A_397] : memref<10000x128xf32, #tpu.memory_space<hbm>> -> memref<10000x128xf32, #tpu.memory_space<hbm>>
      tpu.enqueue_indirect_dma source(%dma_start3A_398 : memref<10000x128xf32, #tpu.memory_space<hbm>>) target(%arg22 : memref<16x128xf32, #tpu.memory_space<vmem>>) offsets(%arg20 : memref<16xi32, #tpu.memory_space<vmem>>) semaphore(%arg34 : memref<!tpu.dma_semaphore, #tpu.memory_space<semaphore_mem>>)
      %dma_wait3A_399 = arith.constant 0 : i32
      %dma_wait3A_400 = arith.constant 0 : i32
      %dma_wait3A_401 = tpu.memref_slice %arg3[%dma_wait3A_399, %dma_wait3A_400] : memref<10000x128xf32, #tpu.memory_space<hbm>> -> memref<10000x128xf32, #tpu.memory_space<hbm>>
      tpu.wait_indirect_dma semaphore(%arg34 : memref<!tpu.dma_semaphore, #tpu.memory_space<semaphore_mem>>) src(%dma_wait3A_401 : memref<10000x128xf32, #tpu.memory_space<hbm>>) dst(%arg22 : memref<16x128xf32, #tpu.memory_space<vmem>>)
      %scan3A_402 = arith.constant 0 : i32
      %scan3A_403 = arith.constant 0 : i32
      %scan3A_404 = arith.constant 16 : i32
      %scan3A_405 = arith.addi %scan3A_403, %scan3A_404 : i32
      %scan3A_406 = arith.constant 1 : i32
      scf.for %scan3A_408 = %scan3A_403 to %scan3A_405 step %scan3A_406  : i32 {
        %add3A_409 = arith.addi %mul3A_384, %scan3A_408 : i32
        %lt3A_410 = arith.cmpi slt, %add3A_409, %get3A_287 : i32
        %convert_element_type3A_411 = arith.extui %lt3A_410 : i1 to i32
        %cond3A_412 = arith.constant 0 : i32
        %cond3A_413 = arith.cmpi ne, %convert_element_type3A_411, %cond3A_412 : i32
        scf.if %cond3A_413 {
          %get3A_414 = arith.index_cast %scan3A_408 : i32 to index
          %get3A_415 = arith.constant 0 : index
          %get3A_416 = tpu.vector_load %arg22[%get3A_414, %get3A_415] {strides = array<i32>} : memref<16x128xf32, #tpu.memory_space<vmem>>, vector<16xf32>,
          %get3A_417 = arith.constant 256 : index
          %get3A_418 = tpu.vector_load %arg17[%get3A_417] {strides = array<i32>} : memref<512xf32, #tpu.memory_space<vmem>>, vector<16xf32>,
          %mul3A_419 = arith.mulf %get3A_416, %get3A_418 : vector<16xf32>
          %get3A_420 = arith.index_cast %scan3A_408 : i32 to index
          %get3A_421 = arith.constant 16 : index
          %get3A_422 = tpu.vector_load %arg22[%get3A_420, %get3A_421] {strides = array<i32>} : memref<16x128xf32, #tpu.memory_space<vmem>>, vector<16xf32>,
          %get3A_423 = arith.constant 272 : index
          %get3A_424 = tpu.vector_load %arg17[%get3A_423] {strides = array<i32>} : memref<512xf32, #tpu.memory_space<vmem>>, vector<16xf32>,
          %mul3A_425 = arith.mulf %get3A_422, %get3A_424 : vector<16xf32>
          %add3A_426 = arith.addf %mul3A_419, %mul3A_425 : vector<16xf32>
          %get3A_427 = arith.index_cast %scan3A_408 : i32 to index
          %get3A_428 = arith.constant 32 : index
          %get3A_429 = tpu.vector_load %arg22[%get3A_427, %get3A_428] {strides = array<i32>} : memref<16x128xf32, #tpu.memory_space<vmem>>, vector<16xf32>,
          %get3A_430 = arith.constant 288 : index
          %get3A_431 = tpu.vector_load %arg17[%get3A_430] {strides = array<i32>} : memref<512xf32, #tpu.memory_space<vmem>>, vector<16xf32>,
          %mul3A_432 = arith.mulf %get3A_429, %get3A_431 : vector<16xf32>
          %add3A_433 = arith.addf %add3A_426, %mul3A_432 : vector<16xf32>
          %get3A_434 = arith.index_cast %scan3A_408 : i32 to index
          %get3A_435 = arith.constant 48 : index
          %get3A_436 = tpu.vector_load %arg22[%get3A_434, %get3A_435] {strides = array<i32>} : memref<16x128xf32, #tpu.memory_space<vmem>>, vector<16xf32>,
          %get3A_437 = arith.constant 304 : index
          %get3A_438 = tpu.vector_load %arg17[%get3A_437] {strides = array<i32>} : memref<512xf32, #tpu.memory_space<vmem>>, vector<16xf32>,
          %mul3A_439 = arith.mulf %get3A_436, %get3A_438 : vector<16xf32>
          %add3A_440 = arith.addf %add3A_433, %mul3A_439 : vector<16xf32>
          %get3A_441 = arith.index_cast %scan3A_408 : i32 to index
          %get3A_442 = arith.constant 64 : index
          %get3A_443 = tpu.vector_load %arg22[%get3A_441, %get3A_442] {strides = array<i32>} : memref<16x128xf32, #tpu.memory_space<vmem>>, vector<16xf32>,
          %get3A_444 = arith.constant 320 : index
          %get3A_445 = tpu.vector_load %arg17[%get3A_444] {strides = array<i32>} : memref<512xf32, #tpu.memory_space<vmem>>, vector<16xf32>,
          %mul3A_446 = arith.mulf %get3A_443, %get3A_445 : vector<16xf32>
          %add3A_447 = arith.addf %add3A_440, %mul3A_446 : vector<16xf32>
          %get3A_448 = arith.index_cast %scan3A_408 : i32 to index
          %get3A_449 = arith.constant 80 : index
          %get3A_450 = tpu.vector_load %arg22[%get3A_448, %get3A_449] {strides = array<i32>} : memref<16x128xf32, #tpu.memory_space<vmem>>, vector<16xf32>,
          %get3A_451 = arith.constant 336 : index
          %get3A_452 = tpu.vector_load %arg17[%get3A_451] {strides = array<i32>} : memref<512xf32, #tpu.memory_space<vmem>>, vector<16xf32>,
          %mul3A_453 = arith.mulf %get3A_450, %get3A_452 : vector<16xf32>
          %add3A_454 = arith.addf %add3A_447, %mul3A_453 : vector<16xf32>
          %get3A_455 = arith.index_cast %scan3A_408 : i32 to index
          %get3A_456 = arith.constant 96 : index
          %get3A_457 = tpu.vector_load %arg22[%get3A_455, %get3A_456] {strides = array<i32>} : memref<16x128xf32, #tpu.memory_space<vmem>>, vector<16xf32>,
          %get3A_458 = arith.constant 352 : index
          %get3A_459 = tpu.vector_load %arg17[%get3A_458] {strides = array<i32>} : memref<512xf32, #tpu.memory_space<vmem>>, vector<16xf32>,
          %mul3A_460 = arith.mulf %get3A_457, %get3A_459 : vector<16xf32>
          %add3A_461 = arith.addf %add3A_454, %mul3A_460 : vector<16xf32>
          %get3A_462 = arith.index_cast %scan3A_408 : i32 to index
          %get3A_463 = arith.constant 112 : index
          %get3A_464 = tpu.vector_load %arg22[%get3A_462, %get3A_463] {strides = array<i32>} : memref<16x128xf32, #tpu.memory_space<vmem>>, vector<16xf32>,
          %get3A_465 = arith.constant 368 : index
          %get3A_466 = tpu.vector_load %arg17[%get3A_465] {strides = array<i32>} : memref<512xf32, #tpu.memory_space<vmem>>, vector<16xf32>,
          %mul3A_467 = arith.mulf %get3A_464, %get3A_466 : vector<16xf32>
          %add3A_468 = arith.addf %add3A_461, %mul3A_467 : vector<16xf32>
          %reduce_sum3A_469 = arith.constant true
          %reduce_sum3A_470 = vector.broadcast %reduce_sum3A_469 : i1 to vector<16xi1>
          %reduce_sum3A_471 = tpu.scan <sum>, %add3A_468 masked %reduce_sum3A_470 : vector<16xf32>, vector<16xi1> -> vector<16xf32>
          %reduce_sum3A_472 = vector.extract %reduce_sum3A_471[15] : f32 from vector<16xf32>
          %add3A_473 = arith.addf %reduce_sum3A_472, %reduce_sum3A_144 : f32
          %ge3A = arith.constant 0.000000e+00 : f32
          %ge3A_474 = arith.cmpf oge, %add3A_473, %ge3A : f32
          %mul3A_475 = arith.constant 2.000000e-01 : f32
          %mul3A_476 = arith.mulf %mul3A_475, %add3A_473 : f32
          %select_n3A_477 = arith.select %ge3A_474, %add3A_473, %mul3A_476 : f32
          %get3A_478 = arith.constant 2 : i32
          %get3A_479 = arith.index_cast %get3A_478 : i32 to index
          %get3A_480 = memref.load %arg32[%get3A_479] : memref<8xf32, #tpu.memory_space<smem>>
          %get3A_481 = arith.constant 3 : i32
          %get3A_482 = arith.index_cast %get3A_481 : i32 to index
          %get3A_483 = memref.load %arg32[%get3A_482] : memref<8xf32, #tpu.memory_space<smem>>
          %le3A = arith.cmpf ole, %select_n3A_477, %get3A_480 : f32
          %convert_element_type3A_484 = arith.extui %le3A : i1 to i32
          %cond3A_485 = arith.constant 0 : i32
          %cond3A_486 = arith.cmpi ne, %convert_element_type3A_484, %cond3A_485 : i32
          scf.if %cond3A_486 {
            %sub3A_490 = arith.subf %select_n3A_477, %get3A_480 : f32
            %broadcast_in_dim3A_491 = vector.broadcast %sub3A_490 : f32 to vector<16xf32>
            %exp3A = math.exp %broadcast_in_dim3A_491 : vector<16xf32>
            %reduce_max3A = arith.constant true
            %reduce_max3A_492 = vector.broadcast %reduce_max3A : i1 to vector<16xi1>
            %reduce_max3A_493 = tpu.scan <max>, %exp3A masked %reduce_max3A_492 : vector<16xf32>, vector<16xi1> -> vector<16xf32>
            %reduce_max3A_494 = vector.extract %reduce_max3A_493[15] : f32 from vector<16xf32>
            %add3A_495 = arith.addf %get3A_483, %reduce_max3A_494 : f32
            %swap3A_496 = arith.constant 3 : i32
            %swap3A_497 = arith.index_cast %swap3A_496 : i32 to index
            %swap3A_498 = memref.load %arg32[%swap3A_497] : memref<8xf32, #tpu.memory_space<smem>>
            memref.store %add3A_495, %arg32[%swap3A_497] : memref<8xf32, #tpu.memory_space<smem>>
            %get3A_499 = arith.constant 128 : index
            %get3A_500 = tpu.vector_load %arg23[%get3A_499] {strides = array<i32>} : memref<256xf32, #tpu.memory_space<vmem>>, vector<16xf32>,
            %get3A_501 = arith.index_cast %scan3A_408 : i32 to index
            %get3A_502 = arith.constant 0 : index
            %get3A_503 = tpu.vector_load %arg22[%get3A_501, %get3A_502] {strides = array<i32>} : memref<16x128xf32, #tpu.memory_space<vmem>>, vector<16xf32>,
            %mul3A_504 = vector.broadcast %reduce_max3A_494 : f32 to vector<16xf32>
            %mul3A_505 = arith.mulf %mul3A_504, %get3A_503 : vector<16xf32>
            %add3A_506 = arith.addf %get3A_500, %mul3A_505 : vector<16xf32>
            %swap3A_507 = arith.constant 128 : index
            %swap3A_508 = tpu.vector_load %arg23[%swap3A_507] {strides = array<i32>} : memref<256xf32, #tpu.memory_space<vmem>>, vector<16xf32>,
            tpu.vector_store %arg23[%swap3A_507], %add3A_506 {strides = array<i32>} : memref<256xf32, #tpu.memory_space<vmem>>, vector<16xf32>,
            %get3A_509 = arith.constant 144 : index
            %get3A_510 = tpu.vector_load %arg23[%get3A_509] {strides = array<i32>} : memref<256xf32, #tpu.memory_space<vmem>>, vector<16xf32>,
            %get3A_511 = arith.index_cast %scan3A_408 : i32 to index
            %get3A_512 = arith.constant 16 : index
            %get3A_513 = tpu.vector_load %arg22[%get3A_511, %get3A_512] {strides = array<i32>} : memref<16x128xf32, #tpu.memory_space<vmem>>, vector<16xf32>,
            %mul3A_514 = vector.broadcast %reduce_max3A_494 : f32 to vector<16xf32>
            %mul3A_515 = arith.mulf %mul3A_514, %get3A_513 : vector<16xf32>
            %add3A_516 = arith.addf %get3A_510, %mul3A_515 : vector<16xf32>
            %swap3A_517 = arith.constant 144 : index
            %swap3A_518 = tpu.vector_load %arg23[%swap3A_517] {strides = array<i32>} : memref<256xf32, #tpu.memory_space<vmem>>, vector<16xf32>,
            tpu.vector_store %arg23[%swap3A_517], %add3A_516 {strides = array<i32>} : memref<256xf32, #tpu.memory_space<vmem>>, vector<16xf32>,
            %get3A_519 = arith.constant 160 : index
            %get3A_520 = tpu.vector_load %arg23[%get3A_519] {strides = array<i32>} : memref<256xf32, #tpu.memory_space<vmem>>, vector<16xf32>,
            %get3A_521 = arith.index_cast %scan3A_408 : i32 to index
            %get3A_522 = arith.constant 32 : index
            %get3A_523 = tpu.vector_load %arg22[%get3A_521, %get3A_522] {strides = array<i32>} : memref<16x128xf32, #tpu.memory_space<vmem>>, vector<16xf32>,
            %mul3A_524 = vector.broadcast %reduce_max3A_494 : f32 to vector<16xf32>
            %mul3A_525 = arith.mulf %mul3A_524, %get3A_523 : vector<16xf32>
            %add3A_526 = arith.addf %get3A_520, %mul3A_525 : vector<16xf32>
            %swap3A_527 = arith.constant 160 : index
            %swap3A_528 = tpu.vector_load %arg23[%swap3A_527] {strides = array<i32>} : memref<256xf32, #tpu.memory_space<vmem>>, vector<16xf32>,
            tpu.vector_store %arg23[%swap3A_527], %add3A_526 {strides = array<i32>} : memref<256xf32, #tpu.memory_space<vmem>>, vector<16xf32>,
            %get3A_529 = arith.constant 176 : index
            %get3A_530 = tpu.vector_load %arg23[%get3A_529] {strides = array<i32>} : memref<256xf32, #tpu.memory_space<vmem>>, vector<16xf32>,
            %get3A_531 = arith.index_cast %scan3A_408 : i32 to index
            %get3A_532 = arith.constant 48 : index
            %get3A_533 = tpu.vector_load %arg22[%get3A_531, %get3A_532] {strides = array<i32>} : memref<16x128xf32, #tpu.memory_space<vmem>>, vector<16xf32>,
            %mul3A_534 = vector.broadcast %reduce_max3A_494 : f32 to vector<16xf32>
            %mul3A_535 = arith.mulf %mul3A_534, %get3A_533 : vector<16xf32>
            %add3A_536 = arith.addf %get3A_530, %mul3A_535 : vector<16xf32>
            %swap3A_537 = arith.constant 176 : index
            %swap3A_538 = tpu.vector_load %arg23[%swap3A_537] {strides = array<i32>} : memref<256xf32, #tpu.memory_space<vmem>>, vector<16xf32>,
            tpu.vector_store %arg23[%swap3A_537], %add3A_536 {strides = array<i32>} : memref<256xf32, #tpu.memory_space<vmem>>, vector<16xf32>,
            %get3A_539 = arith.constant 192 : index
            %get3A_540 = tpu.vector_load %arg23[%get3A_539] {strides = array<i32>} : memref<256xf32, #tpu.memory_space<vmem>>, vector<16xf32>,
            %get3A_541 = arith.index_cast %scan3A_408 : i32 to index
            %get3A_542 = arith.constant 64 : index
            %get3A_543 = tpu.vector_load %arg22[%get3A_541, %get3A_542] {strides = array<i32>} : memref<16x128xf32, #tpu.memory_space<vmem>>, vector<16xf32>,
            %mul3A_544 = vector.broadcast %reduce_max3A_494 : f32 to vector<16xf32>
            %mul3A_545 = arith.mulf %mul3A_544, %get3A_543 : vector<16xf32>
            %add3A_546 = arith.addf %get3A_540, %mul3A_545 : vector<16xf32>
            %swap3A_547 = arith.constant 192 : index
            %swap3A_548 = tpu.vector_load %arg23[%swap3A_547] {strides = array<i32>} : memref<256xf32, #tpu.memory_space<vmem>>, vector<16xf32>,
            tpu.vector_store %arg23[%swap3A_547], %add3A_546 {strides = array<i32>} : memref<256xf32, #tpu.memory_space<vmem>>, vector<16xf32>,
            %get3A_549 = arith.constant 208 : index
            %get3A_550 = tpu.vector_load %arg23[%get3A_549] {strides = array<i32>} : memref<256xf32, #tpu.memory_space<vmem>>, vector<16xf32>,
            %get3A_551 = arith.index_cast %scan3A_408 : i32 to index
            %get3A_552 = arith.constant 80 : index
            %get3A_553 = tpu.vector_load %arg22[%get3A_551, %get3A_552] {strides = array<i32>} : memref<16x128xf32, #tpu.memory_space<vmem>>, vector<16xf32>,
            %mul3A_554 = vector.broadcast %reduce_max3A_494 : f32 to vector<16xf32>
            %mul3A_555 = arith.mulf %mul3A_554, %get3A_553 : vector<16xf32>
            %add3A_556 = arith.addf %get3A_550, %mul3A_555 : vector<16xf32>
            %swap3A_557 = arith.constant 208 : index
            %swap3A_558 = tpu.vector_load %arg23[%swap3A_557] {strides = array<i32>} : memref<256xf32, #tpu.memory_space<vmem>>, vector<16xf32>,
            tpu.vector_store %arg23[%swap3A_557], %add3A_556 {strides = array<i32>} : memref<256xf32, #tpu.memory_space<vmem>>, vector<16xf32>,
            %get3A_559 = arith.constant 224 : index
            %get3A_560 = tpu.vector_load %arg23[%get3A_559] {strides = array<i32>} : memref<256xf32, #tpu.memory_space<vmem>>, vector<16xf32>,
            %get3A_561 = arith.index_cast %scan3A_408 : i32 to index
            %get3A_562 = arith.constant 96 : index
            %get3A_563 = tpu.vector_load %arg22[%get3A_561, %get3A_562] {strides = array<i32>} : memref<16x128xf32, #tpu.memory_space<vmem>>, vector<16xf32>,
            %mul3A_564 = vector.broadcast %reduce_max3A_494 : f32 to vector<16xf32>
            %mul3A_565 = arith.mulf %mul3A_564, %get3A_563 : vector<16xf32>
            %add3A_566 = arith.addf %get3A_560, %mul3A_565 : vector<16xf32>
            %swap3A_567 = arith.constant 224 : index
            %swap3A_568 = tpu.vector_load %arg23[%swap3A_567] {strides = array<i32>} : memref<256xf32, #tpu.memory_space<vmem>>, vector<16xf32>,
            tpu.vector_store %arg23[%swap3A_567], %add3A_566 {strides = array<i32>} : memref<256xf32, #tpu.memory_space<vmem>>, vector<16xf32>,
            %get3A_569 = arith.constant 240 : index
            %get3A_570 = tpu.vector_load %arg23[%get3A_569] {strides = array<i32>} : memref<256xf32, #tpu.memory_space<vmem>>, vector<16xf32>,
            %get3A_571 = arith.index_cast %scan3A_408 : i32 to index
            %get3A_572 = arith.constant 112 : index
            %get3A_573 = tpu.vector_load %arg22[%get3A_571, %get3A_572] {strides = array<i32>} : memref<16x128xf32, #tpu.memory_space<vmem>>, vector<16xf32>,
            %mul3A_574 = vector.broadcast %reduce_max3A_494 : f32 to vector<16xf32>
            %mul3A_575 = arith.mulf %mul3A_574, %get3A_573 : vector<16xf32>
            %add3A_576 = arith.addf %get3A_570, %mul3A_575 : vector<16xf32>
            %swap3A_577 = arith.constant 240 : index
            %swap3A_578 = tpu.vector_load %arg23[%swap3A_577] {strides = array<i32>} : memref<256xf32, #tpu.memory_space<vmem>>, vector<16xf32>,
            tpu.vector_store %arg23[%swap3A_577], %add3A_576 {strides = array<i32>} : memref<256xf32, #tpu.memory_space<vmem>>, vector<16xf32>,
          } else {
          }
          %gt3A = arith.cmpf ogt, %select_n3A_477, %get3A_480 : f32
          %convert_element_type3A_487 = arith.extui %gt3A : i1 to i32
          %cond3A_488 = arith.constant 0 : i32
          %cond3A_489 = arith.cmpi ne, %convert_element_type3A_487, %cond3A_488 : i32
          scf.if %cond3A_489 {
            %sub3A_490 = arith.subf %get3A_480, %select_n3A_477 : f32
            %broadcast_in_dim3A_491 = vector.broadcast %sub3A_490 : f32 to vector<16xf32>
            %exp3A = math.exp %broadcast_in_dim3A_491 : vector<16xf32>
            %reduce_max3A = arith.constant true
            %reduce_max3A_492 = vector.broadcast %reduce_max3A : i1 to vector<16xi1>
            %reduce_max3A_493 = tpu.scan <max>, %exp3A masked %reduce_max3A_492 : vector<16xf32>, vector<16xi1> -> vector<16xf32>
            %reduce_max3A_494 = vector.extract %reduce_max3A_493[15] : f32 from vector<16xf32>
            %swap3A_495 = arith.constant 2 : i32
            %swap3A_496 = arith.index_cast %swap3A_495 : i32 to index
            %swap3A_497 = memref.load %arg32[%swap3A_496] : memref<8xf32, #tpu.memory_space<smem>>
            memref.store %select_n3A_477, %arg32[%swap3A_496] : memref<8xf32, #tpu.memory_space<smem>>
            %mul3A_498 = arith.mulf %get3A_483, %reduce_max3A_494 : f32
            %add3A_499 = arith.constant 1.000000e+00 : f32
            %add3A_500 = arith.addf %mul3A_498, %add3A_499 : f32
            %swap3A_501 = arith.constant 3 : i32
            %swap3A_502 = arith.index_cast %swap3A_501 : i32 to index
            %swap3A_503 = memref.load %arg32[%swap3A_502] : memref<8xf32, #tpu.memory_space<smem>>
            memref.store %add3A_500, %arg32[%swap3A_502] : memref<8xf32, #tpu.memory_space<smem>>
            %get3A_504 = arith.constant 128 : index
            %get3A_505 = tpu.vector_load %arg23[%get3A_504] {strides = array<i32>} : memref<256xf32, #tpu.memory_space<vmem>>, vector<16xf32>,
            %mul3A_506 = vector.broadcast %reduce_max3A_494 : f32 to vector<16xf32>
            %mul3A_507 = arith.mulf %get3A_505, %mul3A_506 : vector<16xf32>
            %get3A_508 = arith.index_cast %scan3A_408 : i32 to index
            %get3A_509 = arith.constant 0 : index
            %get3A_510 = tpu.vector_load %arg22[%get3A_508, %get3A_509] {strides = array<i32>} : memref<16x128xf32, #tpu.memory_space<vmem>>, vector<16xf32>,
            %add3A_511 = arith.addf %mul3A_507, %get3A_510 : vector<16xf32>
            %swap3A_512 = arith.constant 128 : index
            %swap3A_513 = tpu.vector_load %arg23[%swap3A_512] {strides = array<i32>} : memref<256xf32, #tpu.memory_space<vmem>>, vector<16xf32>,
            tpu.vector_store %arg23[%swap3A_512], %add3A_511 {strides = array<i32>} : memref<256xf32, #tpu.memory_space<vmem>>, vector<16xf32>,
            %get3A_514 = arith.constant 144 : index
            %get3A_515 = tpu.vector_load %arg23[%get3A_514] {strides = array<i32>} : memref<256xf32, #tpu.memory_space<vmem>>, vector<16xf32>,
            %mul3A_516 = vector.broadcast %reduce_max3A_494 : f32 to vector<16xf32>
            %mul3A_517 = arith.mulf %get3A_515, %mul3A_516 : vector<16xf32>
            %get3A_518 = arith.index_cast %scan3A_408 : i32 to index
            %get3A_519 = arith.constant 16 : index
            %get3A_520 = tpu.vector_load %arg22[%get3A_518, %get3A_519] {strides = array<i32>} : memref<16x128xf32, #tpu.memory_space<vmem>>, vector<16xf32>,
            %add3A_521 = arith.addf %mul3A_517, %get3A_520 : vector<16xf32>
            %swap3A_522 = arith.constant 144 : index
            %swap3A_523 = tpu.vector_load %arg23[%swap3A_522] {strides = array<i32>} : memref<256xf32, #tpu.memory_space<vmem>>, vector<16xf32>,
            tpu.vector_store %arg23[%swap3A_522], %add3A_521 {strides = array<i32>} : memref<256xf32, #tpu.memory_space<vmem>>, vector<16xf32>,
            %get3A_524 = arith.constant 160 : index
            %get3A_525 = tpu.vector_load %arg23[%get3A_524] {strides = array<i32>} : memref<256xf32, #tpu.memory_space<vmem>>, vector<16xf32>,
            %mul3A_526 = vector.broadcast %reduce_max3A_494 : f32 to vector<16xf32>
            %mul3A_527 = arith.mulf %get3A_525, %mul3A_526 : vector<16xf32>
            %get3A_528 = arith.index_cast %scan3A_408 : i32 to index
            %get3A_529 = arith.constant 32 : index
            %get3A_530 = tpu.vector_load %arg22[%get3A_528, %get3A_529] {strides = array<i32>} : memref<16x128xf32, #tpu.memory_space<vmem>>, vector<16xf32>,
            %add3A_531 = arith.addf %mul3A_527, %get3A_530 : vector<16xf32>
            %swap3A_532 = arith.constant 160 : index
            %swap3A_533 = tpu.vector_load %arg23[%swap3A_532] {strides = array<i32>} : memref<256xf32, #tpu.memory_space<vmem>>, vector<16xf32>,
            tpu.vector_store %arg23[%swap3A_532], %add3A_531 {strides = array<i32>} : memref<256xf32, #tpu.memory_space<vmem>>, vector<16xf32>,
            %get3A_534 = arith.constant 176 : index
            %get3A_535 = tpu.vector_load %arg23[%get3A_534] {strides = array<i32>} : memref<256xf32, #tpu.memory_space<vmem>>, vector<16xf32>,
            %mul3A_536 = vector.broadcast %reduce_max3A_494 : f32 to vector<16xf32>
            %mul3A_537 = arith.mulf %get3A_535, %mul3A_536 : vector<16xf32>
            %get3A_538 = arith.index_cast %scan3A_408 : i32 to index
            %get3A_539 = arith.constant 48 : index
            %get3A_540 = tpu.vector_load %arg22[%get3A_538, %get3A_539] {strides = array<i32>} : memref<16x128xf32, #tpu.memory_space<vmem>>, vector<16xf32>,
            %add3A_541 = arith.addf %mul3A_537, %get3A_540 : vector<16xf32>
            %swap3A_542 = arith.constant 176 : index
            %swap3A_543 = tpu.vector_load %arg23[%swap3A_542] {strides = array<i32>} : memref<256xf32, #tpu.memory_space<vmem>>, vector<16xf32>,
            tpu.vector_store %arg23[%swap3A_542], %add3A_541 {strides = array<i32>} : memref<256xf32, #tpu.memory_space<vmem>>, vector<16xf32>,
            %get3A_544 = arith.constant 192 : index
            %get3A_545 = tpu.vector_load %arg23[%get3A_544] {strides = array<i32>} : memref<256xf32, #tpu.memory_space<vmem>>, vector<16xf32>,
            %mul3A_546 = vector.broadcast %reduce_max3A_494 : f32 to vector<16xf32>
            %mul3A_547 = arith.mulf %get3A_545, %mul3A_546 : vector<16xf32>
            %get3A_548 = arith.index_cast %scan3A_408 : i32 to index
            %get3A_549 = arith.constant 64 : index
            %get3A_550 = tpu.vector_load %arg22[%get3A_548, %get3A_549] {strides = array<i32>} : memref<16x128xf32, #tpu.memory_space<vmem>>, vector<16xf32>,
            %add3A_551 = arith.addf %mul3A_547, %get3A_550 : vector<16xf32>
            %swap3A_552 = arith.constant 192 : index
            %swap3A_553 = tpu.vector_load %arg23[%swap3A_552] {strides = array<i32>} : memref<256xf32, #tpu.memory_space<vmem>>, vector<16xf32>,
            tpu.vector_store %arg23[%swap3A_552], %add3A_551 {strides = array<i32>} : memref<256xf32, #tpu.memory_space<vmem>>, vector<16xf32>,
            %get3A_554 = arith.constant 208 : index
            %get3A_555 = tpu.vector_load %arg23[%get3A_554] {strides = array<i32>} : memref<256xf32, #tpu.memory_space<vmem>>, vector<16xf32>,
            %mul3A_556 = vector.broadcast %reduce_max3A_494 : f32 to vector<16xf32>
            %mul3A_557 = arith.mulf %get3A_555, %mul3A_556 : vector<16xf32>
            %get3A_558 = arith.index_cast %scan3A_408 : i32 to index
            %get3A_559 = arith.constant 80 : index
            %get3A_560 = tpu.vector_load %arg22[%get3A_558, %get3A_559] {strides = array<i32>} : memref<16x128xf32, #tpu.memory_space<vmem>>, vector<16xf32>,
            %add3A_561 = arith.addf %mul3A_557, %get3A_560 : vector<16xf32>
            %swap3A_562 = arith.constant 208 : index
            %swap3A_563 = tpu.vector_load %arg23[%swap3A_562] {strides = array<i32>} : memref<256xf32, #tpu.memory_space<vmem>>, vector<16xf32>,
            tpu.vector_store %arg23[%swap3A_562], %add3A_561 {strides = array<i32>} : memref<256xf32, #tpu.memory_space<vmem>>, vector<16xf32>,
            %get3A_564 = arith.constant 224 : index
            %get3A_565 = tpu.vector_load %arg23[%get3A_564] {strides = array<i32>} : memref<256xf32, #tpu.memory_space<vmem>>, vector<16xf32>,
            %mul3A_566 = vector.broadcast %reduce_max3A_494 : f32 to vector<16xf32>
            %mul3A_567 = arith.mulf %get3A_565, %mul3A_566 : vector<16xf32>
            %get3A_568 = arith.index_cast %scan3A_408 : i32 to index
            %get3A_569 = arith.constant 96 : index
            %get3A_570 = tpu.vector_load %arg22[%get3A_568, %get3A_569] {strides = array<i32>} : memref<16x128xf32, #tpu.memory_space<vmem>>, vector<16xf32>,
            %add3A_571 = arith.addf %mul3A_567, %get3A_570 : vector<16xf32>
            %swap3A_572 = arith.constant 224 : index
            %swap3A_573 = tpu.vector_load %arg23[%swap3A_572] {strides = array<i32>} : memref<256xf32, #tpu.memory_space<vmem>>, vector<16xf32>,
            tpu.vector_store %arg23[%swap3A_572], %add3A_571 {strides = array<i32>} : memref<256xf32, #tpu.memory_space<vmem>>, vector<16xf32>,
            %get3A_574 = arith.constant 240 : index
            %get3A_575 = tpu.vector_load %arg23[%get3A_574] {strides = array<i32>} : memref<256xf32, #tpu.memory_space<vmem>>, vector<16xf32>,
            %mul3A_576 = vector.broadcast %reduce_max3A_494 : f32 to vector<16xf32>
            %mul3A_577 = arith.mulf %get3A_575, %mul3A_576 : vector<16xf32>
            %get3A_578 = arith.index_cast %scan3A_408 : i32 to index
            %get3A_579 = arith.constant 112 : index
            %get3A_580 = tpu.vector_load %arg22[%get3A_578, %get3A_579] {strides = array<i32>} : memref<16x128xf32, #tpu.memory_space<vmem>>, vector<16xf32>,
            %add3A_581 = arith.addf %mul3A_577, %get3A_580 : vector<16xf32>
            %swap3A_582 = arith.constant 240 : index
            %swap3A_583 = tpu.vector_load %arg23[%swap3A_582] {strides = array<i32>} : memref<256xf32, #tpu.memory_space<vmem>>, vector<16xf32>,
            tpu.vector_store %arg23[%swap3A_582], %add3A_581 {strides = array<i32>} : memref<256xf32, #tpu.memory_space<vmem>>, vector<16xf32>,
          } else {
          }
        } else {
        }
      }
      %scan3A_407 = arith.constant 16 : i32
    }
    %broadcast_in_dim3A_326 = arith.constant 0.000000e+00 : f32
    %broadcast_in_dim3A_327 = vector.broadcast %broadcast_in_dim3A_326 : f32 to vector<16xf32>
    %eq3A_328 = arith.constant 0 : i32
    %eq3A_329 = vector.broadcast %eq3A_328 : i32 to vector<16xi32>
    %eq3A_330 = arith.cmpi eq, %iota3A, %eq3A_329 : vector<16xi32>
    %get3A_331 = arith.constant 0 : i32
    %get3A_332 = arith.index_cast %get3A_331 : i32 to index
    %get3A_333 = memref.load %arg32[%get3A_332] : memref<8xf32, #tpu.memory_space<smem>>
    %broadcast_in_dim3A_334 = vector.broadcast %get3A_333 : f32 to vector<16xf32>
    %select_n3A_335 = arith.select %eq3A_330, %broadcast_in_dim3A_334, %broadcast_in_dim3A_327 : vector<16xi1>, vector<16xf32>
    %eq3A_336 = arith.constant 1 : i32
    %eq3A_337 = vector.broadcast %eq3A_336 : i32 to vector<16xi32>
    %eq3A_338 = arith.cmpi eq, %iota3A, %eq3A_337 : vector<16xi32>
    %get3A_339 = arith.constant 1 : i32
    %get3A_340 = arith.index_cast %get3A_339 : i32 to index
    %get3A_341 = memref.load %arg32[%get3A_340] : memref<8xf32, #tpu.memory_space<smem>>
    %broadcast_in_dim3A_342 = vector.broadcast %get3A_341 : f32 to vector<16xf32>
    %select_n3A_343 = arith.select %eq3A_338, %broadcast_in_dim3A_342, %select_n3A_335 : vector<16xi1>, vector<16xf32>
    %eq3A_344 = arith.constant 2 : i32
    %eq3A_345 = vector.broadcast %eq3A_344 : i32 to vector<16xi32>
    %eq3A_346 = arith.cmpi eq, %iota3A, %eq3A_345 : vector<16xi32>
    %get3A_347 = arith.constant 2 : i32
    %get3A_348 = arith.index_cast %get3A_347 : i32 to index
    %get3A_349 = memref.load %arg32[%get3A_348] : memref<8xf32, #tpu.memory_space<smem>>
    %broadcast_in_dim3A_350 = vector.broadcast %get3A_349 : f32 to vector<16xf32>
    %select_n3A_351 = arith.select %eq3A_346, %broadcast_in_dim3A_350, %select_n3A_343 : vector<16xi1>, vector<16xf32>
    %eq3A_352 = arith.constant 3 : i32
    %eq3A_353 = vector.broadcast %eq3A_352 : i32 to vector<16xi32>
    %eq3A_354 = arith.cmpi eq, %iota3A, %eq3A_353 : vector<16xi32>
    %get3A_355 = arith.constant 3 : i32
    %get3A_356 = arith.index_cast %get3A_355 : i32 to index
    %get3A_357 = memref.load %arg32[%get3A_356] : memref<8xf32, #tpu.memory_space<smem>>
    %broadcast_in_dim3A_358 = vector.broadcast %get3A_357 : f32 to vector<16xf32>
    %select_n3A_359 = arith.select %eq3A_354, %broadcast_in_dim3A_358, %select_n3A_351 : vector<16xi1>, vector<16xf32>
    %swap3A_360 = arith.constant 0 : index
    %swap3A_361 = tpu.vector_load %arg24[%swap3A_360] {strides = array<i32>} : memref<16xf32, #tpu.memory_space<vmem>>, vector<16xf32>,
    tpu.vector_store %arg24[%swap3A_360], %select_n3A_359 {strides = array<i32>} : memref<16xf32, #tpu.memory_space<vmem>>, vector<16xf32>,
    %mul3A_362 = arith.constant 272 : i32
    %mul3A_363 = arith.muli %arg1, %mul3A_362 : i32
    "tpu.region"() ({
      %run_scoped3A = tpu.sem_alloc : memref<!tpu.dma_semaphore, #tpu.memory_space<semaphore_mem>>
      %dma_start3A_382 = tpu.memref_slice %arg12[%mul3A_363] : memref<4352xf32, #tpu.memory_space<hbm>> -> memref<16xf32, #tpu.memory_space<hbm>>
      %dma_start3A_383 = tpu.memref_slice %arg12[%mul3A_363] : memref<4352xf32, #tpu.memory_space<hbm>> -> memref<16xf32, #tpu.memory_space<hbm>>
      tpu.enqueue_dma source(%arg24 : memref<16xf32, #tpu.memory_space<vmem>>) target(%dma_start3A_383 : memref<16xf32, #tpu.memory_space<hbm>>) target_semaphore(%run_scoped3A : memref<!tpu.dma_semaphore, #tpu.memory_space<semaphore_mem>>)
      %dma_wait3A_384 = tpu.memref_slice %arg12[%mul3A_363] : memref<4352xf32, #tpu.memory_space<hbm>> -> memref<16xf32, #tpu.memory_space<hbm>>
      %dma_wait3A_385 = tpu.memref_slice %arg12[%mul3A_363] : memref<4352xf32, #tpu.memory_space<hbm>> -> memref<16xf32, #tpu.memory_space<hbm>>
      tpu.wait_dma2 semaphore(%run_scoped3A : memref<!tpu.dma_semaphore, #tpu.memory_space<semaphore_mem>>) src(%arg24 : memref<16xf32, #tpu.memory_space<vmem>>) dst(%dma_wait3A_385 : memref<16xf32, #tpu.memory_space<hbm>>)
      tpu.yield
    }) : () -> ()
    %mul3A_364 = arith.constant 272 : i32
    %mul3A_365 = arith.muli %arg1, %mul3A_364 : i32
    %add3A_366 = arith.constant 16 : i32
    %add3A_367 = arith.addi %mul3A_365, %add3A_366 : i32
    "tpu.region"() ({
      %run_scoped3A = tpu.sem_alloc : memref<!tpu.dma_semaphore, #tpu.memory_space<semaphore_mem>>
      %dma_start3A_382 = tpu.memref_slice %arg12[%add3A_367] : memref<4352xf32, #tpu.memory_space<hbm>> -> memref<256xf32, #tpu.memory_space<hbm>>
      %dma_start3A_383 = tpu.memref_slice %arg12[%add3A_367] : memref<4352xf32, #tpu.memory_space<hbm>> -> memref<256xf32, #tpu.memory_space<hbm>>
      tpu.enqueue_dma source(%arg23 : memref<256xf32, #tpu.memory_space<vmem>>) target(%dma_start3A_383 : memref<256xf32, #tpu.memory_space<hbm>>) target_semaphore(%run_scoped3A : memref<!tpu.dma_semaphore, #tpu.memory_space<semaphore_mem>>)
      %dma_wait3A_384 = tpu.memref_slice %arg12[%add3A_367] : memref<4352xf32, #tpu.memory_space<hbm>> -> memref<256xf32, #tpu.memory_space<hbm>>
      %dma_wait3A_385 = tpu.memref_slice %arg12[%add3A_367] : memref<4352xf32, #tpu.memory_space<hbm>> -> memref<256xf32, #tpu.memory_space<hbm>>
      tpu.wait_dma2 semaphore(%run_scoped3A : memref<!tpu.dma_semaphore, #tpu.memory_space<semaphore_mem>>) src(%arg23 : memref<256xf32, #tpu.memory_space<vmem>>) dst(%dma_wait3A_385 : memref<256xf32, #tpu.memory_space<hbm>>)
      tpu.yield
    }) : () -> ()
    %barrier3A = arith.constant 0 : index
    tpu.barrier barrier_id(%barrier3A)
    %lt3A = arith.constant 2 : i32
    %lt3A_368 = arith.cmpi slt, %arg1, %lt3A : i32
    %convert_element_type3A_369 = arith.extui %lt3A_368 : i1 to i32
    %cond3A_370 = arith.constant 0 : i32
    %cond3A_371 = arith.cmpi ne, %convert_element_type3A_369, %cond3A_370 : i32
    scf.if %cond3A_371 {
      tpu.wait_dma2 semaphore(%arg35 : memref<!tpu.dma_semaphore, #tpu.memory_space<semaphore_mem>>) src(%arg7 : memref<16384xf32, #tpu.memory_space<hbm>>) dst(%arg27 : memref<16384xf32, #tpu.memory_space<vmem>>)
      tpu.wait_dma2 semaphore(%arg35 : memref<!tpu.dma_semaphore, #tpu.memory_space<semaphore_mem>>) src(%arg9 : memref<128xf32, #tpu.memory_space<hbm>>) dst(%arg28 : memref<128xf32, #tpu.memory_space<vmem>>)
      "tpu.region"() ({
        %run_scoped3A = tpu.sem_alloc : memref<!tpu.dma_semaphore, #tpu.memory_space<semaphore_mem>>
        tpu.enqueue_dma source(%arg12 : memref<4352xf32, #tpu.memory_space<hbm>>) target(%arg29 : memref<4352xf32, #tpu.memory_space<vmem>>) target_semaphore(%run_scoped3A : memref<!tpu.dma_semaphore, #tpu.memory_space<semaphore_mem>>)
        tpu.wait_dma2 semaphore(%run_scoped3A : memref<!tpu.dma_semaphore, #tpu.memory_space<semaphore_mem>>) src(%arg12 : memref<4352xf32, #tpu.memory_space<hbm>>) dst(%arg29 : memref<4352xf32, #tpu.memory_space<vmem>>)
        tpu.yield
      }) : () -> ()
      %mul3A_382 = arith.constant 128 : i32
      %mul3A_383 = arith.muli %arg1, %mul3A_382 : i32
      %add3A_384 = arith.constant 16 : i32
      %add3A_385 = arith.addi %add3A_384, %mul3A_383 : i32
      %get3A_386 = arith.constant 0 : index
      %get3A_387 = tpu.vector_load %arg29[%get3A_386] {strides = array<i32>} : memref<4352xf32, #tpu.memory_space<vmem>>, vector<16xf32>,
      %eq3A_388 = arith.constant 0 : i32
      %eq3A_389 = arith.cmpi eq, %arg1, %eq3A_388 : i32
      %slice3A_390 = vector.extract_strided_slice %get3A_387 {offsets = [0], sizes = [1], strides = [1]} : vector<16xf32> to vector<1xf32>
      %squeeze3A_391 = vector.extract %slice3A_390[0] : f32 from vector<1xf32>
      %slice3A_392 = vector.extract_strided_slice %get3A_387 {offsets = [2], sizes = [1], strides = [1]} : vector<16xf32> to vector<1xf32>
      %squeeze3A_393 = vector.extract %slice3A_392[0] : f32 from vector<1xf32>
      %select_n3A_394 = arith.select %eq3A_389, %squeeze3A_391, %squeeze3A_393 : f32
      %eq3A_395 = arith.constant 0 : i32
      %eq3A_396 = arith.cmpi eq, %arg1, %eq3A_395 : i32
      %slice3A_397 = vector.extract_strided_slice %get3A_387 {offsets = [1], sizes = [1], strides = [1]} : vector<16xf32> to vector<1xf32>
      %squeeze3A_398 = vector.extract %slice3A_397[0] : f32 from vector<1xf32>
      %slice3A_399 = vector.extract_strided_slice %get3A_387 {offsets = [3], sizes = [1], strides = [1]} : vector<16xf32> to vector<1xf32>
      %squeeze3A_400 = vector.extract %slice3A_399[0] : f32 from vector<1xf32>
      %select_n3A_401 = arith.select %eq3A_396, %squeeze3A_398, %squeeze3A_400 : f32
      %get3A_402 = arith.constant 272 : index
      %get3A_403 = tpu.vector_load %arg29[%get3A_402] {strides = array<i32>} : memref<4352xf32, #tpu.memory_space<vmem>>, vector<16xf32>,
      %eq3A_404 = arith.constant 0 : i32
      %eq3A_405 = arith.cmpi eq, %arg1, %eq3A_404 : i32
      %slice3A_406 = vector.extract_strided_slice %get3A_403 {offsets = [0], sizes = [1], strides = [1]} : vector<16xf32> to vector<1xf32>
      %squeeze3A_407 = vector.extract %slice3A_406[0] : f32 from vector<1xf32>
      %slice3A_408 = vector.extract_strided_slice %get3A_403 {offsets = [2], sizes = [1], strides = [1]} : vector<16xf32> to vector<1xf32>
      %squeeze3A_409 = vector.extract %slice3A_408[0] : f32 from vector<1xf32>
      %select_n3A_410 = arith.select %eq3A_405, %squeeze3A_407, %squeeze3A_409 : f32
      %eq3A_411 = arith.constant 0 : i32
      %eq3A_412 = arith.cmpi eq, %arg1, %eq3A_411 : i32
      %slice3A_413 = vector.extract_strided_slice %get3A_403 {offsets = [1], sizes = [1], strides = [1]} : vector<16xf32> to vector<1xf32>
      %squeeze3A_414 = vector.extract %slice3A_413[0] : f32 from vector<1xf32>
      %slice3A_415 = vector.extract_strided_slice %get3A_403 {offsets = [3], sizes = [1], strides = [1]} : vector<16xf32> to vector<1xf32>
      %squeeze3A_416 = vector.extract %slice3A_415[0] : f32 from vector<1xf32>
      %select_n3A_417 = arith.select %eq3A_412, %squeeze3A_414, %squeeze3A_416 : f32
      %get3A_418 = arith.constant 544 : index
      %get3A_419 = tpu.vector_load %arg29[%get3A_418] {strides = array<i32>} : memref<4352xf32, #tpu.memory_space<vmem>>, vector<16xf32>,
      %eq3A_420 = arith.constant 0 : i32
      %eq3A_421 = arith.cmpi eq, %arg1, %eq3A_420 : i32
      %slice3A_422 = vector.extract_strided_slice %get3A_419 {offsets = [0], sizes = [1], strides = [1]} : vector<16xf32> to vector<1xf32>
      %squeeze3A_423 = vector.extract %slice3A_422[0] : f32 from vector<1xf32>
      %slice3A_424 = vector.extract_strided_slice %get3A_419 {offsets = [2], sizes = [1], strides = [1]} : vector<16xf32> to vector<1xf32>
      %squeeze3A_425 = vector.extract %slice3A_424[0] : f32 from vector<1xf32>
      %select_n3A_426 = arith.select %eq3A_421, %squeeze3A_423, %squeeze3A_425 : f32
      %eq3A_427 = arith.constant 0 : i32
      %eq3A_428 = arith.cmpi eq, %arg1, %eq3A_427 : i32
      %slice3A_429 = vector.extract_strided_slice %get3A_419 {offsets = [1], sizes = [1], strides = [1]} : vector<16xf32> to vector<1xf32>
      %squeeze3A_430 = vector.extract %slice3A_429[0] : f32 from vector<1xf32>
      %slice3A_431 = vector.extract_strided_slice %get3A_419 {offsets = [3], sizes = [1], strides = [1]} : vector<16xf32> to vector<1xf32>
      %squeeze3A_432 = vector.extract %slice3A_431[0] : f32 from vector<1xf32>
      %select_n3A_433 = arith.select %eq3A_428, %squeeze3A_430, %squeeze3A_432 : f32
      %get3A_434 = arith.constant 816 : index
      %get3A_435 = tpu.vector_load %arg29[%get3A_434] {strides = array<i32>} : memref<4352xf32, #tpu.memory_space<vmem>>, vector<16xf32>,
      %eq3A_436 = arith.constant 0 : i32
      %eq3A_437 = arith.cmpi eq, %arg1, %eq3A_436 : i32
      %slice3A_438 = vector.extract_strided_slice %get3A_435 {offsets = [0], sizes = [1], strides = [1]} : vector<16xf32> to vector<1xf32>
      %squeeze3A_439 = vector.extract %slice3A_438[0] : f32 from vector<1xf32>
      %slice3A_440 = vector.extract_strided_slice %get3A_435 {offsets = [2], sizes = [1], strides = [1]} : vector<16xf32> to vector<1xf32>
      %squeeze3A_441 = vector.extract %slice3A_440[0] : f32 from vector<1xf32>
      %select_n3A_442 = arith.select %eq3A_437, %squeeze3A_439, %squeeze3A_441 : f32
      %eq3A_443 = arith.constant 0 : i32
      %eq3A_444 = arith.cmpi eq, %arg1, %eq3A_443 : i32
      %slice3A_445 = vector.extract_strided_slice %get3A_435 {offsets = [1], sizes = [1], strides = [1]} : vector<16xf32> to vector<1xf32>
      %squeeze3A_446 = vector.extract %slice3A_445[0] : f32 from vector<1xf32>
      %slice3A_447 = vector.extract_strided_slice %get3A_435 {offsets = [3], sizes = [1], strides = [1]} : vector<16xf32> to vector<1xf32>
      %squeeze3A_448 = vector.extract %slice3A_447[0] : f32 from vector<1xf32>
      %select_n3A_449 = arith.select %eq3A_444, %squeeze3A_446, %squeeze3A_448 : f32
      %get3A_450 = arith.constant 1088 : index
      %get3A_451 = tpu.vector_load %arg29[%get3A_450] {strides = array<i32>} : memref<4352xf32, #tpu.memory_space<vmem>>, vector<16xf32>,
      %eq3A_452 = arith.constant 0 : i32
      %eq3A_453 = arith.cmpi eq, %arg1, %eq3A_452 : i32
      %slice3A_454 = vector.extract_strided_slice %get3A_451 {offsets = [0], sizes = [1], strides = [1]} : vector<16xf32> to vector<1xf32>
      %squeeze3A_455 = vector.extract %slice3A_454[0] : f32 from vector<1xf32>
      %slice3A_456 = vector.extract_strided_slice %get3A_451 {offsets = [2], sizes = [1], strides = [1]} : vector<16xf32> to vector<1xf32>
      %squeeze3A_457 = vector.extract %slice3A_456[0] : f32 from vector<1xf32>
      %select_n3A_458 = arith.select %eq3A_453, %squeeze3A_455, %squeeze3A_457 : f32
      %eq3A_459 = arith.constant 0 : i32
      %eq3A_460 = arith.cmpi eq, %arg1, %eq3A_459 : i32
      %slice3A_461 = vector.extract_strided_slice %get3A_451 {offsets = [1], sizes = [1], strides = [1]} : vector<16xf32> to vector<1xf32>
      %squeeze3A_462 = vector.extract %slice3A_461[0] : f32 from vector<1xf32>
      %slice3A_463 = vector.extract_strided_slice %get3A_451 {offsets = [3], sizes = [1], strides = [1]} : vector<16xf32> to vector<1xf32>
      %squeeze3A_464 = vector.extract %slice3A_463[0] : f32 from vector<1xf32>
      %select_n3A_465 = arith.select %eq3A_460, %squeeze3A_462, %squeeze3A_464 : f32
      %get3A_466 = arith.constant 1360 : index
      %get3A_467 = tpu.vector_load %arg29[%get3A_466] {strides = array<i32>} : memref<4352xf32, #tpu.memory_space<vmem>>, vector<16xf32>,
      %eq3A_468 = arith.constant 0 : i32
      %eq3A_469 = arith.cmpi eq, %arg1, %eq3A_468 : i32
      %slice3A_470 = vector.extract_strided_slice %get3A_467 {offsets = [0], sizes = [1], strides = [1]} : vector<16xf32> to vector<1xf32>
      %squeeze3A_471 = vector.extract %slice3A_470[0] : f32 from vector<1xf32>
      %slice3A_472 = vector.extract_strided_slice %get3A_467 {offsets = [2], sizes = [1], strides = [1]} : vector<16xf32> to vector<1xf32>
      %squeeze3A_473 = vector.extract %slice3A_472[0] : f32 from vector<1xf32>
      %select_n3A_474 = arith.select %eq3A_469, %squeeze3A_471, %squeeze3A_473 : f32
      %eq3A_475 = arith.constant 0 : i32
      %eq3A_476 = arith.cmpi eq, %arg1, %eq3A_475 : i32
      %slice3A_477 = vector.extract_strided_slice %get3A_467 {offsets = [1], sizes = [1], strides = [1]} : vector<16xf32> to vector<1xf32>
      %squeeze3A_478 = vector.extract %slice3A_477[0] : f32 from vector<1xf32>
      %slice3A_479 = vector.extract_strided_slice %get3A_467 {offsets = [3], sizes = [1], strides = [1]} : vector<16xf32> to vector<1xf32>
      %squeeze3A_480 = vector.extract %slice3A_479[0] : f32 from vector<1xf32>
      %select_n3A_481 = arith.select %eq3A_476, %squeeze3A_478, %squeeze3A_480 : f32
      %get3A_482 = arith.constant 1632 : index
      %get3A_483 = tpu.vector_load %arg29[%get3A_482] {strides = array<i32>} : memref<4352xf32, #tpu.memory_space<vmem>>, vector<16xf32>,
      %eq3A_484 = arith.constant 0 : i32
      %eq3A_485 = arith.cmpi eq, %arg1, %eq3A_484 : i32
      %slice3A_486 = vector.extract_strided_slice %get3A_483 {offsets = [0], sizes = [1], strides = [1]} : vector<16xf32> to vector<1xf32>
      %squeeze3A_487 = vector.extract %slice3A_486[0] : f32 from vector<1xf32>
      %slice3A_488 = vector.extract_strided_slice %get3A_483 {offsets = [2], sizes = [1], strides = [1]} : vector<16xf32> to vector<1xf32>
      %squeeze3A_489 = vector.extract %slice3A_488[0] : f32 from vector<1xf32>
      %select_n3A_490 = arith.select %eq3A_485, %squeeze3A_487, %squeeze3A_489 : f32
      %eq3A_491 = arith.constant 0 : i32
      %eq3A_492 = arith.cmpi eq, %arg1, %eq3A_491 : i32
      %slice3A_493 = vector.extract_strided_slice %get3A_483 {offsets = [1], sizes = [1], strides = [1]} : vector<16xf32> to vector<1xf32>
      %squeeze3A_494 = vector.extract %slice3A_493[0] : f32 from vector<1xf32>
      %slice3A_495 = vector.extract_strided_slice %get3A_483 {offsets = [3], sizes = [1], strides = [1]} : vector<16xf32> to vector<1xf32>
      %squeeze3A_496 = vector.extract %slice3A_495[0] : f32 from vector<1xf32>
      %select_n3A_497 = arith.select %eq3A_492, %squeeze3A_494, %squeeze3A_496 : f32
      %get3A_498 = arith.constant 1904 : index
      %get3A_499 = tpu.vector_load %arg29[%get3A_498] {strides = array<i32>} : memref<4352xf32, #tpu.memory_space<vmem>>, vector<16xf32>,
      %eq3A_500 = arith.constant 0 : i32
      %eq3A_501 = arith.cmpi eq, %arg1, %eq3A_500 : i32
      %slice3A_502 = vector.extract_strided_slice %get3A_499 {offsets = [0], sizes = [1], strides = [1]} : vector<16xf32> to vector<1xf32>
      %squeeze3A_503 = vector.extract %slice3A_502[0] : f32 from vector<1xf32>
      %slice3A_504 = vector.extract_strided_slice %get3A_499 {offsets = [2], sizes = [1], strides = [1]} : vector<16xf32> to vector<1xf32>
      %squeeze3A_505 = vector.extract %slice3A_504[0] : f32 from vector<1xf32>
      %select_n3A_506 = arith.select %eq3A_501, %squeeze3A_503, %squeeze3A_505 : f32
      %eq3A_507 = arith.constant 0 : i32
      %eq3A_508 = arith.cmpi eq, %arg1, %eq3A_507 : i32
      %slice3A_509 = vector.extract_strided_slice %get3A_499 {offsets = [1], sizes = [1], strides = [1]} : vector<16xf32> to vector<1xf32>
      %squeeze3A_510 = vector.extract %slice3A_509[0] : f32 from vector<1xf32>
      %slice3A_511 = vector.extract_strided_slice %get3A_499 {offsets = [3], sizes = [1], strides = [1]} : vector<16xf32> to vector<1xf32>
      %squeeze3A_512 = vector.extract %slice3A_511[0] : f32 from vector<1xf32>
      %select_n3A_513 = arith.select %eq3A_508, %squeeze3A_510, %squeeze3A_512 : f32
      %get3A_514 = arith.constant 2176 : index
      %get3A_515 = tpu.vector_load %arg29[%get3A_514] {strides = array<i32>} : memref<4352xf32, #tpu.memory_space<vmem>>, vector<16xf32>,
      %eq3A_516 = arith.constant 0 : i32
      %eq3A_517 = arith.cmpi eq, %arg1, %eq3A_516 : i32
      %slice3A_518 = vector.extract_strided_slice %get3A_515 {offsets = [0], sizes = [1], strides = [1]} : vector<16xf32> to vector<1xf32>
      %squeeze3A_519 = vector.extract %slice3A_518[0] : f32 from vector<1xf32>
      %slice3A_520 = vector.extract_strided_slice %get3A_515 {offsets = [2], sizes = [1], strides = [1]} : vector<16xf32> to vector<1xf32>
      %squeeze3A_521 = vector.extract %slice3A_520[0] : f32 from vector<1xf32>
      %select_n3A_522 = arith.select %eq3A_517, %squeeze3A_519, %squeeze3A_521 : f32
      %eq3A_523 = arith.constant 0 : i32
      %eq3A_524 = arith.cmpi eq, %arg1, %eq3A_523 : i32
      %slice3A_525 = vector.extract_strided_slice %get3A_515 {offsets = [1], sizes = [1], strides = [1]} : vector<16xf32> to vector<1xf32>
      %squeeze3A_526 = vector.extract %slice3A_525[0] : f32 from vector<1xf32>
      %slice3A_527 = vector.extract_strided_slice %get3A_515 {offsets = [3], sizes = [1], strides = [1]} : vector<16xf32> to vector<1xf32>
      %squeeze3A_528 = vector.extract %slice3A_527[0] : f32 from vector<1xf32>
      %select_n3A_529 = arith.select %eq3A_524, %squeeze3A_526, %squeeze3A_528 : f32
      %get3A_530 = arith.constant 2448 : index
      %get3A_531 = tpu.vector_load %arg29[%get3A_530] {strides = array<i32>} : memref<4352xf32, #tpu.memory_space<vmem>>, vector<16xf32>,
      %eq3A_532 = arith.constant 0 : i32
      %eq3A_533 = arith.cmpi eq, %arg1, %eq3A_532 : i32
      %slice3A_534 = vector.extract_strided_slice %get3A_531 {offsets = [0], sizes = [1], strides = [1]} : vector<16xf32> to vector<1xf32>
      %squeeze3A_535 = vector.extract %slice3A_534[0] : f32 from vector<1xf32>
      %slice3A_536 = vector.extract_strided_slice %get3A_531 {offsets = [2], sizes = [1], strides = [1]} : vector<16xf32> to vector<1xf32>
      %squeeze3A_537 = vector.extract %slice3A_536[0] : f32 from vector<1xf32>
      %select_n3A_538 = arith.select %eq3A_533, %squeeze3A_535, %squeeze3A_537 : f32
      %eq3A_539 = arith.constant 0 : i32
      %eq3A_540 = arith.cmpi eq, %arg1, %eq3A_539 : i32
      %slice3A_541 = vector.extract_strided_slice %get3A_531 {offsets = [1], sizes = [1], strides = [1]} : vector<16xf32> to vector<1xf32>
      %squeeze3A_542 = vector.extract %slice3A_541[0] : f32 from vector<1xf32>
      %slice3A_543 = vector.extract_strided_slice %get3A_531 {offsets = [3], sizes = [1], strides = [1]} : vector<16xf32> to vector<1xf32>
      %squeeze3A_544 = vector.extract %slice3A_543[0] : f32 from vector<1xf32>
      %select_n3A_545 = arith.select %eq3A_540, %squeeze3A_542, %squeeze3A_544 : f32
      %get3A_546 = arith.constant 2720 : index
      %get3A_547 = tpu.vector_load %arg29[%get3A_546] {strides = array<i32>} : memref<4352xf32, #tpu.memory_space<vmem>>, vector<16xf32>,
      %eq3A_548 = arith.constant 0 : i32
      %eq3A_549 = arith.cmpi eq, %arg1, %eq3A_548 : i32
      %slice3A_550 = vector.extract_strided_slice %get3A_547 {offsets = [0], sizes = [1], strides = [1]} : vector<16xf32> to vector<1xf32>
      %squeeze3A_551 = vector.extract %slice3A_550[0] : f32 from vector<1xf32>
      %slice3A_552 = vector.extract_strided_slice %get3A_547 {offsets = [2], sizes = [1], strides = [1]} : vector<16xf32> to vector<1xf32>
      %squeeze3A_553 = vector.extract %slice3A_552[0] : f32 from vector<1xf32>
      %select_n3A_554 = arith.select %eq3A_549, %squeeze3A_551, %squeeze3A_553 : f32
      %eq3A_555 = arith.constant 0 : i32
      %eq3A_556 = arith.cmpi eq, %arg1, %eq3A_555 : i32
      %slice3A_557 = vector.extract_strided_slice %get3A_547 {offsets = [1], sizes = [1], strides = [1]} : vector<16xf32> to vector<1xf32>
      %squeeze3A_558 = vector.extract %slice3A_557[0] : f32 from vector<1xf32>
      %slice3A_559 = vector.extract_strided_slice %get3A_547 {offsets = [3], sizes = [1], strides = [1]} : vector<16xf32> to vector<1xf32>
      %squeeze3A_560 = vector.extract %slice3A_559[0] : f32 from vector<1xf32>
      %select_n3A_561 = arith.select %eq3A_556, %squeeze3A_558, %squeeze3A_560 : f32
      %get3A_562 = arith.constant 2992 : index
      %get3A_563 = tpu.vector_load %arg29[%get3A_562] {strides = array<i32>} : memref<4352xf32, #tpu.memory_space<vmem>>, vector<16xf32>,
      %eq3A_564 = arith.constant 0 : i32
      %eq3A_565 = arith.cmpi eq, %arg1, %eq3A_564 : i32
      %slice3A_566 = vector.extract_strided_slice %get3A_563 {offsets = [0], sizes = [1], strides = [1]} : vector<16xf32> to vector<1xf32>
      %squeeze3A_567 = vector.extract %slice3A_566[0] : f32 from vector<1xf32>
      %slice3A_568 = vector.extract_strided_slice %get3A_563 {offsets = [2], sizes = [1], strides = [1]} : vector<16xf32> to vector<1xf32>
      %squeeze3A_569 = vector.extract %slice3A_568[0] : f32 from vector<1xf32>
      %select_n3A_570 = arith.select %eq3A_565, %squeeze3A_567, %squeeze3A_569 : f32
      %eq3A_571 = arith.constant 0 : i32
      %eq3A_572 = arith.cmpi eq, %arg1, %eq3A_571 : i32
      %slice3A_573 = vector.extract_strided_slice %get3A_563 {offsets = [1], sizes = [1], strides = [1]} : vector<16xf32> to vector<1xf32>
      %squeeze3A_574 = vector.extract %slice3A_573[0] : f32 from vector<1xf32>
      %slice3A_575 = vector.extract_strided_slice %get3A_563 {offsets = [3], sizes = [1], strides = [1]} : vector<16xf32> to vector<1xf32>
      %squeeze3A_576 = vector.extract %slice3A_575[0] : f32 from vector<1xf32>
      %select_n3A_577 = arith.select %eq3A_572, %squeeze3A_574, %squeeze3A_576 : f32
      %get3A_578 = arith.constant 3264 : index
      %get3A_579 = tpu.vector_load %arg29[%get3A_578] {strides = array<i32>} : memref<4352xf32, #tpu.memory_space<vmem>>, vector<16xf32>,
      %eq3A_580 = arith.constant 0 : i32
      %eq3A_581 = arith.cmpi eq, %arg1, %eq3A_580 : i32
      %slice3A_582 = vector.extract_strided_slice %get3A_579 {offsets = [0], sizes = [1], strides = [1]} : vector<16xf32> to vector<1xf32>
      %squeeze3A_583 = vector.extract %slice3A_582[0] : f32 from vector<1xf32>
      %slice3A_584 = vector.extract_strided_slice %get3A_579 {offsets = [2], sizes = [1], strides = [1]} : vector<16xf32> to vector<1xf32>
      %squeeze3A_585 = vector.extract %slice3A_584[0] : f32 from vector<1xf32>
      %select_n3A_586 = arith.select %eq3A_581, %squeeze3A_583, %squeeze3A_585 : f32
      %eq3A_587 = arith.constant 0 : i32
      %eq3A_588 = arith.cmpi eq, %arg1, %eq3A_587 : i32
      %slice3A_589 = vector.extract_strided_slice %get3A_579 {offsets = [1], sizes = [1], strides = [1]} : vector<16xf32> to vector<1xf32>
      %squeeze3A_590 = vector.extract %slice3A_589[0] : f32 from vector<1xf32>
      %slice3A_591 = vector.extract_strided_slice %get3A_579 {offsets = [3], sizes = [1], strides = [1]} : vector<16xf32> to vector<1xf32>
      %squeeze3A_592 = vector.extract %slice3A_591[0] : f32 from vector<1xf32>
      %select_n3A_593 = arith.select %eq3A_588, %squeeze3A_590, %squeeze3A_592 : f32
      %get3A_594 = arith.constant 3536 : index
      %get3A_595 = tpu.vector_load %arg29[%get3A_594] {strides = array<i32>} : memref<4352xf32, #tpu.memory_space<vmem>>, vector<16xf32>,
      %eq3A_596 = arith.constant 0 : i32
      %eq3A_597 = arith.cmpi eq, %arg1, %eq3A_596 : i32
      %slice3A_598 = vector.extract_strided_slice %get3A_595 {offsets = [0], sizes = [1], strides = [1]} : vector<16xf32> to vector<1xf32>
      %squeeze3A_599 = vector.extract %slice3A_598[0] : f32 from vector<1xf32>
      %slice3A_600 = vector.extract_strided_slice %get3A_595 {offsets = [2], sizes = [1], strides = [1]} : vector<16xf32> to vector<1xf32>
      %squeeze3A_601 = vector.extract %slice3A_600[0] : f32 from vector<1xf32>
      %select_n3A_602 = arith.select %eq3A_597, %squeeze3A_599, %squeeze3A_601 : f32
      %eq3A_603 = arith.constant 0 : i32
      %eq3A_604 = arith.cmpi eq, %arg1, %eq3A_603 : i32
      %slice3A_605 = vector.extract_strided_slice %get3A_595 {offsets = [1], sizes = [1], strides = [1]} : vector<16xf32> to vector<1xf32>
      %squeeze3A_606 = vector.extract %slice3A_605[0] : f32 from vector<1xf32>
      %slice3A_607 = vector.extract_strided_slice %get3A_595 {offsets = [3], sizes = [1], strides = [1]} : vector<16xf32> to vector<1xf32>
      %squeeze3A_608 = vector.extract %slice3A_607[0] : f32 from vector<1xf32>
      %select_n3A_609 = arith.select %eq3A_604, %squeeze3A_606, %squeeze3A_608 : f32
      %get3A_610 = arith.constant 3808 : index
      %get3A_611 = tpu.vector_load %arg29[%get3A_610] {strides = array<i32>} : memref<4352xf32, #tpu.memory_space<vmem>>, vector<16xf32>,
      %eq3A_612 = arith.constant 0 : i32
      %eq3A_613 = arith.cmpi eq, %arg1, %eq3A_612 : i32
      %slice3A_614 = vector.extract_strided_slice %get3A_611 {offsets = [0], sizes = [1], strides = [1]} : vector<16xf32> to vector<1xf32>
      %squeeze3A_615 = vector.extract %slice3A_614[0] : f32 from vector<1xf32>
      %slice3A_616 = vector.extract_strided_slice %get3A_611 {offsets = [2], sizes = [1], strides = [1]} : vector<16xf32> to vector<1xf32>
      %squeeze3A_617 = vector.extract %slice3A_616[0] : f32 from vector<1xf32>
      %select_n3A_618 = arith.select %eq3A_613, %squeeze3A_615, %squeeze3A_617 : f32
      %eq3A_619 = arith.constant 0 : i32
      %eq3A_620 = arith.cmpi eq, %arg1, %eq3A_619 : i32
      %slice3A_621 = vector.extract_strided_slice %get3A_611 {offsets = [1], sizes = [1], strides = [1]} : vector<16xf32> to vector<1xf32>
      %squeeze3A_622 = vector.extract %slice3A_621[0] : f32 from vector<1xf32>
      %slice3A_623 = vector.extract_strided_slice %get3A_611 {offsets = [3], sizes = [1], strides = [1]} : vector<16xf32> to vector<1xf32>
      %squeeze3A_624 = vector.extract %slice3A_623[0] : f32 from vector<1xf32>
      %select_n3A_625 = arith.select %eq3A_620, %squeeze3A_622, %squeeze3A_624 : f32
      %get3A_626 = arith.constant 4080 : index
      %get3A_627 = tpu.vector_load %arg29[%get3A_626] {strides = array<i32>} : memref<4352xf32, #tpu.memory_space<vmem>>, vector<16xf32>,
      %eq3A_628 = arith.constant 0 : i32
      %eq3A_629 = arith.cmpi eq, %arg1, %eq3A_628 : i32
      %slice3A_630 = vector.extract_strided_slice %get3A_627 {offsets = [0], sizes = [1], strides = [1]} : vector<16xf32> to vector<1xf32>
      %squeeze3A_631 = vector.extract %slice3A_630[0] : f32 from vector<1xf32>
      %slice3A_632 = vector.extract_strided_slice %get3A_627 {offsets = [2], sizes = [1], strides = [1]} : vector<16xf32> to vector<1xf32>
      %squeeze3A_633 = vector.extract %slice3A_632[0] : f32 from vector<1xf32>
      %select_n3A_634 = arith.select %eq3A_629, %squeeze3A_631, %squeeze3A_633 : f32
      %eq3A_635 = arith.constant 0 : i32
      %eq3A_636 = arith.cmpi eq, %arg1, %eq3A_635 : i32
      %slice3A_637 = vector.extract_strided_slice %get3A_627 {offsets = [1], sizes = [1], strides = [1]} : vector<16xf32> to vector<1xf32>
      %squeeze3A_638 = vector.extract %slice3A_637[0] : f32 from vector<1xf32>
      %slice3A_639 = vector.extract_strided_slice %get3A_627 {offsets = [3], sizes = [1], strides = [1]} : vector<16xf32> to vector<1xf32>
      %squeeze3A_640 = vector.extract %slice3A_639[0] : f32 from vector<1xf32>
      %select_n3A_641 = arith.select %eq3A_636, %squeeze3A_638, %squeeze3A_640 : f32
      %max3A = arith.maximumf %select_n3A_394, %select_n3A_410 : f32
      %max3A_642 = arith.maximumf %max3A, %select_n3A_426 : f32
      %max3A_643 = arith.maximumf %max3A_642, %select_n3A_442 : f32
      %max3A_644 = arith.maximumf %max3A_643, %select_n3A_458 : f32
      %max3A_645 = arith.maximumf %max3A_644, %select_n3A_474 : f32
      %max3A_646 = arith.maximumf %max3A_645, %select_n3A_490 : f32
      %max3A_647 = arith.maximumf %max3A_646, %select_n3A_506 : f32
      %max3A_648 = arith.maximumf %max3A_647, %select_n3A_522 : f32
      %max3A_649 = arith.maximumf %max3A_648, %select_n3A_538 : f32
      %max3A_650 = arith.maximumf %max3A_649, %select_n3A_554 : f32
      %max3A_651 = arith.maximumf %max3A_650, %select_n3A_570 : f32
      %max3A_652 = arith.maximumf %max3A_651, %select_n3A_586 : f32
      %max3A_653 = arith.maximumf %max3A_652, %select_n3A_602 : f32
      %max3A_654 = arith.maximumf %max3A_653, %select_n3A_618 : f32
      %max3A_655 = arith.maximumf %max3A_654, %select_n3A_634 : f32
      %sub3A_656 = arith.subf %select_n3A_394, %max3A_655 : f32
      %broadcast_in_dim3A_657 = vector.broadcast %sub3A_656 : f32 to vector<16xf32>
      %exp3A = math.exp %broadcast_in_dim3A_657 : vector<16xf32>
      %reduce_max3A = arith.constant true
      %reduce_max3A_658 = vector.broadcast %reduce_max3A : i1 to vector<16xi1>
      %reduce_max3A_659 = tpu.scan <max>, %exp3A masked %reduce_max3A_658 : vector<16xf32>, vector<16xi1> -> vector<16xf32>
      %reduce_max3A_660 = vector.extract %reduce_max3A_659[15] : f32 from vector<16xf32>
      %sub3A_661 = arith.subf %select_n3A_410, %max3A_655 : f32
      %broadcast_in_dim3A_662 = vector.broadcast %sub3A_661 : f32 to vector<16xf32>
      %exp3A_663 = math.exp %broadcast_in_dim3A_662 : vector<16xf32>
      %reduce_max3A_664 = arith.constant true
      %reduce_max3A_665 = vector.broadcast %reduce_max3A_664 : i1 to vector<16xi1>
      %reduce_max3A_666 = tpu.scan <max>, %exp3A_663 masked %reduce_max3A_665 : vector<16xf32>, vector<16xi1> -> vector<16xf32>
      %reduce_max3A_667 = vector.extract %reduce_max3A_666[15] : f32 from vector<16xf32>
      %sub3A_668 = arith.subf %select_n3A_426, %max3A_655 : f32
      %broadcast_in_dim3A_669 = vector.broadcast %sub3A_668 : f32 to vector<16xf32>
      %exp3A_670 = math.exp %broadcast_in_dim3A_669 : vector<16xf32>
      %reduce_max3A_671 = arith.constant true
      %reduce_max3A_672 = vector.broadcast %reduce_max3A_671 : i1 to vector<16xi1>
      %reduce_max3A_673 = tpu.scan <max>, %exp3A_670 masked %reduce_max3A_672 : vector<16xf32>, vector<16xi1> -> vector<16xf32>
      %reduce_max3A_674 = vector.extract %reduce_max3A_673[15] : f32 from vector<16xf32>
      %sub3A_675 = arith.subf %select_n3A_442, %max3A_655 : f32
      %broadcast_in_dim3A_676 = vector.broadcast %sub3A_675 : f32 to vector<16xf32>
      %exp3A_677 = math.exp %broadcast_in_dim3A_676 : vector<16xf32>
      %reduce_max3A_678 = arith.constant true
      %reduce_max3A_679 = vector.broadcast %reduce_max3A_678 : i1 to vector<16xi1>
      %reduce_max3A_680 = tpu.scan <max>, %exp3A_677 masked %reduce_max3A_679 : vector<16xf32>, vector<16xi1> -> vector<16xf32>
      %reduce_max3A_681 = vector.extract %reduce_max3A_680[15] : f32 from vector<16xf32>
      %sub3A_682 = arith.subf %select_n3A_458, %max3A_655 : f32
      %broadcast_in_dim3A_683 = vector.broadcast %sub3A_682 : f32 to vector<16xf32>
      %exp3A_684 = math.exp %broadcast_in_dim3A_683 : vector<16xf32>
      %reduce_max3A_685 = arith.constant true
      %reduce_max3A_686 = vector.broadcast %reduce_max3A_685 : i1 to vector<16xi1>
      %reduce_max3A_687 = tpu.scan <max>, %exp3A_684 masked %reduce_max3A_686 : vector<16xf32>, vector<16xi1> -> vector<16xf32>
      %reduce_max3A_688 = vector.extract %reduce_max3A_687[15] : f32 from vector<16xf32>
      %sub3A_689 = arith.subf %select_n3A_474, %max3A_655 : f32
      %broadcast_in_dim3A_690 = vector.broadcast %sub3A_689 : f32 to vector<16xf32>
      %exp3A_691 = math.exp %broadcast_in_dim3A_690 : vector<16xf32>
      %reduce_max3A_692 = arith.constant true
      %reduce_max3A_693 = vector.broadcast %reduce_max3A_692 : i1 to vector<16xi1>
      %reduce_max3A_694 = tpu.scan <max>, %exp3A_691 masked %reduce_max3A_693 : vector<16xf32>, vector<16xi1> -> vector<16xf32>
      %reduce_max3A_695 = vector.extract %reduce_max3A_694[15] : f32 from vector<16xf32>
      %sub3A_696 = arith.subf %select_n3A_490, %max3A_655 : f32
      %broadcast_in_dim3A_697 = vector.broadcast %sub3A_696 : f32 to vector<16xf32>
      %exp3A_698 = math.exp %broadcast_in_dim3A_697 : vector<16xf32>
      %reduce_max3A_699 = arith.constant true
      %reduce_max3A_700 = vector.broadcast %reduce_max3A_699 : i1 to vector<16xi1>
      %reduce_max3A_701 = tpu.scan <max>, %exp3A_698 masked %reduce_max3A_700 : vector<16xf32>, vector<16xi1> -> vector<16xf32>
      %reduce_max3A_702 = vector.extract %reduce_max3A_701[15] : f32 from vector<16xf32>
      %sub3A_703 = arith.subf %select_n3A_506, %max3A_655 : f32
      %broadcast_in_dim3A_704 = vector.broadcast %sub3A_703 : f32 to vector<16xf32>
      %exp3A_705 = math.exp %broadcast_in_dim3A_704 : vector<16xf32>
      %reduce_max3A_706 = arith.constant true
      %reduce_max3A_707 = vector.broadcast %reduce_max3A_706 : i1 to vector<16xi1>
      %reduce_max3A_708 = tpu.scan <max>, %exp3A_705 masked %reduce_max3A_707 : vector<16xf32>, vector<16xi1> -> vector<16xf32>
      %reduce_max3A_709 = vector.extract %reduce_max3A_708[15] : f32 from vector<16xf32>
      %sub3A_710 = arith.subf %select_n3A_522, %max3A_655 : f32
      %broadcast_in_dim3A_711 = vector.broadcast %sub3A_710 : f32 to vector<16xf32>
      %exp3A_712 = math.exp %broadcast_in_dim3A_711 : vector<16xf32>
      %reduce_max3A_713 = arith.constant true
      %reduce_max3A_714 = vector.broadcast %reduce_max3A_713 : i1 to vector<16xi1>
      %reduce_max3A_715 = tpu.scan <max>, %exp3A_712 masked %reduce_max3A_714 : vector<16xf32>, vector<16xi1> -> vector<16xf32>
      %reduce_max3A_716 = vector.extract %reduce_max3A_715[15] : f32 from vector<16xf32>
      %sub3A_717 = arith.subf %select_n3A_538, %max3A_655 : f32
      %broadcast_in_dim3A_718 = vector.broadcast %sub3A_717 : f32 to vector<16xf32>
      %exp3A_719 = math.exp %broadcast_in_dim3A_718 : vector<16xf32>
      %reduce_max3A_720 = arith.constant true
      %reduce_max3A_721 = vector.broadcast %reduce_max3A_720 : i1 to vector<16xi1>
      %reduce_max3A_722 = tpu.scan <max>, %exp3A_719 masked %reduce_max3A_721 : vector<16xf32>, vector<16xi1> -> vector<16xf32>
      %reduce_max3A_723 = vector.extract %reduce_max3A_722[15] : f32 from vector<16xf32>
      %sub3A_724 = arith.subf %select_n3A_554, %max3A_655 : f32
      %broadcast_in_dim3A_725 = vector.broadcast %sub3A_724 : f32 to vector<16xf32>
      %exp3A_726 = math.exp %broadcast_in_dim3A_725 : vector<16xf32>
      %reduce_max3A_727 = arith.constant true
      %reduce_max3A_728 = vector.broadcast %reduce_max3A_727 : i1 to vector<16xi1>
      %reduce_max3A_729 = tpu.scan <max>, %exp3A_726 masked %reduce_max3A_728 : vector<16xf32>, vector<16xi1> -> vector<16xf32>
      %reduce_max3A_730 = vector.extract %reduce_max3A_729[15] : f32 from vector<16xf32>
      %sub3A_731 = arith.subf %select_n3A_570, %max3A_655 : f32
      %broadcast_in_dim3A_732 = vector.broadcast %sub3A_731 : f32 to vector<16xf32>
      %exp3A_733 = math.exp %broadcast_in_dim3A_732 : vector<16xf32>
      %reduce_max3A_734 = arith.constant true
      %reduce_max3A_735 = vector.broadcast %reduce_max3A_734 : i1 to vector<16xi1>
      %reduce_max3A_736 = tpu.scan <max>, %exp3A_733 masked %reduce_max3A_735 : vector<16xf32>, vector<16xi1> -> vector<16xf32>
      %reduce_max3A_737 = vector.extract %reduce_max3A_736[15] : f32 from vector<16xf32>
      %sub3A_738 = arith.subf %select_n3A_586, %max3A_655 : f32
      %broadcast_in_dim3A_739 = vector.broadcast %sub3A_738 : f32 to vector<16xf32>
      %exp3A_740 = math.exp %broadcast_in_dim3A_739 : vector<16xf32>
      %reduce_max3A_741 = arith.constant true
      %reduce_max3A_742 = vector.broadcast %reduce_max3A_741 : i1 to vector<16xi1>
      %reduce_max3A_743 = tpu.scan <max>, %exp3A_740 masked %reduce_max3A_742 : vector<16xf32>, vector<16xi1> -> vector<16xf32>
      %reduce_max3A_744 = vector.extract %reduce_max3A_743[15] : f32 from vector<16xf32>
      %sub3A_745 = arith.subf %select_n3A_602, %max3A_655 : f32
      %broadcast_in_dim3A_746 = vector.broadcast %sub3A_745 : f32 to vector<16xf32>
      %exp3A_747 = math.exp %broadcast_in_dim3A_746 : vector<16xf32>
      %reduce_max3A_748 = arith.constant true
      %reduce_max3A_749 = vector.broadcast %reduce_max3A_748 : i1 to vector<16xi1>
      %reduce_max3A_750 = tpu.scan <max>, %exp3A_747 masked %reduce_max3A_749 : vector<16xf32>, vector<16xi1> -> vector<16xf32>
      %reduce_max3A_751 = vector.extract %reduce_max3A_750[15] : f32 from vector<16xf32>
      %sub3A_752 = arith.subf %select_n3A_618, %max3A_655 : f32
      %broadcast_in_dim3A_753 = vector.broadcast %sub3A_752 : f32 to vector<16xf32>
      %exp3A_754 = math.exp %broadcast_in_dim3A_753 : vector<16xf32>
      %reduce_max3A_755 = arith.constant true
      %reduce_max3A_756 = vector.broadcast %reduce_max3A_755 : i1 to vector<16xi1>
      %reduce_max3A_757 = tpu.scan <max>, %exp3A_754 masked %reduce_max3A_756 : vector<16xf32>, vector<16xi1> -> vector<16xf32>
      %reduce_max3A_758 = vector.extract %reduce_max3A_757[15] : f32 from vector<16xf32>
      %sub3A_759 = arith.subf %select_n3A_634, %max3A_655 : f32
      %broadcast_in_dim3A_760 = vector.broadcast %sub3A_759 : f32 to vector<16xf32>
      %exp3A_761 = math.exp %broadcast_in_dim3A_760 : vector<16xf32>
      %reduce_max3A_762 = arith.constant true
      %reduce_max3A_763 = vector.broadcast %reduce_max3A_762 : i1 to vector<16xi1>
      %reduce_max3A_764 = tpu.scan <max>, %exp3A_761 masked %reduce_max3A_763 : vector<16xf32>, vector<16xi1> -> vector<16xf32>
      %reduce_max3A_765 = vector.extract %reduce_max3A_764[15] : f32 from vector<16xf32>
      %mul3A_766 = arith.mulf %select_n3A_401, %reduce_max3A_660 : f32
      %mul3A_767 = arith.mulf %select_n3A_417, %reduce_max3A_667 : f32
      %add3A_768 = arith.addf %mul3A_766, %mul3A_767 : f32
      %mul3A_769 = arith.mulf %select_n3A_433, %reduce_max3A_674 : f32
      %add3A_770 = arith.addf %add3A_768, %mul3A_769 : f32
      %mul3A_771 = arith.mulf %select_n3A_449, %reduce_max3A_681 : f32
      %add3A_772 = arith.addf %add3A_770, %mul3A_771 : f32
      %mul3A_773 = arith.mulf %select_n3A_465, %reduce_max3A_688 : f32
      %add3A_774 = arith.addf %add3A_772, %mul3A_773 : f32
      %mul3A_775 = arith.mulf %select_n3A_481, %reduce_max3A_695 : f32
      %add3A_776 = arith.addf %add3A_774, %mul3A_775 : f32
      %mul3A_777 = arith.mulf %select_n3A_497, %reduce_max3A_702 : f32
      %add3A_778 = arith.addf %add3A_776, %mul3A_777 : f32
      %mul3A_779 = arith.mulf %select_n3A_513, %reduce_max3A_709 : f32
      %add3A_780 = arith.addf %add3A_778, %mul3A_779 : f32
      %mul3A_781 = arith.mulf %select_n3A_529, %reduce_max3A_716 : f32
      %add3A_782 = arith.addf %add3A_780, %mul3A_781 : f32
      %mul3A_783 = arith.mulf %select_n3A_545, %reduce_max3A_723 : f32
      %add3A_784 = arith.addf %add3A_782, %mul3A_783 : f32
      %mul3A_785 = arith.mulf %select_n3A_561, %reduce_max3A_730 : f32
      %add3A_786 = arith.addf %add3A_784, %mul3A_785 : f32
      %mul3A_787 = arith.mulf %select_n3A_577, %reduce_max3A_737 : f32
      %add3A_788 = arith.addf %add3A_786, %mul3A_787 : f32
      %mul3A_789 = arith.mulf %select_n3A_593, %reduce_max3A_744 : f32
      %add3A_790 = arith.addf %add3A_788, %mul3A_789 : f32
      %mul3A_791 = arith.mulf %select_n3A_609, %reduce_max3A_751 : f32
      %add3A_792 = arith.addf %add3A_790, %mul3A_791 : f32
      %mul3A_793 = arith.mulf %select_n3A_625, %reduce_max3A_758 : f32
      %add3A_794 = arith.addf %add3A_792, %mul3A_793 : f32
      %mul3A_795 = arith.mulf %select_n3A_641, %reduce_max3A_765 : f32
      %add3A_796 = arith.addf %add3A_794, %mul3A_795 : f32
      %broadcast_in_dim3A_797 = vector.broadcast %add3A_796 : f32 to vector<16xf32>
      %gt3A = arith.constant 0.000000e+00 : f32
      %gt3A_798 = vector.broadcast %gt3A : f32 to vector<16xf32>
      %gt3A_799 = arith.cmpf ogt, %broadcast_in_dim3A_797, %gt3A_798 : vector<16xf32>
      %broadcast_in_dim3A_800 = arith.constant 1.000000e+00 : f32
      %broadcast_in_dim3A_801 = vector.broadcast %broadcast_in_dim3A_800 : f32 to vector<16xf32>
      %div3A_802 = arith.divf %broadcast_in_dim3A_801, %broadcast_in_dim3A_797 : vector<16xf32>
      %broadcast_in_dim3A_803 = arith.constant 0.000000e+00 : f32
      %broadcast_in_dim3A_804 = vector.broadcast %broadcast_in_dim3A_803 : f32 to vector<16xf32>
      %select_n3A_805 = arith.select %gt3A_799, %div3A_802, %broadcast_in_dim3A_804 : vector<16xi1>, vector<16xf32>
      %add3A_806 = arith.constant 0 : i32
      %add3A_807 = arith.addi %add3A_385, %add3A_806 : i32
      %get3A_808 = arith.index_cast %add3A_807 : i32 to index
      %get3A_809 = tpu.vector_load %arg29[%get3A_808] {strides = array<i32>} : memref<4352xf32, #tpu.memory_space<vmem>>, vector<16xf32>,
      %mul3A_810 = vector.broadcast %reduce_max3A_660 : f32 to vector<16xf32>
      %mul3A_811 = arith.mulf %get3A_809, %mul3A_810 : vector<16xf32>
      %add3A_812 = arith.constant 272 : i32
      %add3A_813 = arith.addi %add3A_812, %add3A_385 : i32
      %add3A_814 = arith.constant 0 : i32
      %add3A_815 = arith.addi %add3A_813, %add3A_814 : i32
      %get3A_816 = arith.index_cast %add3A_815 : i32 to index
      %get3A_817 = tpu.vector_load %arg29[%get3A_816] {strides = array<i32>} : memref<4352xf32, #tpu.memory_space<vmem>>, vector<16xf32>,
      %mul3A_818 = vector.broadcast %reduce_max3A_667 : f32 to vector<16xf32>
      %mul3A_819 = arith.mulf %get3A_817, %mul3A_818 : vector<16xf32>
      %add3A_820 = arith.addf %mul3A_811, %mul3A_819 : vector<16xf32>
      %add3A_821 = arith.constant 544 : i32
      %add3A_822 = arith.addi %add3A_821, %add3A_385 : i32
      %add3A_823 = arith.constant 0 : i32
      %add3A_824 = arith.addi %add3A_822, %add3A_823 : i32
      %get3A_825 = arith.index_cast %add3A_824 : i32 to index
      %get3A_826 = tpu.vector_load %arg29[%get3A_825] {strides = array<i32>} : memref<4352xf32, #tpu.memory_space<vmem>>, vector<16xf32>,
      %mul3A_827 = vector.broadcast %reduce_max3A_674 : f32 to vector<16xf32>
      %mul3A_828 = arith.mulf %get3A_826, %mul3A_827 : vector<16xf32>
      %add3A_829 = arith.addf %add3A_820, %mul3A_828 : vector<16xf32>
      %add3A_830 = arith.constant 816 : i32
      %add3A_831 = arith.addi %add3A_830, %add3A_385 : i32
      %add3A_832 = arith.constant 0 : i32
      %add3A_833 = arith.addi %add3A_831, %add3A_832 : i32
      %get3A_834 = arith.index_cast %add3A_833 : i32 to index
      %get3A_835 = tpu.vector_load %arg29[%get3A_834] {strides = array<i32>} : memref<4352xf32, #tpu.memory_space<vmem>>, vector<16xf32>,
      %mul3A_836 = vector.broadcast %reduce_max3A_681 : f32 to vector<16xf32>
      %mul3A_837 = arith.mulf %get3A_835, %mul3A_836 : vector<16xf32>
      %add3A_838 = arith.addf %add3A_829, %mul3A_837 : vector<16xf32>
      %add3A_839 = arith.constant 1088 : i32
      %add3A_840 = arith.addi %add3A_839, %add3A_385 : i32
      %add3A_841 = arith.constant 0 : i32
      %add3A_842 = arith.addi %add3A_840, %add3A_841 : i32
      %get3A_843 = arith.index_cast %add3A_842 : i32 to index
      %get3A_844 = tpu.vector_load %arg29[%get3A_843] {strides = array<i32>} : memref<4352xf32, #tpu.memory_space<vmem>>, vector<16xf32>,
      %mul3A_845 = vector.broadcast %reduce_max3A_688 : f32 to vector<16xf32>
      %mul3A_846 = arith.mulf %get3A_844, %mul3A_845 : vector<16xf32>
      %add3A_847 = arith.addf %add3A_838, %mul3A_846 : vector<16xf32>
      %add3A_848 = arith.constant 1360 : i32
      %add3A_849 = arith.addi %add3A_848, %add3A_385 : i32
      %add3A_850 = arith.constant 0 : i32
      %add3A_851 = arith.addi %add3A_849, %add3A_850 : i32
      %get3A_852 = arith.index_cast %add3A_851 : i32 to index
      %get3A_853 = tpu.vector_load %arg29[%get3A_852] {strides = array<i32>} : memref<4352xf32, #tpu.memory_space<vmem>>, vector<16xf32>,
      %mul3A_854 = vector.broadcast %reduce_max3A_695 : f32 to vector<16xf32>
      %mul3A_855 = arith.mulf %get3A_853, %mul3A_854 : vector<16xf32>
      %add3A_856 = arith.addf %add3A_847, %mul3A_855 : vector<16xf32>
      %add3A_857 = arith.constant 1632 : i32
      %add3A_858 = arith.addi %add3A_857, %add3A_385 : i32
      %add3A_859 = arith.constant 0 : i32
      %add3A_860 = arith.addi %add3A_858, %add3A_859 : i32
      %get3A_861 = arith.index_cast %add3A_860 : i32 to index
      %get3A_862 = tpu.vector_load %arg29[%get3A_861] {strides = array<i32>} : memref<4352xf32, #tpu.memory_space<vmem>>, vector<16xf32>,
      %mul3A_863 = vector.broadcast %reduce_max3A_702 : f32 to vector<16xf32>
      %mul3A_864 = arith.mulf %get3A_862, %mul3A_863 : vector<16xf32>
      %add3A_865 = arith.addf %add3A_856, %mul3A_864 : vector<16xf32>
      %add3A_866 = arith.constant 1904 : i32
      %add3A_867 = arith.addi %add3A_866, %add3A_385 : i32
      %add3A_868 = arith.constant 0 : i32
      %add3A_869 = arith.addi %add3A_867, %add3A_868 : i32
      %get3A_870 = arith.index_cast %add3A_869 : i32 to index
      %get3A_871 = tpu.vector_load %arg29[%get3A_870] {strides = array<i32>} : memref<4352xf32, #tpu.memory_space<vmem>>, vector<16xf32>,
      %mul3A_872 = vector.broadcast %reduce_max3A_709 : f32 to vector<16xf32>
      %mul3A_873 = arith.mulf %get3A_871, %mul3A_872 : vector<16xf32>
      %add3A_874 = arith.addf %add3A_865, %mul3A_873 : vector<16xf32>
      %add3A_875 = arith.constant 2176 : i32
      %add3A_876 = arith.addi %add3A_875, %add3A_385 : i32
      %add3A_877 = arith.constant 0 : i32
      %add3A_878 = arith.addi %add3A_876, %add3A_877 : i32
      %get3A_879 = arith.index_cast %add3A_878 : i32 to index
      %get3A_880 = tpu.vector_load %arg29[%get3A_879] {strides = array<i32>} : memref<4352xf32, #tpu.memory_space<vmem>>, vector<16xf32>,
      %mul3A_881 = vector.broadcast %reduce_max3A_716 : f32 to vector<16xf32>
      %mul3A_882 = arith.mulf %get3A_880, %mul3A_881 : vector<16xf32>
      %add3A_883 = arith.addf %add3A_874, %mul3A_882 : vector<16xf32>
      %add3A_884 = arith.constant 2448 : i32
      %add3A_885 = arith.addi %add3A_884, %add3A_385 : i32
      %add3A_886 = arith.constant 0 : i32
      %add3A_887 = arith.addi %add3A_885, %add3A_886 : i32
      %get3A_888 = arith.index_cast %add3A_887 : i32 to index
      %get3A_889 = tpu.vector_load %arg29[%get3A_888] {strides = array<i32>} : memref<4352xf32, #tpu.memory_space<vmem>>, vector<16xf32>,
      %mul3A_890 = vector.broadcast %reduce_max3A_723 : f32 to vector<16xf32>
      %mul3A_891 = arith.mulf %get3A_889, %mul3A_890 : vector<16xf32>
      %add3A_892 = arith.addf %add3A_883, %mul3A_891 : vector<16xf32>
      %add3A_893 = arith.constant 2720 : i32
      %add3A_894 = arith.addi %add3A_893, %add3A_385 : i32
      %add3A_895 = arith.constant 0 : i32
      %add3A_896 = arith.addi %add3A_894, %add3A_895 : i32
      %get3A_897 = arith.index_cast %add3A_896 : i32 to index
      %get3A_898 = tpu.vector_load %arg29[%get3A_897] {strides = array<i32>} : memref<4352xf32, #tpu.memory_space<vmem>>, vector<16xf32>,
      %mul3A_899 = vector.broadcast %reduce_max3A_730 : f32 to vector<16xf32>
      %mul3A_900 = arith.mulf %get3A_898, %mul3A_899 : vector<16xf32>
      %add3A_901 = arith.addf %add3A_892, %mul3A_900 : vector<16xf32>
      %add3A_902 = arith.constant 2992 : i32
      %add3A_903 = arith.addi %add3A_902, %add3A_385 : i32
      %add3A_904 = arith.constant 0 : i32
      %add3A_905 = arith.addi %add3A_903, %add3A_904 : i32
      %get3A_906 = arith.index_cast %add3A_905 : i32 to index
      %get3A_907 = tpu.vector_load %arg29[%get3A_906] {strides = array<i32>} : memref<4352xf32, #tpu.memory_space<vmem>>, vector<16xf32>,
      %mul3A_908 = vector.broadcast %reduce_max3A_737 : f32 to vector<16xf32>
      %mul3A_909 = arith.mulf %get3A_907, %mul3A_908 : vector<16xf32>
      %add3A_910 = arith.addf %add3A_901, %mul3A_909 : vector<16xf32>
      %add3A_911 = arith.constant 3264 : i32
      %add3A_912 = arith.addi %add3A_911, %add3A_385 : i32
      %add3A_913 = arith.constant 0 : i32
      %add3A_914 = arith.addi %add3A_912, %add3A_913 : i32
      %get3A_915 = arith.index_cast %add3A_914 : i32 to index
      %get3A_916 = tpu.vector_load %arg29[%get3A_915] {strides = array<i32>} : memref<4352xf32, #tpu.memory_space<vmem>>, vector<16xf32>,
      %mul3A_917 = vector.broadcast %reduce_max3A_744 : f32 to vector<16xf32>
      %mul3A_918 = arith.mulf %get3A_916, %mul3A_917 : vector<16xf32>
      %add3A_919 = arith.addf %add3A_910, %mul3A_918 : vector<16xf32>
      %add3A_920 = arith.constant 3536 : i32
      %add3A_921 = arith.addi %add3A_920, %add3A_385 : i32
      %add3A_922 = arith.constant 0 : i32
      %add3A_923 = arith.addi %add3A_921, %add3A_922 : i32
      %get3A_924 = arith.index_cast %add3A_923 : i32 to index
      %get3A_925 = tpu.vector_load %arg29[%get3A_924] {strides = array<i32>} : memref<4352xf32, #tpu.memory_space<vmem>>, vector<16xf32>,
      %mul3A_926 = vector.broadcast %reduce_max3A_751 : f32 to vector<16xf32>
      %mul3A_927 = arith.mulf %get3A_925, %mul3A_926 : vector<16xf32>
      %add3A_928 = arith.addf %add3A_919, %mul3A_927 : vector<16xf32>
      %add3A_929 = arith.constant 3808 : i32
      %add3A_930 = arith.addi %add3A_929, %add3A_385 : i32
      %add3A_931 = arith.constant 0 : i32
      %add3A_932 = arith.addi %add3A_930, %add3A_931 : i32
      %get3A_933 = arith.index_cast %add3A_932 : i32 to index
      %get3A_934 = tpu.vector_load %arg29[%get3A_933] {strides = array<i32>} : memref<4352xf32, #tpu.memory_space<vmem>>, vector<16xf32>,
      %mul3A_935 = vector.broadcast %reduce_max3A_758 : f32 to vector<16xf32>
      %mul3A_936 = arith.mulf %get3A_934, %mul3A_935 : vector<16xf32>
      %add3A_937 = arith.addf %add3A_928, %mul3A_936 : vector<16xf32>
      %add3A_938 = arith.constant 4080 : i32
      %add3A_939 = arith.addi %add3A_938, %add3A_385 : i32
      %add3A_940 = arith.constant 0 : i32
      %add3A_941 = arith.addi %add3A_939, %add3A_940 : i32
      %get3A_942 = arith.index_cast %add3A_941 : i32 to index
      %get3A_943 = tpu.vector_load %arg29[%get3A_942] {strides = array<i32>} : memref<4352xf32, #tpu.memory_space<vmem>>, vector<16xf32>,
      %mul3A_944 = vector.broadcast %reduce_max3A_765 : f32 to vector<16xf32>
      %mul3A_945 = arith.mulf %get3A_943, %mul3A_944 : vector<16xf32>
      %add3A_946 = arith.addf %add3A_937, %mul3A_945 : vector<16xf32>
      %mul3A_947 = arith.mulf %add3A_946, %select_n3A_805 : vector<16xf32>
      %swap3A_948 = arith.constant 0 : index
      %swap3A_949 = tpu.vector_load %arg30[%swap3A_948] {strides = array<i32>} : memref<144xf32, #tpu.memory_space<vmem>>, vector<16xf32>,
      tpu.vector_store %arg30[%swap3A_948], %mul3A_947 {strides = array<i32>} : memref<144xf32, #tpu.memory_space<vmem>>, vector<16xf32>,
      %add3A_950 = arith.constant 16 : i32
      %add3A_951 = arith.addi %add3A_385, %add3A_950 : i32
      %get3A_952 = arith.index_cast %add3A_951 : i32 to index
      %get3A_953 = tpu.vector_load %arg29[%get3A_952] {strides = array<i32>} : memref<4352xf32, #tpu.memory_space<vmem>>, vector<16xf32>,
      %mul3A_954 = vector.broadcast %reduce_max3A_660 : f32 to vector<16xf32>
      %mul3A_955 = arith.mulf %get3A_953, %mul3A_954 : vector<16xf32>
      %add3A_956 = arith.constant 272 : i32
      %add3A_957 = arith.addi %add3A_956, %add3A_385 : i32
      %add3A_958 = arith.constant 16 : i32
      %add3A_959 = arith.addi %add3A_957, %add3A_958 : i32
      %get3A_960 = arith.index_cast %add3A_959 : i32 to index
      %get3A_961 = tpu.vector_load %arg29[%get3A_960] {strides = array<i32>} : memref<4352xf32, #tpu.memory_space<vmem>>, vector<16xf32>,
      %mul3A_962 = vector.broadcast %reduce_max3A_667 : f32 to vector<16xf32>
      %mul3A_963 = arith.mulf %get3A_961, %mul3A_962 : vector<16xf32>
      %add3A_964 = arith.addf %mul3A_955, %mul3A_963 : vector<16xf32>
      %add3A_965 = arith.constant 544 : i32
      %add3A_966 = arith.addi %add3A_965, %add3A_385 : i32
      %add3A_967 = arith.constant 16 : i32
      %add3A_968 = arith.addi %add3A_966, %add3A_967 : i32
      %get3A_969 = arith.index_cast %add3A_968 : i32 to index
      %get3A_970 = tpu.vector_load %arg29[%get3A_969] {strides = array<i32>} : memref<4352xf32, #tpu.memory_space<vmem>>, vector<16xf32>,
      %mul3A_971 = vector.broadcast %reduce_max3A_674 : f32 to vector<16xf32>
      %mul3A_972 = arith.mulf %get3A_970, %mul3A_971 : vector<16xf32>
      %add3A_973 = arith.addf %add3A_964, %mul3A_972 : vector<16xf32>
      %add3A_974 = arith.constant 816 : i32
      %add3A_975 = arith.addi %add3A_974, %add3A_385 : i32
      %add3A_976 = arith.constant 16 : i32
      %add3A_977 = arith.addi %add3A_975, %add3A_976 : i32
      %get3A_978 = arith.index_cast %add3A_977 : i32 to index
      %get3A_979 = tpu.vector_load %arg29[%get3A_978] {strides = array<i32>} : memref<4352xf32, #tpu.memory_space<vmem>>, vector<16xf32>,
      %mul3A_980 = vector.broadcast %reduce_max3A_681 : f32 to vector<16xf32>
      %mul3A_981 = arith.mulf %get3A_979, %mul3A_980 : vector<16xf32>
      %add3A_982 = arith.addf %add3A_973, %mul3A_981 : vector<16xf32>
      %add3A_983 = arith.constant 1088 : i32
      %add3A_984 = arith.addi %add3A_983, %add3A_385 : i32
      %add3A_985 = arith.constant 16 : i32
      %add3A_986 = arith.addi %add3A_984, %add3A_985 : i32
      %get3A_987 = arith.index_cast %add3A_986 : i32 to index
      %get3A_988 = tpu.vector_load %arg29[%get3A_987] {strides = array<i32>} : memref<4352xf32, #tpu.memory_space<vmem>>, vector<16xf32>,
      %mul3A_989 = vector.broadcast %reduce_max3A_688 : f32 to vector<16xf32>
      %mul3A_990 = arith.mulf %get3A_988, %mul3A_989 : vector<16xf32>
      %add3A_991 = arith.addf %add3A_982, %mul3A_990 : vector<16xf32>
      %add3A_992 = arith.constant 1360 : i32
      %add3A_993 = arith.addi %add3A_992, %add3A_385 : i32
      %add3A_994 = arith.constant 16 : i32
      %add3A_995 = arith.addi %add3A_993, %add3A_994 : i32
      %get3A_996 = arith.index_cast %add3A_995 : i32 to index
      %get3A_997 = tpu.vector_load %arg29[%get3A_996] {strides = array<i32>} : memref<4352xf32, #tpu.memory_space<vmem>>, vector<16xf32>,
      %mul3A_998 = vector.broadcast %reduce_max3A_695 : f32 to vector<16xf32>
      %mul3A_999 = arith.mulf %get3A_997, %mul3A_998 : vector<16xf32>
      %add3A_1000 = arith.addf %add3A_991, %mul3A_999 : vector<16xf32>
      %add3A_1001 = arith.constant 1632 : i32
      %add3A_1002 = arith.addi %add3A_1001, %add3A_385 : i32
      %add3A_1003 = arith.constant 16 : i32
      %add3A_1004 = arith.addi %add3A_1002, %add3A_1003 : i32
      %get3A_1005 = arith.index_cast %add3A_1004 : i32 to index
      %get3A_1006 = tpu.vector_load %arg29[%get3A_1005] {strides = array<i32>} : memref<4352xf32, #tpu.memory_space<vmem>>, vector<16xf32>,
      %mul3A_1007 = vector.broadcast %reduce_max3A_702 : f32 to vector<16xf32>
      %mul3A_1008 = arith.mulf %get3A_1006, %mul3A_1007 : vector<16xf32>
      %add3A_1009 = arith.addf %add3A_1000, %mul3A_1008 : vector<16xf32>
      %add3A_1010 = arith.constant 1904 : i32
      %add3A_1011 = arith.addi %add3A_1010, %add3A_385 : i32
      %add3A_1012 = arith.constant 16 : i32
      %add3A_1013 = arith.addi %add3A_1011, %add3A_1012 : i32
      %get3A_1014 = arith.index_cast %add3A_1013 : i32 to index
      %get3A_1015 = tpu.vector_load %arg29[%get3A_1014] {strides = array<i32>} : memref<4352xf32, #tpu.memory_space<vmem>>, vector<16xf32>,
      %mul3A_1016 = vector.broadcast %reduce_max3A_709 : f32 to vector<16xf32>
      %mul3A_1017 = arith.mulf %get3A_1015, %mul3A_1016 : vector<16xf32>
      %add3A_1018 = arith.addf %add3A_1009, %mul3A_1017 : vector<16xf32>
      %add3A_1019 = arith.constant 2176 : i32
      %add3A_1020 = arith.addi %add3A_1019, %add3A_385 : i32
      %add3A_1021 = arith.constant 16 : i32
      %add3A_1022 = arith.addi %add3A_1020, %add3A_1021 : i32
      %get3A_1023 = arith.index_cast %add3A_1022 : i32 to index
      %get3A_1024 = tpu.vector_load %arg29[%get3A_1023] {strides = array<i32>} : memref<4352xf32, #tpu.memory_space<vmem>>, vector<16xf32>,
      %mul3A_1025 = vector.broadcast %reduce_max3A_716 : f32 to vector<16xf32>
      %mul3A_1026 = arith.mulf %get3A_1024, %mul3A_1025 : vector<16xf32>
      %add3A_1027 = arith.addf %add3A_1018, %mul3A_1026 : vector<16xf32>
      %add3A_1028 = arith.constant 2448 : i32
      %add3A_1029 = arith.addi %add3A_1028, %add3A_385 : i32
      %add3A_1030 = arith.constant 16 : i32
      %add3A_1031 = arith.addi %add3A_1029, %add3A_1030 : i32
      %get3A_1032 = arith.index_cast %add3A_1031 : i32 to index
      %get3A_1033 = tpu.vector_load %arg29[%get3A_1032] {strides = array<i32>} : memref<4352xf32, #tpu.memory_space<vmem>>, vector<16xf32>,
      %mul3A_1034 = vector.broadcast %reduce_max3A_723 : f32 to vector<16xf32>
      %mul3A_1035 = arith.mulf %get3A_1033, %mul3A_1034 : vector<16xf32>
      %add3A_1036 = arith.addf %add3A_1027, %mul3A_1035 : vector<16xf32>
      %add3A_1037 = arith.constant 2720 : i32
      %add3A_1038 = arith.addi %add3A_1037, %add3A_385 : i32
      %add3A_1039 = arith.constant 16 : i32
      %add3A_1040 = arith.addi %add3A_1038, %add3A_1039 : i32
      %get3A_1041 = arith.index_cast %add3A_1040 : i32 to index
      %get3A_1042 = tpu.vector_load %arg29[%get3A_1041] {strides = array<i32>} : memref<4352xf32, #tpu.memory_space<vmem>>, vector<16xf32>,
      %mul3A_1043 = vector.broadcast %reduce_max3A_730 : f32 to vector<16xf32>
      %mul3A_1044 = arith.mulf %get3A_1042, %mul3A_1043 : vector<16xf32>
      %add3A_1045 = arith.addf %add3A_1036, %mul3A_1044 : vector<16xf32>
      %add3A_1046 = arith.constant 2992 : i32
      %add3A_1047 = arith.addi %add3A_1046, %add3A_385 : i32
      %add3A_1048 = arith.constant 16 : i32
      %add3A_1049 = arith.addi %add3A_1047, %add3A_1048 : i32
      %get3A_1050 = arith.index_cast %add3A_1049 : i32 to index
      %get3A_1051 = tpu.vector_load %arg29[%get3A_1050] {strides = array<i32>} : memref<4352xf32, #tpu.memory_space<vmem>>, vector<16xf32>,
      %mul3A_1052 = vector.broadcast %reduce_max3A_737 : f32 to vector<16xf32>
      %mul3A_1053 = arith.mulf %get3A_1051, %mul3A_1052 : vector<16xf32>
      %add3A_1054 = arith.addf %add3A_1045, %mul3A_1053 : vector<16xf32>
      %add3A_1055 = arith.constant 3264 : i32
      %add3A_1056 = arith.addi %add3A_1055, %add3A_385 : i32
      %add3A_1057 = arith.constant 16 : i32
      %add3A_1058 = arith.addi %add3A_1056, %add3A_1057 : i32
      %get3A_1059 = arith.index_cast %add3A_1058 : i32 to index
      %get3A_1060 = tpu.vector_load %arg29[%get3A_1059] {strides = array<i32>} : memref<4352xf32, #tpu.memory_space<vmem>>, vector<16xf32>,
      %mul3A_1061 = vector.broadcast %reduce_max3A_744 : f32 to vector<16xf32>
      %mul3A_1062 = arith.mulf %get3A_1060, %mul3A_1061 : vector<16xf32>
      %add3A_1063 = arith.addf %add3A_1054, %mul3A_1062 : vector<16xf32>
      %add3A_1064 = arith.constant 3536 : i32
      %add3A_1065 = arith.addi %add3A_1064, %add3A_385 : i32
      %add3A_1066 = arith.constant 16 : i32
      %add3A_1067 = arith.addi %add3A_1065, %add3A_1066 : i32
      %get3A_1068 = arith.index_cast %add3A_1067 : i32 to index
      %get3A_1069 = tpu.vector_load %arg29[%get3A_1068] {strides = array<i32>} : memref<4352xf32, #tpu.memory_space<vmem>>, vector<16xf32>,
      %mul3A_1070 = vector.broadcast %reduce_max3A_751 : f32 to vector<16xf32>
      %mul3A_1071 = arith.mulf %get3A_1069, %mul3A_1070 : vector<16xf32>
      %add3A_1072 = arith.addf %add3A_1063, %mul3A_1071 : vector<16xf32>
      %add3A_1073 = arith.constant 3808 : i32
      %add3A_1074 = arith.addi %add3A_1073, %add3A_385 : i32
      %add3A_1075 = arith.constant 16 : i32
      %add3A_1076 = arith.addi %add3A_1074, %add3A_1075 : i32
      %get3A_1077 = arith.index_cast %add3A_1076 : i32 to index
      %get3A_1078 = tpu.vector_load %arg29[%get3A_1077] {strides = array<i32>} : memref<4352xf32, #tpu.memory_space<vmem>>, vector<16xf32>,
      %mul3A_1079 = vector.broadcast %reduce_max3A_758 : f32 to vector<16xf32>
      %mul3A_1080 = arith.mulf %get3A_1078, %mul3A_1079 : vector<16xf32>
      %add3A_1081 = arith.addf %add3A_1072, %mul3A_1080 : vector<16xf32>
      %add3A_1082 = arith.constant 4080 : i32
      %add3A_1083 = arith.addi %add3A_1082, %add3A_385 : i32
      %add3A_1084 = arith.constant 16 : i32
      %add3A_1085 = arith.addi %add3A_1083, %add3A_1084 : i32
      %get3A_1086 = arith.index_cast %add3A_1085 : i32 to index
      %get3A_1087 = tpu.vector_load %arg29[%get3A_1086] {strides = array<i32>} : memref<4352xf32, #tpu.memory_space<vmem>>, vector<16xf32>,
      %mul3A_1088 = vector.broadcast %reduce_max3A_765 : f32 to vector<16xf32>
      %mul3A_1089 = arith.mulf %get3A_1087, %mul3A_1088 : vector<16xf32>
      %add3A_1090 = arith.addf %add3A_1081, %mul3A_1089 : vector<16xf32>
      %mul3A_1091 = arith.mulf %add3A_1090, %select_n3A_805 : vector<16xf32>
      %swap3A_1092 = arith.constant 16 : index
      %swap3A_1093 = tpu.vector_load %arg30[%swap3A_1092] {strides = array<i32>} : memref<144xf32, #tpu.memory_space<vmem>>, vector<16xf32>,
      tpu.vector_store %arg30[%swap3A_1092], %mul3A_1091 {strides = array<i32>} : memref<144xf32, #tpu.memory_space<vmem>>, vector<16xf32>,
      %add3A_1094 = arith.constant 32 : i32
      %add3A_1095 = arith.addi %add3A_385, %add3A_1094 : i32
      %get3A_1096 = arith.index_cast %add3A_1095 : i32 to index
      %get3A_1097 = tpu.vector_load %arg29[%get3A_1096] {strides = array<i32>} : memref<4352xf32, #tpu.memory_space<vmem>>, vector<16xf32>,
      %mul3A_1098 = vector.broadcast %reduce_max3A_660 : f32 to vector<16xf32>
      %mul3A_1099 = arith.mulf %get3A_1097, %mul3A_1098 : vector<16xf32>
      %add3A_1100 = arith.constant 272 : i32
      %add3A_1101 = arith.addi %add3A_1100, %add3A_385 : i32
      %add3A_1102 = arith.constant 32 : i32
      %add3A_1103 = arith.addi %add3A_1101, %add3A_1102 : i32
      %get3A_1104 = arith.index_cast %add3A_1103 : i32 to index
      %get3A_1105 = tpu.vector_load %arg29[%get3A_1104] {strides = array<i32>} : memref<4352xf32, #tpu.memory_space<vmem>>, vector<16xf32>,
      %mul3A_1106 = vector.broadcast %reduce_max3A_667 : f32 to vector<16xf32>
      %mul3A_1107 = arith.mulf %get3A_1105, %mul3A_1106 : vector<16xf32>
      %add3A_1108 = arith.addf %mul3A_1099, %mul3A_1107 : vector<16xf32>
      %add3A_1109 = arith.constant 544 : i32
      %add3A_1110 = arith.addi %add3A_1109, %add3A_385 : i32
      %add3A_1111 = arith.constant 32 : i32
      %add3A_1112 = arith.addi %add3A_1110, %add3A_1111 : i32
      %get3A_1113 = arith.index_cast %add3A_1112 : i32 to index
      %get3A_1114 = tpu.vector_load %arg29[%get3A_1113] {strides = array<i32>} : memref<4352xf32, #tpu.memory_space<vmem>>, vector<16xf32>,
      %mul3A_1115 = vector.broadcast %reduce_max3A_674 : f32 to vector<16xf32>
      %mul3A_1116 = arith.mulf %get3A_1114, %mul3A_1115 : vector<16xf32>
      %add3A_1117 = arith.addf %add3A_1108, %mul3A_1116 : vector<16xf32>
      %add3A_1118 = arith.constant 816 : i32
      %add3A_1119 = arith.addi %add3A_1118, %add3A_385 : i32
      %add3A_1120 = arith.constant 32 : i32
      %add3A_1121 = arith.addi %add3A_1119, %add3A_1120 : i32
      %get3A_1122 = arith.index_cast %add3A_1121 : i32 to index
      %get3A_1123 = tpu.vector_load %arg29[%get3A_1122] {strides = array<i32>} : memref<4352xf32, #tpu.memory_space<vmem>>, vector<16xf32>,
      %mul3A_1124 = vector.broadcast %reduce_max3A_681 : f32 to vector<16xf32>
      %mul3A_1125 = arith.mulf %get3A_1123, %mul3A_1124 : vector<16xf32>
      %add3A_1126 = arith.addf %add3A_1117, %mul3A_1125 : vector<16xf32>
      %add3A_1127 = arith.constant 1088 : i32
      %add3A_1128 = arith.addi %add3A_1127, %add3A_385 : i32
      %add3A_1129 = arith.constant 32 : i32
      %add3A_1130 = arith.addi %add3A_1128, %add3A_1129 : i32
      %get3A_1131 = arith.index_cast %add3A_1130 : i32 to index
      %get3A_1132 = tpu.vector_load %arg29[%get3A_1131] {strides = array<i32>} : memref<4352xf32, #tpu.memory_space<vmem>>, vector<16xf32>,
      %mul3A_1133 = vector.broadcast %reduce_max3A_688 : f32 to vector<16xf32>
      %mul3A_1134 = arith.mulf %get3A_1132, %mul3A_1133 : vector<16xf32>
      %add3A_1135 = arith.addf %add3A_1126, %mul3A_1134 : vector<16xf32>
      %add3A_1136 = arith.constant 1360 : i32
      %add3A_1137 = arith.addi %add3A_1136, %add3A_385 : i32
      %add3A_1138 = arith.constant 32 : i32
      %add3A_1139 = arith.addi %add3A_1137, %add3A_1138 : i32
      %get3A_1140 = arith.index_cast %add3A_1139 : i32 to index
      %get3A_1141 = tpu.vector_load %arg29[%get3A_1140] {strides = array<i32>} : memref<4352xf32, #tpu.memory_space<vmem>>, vector<16xf32>,
      %mul3A_1142 = vector.broadcast %reduce_max3A_695 : f32 to vector<16xf32>
      %mul3A_1143 = arith.mulf %get3A_1141, %mul3A_1142 : vector<16xf32>
      %add3A_1144 = arith.addf %add3A_1135, %mul3A_1143 : vector<16xf32>
      %add3A_1145 = arith.constant 1632 : i32
      %add3A_1146 = arith.addi %add3A_1145, %add3A_385 : i32
      %add3A_1147 = arith.constant 32 : i32
      %add3A_1148 = arith.addi %add3A_1146, %add3A_1147 : i32
      %get3A_1149 = arith.index_cast %add3A_1148 : i32 to index
      %get3A_1150 = tpu.vector_load %arg29[%get3A_1149] {strides = array<i32>} : memref<4352xf32, #tpu.memory_space<vmem>>, vector<16xf32>,
      %mul3A_1151 = vector.broadcast %reduce_max3A_702 : f32 to vector<16xf32>
      %mul3A_1152 = arith.mulf %get3A_1150, %mul3A_1151 : vector<16xf32>
      %add3A_1153 = arith.addf %add3A_1144, %mul3A_1152 : vector<16xf32>
      %add3A_1154 = arith.constant 1904 : i32
      %add3A_1155 = arith.addi %add3A_1154, %add3A_385 : i32
      %add3A_1156 = arith.constant 32 : i32
      %add3A_1157 = arith.addi %add3A_1155, %add3A_1156 : i32
      %get3A_1158 = arith.index_cast %add3A_1157 : i32 to index
      %get3A_1159 = tpu.vector_load %arg29[%get3A_1158] {strides = array<i32>} : memref<4352xf32, #tpu.memory_space<vmem>>, vector<16xf32>,
      %mul3A_1160 = vector.broadcast %reduce_max3A_709 : f32 to vector<16xf32>
      %mul3A_1161 = arith.mulf %get3A_1159, %mul3A_1160 : vector<16xf32>
      %add3A_1162 = arith.addf %add3A_1153, %mul3A_1161 : vector<16xf32>
      %add3A_1163 = arith.constant 2176 : i32
      %add3A_1164 = arith.addi %add3A_1163, %add3A_385 : i32
      %add3A_1165 = arith.constant 32 : i32
      %add3A_1166 = arith.addi %add3A_1164, %add3A_1165 : i32
      %get3A_1167 = arith.index_cast %add3A_1166 : i32 to index
      %get3A_1168 = tpu.vector_load %arg29[%get3A_1167] {strides = array<i32>} : memref<4352xf32, #tpu.memory_space<vmem>>, vector<16xf32>,
      %mul3A_1169 = vector.broadcast %reduce_max3A_716 : f32 to vector<16xf32>
      %mul3A_1170 = arith.mulf %get3A_1168, %mul3A_1169 : vector<16xf32>
      %add3A_1171 = arith.addf %add3A_1162, %mul3A_1170 : vector<16xf32>
      %add3A_1172 = arith.constant 2448 : i32
      %add3A_1173 = arith.addi %add3A_1172, %add3A_385 : i32
      %add3A_1174 = arith.constant 32 : i32
      %add3A_1175 = arith.addi %add3A_1173, %add3A_1174 : i32
      %get3A_1176 = arith.index_cast %add3A_1175 : i32 to index
      %get3A_1177 = tpu.vector_load %arg29[%get3A_1176] {strides = array<i32>} : memref<4352xf32, #tpu.memory_space<vmem>>, vector<16xf32>,
      %mul3A_1178 = vector.broadcast %reduce_max3A_723 : f32 to vector<16xf32>
      %mul3A_1179 = arith.mulf %get3A_1177, %mul3A_1178 : vector<16xf32>
      %add3A_1180 = arith.addf %add3A_1171, %mul3A_1179 : vector<16xf32>
      %add3A_1181 = arith.constant 2720 : i32
      %add3A_1182 = arith.addi %add3A_1181, %add3A_385 : i32
      %add3A_1183 = arith.constant 32 : i32
      %add3A_1184 = arith.addi %add3A_1182, %add3A_1183 : i32
      %get3A_1185 = arith.index_cast %add3A_1184 : i32 to index
      %get3A_1186 = tpu.vector_load %arg29[%get3A_1185] {strides = array<i32>} : memref<4352xf32, #tpu.memory_space<vmem>>, vector<16xf32>,
      %mul3A_1187 = vector.broadcast %reduce_max3A_730 : f32 to vector<16xf32>
      %mul3A_1188 = arith.mulf %get3A_1186, %mul3A_1187 : vector<16xf32>
      %add3A_1189 = arith.addf %add3A_1180, %mul3A_1188 : vector<16xf32>
      %add3A_1190 = arith.constant 2992 : i32
      %add3A_1191 = arith.addi %add3A_1190, %add3A_385 : i32
      %add3A_1192 = arith.constant 32 : i32
      %add3A_1193 = arith.addi %add3A_1191, %add3A_1192 : i32
      %get3A_1194 = arith.index_cast %add3A_1193 : i32 to index
      %get3A_1195 = tpu.vector_load %arg29[%get3A_1194] {strides = array<i32>} : memref<4352xf32, #tpu.memory_space<vmem>>, vector<16xf32>,
      %mul3A_1196 = vector.broadcast %reduce_max3A_737 : f32 to vector<16xf32>
      %mul3A_1197 = arith.mulf %get3A_1195, %mul3A_1196 : vector<16xf32>
      %add3A_1198 = arith.addf %add3A_1189, %mul3A_1197 : vector<16xf32>
      %add3A_1199 = arith.constant 3264 : i32
      %add3A_1200 = arith.addi %add3A_1199, %add3A_385 : i32
      %add3A_1201 = arith.constant 32 : i32
      %add3A_1202 = arith.addi %add3A_1200, %add3A_1201 : i32
      %get3A_1203 = arith.index_cast %add3A_1202 : i32 to index
      %get3A_1204 = tpu.vector_load %arg29[%get3A_1203] {strides = array<i32>} : memref<4352xf32, #tpu.memory_space<vmem>>, vector<16xf32>,
      %mul3A_1205 = vector.broadcast %reduce_max3A_744 : f32 to vector<16xf32>
      %mul3A_1206 = arith.mulf %get3A_1204, %mul3A_1205 : vector<16xf32>
      %add3A_1207 = arith.addf %add3A_1198, %mul3A_1206 : vector<16xf32>
      %add3A_1208 = arith.constant 3536 : i32
      %add3A_1209 = arith.addi %add3A_1208, %add3A_385 : i32
      %add3A_1210 = arith.constant 32 : i32
      %add3A_1211 = arith.addi %add3A_1209, %add3A_1210 : i32
      %get3A_1212 = arith.index_cast %add3A_1211 : i32 to index
      %get3A_1213 = tpu.vector_load %arg29[%get3A_1212] {strides = array<i32>} : memref<4352xf32, #tpu.memory_space<vmem>>, vector<16xf32>,
      %mul3A_1214 = vector.broadcast %reduce_max3A_751 : f32 to vector<16xf32>
      %mul3A_1215 = arith.mulf %get3A_1213, %mul3A_1214 : vector<16xf32>
      %add3A_1216 = arith.addf %add3A_1207, %mul3A_1215 : vector<16xf32>
      %add3A_1217 = arith.constant 3808 : i32
      %add3A_1218 = arith.addi %add3A_1217, %add3A_385 : i32
      %add3A_1219 = arith.constant 32 : i32
      %add3A_1220 = arith.addi %add3A_1218, %add3A_1219 : i32
      %get3A_1221 = arith.index_cast %add3A_1220 : i32 to index
      %get3A_1222 = tpu.vector_load %arg29[%get3A_1221] {strides = array<i32>} : memref<4352xf32, #tpu.memory_space<vmem>>, vector<16xf32>,
      %mul3A_1223 = vector.broadcast %reduce_max3A_758 : f32 to vector<16xf32>
      %mul3A_1224 = arith.mulf %get3A_1222, %mul3A_1223 : vector<16xf32>
      %add3A_1225 = arith.addf %add3A_1216, %mul3A_1224 : vector<16xf32>
      %add3A_1226 = arith.constant 4080 : i32
      %add3A_1227 = arith.addi %add3A_1226, %add3A_385 : i32
      %add3A_1228 = arith.constant 32 : i32
      %add3A_1229 = arith.addi %add3A_1227, %add3A_1228 : i32
      %get3A_1230 = arith.index_cast %add3A_1229 : i32 to index
      %get3A_1231 = tpu.vector_load %arg29[%get3A_1230] {strides = array<i32>} : memref<4352xf32, #tpu.memory_space<vmem>>, vector<16xf32>,
      %mul3A_1232 = vector.broadcast %reduce_max3A_765 : f32 to vector<16xf32>
      %mul3A_1233 = arith.mulf %get3A_1231, %mul3A_1232 : vector<16xf32>
      %add3A_1234 = arith.addf %add3A_1225, %mul3A_1233 : vector<16xf32>
      %mul3A_1235 = arith.mulf %add3A_1234, %select_n3A_805 : vector<16xf32>
      %swap3A_1236 = arith.constant 32 : index
      %swap3A_1237 = tpu.vector_load %arg30[%swap3A_1236] {strides = array<i32>} : memref<144xf32, #tpu.memory_space<vmem>>, vector<16xf32>,
      tpu.vector_store %arg30[%swap3A_1236], %mul3A_1235 {strides = array<i32>} : memref<144xf32, #tpu.memory_space<vmem>>, vector<16xf32>,
      %add3A_1238 = arith.constant 48 : i32
      %add3A_1239 = arith.addi %add3A_385, %add3A_1238 : i32
      %get3A_1240 = arith.index_cast %add3A_1239 : i32 to index
      %get3A_1241 = tpu.vector_load %arg29[%get3A_1240] {strides = array<i32>} : memref<4352xf32, #tpu.memory_space<vmem>>, vector<16xf32>,
      %mul3A_1242 = vector.broadcast %reduce_max3A_660 : f32 to vector<16xf32>
      %mul3A_1243 = arith.mulf %get3A_1241, %mul3A_1242 : vector<16xf32>
      %add3A_1244 = arith.constant 272 : i32
      %add3A_1245 = arith.addi %add3A_1244, %add3A_385 : i32
      %add3A_1246 = arith.constant 48 : i32
      %add3A_1247 = arith.addi %add3A_1245, %add3A_1246 : i32
      %get3A_1248 = arith.index_cast %add3A_1247 : i32 to index
      %get3A_1249 = tpu.vector_load %arg29[%get3A_1248] {strides = array<i32>} : memref<4352xf32, #tpu.memory_space<vmem>>, vector<16xf32>,
      %mul3A_1250 = vector.broadcast %reduce_max3A_667 : f32 to vector<16xf32>
      %mul3A_1251 = arith.mulf %get3A_1249, %mul3A_1250 : vector<16xf32>
      %add3A_1252 = arith.addf %mul3A_1243, %mul3A_1251 : vector<16xf32>
      %add3A_1253 = arith.constant 544 : i32
      %add3A_1254 = arith.addi %add3A_1253, %add3A_385 : i32
      %add3A_1255 = arith.constant 48 : i32
      %add3A_1256 = arith.addi %add3A_1254, %add3A_1255 : i32
      %get3A_1257 = arith.index_cast %add3A_1256 : i32 to index
      %get3A_1258 = tpu.vector_load %arg29[%get3A_1257] {strides = array<i32>} : memref<4352xf32, #tpu.memory_space<vmem>>, vector<16xf32>,
      %mul3A_1259 = vector.broadcast %reduce_max3A_674 : f32 to vector<16xf32>
      %mul3A_1260 = arith.mulf %get3A_1258, %mul3A_1259 : vector<16xf32>
      %add3A_1261 = arith.addf %add3A_1252, %mul3A_1260 : vector<16xf32>
      %add3A_1262 = arith.constant 816 : i32
      %add3A_1263 = arith.addi %add3A_1262, %add3A_385 : i32
      %add3A_1264 = arith.constant 48 : i32
      %add3A_1265 = arith.addi %add3A_1263, %add3A_1264 : i32
      %get3A_1266 = arith.index_cast %add3A_1265 : i32 to index
      %get3A_1267 = tpu.vector_load %arg29[%get3A_1266] {strides = array<i32>} : memref<4352xf32, #tpu.memory_space<vmem>>, vector<16xf32>,
      %mul3A_1268 = vector.broadcast %reduce_max3A_681 : f32 to vector<16xf32>
      %mul3A_1269 = arith.mulf %get3A_1267, %mul3A_1268 : vector<16xf32>
      %add3A_1270 = arith.addf %add3A_1261, %mul3A_1269 : vector<16xf32>
      %add3A_1271 = arith.constant 1088 : i32
      %add3A_1272 = arith.addi %add3A_1271, %add3A_385 : i32
      %add3A_1273 = arith.constant 48 : i32
      %add3A_1274 = arith.addi %add3A_1272, %add3A_1273 : i32
      %get3A_1275 = arith.index_cast %add3A_1274 : i32 to index
      %get3A_1276 = tpu.vector_load %arg29[%get3A_1275] {strides = array<i32>} : memref<4352xf32, #tpu.memory_space<vmem>>, vector<16xf32>,
      %mul3A_1277 = vector.broadcast %reduce_max3A_688 : f32 to vector<16xf32>
      %mul3A_1278 = arith.mulf %get3A_1276, %mul3A_1277 : vector<16xf32>
      %add3A_1279 = arith.addf %add3A_1270, %mul3A_1278 : vector<16xf32>
      %add3A_1280 = arith.constant 1360 : i32
      %add3A_1281 = arith.addi %add3A_1280, %add3A_385 : i32
      %add3A_1282 = arith.constant 48 : i32
      %add3A_1283 = arith.addi %add3A_1281, %add3A_1282 : i32
      %get3A_1284 = arith.index_cast %add3A_1283 : i32 to index
      %get3A_1285 = tpu.vector_load %arg29[%get3A_1284] {strides = array<i32>} : memref<4352xf32, #tpu.memory_space<vmem>>, vector<16xf32>,
      %mul3A_1286 = vector.broadcast %reduce_max3A_695 : f32 to vector<16xf32>
      %mul3A_1287 = arith.mulf %get3A_1285, %mul3A_1286 : vector<16xf32>
      %add3A_1288 = arith.addf %add3A_1279, %mul3A_1287 : vector<16xf32>
      %add3A_1289 = arith.constant 1632 : i32
      %add3A_1290 = arith.addi %add3A_1289, %add3A_385 : i32
      %add3A_1291 = arith.constant 48 : i32
      %add3A_1292 = arith.addi %add3A_1290, %add3A_1291 : i32
      %get3A_1293 = arith.index_cast %add3A_1292 : i32 to index
      %get3A_1294 = tpu.vector_load %arg29[%get3A_1293] {strides = array<i32>} : memref<4352xf32, #tpu.memory_space<vmem>>, vector<16xf32>,
      %mul3A_1295 = vector.broadcast %reduce_max3A_702 : f32 to vector<16xf32>
      %mul3A_1296 = arith.mulf %get3A_1294, %mul3A_1295 : vector<16xf32>
      %add3A_1297 = arith.addf %add3A_1288, %mul3A_1296 : vector<16xf32>
      %add3A_1298 = arith.constant 1904 : i32
      %add3A_1299 = arith.addi %add3A_1298, %add3A_385 : i32
      %add3A_1300 = arith.constant 48 : i32
      %add3A_1301 = arith.addi %add3A_1299, %add3A_1300 : i32
      %get3A_1302 = arith.index_cast %add3A_1301 : i32 to index
      %get3A_1303 = tpu.vector_load %arg29[%get3A_1302] {strides = array<i32>} : memref<4352xf32, #tpu.memory_space<vmem>>, vector<16xf32>,
      %mul3A_1304 = vector.broadcast %reduce_max3A_709 : f32 to vector<16xf32>
      %mul3A_1305 = arith.mulf %get3A_1303, %mul3A_1304 : vector<16xf32>
      %add3A_1306 = arith.addf %add3A_1297, %mul3A_1305 : vector<16xf32>
      %add3A_1307 = arith.constant 2176 : i32
      %add3A_1308 = arith.addi %add3A_1307, %add3A_385 : i32
      %add3A_1309 = arith.constant 48 : i32
      %add3A_1310 = arith.addi %add3A_1308, %add3A_1309 : i32
      %get3A_1311 = arith.index_cast %add3A_1310 : i32 to index
      %get3A_1312 = tpu.vector_load %arg29[%get3A_1311] {strides = array<i32>} : memref<4352xf32, #tpu.memory_space<vmem>>, vector<16xf32>,
      %mul3A_1313 = vector.broadcast %reduce_max3A_716 : f32 to vector<16xf32>
      %mul3A_1314 = arith.mulf %get3A_1312, %mul3A_1313 : vector<16xf32>
      %add3A_1315 = arith.addf %add3A_1306, %mul3A_1314 : vector<16xf32>
      %add3A_1316 = arith.constant 2448 : i32
      %add3A_1317 = arith.addi %add3A_1316, %add3A_385 : i32
      %add3A_1318 = arith.constant 48 : i32
      %add3A_1319 = arith.addi %add3A_1317, %add3A_1318 : i32
      %get3A_1320 = arith.index_cast %add3A_1319 : i32 to index
      %get3A_1321 = tpu.vector_load %arg29[%get3A_1320] {strides = array<i32>} : memref<4352xf32, #tpu.memory_space<vmem>>, vector<16xf32>,
      %mul3A_1322 = vector.broadcast %reduce_max3A_723 : f32 to vector<16xf32>
      %mul3A_1323 = arith.mulf %get3A_1321, %mul3A_1322 : vector<16xf32>
      %add3A_1324 = arith.addf %add3A_1315, %mul3A_1323 : vector<16xf32>
      %add3A_1325 = arith.constant 2720 : i32
      %add3A_1326 = arith.addi %add3A_1325, %add3A_385 : i32
      %add3A_1327 = arith.constant 48 : i32
      %add3A_1328 = arith.addi %add3A_1326, %add3A_1327 : i32
      %get3A_1329 = arith.index_cast %add3A_1328 : i32 to index
      %get3A_1330 = tpu.vector_load %arg29[%get3A_1329] {strides = array<i32>} : memref<4352xf32, #tpu.memory_space<vmem>>, vector<16xf32>,
      %mul3A_1331 = vector.broadcast %reduce_max3A_730 : f32 to vector<16xf32>
      %mul3A_1332 = arith.mulf %get3A_1330, %mul3A_1331 : vector<16xf32>
      %add3A_1333 = arith.addf %add3A_1324, %mul3A_1332 : vector<16xf32>
      %add3A_1334 = arith.constant 2992 : i32
      %add3A_1335 = arith.addi %add3A_1334, %add3A_385 : i32
      %add3A_1336 = arith.constant 48 : i32
      %add3A_1337 = arith.addi %add3A_1335, %add3A_1336 : i32
      %get3A_1338 = arith.index_cast %add3A_1337 : i32 to index
      %get3A_1339 = tpu.vector_load %arg29[%get3A_1338] {strides = array<i32>} : memref<4352xf32, #tpu.memory_space<vmem>>, vector<16xf32>,
      %mul3A_1340 = vector.broadcast %reduce_max3A_737 : f32 to vector<16xf32>
      %mul3A_1341 = arith.mulf %get3A_1339, %mul3A_1340 : vector<16xf32>
      %add3A_1342 = arith.addf %add3A_1333, %mul3A_1341 : vector<16xf32>
      %add3A_1343 = arith.constant 3264 : i32
      %add3A_1344 = arith.addi %add3A_1343, %add3A_385 : i32
      %add3A_1345 = arith.constant 48 : i32
      %add3A_1346 = arith.addi %add3A_1344, %add3A_1345 : i32
      %get3A_1347 = arith.index_cast %add3A_1346 : i32 to index
      %get3A_1348 = tpu.vector_load %arg29[%get3A_1347] {strides = array<i32>} : memref<4352xf32, #tpu.memory_space<vmem>>, vector<16xf32>,
      %mul3A_1349 = vector.broadcast %reduce_max3A_744 : f32 to vector<16xf32>
      %mul3A_1350 = arith.mulf %get3A_1348, %mul3A_1349 : vector<16xf32>
      %add3A_1351 = arith.addf %add3A_1342, %mul3A_1350 : vector<16xf32>
      %add3A_1352 = arith.constant 3536 : i32
      %add3A_1353 = arith.addi %add3A_1352, %add3A_385 : i32
      %add3A_1354 = arith.constant 48 : i32
      %add3A_1355 = arith.addi %add3A_1353, %add3A_1354 : i32
      %get3A_1356 = arith.index_cast %add3A_1355 : i32 to index
      %get3A_1357 = tpu.vector_load %arg29[%get3A_1356] {strides = array<i32>} : memref<4352xf32, #tpu.memory_space<vmem>>, vector<16xf32>,
      %mul3A_1358 = vector.broadcast %reduce_max3A_751 : f32 to vector<16xf32>
      %mul3A_1359 = arith.mulf %get3A_1357, %mul3A_1358 : vector<16xf32>
      %add3A_1360 = arith.addf %add3A_1351, %mul3A_1359 : vector<16xf32>
      %add3A_1361 = arith.constant 3808 : i32
      %add3A_1362 = arith.addi %add3A_1361, %add3A_385 : i32
      %add3A_1363 = arith.constant 48 : i32
      %add3A_1364 = arith.addi %add3A_1362, %add3A_1363 : i32
      %get3A_1365 = arith.index_cast %add3A_1364 : i32 to index
      %get3A_1366 = tpu.vector_load %arg29[%get3A_1365] {strides = array<i32>} : memref<4352xf32, #tpu.memory_space<vmem>>, vector<16xf32>,
      %mul3A_1367 = vector.broadcast %reduce_max3A_758 : f32 to vector<16xf32>
      %mul3A_1368 = arith.mulf %get3A_1366, %mul3A_1367 : vector<16xf32>
      %add3A_1369 = arith.addf %add3A_1360, %mul3A_1368 : vector<16xf32>
      %add3A_1370 = arith.constant 4080 : i32
      %add3A_1371 = arith.addi %add3A_1370, %add3A_385 : i32
      %add3A_1372 = arith.constant 48 : i32
      %add3A_1373 = arith.addi %add3A_1371, %add3A_1372 : i32
      %get3A_1374 = arith.index_cast %add3A_1373 : i32 to index
      %get3A_1375 = tpu.vector_load %arg29[%get3A_1374] {strides = array<i32>} : memref<4352xf32, #tpu.memory_space<vmem>>, vector<16xf32>,
      %mul3A_1376 = vector.broadcast %reduce_max3A_765 : f32 to vector<16xf32>
      %mul3A_1377 = arith.mulf %get3A_1375, %mul3A_1376 : vector<16xf32>
      %add3A_1378 = arith.addf %add3A_1369, %mul3A_1377 : vector<16xf32>
      %mul3A_1379 = arith.mulf %add3A_1378, %select_n3A_805 : vector<16xf32>
      %swap3A_1380 = arith.constant 48 : index
      %swap3A_1381 = tpu.vector_load %arg30[%swap3A_1380] {strides = array<i32>} : memref<144xf32, #tpu.memory_space<vmem>>, vector<16xf32>,
      tpu.vector_store %arg30[%swap3A_1380], %mul3A_1379 {strides = array<i32>} : memref<144xf32, #tpu.memory_space<vmem>>, vector<16xf32>,
      %add3A_1382 = arith.constant 64 : i32
      %add3A_1383 = arith.addi %add3A_385, %add3A_1382 : i32
      %get3A_1384 = arith.index_cast %add3A_1383 : i32 to index
      %get3A_1385 = tpu.vector_load %arg29[%get3A_1384] {strides = array<i32>} : memref<4352xf32, #tpu.memory_space<vmem>>, vector<16xf32>,
      %mul3A_1386 = vector.broadcast %reduce_max3A_660 : f32 to vector<16xf32>
      %mul3A_1387 = arith.mulf %get3A_1385, %mul3A_1386 : vector<16xf32>
      %add3A_1388 = arith.constant 272 : i32
      %add3A_1389 = arith.addi %add3A_1388, %add3A_385 : i32
      %add3A_1390 = arith.constant 64 : i32
      %add3A_1391 = arith.addi %add3A_1389, %add3A_1390 : i32
      %get3A_1392 = arith.index_cast %add3A_1391 : i32 to index
      %get3A_1393 = tpu.vector_load %arg29[%get3A_1392] {strides = array<i32>} : memref<4352xf32, #tpu.memory_space<vmem>>, vector<16xf32>,
      %mul3A_1394 = vector.broadcast %reduce_max3A_667 : f32 to vector<16xf32>
      %mul3A_1395 = arith.mulf %get3A_1393, %mul3A_1394 : vector<16xf32>
      %add3A_1396 = arith.addf %mul3A_1387, %mul3A_1395 : vector<16xf32>
      %add3A_1397 = arith.constant 544 : i32
      %add3A_1398 = arith.addi %add3A_1397, %add3A_385 : i32
      %add3A_1399 = arith.constant 64 : i32
      %add3A_1400 = arith.addi %add3A_1398, %add3A_1399 : i32
      %get3A_1401 = arith.index_cast %add3A_1400 : i32 to index
      %get3A_1402 = tpu.vector_load %arg29[%get3A_1401] {strides = array<i32>} : memref<4352xf32, #tpu.memory_space<vmem>>, vector<16xf32>,
      %mul3A_1403 = vector.broadcast %reduce_max3A_674 : f32 to vector<16xf32>
      %mul3A_1404 = arith.mulf %get3A_1402, %mul3A_1403 : vector<16xf32>
      %add3A_1405 = arith.addf %add3A_1396, %mul3A_1404 : vector<16xf32>
      %add3A_1406 = arith.constant 816 : i32
      %add3A_1407 = arith.addi %add3A_1406, %add3A_385 : i32
      %add3A_1408 = arith.constant 64 : i32
      %add3A_1409 = arith.addi %add3A_1407, %add3A_1408 : i32
      %get3A_1410 = arith.index_cast %add3A_1409 : i32 to index
      %get3A_1411 = tpu.vector_load %arg29[%get3A_1410] {strides = array<i32>} : memref<4352xf32, #tpu.memory_space<vmem>>, vector<16xf32>,
      %mul3A_1412 = vector.broadcast %reduce_max3A_681 : f32 to vector<16xf32>
      %mul3A_1413 = arith.mulf %get3A_1411, %mul3A_1412 : vector<16xf32>
      %add3A_1414 = arith.addf %add3A_1405, %mul3A_1413 : vector<16xf32>
      %add3A_1415 = arith.constant 1088 : i32
      %add3A_1416 = arith.addi %add3A_1415, %add3A_385 : i32
      %add3A_1417 = arith.constant 64 : i32
      %add3A_1418 = arith.addi %add3A_1416, %add3A_1417 : i32
      %get3A_1419 = arith.index_cast %add3A_1418 : i32 to index
      %get3A_1420 = tpu.vector_load %arg29[%get3A_1419] {strides = array<i32>} : memref<4352xf32, #tpu.memory_space<vmem>>, vector<16xf32>,
      %mul3A_1421 = vector.broadcast %reduce_max3A_688 : f32 to vector<16xf32>
      %mul3A_1422 = arith.mulf %get3A_1420, %mul3A_1421 : vector<16xf32>
      %add3A_1423 = arith.addf %add3A_1414, %mul3A_1422 : vector<16xf32>
      %add3A_1424 = arith.constant 1360 : i32
      %add3A_1425 = arith.addi %add3A_1424, %add3A_385 : i32
      %add3A_1426 = arith.constant 64 : i32
      %add3A_1427 = arith.addi %add3A_1425, %add3A_1426 : i32
      %get3A_1428 = arith.index_cast %add3A_1427 : i32 to index
      %get3A_1429 = tpu.vector_load %arg29[%get3A_1428] {strides = array<i32>} : memref<4352xf32, #tpu.memory_space<vmem>>, vector<16xf32>,
      %mul3A_1430 = vector.broadcast %reduce_max3A_695 : f32 to vector<16xf32>
      %mul3A_1431 = arith.mulf %get3A_1429, %mul3A_1430 : vector<16xf32>
      %add3A_1432 = arith.addf %add3A_1423, %mul3A_1431 : vector<16xf32>
      %add3A_1433 = arith.constant 1632 : i32
      %add3A_1434 = arith.addi %add3A_1433, %add3A_385 : i32
      %add3A_1435 = arith.constant 64 : i32
      %add3A_1436 = arith.addi %add3A_1434, %add3A_1435 : i32
      %get3A_1437 = arith.index_cast %add3A_1436 : i32 to index
      %get3A_1438 = tpu.vector_load %arg29[%get3A_1437] {strides = array<i32>} : memref<4352xf32, #tpu.memory_space<vmem>>, vector<16xf32>,
      %mul3A_1439 = vector.broadcast %reduce_max3A_702 : f32 to vector<16xf32>
      %mul3A_1440 = arith.mulf %get3A_1438, %mul3A_1439 : vector<16xf32>
      %add3A_1441 = arith.addf %add3A_1432, %mul3A_1440 : vector<16xf32>
      %add3A_1442 = arith.constant 1904 : i32
      %add3A_1443 = arith.addi %add3A_1442, %add3A_385 : i32
      %add3A_1444 = arith.constant 64 : i32
      %add3A_1445 = arith.addi %add3A_1443, %add3A_1444 : i32
      %get3A_1446 = arith.index_cast %add3A_1445 : i32 to index
      %get3A_1447 = tpu.vector_load %arg29[%get3A_1446] {strides = array<i32>} : memref<4352xf32, #tpu.memory_space<vmem>>, vector<16xf32>,
      %mul3A_1448 = vector.broadcast %reduce_max3A_709 : f32 to vector<16xf32>
      %mul3A_1449 = arith.mulf %get3A_1447, %mul3A_1448 : vector<16xf32>
      %add3A_1450 = arith.addf %add3A_1441, %mul3A_1449 : vector<16xf32>
      %add3A_1451 = arith.constant 2176 : i32
      %add3A_1452 = arith.addi %add3A_1451, %add3A_385 : i32
      %add3A_1453 = arith.constant 64 : i32
      %add3A_1454 = arith.addi %add3A_1452, %add3A_1453 : i32
      %get3A_1455 = arith.index_cast %add3A_1454 : i32 to index
      %get3A_1456 = tpu.vector_load %arg29[%get3A_1455] {strides = array<i32>} : memref<4352xf32, #tpu.memory_space<vmem>>, vector<16xf32>,
      %mul3A_1457 = vector.broadcast %reduce_max3A_716 : f32 to vector<16xf32>
      %mul3A_1458 = arith.mulf %get3A_1456, %mul3A_1457 : vector<16xf32>
      %add3A_1459 = arith.addf %add3A_1450, %mul3A_1458 : vector<16xf32>
      %add3A_1460 = arith.constant 2448 : i32
      %add3A_1461 = arith.addi %add3A_1460, %add3A_385 : i32
      %add3A_1462 = arith.constant 64 : i32
      %add3A_1463 = arith.addi %add3A_1461, %add3A_1462 : i32
      %get3A_1464 = arith.index_cast %add3A_1463 : i32 to index
      %get3A_1465 = tpu.vector_load %arg29[%get3A_1464] {strides = array<i32>} : memref<4352xf32, #tpu.memory_space<vmem>>, vector<16xf32>,
      %mul3A_1466 = vector.broadcast %reduce_max3A_723 : f32 to vector<16xf32>
      %mul3A_1467 = arith.mulf %get3A_1465, %mul3A_1466 : vector<16xf32>
      %add3A_1468 = arith.addf %add3A_1459, %mul3A_1467 : vector<16xf32>
      %add3A_1469 = arith.constant 2720 : i32
      %add3A_1470 = arith.addi %add3A_1469, %add3A_385 : i32
      %add3A_1471 = arith.constant 64 : i32
      %add3A_1472 = arith.addi %add3A_1470, %add3A_1471 : i32
      %get3A_1473 = arith.index_cast %add3A_1472 : i32 to index
      %get3A_1474 = tpu.vector_load %arg29[%get3A_1473] {strides = array<i32>} : memref<4352xf32, #tpu.memory_space<vmem>>, vector<16xf32>,
      %mul3A_1475 = vector.broadcast %reduce_max3A_730 : f32 to vector<16xf32>
      %mul3A_1476 = arith.mulf %get3A_1474, %mul3A_1475 : vector<16xf32>
      %add3A_1477 = arith.addf %add3A_1468, %mul3A_1476 : vector<16xf32>
      %add3A_1478 = arith.constant 2992 : i32
      %add3A_1479 = arith.addi %add3A_1478, %add3A_385 : i32
      %add3A_1480 = arith.constant 64 : i32
      %add3A_1481 = arith.addi %add3A_1479, %add3A_1480 : i32
      %get3A_1482 = arith.index_cast %add3A_1481 : i32 to index
      %get3A_1483 = tpu.vector_load %arg29[%get3A_1482] {strides = array<i32>} : memref<4352xf32, #tpu.memory_space<vmem>>, vector<16xf32>,
      %mul3A_1484 = vector.broadcast %reduce_max3A_737 : f32 to vector<16xf32>
      %mul3A_1485 = arith.mulf %get3A_1483, %mul3A_1484 : vector<16xf32>
      %add3A_1486 = arith.addf %add3A_1477, %mul3A_1485 : vector<16xf32>
      %add3A_1487 = arith.constant 3264 : i32
      %add3A_1488 = arith.addi %add3A_1487, %add3A_385 : i32
      %add3A_1489 = arith.constant 64 : i32
      %add3A_1490 = arith.addi %add3A_1488, %add3A_1489 : i32
      %get3A_1491 = arith.index_cast %add3A_1490 : i32 to index
      %get3A_1492 = tpu.vector_load %arg29[%get3A_1491] {strides = array<i32>} : memref<4352xf32, #tpu.memory_space<vmem>>, vector<16xf32>,
      %mul3A_1493 = vector.broadcast %reduce_max3A_744 : f32 to vector<16xf32>
      %mul3A_1494 = arith.mulf %get3A_1492, %mul3A_1493 : vector<16xf32>
      %add3A_1495 = arith.addf %add3A_1486, %mul3A_1494 : vector<16xf32>
      %add3A_1496 = arith.constant 3536 : i32
      %add3A_1497 = arith.addi %add3A_1496, %add3A_385 : i32
      %add3A_1498 = arith.constant 64 : i32
      %add3A_1499 = arith.addi %add3A_1497, %add3A_1498 : i32
      %get3A_1500 = arith.index_cast %add3A_1499 : i32 to index
      %get3A_1501 = tpu.vector_load %arg29[%get3A_1500] {strides = array<i32>} : memref<4352xf32, #tpu.memory_space<vmem>>, vector<16xf32>,
      %mul3A_1502 = vector.broadcast %reduce_max3A_751 : f32 to vector<16xf32>
      %mul3A_1503 = arith.mulf %get3A_1501, %mul3A_1502 : vector<16xf32>
      %add3A_1504 = arith.addf %add3A_1495, %mul3A_1503 : vector<16xf32>
      %add3A_1505 = arith.constant 3808 : i32
      %add3A_1506 = arith.addi %add3A_1505, %add3A_385 : i32
      %add3A_1507 = arith.constant 64 : i32
      %add3A_1508 = arith.addi %add3A_1506, %add3A_1507 : i32
      %get3A_1509 = arith.index_cast %add3A_1508 : i32 to index
      %get3A_1510 = tpu.vector_load %arg29[%get3A_1509] {strides = array<i32>} : memref<4352xf32, #tpu.memory_space<vmem>>, vector<16xf32>,
      %mul3A_1511 = vector.broadcast %reduce_max3A_758 : f32 to vector<16xf32>
      %mul3A_1512 = arith.mulf %get3A_1510, %mul3A_1511 : vector<16xf32>
      %add3A_1513 = arith.addf %add3A_1504, %mul3A_1512 : vector<16xf32>
      %add3A_1514 = arith.constant 4080 : i32
      %add3A_1515 = arith.addi %add3A_1514, %add3A_385 : i32
      %add3A_1516 = arith.constant 64 : i32
      %add3A_1517 = arith.addi %add3A_1515, %add3A_1516 : i32
      %get3A_1518 = arith.index_cast %add3A_1517 : i32 to index
      %get3A_1519 = tpu.vector_load %arg29[%get3A_1518] {strides = array<i32>} : memref<4352xf32, #tpu.memory_space<vmem>>, vector<16xf32>,
      %mul3A_1520 = vector.broadcast %reduce_max3A_765 : f32 to vector<16xf32>
      %mul3A_1521 = arith.mulf %get3A_1519, %mul3A_1520 : vector<16xf32>
      %add3A_1522 = arith.addf %add3A_1513, %mul3A_1521 : vector<16xf32>
      %mul3A_1523 = arith.mulf %add3A_1522, %select_n3A_805 : vector<16xf32>
      %swap3A_1524 = arith.constant 64 : index
      %swap3A_1525 = tpu.vector_load %arg30[%swap3A_1524] {strides = array<i32>} : memref<144xf32, #tpu.memory_space<vmem>>, vector<16xf32>,
      tpu.vector_store %arg30[%swap3A_1524], %mul3A_1523 {strides = array<i32>} : memref<144xf32, #tpu.memory_space<vmem>>, vector<16xf32>,
      %add3A_1526 = arith.constant 80 : i32
      %add3A_1527 = arith.addi %add3A_385, %add3A_1526 : i32
      %get3A_1528 = arith.index_cast %add3A_1527 : i32 to index
      %get3A_1529 = tpu.vector_load %arg29[%get3A_1528] {strides = array<i32>} : memref<4352xf32, #tpu.memory_space<vmem>>, vector<16xf32>,
      %mul3A_1530 = vector.broadcast %reduce_max3A_660 : f32 to vector<16xf32>
      %mul3A_1531 = arith.mulf %get3A_1529, %mul3A_1530 : vector<16xf32>
      %add3A_1532 = arith.constant 272 : i32
      %add3A_1533 = arith.addi %add3A_1532, %add3A_385 : i32
      %add3A_1534 = arith.constant 80 : i32
      %add3A_1535 = arith.addi %add3A_1533, %add3A_1534 : i32
      %get3A_1536 = arith.index_cast %add3A_1535 : i32 to index
      %get3A_1537 = tpu.vector_load %arg29[%get3A_1536] {strides = array<i32>} : memref<4352xf32, #tpu.memory_space<vmem>>, vector<16xf32>,
      %mul3A_1538 = vector.broadcast %reduce_max3A_667 : f32 to vector<16xf32>
      %mul3A_1539 = arith.mulf %get3A_1537, %mul3A_1538 : vector<16xf32>
      %add3A_1540 = arith.addf %mul3A_1531, %mul3A_1539 : vector<16xf32>
      %add3A_1541 = arith.constant 544 : i32
      %add3A_1542 = arith.addi %add3A_1541, %add3A_385 : i32
      %add3A_1543 = arith.constant 80 : i32
      %add3A_1544 = arith.addi %add3A_1542, %add3A_1543 : i32
      %get3A_1545 = arith.index_cast %add3A_1544 : i32 to index
      %get3A_1546 = tpu.vector_load %arg29[%get3A_1545] {strides = array<i32>} : memref<4352xf32, #tpu.memory_space<vmem>>, vector<16xf32>,
      %mul3A_1547 = vector.broadcast %reduce_max3A_674 : f32 to vector<16xf32>
      %mul3A_1548 = arith.mulf %get3A_1546, %mul3A_1547 : vector<16xf32>
      %add3A_1549 = arith.addf %add3A_1540, %mul3A_1548 : vector<16xf32>
      %add3A_1550 = arith.constant 816 : i32
      %add3A_1551 = arith.addi %add3A_1550, %add3A_385 : i32
      %add3A_1552 = arith.constant 80 : i32
      %add3A_1553 = arith.addi %add3A_1551, %add3A_1552 : i32
      %get3A_1554 = arith.index_cast %add3A_1553 : i32 to index
      %get3A_1555 = tpu.vector_load %arg29[%get3A_1554] {strides = array<i32>} : memref<4352xf32, #tpu.memory_space<vmem>>, vector<16xf32>,
      %mul3A_1556 = vector.broadcast %reduce_max3A_681 : f32 to vector<16xf32>
      %mul3A_1557 = arith.mulf %get3A_1555, %mul3A_1556 : vector<16xf32>
      %add3A_1558 = arith.addf %add3A_1549, %mul3A_1557 : vector<16xf32>
      %add3A_1559 = arith.constant 1088 : i32
      %add3A_1560 = arith.addi %add3A_1559, %add3A_385 : i32
      %add3A_1561 = arith.constant 80 : i32
      %add3A_1562 = arith.addi %add3A_1560, %add3A_1561 : i32
      %get3A_1563 = arith.index_cast %add3A_1562 : i32 to index
      %get3A_1564 = tpu.vector_load %arg29[%get3A_1563] {strides = array<i32>} : memref<4352xf32, #tpu.memory_space<vmem>>, vector<16xf32>,
      %mul3A_1565 = vector.broadcast %reduce_max3A_688 : f32 to vector<16xf32>
      %mul3A_1566 = arith.mulf %get3A_1564, %mul3A_1565 : vector<16xf32>
      %add3A_1567 = arith.addf %add3A_1558, %mul3A_1566 : vector<16xf32>
      %add3A_1568 = arith.constant 1360 : i32
      %add3A_1569 = arith.addi %add3A_1568, %add3A_385 : i32
      %add3A_1570 = arith.constant 80 : i32
      %add3A_1571 = arith.addi %add3A_1569, %add3A_1570 : i32
      %get3A_1572 = arith.index_cast %add3A_1571 : i32 to index
      %get3A_1573 = tpu.vector_load %arg29[%get3A_1572] {strides = array<i32>} : memref<4352xf32, #tpu.memory_space<vmem>>, vector<16xf32>,
      %mul3A_1574 = vector.broadcast %reduce_max3A_695 : f32 to vector<16xf32>
      %mul3A_1575 = arith.mulf %get3A_1573, %mul3A_1574 : vector<16xf32>
      %add3A_1576 = arith.addf %add3A_1567, %mul3A_1575 : vector<16xf32>
      %add3A_1577 = arith.constant 1632 : i32
      %add3A_1578 = arith.addi %add3A_1577, %add3A_385 : i32
      %add3A_1579 = arith.constant 80 : i32
      %add3A_1580 = arith.addi %add3A_1578, %add3A_1579 : i32
      %get3A_1581 = arith.index_cast %add3A_1580 : i32 to index
      %get3A_1582 = tpu.vector_load %arg29[%get3A_1581] {strides = array<i32>} : memref<4352xf32, #tpu.memory_space<vmem>>, vector<16xf32>,
      %mul3A_1583 = vector.broadcast %reduce_max3A_702 : f32 to vector<16xf32>
      %mul3A_1584 = arith.mulf %get3A_1582, %mul3A_1583 : vector<16xf32>
      %add3A_1585 = arith.addf %add3A_1576, %mul3A_1584 : vector<16xf32>
      %add3A_1586 = arith.constant 1904 : i32
      %add3A_1587 = arith.addi %add3A_1586, %add3A_385 : i32
      %add3A_1588 = arith.constant 80 : i32
      %add3A_1589 = arith.addi %add3A_1587, %add3A_1588 : i32
      %get3A_1590 = arith.index_cast %add3A_1589 : i32 to index
      %get3A_1591 = tpu.vector_load %arg29[%get3A_1590] {strides = array<i32>} : memref<4352xf32, #tpu.memory_space<vmem>>, vector<16xf32>,
      %mul3A_1592 = vector.broadcast %reduce_max3A_709 : f32 to vector<16xf32>
      %mul3A_1593 = arith.mulf %get3A_1591, %mul3A_1592 : vector<16xf32>
      %add3A_1594 = arith.addf %add3A_1585, %mul3A_1593 : vector<16xf32>
      %add3A_1595 = arith.constant 2176 : i32
      %add3A_1596 = arith.addi %add3A_1595, %add3A_385 : i32
      %add3A_1597 = arith.constant 80 : i32
      %add3A_1598 = arith.addi %add3A_1596, %add3A_1597 : i32
      %get3A_1599 = arith.index_cast %add3A_1598 : i32 to index
      %get3A_1600 = tpu.vector_load %arg29[%get3A_1599] {strides = array<i32>} : memref<4352xf32, #tpu.memory_space<vmem>>, vector<16xf32>,
      %mul3A_1601 = vector.broadcast %reduce_max3A_716 : f32 to vector<16xf32>
      %mul3A_1602 = arith.mulf %get3A_1600, %mul3A_1601 : vector<16xf32>
      %add3A_1603 = arith.addf %add3A_1594, %mul3A_1602 : vector<16xf32>
      %add3A_1604 = arith.constant 2448 : i32
      %add3A_1605 = arith.addi %add3A_1604, %add3A_385 : i32
      %add3A_1606 = arith.constant 80 : i32
      %add3A_1607 = arith.addi %add3A_1605, %add3A_1606 : i32
      %get3A_1608 = arith.index_cast %add3A_1607 : i32 to index
      %get3A_1609 = tpu.vector_load %arg29[%get3A_1608] {strides = array<i32>} : memref<4352xf32, #tpu.memory_space<vmem>>, vector<16xf32>,
      %mul3A_1610 = vector.broadcast %reduce_max3A_723 : f32 to vector<16xf32>
      %mul3A_1611 = arith.mulf %get3A_1609, %mul3A_1610 : vector<16xf32>
      %add3A_1612 = arith.addf %add3A_1603, %mul3A_1611 : vector<16xf32>
      %add3A_1613 = arith.constant 2720 : i32
      %add3A_1614 = arith.addi %add3A_1613, %add3A_385 : i32
      %add3A_1615 = arith.constant 80 : i32
      %add3A_1616 = arith.addi %add3A_1614, %add3A_1615 : i32
      %get3A_1617 = arith.index_cast %add3A_1616 : i32 to index
      %get3A_1618 = tpu.vector_load %arg29[%get3A_1617] {strides = array<i32>} : memref<4352xf32, #tpu.memory_space<vmem>>, vector<16xf32>,
      %mul3A_1619 = vector.broadcast %reduce_max3A_730 : f32 to vector<16xf32>
      %mul3A_1620 = arith.mulf %get3A_1618, %mul3A_1619 : vector<16xf32>
      %add3A_1621 = arith.addf %add3A_1612, %mul3A_1620 : vector<16xf32>
      %add3A_1622 = arith.constant 2992 : i32
      %add3A_1623 = arith.addi %add3A_1622, %add3A_385 : i32
      %add3A_1624 = arith.constant 80 : i32
      %add3A_1625 = arith.addi %add3A_1623, %add3A_1624 : i32
      %get3A_1626 = arith.index_cast %add3A_1625 : i32 to index
      %get3A_1627 = tpu.vector_load %arg29[%get3A_1626] {strides = array<i32>} : memref<4352xf32, #tpu.memory_space<vmem>>, vector<16xf32>,
      %mul3A_1628 = vector.broadcast %reduce_max3A_737 : f32 to vector<16xf32>
      %mul3A_1629 = arith.mulf %get3A_1627, %mul3A_1628 : vector<16xf32>
      %add3A_1630 = arith.addf %add3A_1621, %mul3A_1629 : vector<16xf32>
      %add3A_1631 = arith.constant 3264 : i32
      %add3A_1632 = arith.addi %add3A_1631, %add3A_385 : i32
      %add3A_1633 = arith.constant 80 : i32
      %add3A_1634 = arith.addi %add3A_1632, %add3A_1633 : i32
      %get3A_1635 = arith.index_cast %add3A_1634 : i32 to index
      %get3A_1636 = tpu.vector_load %arg29[%get3A_1635] {strides = array<i32>} : memref<4352xf32, #tpu.memory_space<vmem>>, vector<16xf32>,
      %mul3A_1637 = vector.broadcast %reduce_max3A_744 : f32 to vector<16xf32>
      %mul3A_1638 = arith.mulf %get3A_1636, %mul3A_1637 : vector<16xf32>
      %add3A_1639 = arith.addf %add3A_1630, %mul3A_1638 : vector<16xf32>
      %add3A_1640 = arith.constant 3536 : i32
      %add3A_1641 = arith.addi %add3A_1640, %add3A_385 : i32
      %add3A_1642 = arith.constant 80 : i32
      %add3A_1643 = arith.addi %add3A_1641, %add3A_1642 : i32
      %get3A_1644 = arith.index_cast %add3A_1643 : i32 to index
      %get3A_1645 = tpu.vector_load %arg29[%get3A_1644] {strides = array<i32>} : memref<4352xf32, #tpu.memory_space<vmem>>, vector<16xf32>,
      %mul3A_1646 = vector.broadcast %reduce_max3A_751 : f32 to vector<16xf32>
      %mul3A_1647 = arith.mulf %get3A_1645, %mul3A_1646 : vector<16xf32>
      %add3A_1648 = arith.addf %add3A_1639, %mul3A_1647 : vector<16xf32>
      %add3A_1649 = arith.constant 3808 : i32
      %add3A_1650 = arith.addi %add3A_1649, %add3A_385 : i32
      %add3A_1651 = arith.constant 80 : i32
      %add3A_1652 = arith.addi %add3A_1650, %add3A_1651 : i32
      %get3A_1653 = arith.index_cast %add3A_1652 : i32 to index
      %get3A_1654 = tpu.vector_load %arg29[%get3A_1653] {strides = array<i32>} : memref<4352xf32, #tpu.memory_space<vmem>>, vector<16xf32>,
      %mul3A_1655 = vector.broadcast %reduce_max3A_758 : f32 to vector<16xf32>
      %mul3A_1656 = arith.mulf %get3A_1654, %mul3A_1655 : vector<16xf32>
      %add3A_1657 = arith.addf %add3A_1648, %mul3A_1656 : vector<16xf32>
      %add3A_1658 = arith.constant 4080 : i32
      %add3A_1659 = arith.addi %add3A_1658, %add3A_385 : i32
      %add3A_1660 = arith.constant 80 : i32
      %add3A_1661 = arith.addi %add3A_1659, %add3A_1660 : i32
      %get3A_1662 = arith.index_cast %add3A_1661 : i32 to index
      %get3A_1663 = tpu.vector_load %arg29[%get3A_1662] {strides = array<i32>} : memref<4352xf32, #tpu.memory_space<vmem>>, vector<16xf32>,
      %mul3A_1664 = vector.broadcast %reduce_max3A_765 : f32 to vector<16xf32>
      %mul3A_1665 = arith.mulf %get3A_1663, %mul3A_1664 : vector<16xf32>
      %add3A_1666 = arith.addf %add3A_1657, %mul3A_1665 : vector<16xf32>
      %mul3A_1667 = arith.mulf %add3A_1666, %select_n3A_805 : vector<16xf32>
      %swap3A_1668 = arith.constant 80 : index
      %swap3A_1669 = tpu.vector_load %arg30[%swap3A_1668] {strides = array<i32>} : memref<144xf32, #tpu.memory_space<vmem>>, vector<16xf32>,
      tpu.vector_store %arg30[%swap3A_1668], %mul3A_1667 {strides = array<i32>} : memref<144xf32, #tpu.memory_space<vmem>>, vector<16xf32>,
      %add3A_1670 = arith.constant 96 : i32
      %add3A_1671 = arith.addi %add3A_385, %add3A_1670 : i32
      %get3A_1672 = arith.index_cast %add3A_1671 : i32 to index
      %get3A_1673 = tpu.vector_load %arg29[%get3A_1672] {strides = array<i32>} : memref<4352xf32, #tpu.memory_space<vmem>>, vector<16xf32>,
      %mul3A_1674 = vector.broadcast %reduce_max3A_660 : f32 to vector<16xf32>
      %mul3A_1675 = arith.mulf %get3A_1673, %mul3A_1674 : vector<16xf32>
      %add3A_1676 = arith.constant 272 : i32
      %add3A_1677 = arith.addi %add3A_1676, %add3A_385 : i32
      %add3A_1678 = arith.constant 96 : i32
      %add3A_1679 = arith.addi %add3A_1677, %add3A_1678 : i32
      %get3A_1680 = arith.index_cast %add3A_1679 : i32 to index
      %get3A_1681 = tpu.vector_load %arg29[%get3A_1680] {strides = array<i32>} : memref<4352xf32, #tpu.memory_space<vmem>>, vector<16xf32>,
      %mul3A_1682 = vector.broadcast %reduce_max3A_667 : f32 to vector<16xf32>
      %mul3A_1683 = arith.mulf %get3A_1681, %mul3A_1682 : vector<16xf32>
      %add3A_1684 = arith.addf %mul3A_1675, %mul3A_1683 : vector<16xf32>
      %add3A_1685 = arith.constant 544 : i32
      %add3A_1686 = arith.addi %add3A_1685, %add3A_385 : i32
      %add3A_1687 = arith.constant 96 : i32
      %add3A_1688 = arith.addi %add3A_1686, %add3A_1687 : i32
      %get3A_1689 = arith.index_cast %add3A_1688 : i32 to index
      %get3A_1690 = tpu.vector_load %arg29[%get3A_1689] {strides = array<i32>} : memref<4352xf32, #tpu.memory_space<vmem>>, vector<16xf32>,
      %mul3A_1691 = vector.broadcast %reduce_max3A_674 : f32 to vector<16xf32>
      %mul3A_1692 = arith.mulf %get3A_1690, %mul3A_1691 : vector<16xf32>
      %add3A_1693 = arith.addf %add3A_1684, %mul3A_1692 : vector<16xf32>
      %add3A_1694 = arith.constant 816 : i32
      %add3A_1695 = arith.addi %add3A_1694, %add3A_385 : i32
      %add3A_1696 = arith.constant 96 : i32
      %add3A_1697 = arith.addi %add3A_1695, %add3A_1696 : i32
      %get3A_1698 = arith.index_cast %add3A_1697 : i32 to index
      %get3A_1699 = tpu.vector_load %arg29[%get3A_1698] {strides = array<i32>} : memref<4352xf32, #tpu.memory_space<vmem>>, vector<16xf32>,
      %mul3A_1700 = vector.broadcast %reduce_max3A_681 : f32 to vector<16xf32>
      %mul3A_1701 = arith.mulf %get3A_1699, %mul3A_1700 : vector<16xf32>
      %add3A_1702 = arith.addf %add3A_1693, %mul3A_1701 : vector<16xf32>
      %add3A_1703 = arith.constant 1088 : i32
      %add3A_1704 = arith.addi %add3A_1703, %add3A_385 : i32
      %add3A_1705 = arith.constant 96 : i32
      %add3A_1706 = arith.addi %add3A_1704, %add3A_1705 : i32
      %get3A_1707 = arith.index_cast %add3A_1706 : i32 to index
      %get3A_1708 = tpu.vector_load %arg29[%get3A_1707] {strides = array<i32>} : memref<4352xf32, #tpu.memory_space<vmem>>, vector<16xf32>,
      %mul3A_1709 = vector.broadcast %reduce_max3A_688 : f32 to vector<16xf32>
      %mul3A_1710 = arith.mulf %get3A_1708, %mul3A_1709 : vector<16xf32>
      %add3A_1711 = arith.addf %add3A_1702, %mul3A_1710 : vector<16xf32>
      %add3A_1712 = arith.constant 1360 : i32
      %add3A_1713 = arith.addi %add3A_1712, %add3A_385 : i32
      %add3A_1714 = arith.constant 96 : i32
      %add3A_1715 = arith.addi %add3A_1713, %add3A_1714 : i32
      %get3A_1716 = arith.index_cast %add3A_1715 : i32 to index
      %get3A_1717 = tpu.vector_load %arg29[%get3A_1716] {strides = array<i32>} : memref<4352xf32, #tpu.memory_space<vmem>>, vector<16xf32>,
      %mul3A_1718 = vector.broadcast %reduce_max3A_695 : f32 to vector<16xf32>
      %mul3A_1719 = arith.mulf %get3A_1717, %mul3A_1718 : vector<16xf32>
      %add3A_1720 = arith.addf %add3A_1711, %mul3A_1719 : vector<16xf32>
      %add3A_1721 = arith.constant 1632 : i32
      %add3A_1722 = arith.addi %add3A_1721, %add3A_385 : i32
      %add3A_1723 = arith.constant 96 : i32
      %add3A_1724 = arith.addi %add3A_1722, %add3A_1723 : i32
      %get3A_1725 = arith.index_cast %add3A_1724 : i32 to index
      %get3A_1726 = tpu.vector_load %arg29[%get3A_1725] {strides = array<i32>} : memref<4352xf32, #tpu.memory_space<vmem>>, vector<16xf32>,
      %mul3A_1727 = vector.broadcast %reduce_max3A_702 : f32 to vector<16xf32>
      %mul3A_1728 = arith.mulf %get3A_1726, %mul3A_1727 : vector<16xf32>
      %add3A_1729 = arith.addf %add3A_1720, %mul3A_1728 : vector<16xf32>
      %add3A_1730 = arith.constant 1904 : i32
      %add3A_1731 = arith.addi %add3A_1730, %add3A_385 : i32
      %add3A_1732 = arith.constant 96 : i32
      %add3A_1733 = arith.addi %add3A_1731, %add3A_1732 : i32
      %get3A_1734 = arith.index_cast %add3A_1733 : i32 to index
      %get3A_1735 = tpu.vector_load %arg29[%get3A_1734] {strides = array<i32>} : memref<4352xf32, #tpu.memory_space<vmem>>, vector<16xf32>,
      %mul3A_1736 = vector.broadcast %reduce_max3A_709 : f32 to vector<16xf32>
      %mul3A_1737 = arith.mulf %get3A_1735, %mul3A_1736 : vector<16xf32>
      %add3A_1738 = arith.addf %add3A_1729, %mul3A_1737 : vector<16xf32>
      %add3A_1739 = arith.constant 2176 : i32
      %add3A_1740 = arith.addi %add3A_1739, %add3A_385 : i32
      %add3A_1741 = arith.constant 96 : i32
      %add3A_1742 = arith.addi %add3A_1740, %add3A_1741 : i32
      %get3A_1743 = arith.index_cast %add3A_1742 : i32 to index
      %get3A_1744 = tpu.vector_load %arg29[%get3A_1743] {strides = array<i32>} : memref<4352xf32, #tpu.memory_space<vmem>>, vector<16xf32>,
      %mul3A_1745 = vector.broadcast %reduce_max3A_716 : f32 to vector<16xf32>
      %mul3A_1746 = arith.mulf %get3A_1744, %mul3A_1745 : vector<16xf32>
      %add3A_1747 = arith.addf %add3A_1738, %mul3A_1746 : vector<16xf32>
      %add3A_1748 = arith.constant 2448 : i32
      %add3A_1749 = arith.addi %add3A_1748, %add3A_385 : i32
      %add3A_1750 = arith.constant 96 : i32
      %add3A_1751 = arith.addi %add3A_1749, %add3A_1750 : i32
      %get3A_1752 = arith.index_cast %add3A_1751 : i32 to index
      %get3A_1753 = tpu.vector_load %arg29[%get3A_1752] {strides = array<i32>} : memref<4352xf32, #tpu.memory_space<vmem>>, vector<16xf32>,
      %mul3A_1754 = vector.broadcast %reduce_max3A_723 : f32 to vector<16xf32>
      %mul3A_1755 = arith.mulf %get3A_1753, %mul3A_1754 : vector<16xf32>
      %add3A_1756 = arith.addf %add3A_1747, %mul3A_1755 : vector<16xf32>
      %add3A_1757 = arith.constant 2720 : i32
      %add3A_1758 = arith.addi %add3A_1757, %add3A_385 : i32
      %add3A_1759 = arith.constant 96 : i32
      %add3A_1760 = arith.addi %add3A_1758, %add3A_1759 : i32
      %get3A_1761 = arith.index_cast %add3A_1760 : i32 to index
      %get3A_1762 = tpu.vector_load %arg29[%get3A_1761] {strides = array<i32>} : memref<4352xf32, #tpu.memory_space<vmem>>, vector<16xf32>,
      %mul3A_1763 = vector.broadcast %reduce_max3A_730 : f32 to vector<16xf32>
      %mul3A_1764 = arith.mulf %get3A_1762, %mul3A_1763 : vector<16xf32>
      %add3A_1765 = arith.addf %add3A_1756, %mul3A_1764 : vector<16xf32>
      %add3A_1766 = arith.constant 2992 : i32
      %add3A_1767 = arith.addi %add3A_1766, %add3A_385 : i32
      %add3A_1768 = arith.constant 96 : i32
      %add3A_1769 = arith.addi %add3A_1767, %add3A_1768 : i32
      %get3A_1770 = arith.index_cast %add3A_1769 : i32 to index
      %get3A_1771 = tpu.vector_load %arg29[%get3A_1770] {strides = array<i32>} : memref<4352xf32, #tpu.memory_space<vmem>>, vector<16xf32>,
      %mul3A_1772 = vector.broadcast %reduce_max3A_737 : f32 to vector<16xf32>
      %mul3A_1773 = arith.mulf %get3A_1771, %mul3A_1772 : vector<16xf32>
      %add3A_1774 = arith.addf %add3A_1765, %mul3A_1773 : vector<16xf32>
      %add3A_1775 = arith.constant 3264 : i32
      %add3A_1776 = arith.addi %add3A_1775, %add3A_385 : i32
      %add3A_1777 = arith.constant 96 : i32
      %add3A_1778 = arith.addi %add3A_1776, %add3A_1777 : i32
      %get3A_1779 = arith.index_cast %add3A_1778 : i32 to index
      %get3A_1780 = tpu.vector_load %arg29[%get3A_1779] {strides = array<i32>} : memref<4352xf32, #tpu.memory_space<vmem>>, vector<16xf32>,
      %mul3A_1781 = vector.broadcast %reduce_max3A_744 : f32 to vector<16xf32>
      %mul3A_1782 = arith.mulf %get3A_1780, %mul3A_1781 : vector<16xf32>
      %add3A_1783 = arith.addf %add3A_1774, %mul3A_1782 : vector<16xf32>
      %add3A_1784 = arith.constant 3536 : i32
      %add3A_1785 = arith.addi %add3A_1784, %add3A_385 : i32
      %add3A_1786 = arith.constant 96 : i32
      %add3A_1787 = arith.addi %add3A_1785, %add3A_1786 : i32
      %get3A_1788 = arith.index_cast %add3A_1787 : i32 to index
      %get3A_1789 = tpu.vector_load %arg29[%get3A_1788] {strides = array<i32>} : memref<4352xf32, #tpu.memory_space<vmem>>, vector<16xf32>,
      %mul3A_1790 = vector.broadcast %reduce_max3A_751 : f32 to vector<16xf32>
      %mul3A_1791 = arith.mulf %get3A_1789, %mul3A_1790 : vector<16xf32>
      %add3A_1792 = arith.addf %add3A_1783, %mul3A_1791 : vector<16xf32>
      %add3A_1793 = arith.constant 3808 : i32
      %add3A_1794 = arith.addi %add3A_1793, %add3A_385 : i32
      %add3A_1795 = arith.constant 96 : i32
      %add3A_1796 = arith.addi %add3A_1794, %add3A_1795 : i32
      %get3A_1797 = arith.index_cast %add3A_1796 : i32 to index
      %get3A_1798 = tpu.vector_load %arg29[%get3A_1797] {strides = array<i32>} : memref<4352xf32, #tpu.memory_space<vmem>>, vector<16xf32>,
      %mul3A_1799 = vector.broadcast %reduce_max3A_758 : f32 to vector<16xf32>
      %mul3A_1800 = arith.mulf %get3A_1798, %mul3A_1799 : vector<16xf32>
      %add3A_1801 = arith.addf %add3A_1792, %mul3A_1800 : vector<16xf32>
      %add3A_1802 = arith.constant 4080 : i32
      %add3A_1803 = arith.addi %add3A_1802, %add3A_385 : i32
      %add3A_1804 = arith.constant 96 : i32
      %add3A_1805 = arith.addi %add3A_1803, %add3A_1804 : i32
      %get3A_1806 = arith.index_cast %add3A_1805 : i32 to index
      %get3A_1807 = tpu.vector_load %arg29[%get3A_1806] {strides = array<i32>} : memref<4352xf32, #tpu.memory_space<vmem>>, vector<16xf32>,
      %mul3A_1808 = vector.broadcast %reduce_max3A_765 : f32 to vector<16xf32>
      %mul3A_1809 = arith.mulf %get3A_1807, %mul3A_1808 : vector<16xf32>
      %add3A_1810 = arith.addf %add3A_1801, %mul3A_1809 : vector<16xf32>
      %mul3A_1811 = arith.mulf %add3A_1810, %select_n3A_805 : vector<16xf32>
      %swap3A_1812 = arith.constant 96 : index
      %swap3A_1813 = tpu.vector_load %arg30[%swap3A_1812] {strides = array<i32>} : memref<144xf32, #tpu.memory_space<vmem>>, vector<16xf32>,
      tpu.vector_store %arg30[%swap3A_1812], %mul3A_1811 {strides = array<i32>} : memref<144xf32, #tpu.memory_space<vmem>>, vector<16xf32>,
      %add3A_1814 = arith.constant 112 : i32
      %add3A_1815 = arith.addi %add3A_385, %add3A_1814 : i32
      %get3A_1816 = arith.index_cast %add3A_1815 : i32 to index
      %get3A_1817 = tpu.vector_load %arg29[%get3A_1816] {strides = array<i32>} : memref<4352xf32, #tpu.memory_space<vmem>>, vector<16xf32>,
      %mul3A_1818 = vector.broadcast %reduce_max3A_660 : f32 to vector<16xf32>
      %mul3A_1819 = arith.mulf %get3A_1817, %mul3A_1818 : vector<16xf32>
      %add3A_1820 = arith.constant 272 : i32
      %add3A_1821 = arith.addi %add3A_1820, %add3A_385 : i32
      %add3A_1822 = arith.constant 112 : i32
      %add3A_1823 = arith.addi %add3A_1821, %add3A_1822 : i32
      %get3A_1824 = arith.index_cast %add3A_1823 : i32 to index
      %get3A_1825 = tpu.vector_load %arg29[%get3A_1824] {strides = array<i32>} : memref<4352xf32, #tpu.memory_space<vmem>>, vector<16xf32>,
      %mul3A_1826 = vector.broadcast %reduce_max3A_667 : f32 to vector<16xf32>
      %mul3A_1827 = arith.mulf %get3A_1825, %mul3A_1826 : vector<16xf32>
      %add3A_1828 = arith.addf %mul3A_1819, %mul3A_1827 : vector<16xf32>
      %add3A_1829 = arith.constant 544 : i32
      %add3A_1830 = arith.addi %add3A_1829, %add3A_385 : i32
      %add3A_1831 = arith.constant 112 : i32
      %add3A_1832 = arith.addi %add3A_1830, %add3A_1831 : i32
      %get3A_1833 = arith.index_cast %add3A_1832 : i32 to index
      %get3A_1834 = tpu.vector_load %arg29[%get3A_1833] {strides = array<i32>} : memref<4352xf32, #tpu.memory_space<vmem>>, vector<16xf32>,
      %mul3A_1835 = vector.broadcast %reduce_max3A_674 : f32 to vector<16xf32>
      %mul3A_1836 = arith.mulf %get3A_1834, %mul3A_1835 : vector<16xf32>
      %add3A_1837 = arith.addf %add3A_1828, %mul3A_1836 : vector<16xf32>
      %add3A_1838 = arith.constant 816 : i32
      %add3A_1839 = arith.addi %add3A_1838, %add3A_385 : i32
      %add3A_1840 = arith.constant 112 : i32
      %add3A_1841 = arith.addi %add3A_1839, %add3A_1840 : i32
      %get3A_1842 = arith.index_cast %add3A_1841 : i32 to index
      %get3A_1843 = tpu.vector_load %arg29[%get3A_1842] {strides = array<i32>} : memref<4352xf32, #tpu.memory_space<vmem>>, vector<16xf32>,
      %mul3A_1844 = vector.broadcast %reduce_max3A_681 : f32 to vector<16xf32>
      %mul3A_1845 = arith.mulf %get3A_1843, %mul3A_1844 : vector<16xf32>
      %add3A_1846 = arith.addf %add3A_1837, %mul3A_1845 : vector<16xf32>
      %add3A_1847 = arith.constant 1088 : i32
      %add3A_1848 = arith.addi %add3A_1847, %add3A_385 : i32
      %add3A_1849 = arith.constant 112 : i32
      %add3A_1850 = arith.addi %add3A_1848, %add3A_1849 : i32
      %get3A_1851 = arith.index_cast %add3A_1850 : i32 to index
      %get3A_1852 = tpu.vector_load %arg29[%get3A_1851] {strides = array<i32>} : memref<4352xf32, #tpu.memory_space<vmem>>, vector<16xf32>,
      %mul3A_1853 = vector.broadcast %reduce_max3A_688 : f32 to vector<16xf32>
      %mul3A_1854 = arith.mulf %get3A_1852, %mul3A_1853 : vector<16xf32>
      %add3A_1855 = arith.addf %add3A_1846, %mul3A_1854 : vector<16xf32>
      %add3A_1856 = arith.constant 1360 : i32
      %add3A_1857 = arith.addi %add3A_1856, %add3A_385 : i32
      %add3A_1858 = arith.constant 112 : i32
      %add3A_1859 = arith.addi %add3A_1857, %add3A_1858 : i32
      %get3A_1860 = arith.index_cast %add3A_1859 : i32 to index
      %get3A_1861 = tpu.vector_load %arg29[%get3A_1860] {strides = array<i32>} : memref<4352xf32, #tpu.memory_space<vmem>>, vector<16xf32>,
      %mul3A_1862 = vector.broadcast %reduce_max3A_695 : f32 to vector<16xf32>
      %mul3A_1863 = arith.mulf %get3A_1861, %mul3A_1862 : vector<16xf32>
      %add3A_1864 = arith.addf %add3A_1855, %mul3A_1863 : vector<16xf32>
      %add3A_1865 = arith.constant 1632 : i32
      %add3A_1866 = arith.addi %add3A_1865, %add3A_385 : i32
      %add3A_1867 = arith.constant 112 : i32
      %add3A_1868 = arith.addi %add3A_1866, %add3A_1867 : i32
      %get3A_1869 = arith.index_cast %add3A_1868 : i32 to index
      %get3A_1870 = tpu.vector_load %arg29[%get3A_1869] {strides = array<i32>} : memref<4352xf32, #tpu.memory_space<vmem>>, vector<16xf32>,
      %mul3A_1871 = vector.broadcast %reduce_max3A_702 : f32 to vector<16xf32>
      %mul3A_1872 = arith.mulf %get3A_1870, %mul3A_1871 : vector<16xf32>
      %add3A_1873 = arith.addf %add3A_1864, %mul3A_1872 : vector<16xf32>
      %add3A_1874 = arith.constant 1904 : i32
      %add3A_1875 = arith.addi %add3A_1874, %add3A_385 : i32
      %add3A_1876 = arith.constant 112 : i32
      %add3A_1877 = arith.addi %add3A_1875, %add3A_1876 : i32
      %get3A_1878 = arith.index_cast %add3A_1877 : i32 to index
      %get3A_1879 = tpu.vector_load %arg29[%get3A_1878] {strides = array<i32>} : memref<4352xf32, #tpu.memory_space<vmem>>, vector<16xf32>,
      %mul3A_1880 = vector.broadcast %reduce_max3A_709 : f32 to vector<16xf32>
      %mul3A_1881 = arith.mulf %get3A_1879, %mul3A_1880 : vector<16xf32>
      %add3A_1882 = arith.addf %add3A_1873, %mul3A_1881 : vector<16xf32>
      %add3A_1883 = arith.constant 2176 : i32
      %add3A_1884 = arith.addi %add3A_1883, %add3A_385 : i32
      %add3A_1885 = arith.constant 112 : i32
      %add3A_1886 = arith.addi %add3A_1884, %add3A_1885 : i32
      %get3A_1887 = arith.index_cast %add3A_1886 : i32 to index
      %get3A_1888 = tpu.vector_load %arg29[%get3A_1887] {strides = array<i32>} : memref<4352xf32, #tpu.memory_space<vmem>>, vector<16xf32>,
      %mul3A_1889 = vector.broadcast %reduce_max3A_716 : f32 to vector<16xf32>
      %mul3A_1890 = arith.mulf %get3A_1888, %mul3A_1889 : vector<16xf32>
      %add3A_1891 = arith.addf %add3A_1882, %mul3A_1890 : vector<16xf32>
      %add3A_1892 = arith.constant 2448 : i32
      %add3A_1893 = arith.addi %add3A_1892, %add3A_385 : i32
      %add3A_1894 = arith.constant 112 : i32
      %add3A_1895 = arith.addi %add3A_1893, %add3A_1894 : i32
      %get3A_1896 = arith.index_cast %add3A_1895 : i32 to index
      %get3A_1897 = tpu.vector_load %arg29[%get3A_1896] {strides = array<i32>} : memref<4352xf32, #tpu.memory_space<vmem>>, vector<16xf32>,
      %mul3A_1898 = vector.broadcast %reduce_max3A_723 : f32 to vector<16xf32>
      %mul3A_1899 = arith.mulf %get3A_1897, %mul3A_1898 : vector<16xf32>
      %add3A_1900 = arith.addf %add3A_1891, %mul3A_1899 : vector<16xf32>
      %add3A_1901 = arith.constant 2720 : i32
      %add3A_1902 = arith.addi %add3A_1901, %add3A_385 : i32
      %add3A_1903 = arith.constant 112 : i32
      %add3A_1904 = arith.addi %add3A_1902, %add3A_1903 : i32
      %get3A_1905 = arith.index_cast %add3A_1904 : i32 to index
      %get3A_1906 = tpu.vector_load %arg29[%get3A_1905] {strides = array<i32>} : memref<4352xf32, #tpu.memory_space<vmem>>, vector<16xf32>,
      %mul3A_1907 = vector.broadcast %reduce_max3A_730 : f32 to vector<16xf32>
      %mul3A_1908 = arith.mulf %get3A_1906, %mul3A_1907 : vector<16xf32>
      %add3A_1909 = arith.addf %add3A_1900, %mul3A_1908 : vector<16xf32>
      %add3A_1910 = arith.constant 2992 : i32
      %add3A_1911 = arith.addi %add3A_1910, %add3A_385 : i32
      %add3A_1912 = arith.constant 112 : i32
      %add3A_1913 = arith.addi %add3A_1911, %add3A_1912 : i32
      %get3A_1914 = arith.index_cast %add3A_1913 : i32 to index
      %get3A_1915 = tpu.vector_load %arg29[%get3A_1914] {strides = array<i32>} : memref<4352xf32, #tpu.memory_space<vmem>>, vector<16xf32>,
      %mul3A_1916 = vector.broadcast %reduce_max3A_737 : f32 to vector<16xf32>
      %mul3A_1917 = arith.mulf %get3A_1915, %mul3A_1916 : vector<16xf32>
      %add3A_1918 = arith.addf %add3A_1909, %mul3A_1917 : vector<16xf32>
      %add3A_1919 = arith.constant 3264 : i32
      %add3A_1920 = arith.addi %add3A_1919, %add3A_385 : i32
      %add3A_1921 = arith.constant 112 : i32
      %add3A_1922 = arith.addi %add3A_1920, %add3A_1921 : i32
      %get3A_1923 = arith.index_cast %add3A_1922 : i32 to index
      %get3A_1924 = tpu.vector_load %arg29[%get3A_1923] {strides = array<i32>} : memref<4352xf32, #tpu.memory_space<vmem>>, vector<16xf32>,
      %mul3A_1925 = vector.broadcast %reduce_max3A_744 : f32 to vector<16xf32>
      %mul3A_1926 = arith.mulf %get3A_1924, %mul3A_1925 : vector<16xf32>
      %add3A_1927 = arith.addf %add3A_1918, %mul3A_1926 : vector<16xf32>
      %add3A_1928 = arith.constant 3536 : i32
      %add3A_1929 = arith.addi %add3A_1928, %add3A_385 : i32
      %add3A_1930 = arith.constant 112 : i32
      %add3A_1931 = arith.addi %add3A_1929, %add3A_1930 : i32
      %get3A_1932 = arith.index_cast %add3A_1931 : i32 to index
      %get3A_1933 = tpu.vector_load %arg29[%get3A_1932] {strides = array<i32>} : memref<4352xf32, #tpu.memory_space<vmem>>, vector<16xf32>,
      %mul3A_1934 = vector.broadcast %reduce_max3A_751 : f32 to vector<16xf32>
      %mul3A_1935 = arith.mulf %get3A_1933, %mul3A_1934 : vector<16xf32>
      %add3A_1936 = arith.addf %add3A_1927, %mul3A_1935 : vector<16xf32>
      %add3A_1937 = arith.constant 3808 : i32
      %add3A_1938 = arith.addi %add3A_1937, %add3A_385 : i32
      %add3A_1939 = arith.constant 112 : i32
      %add3A_1940 = arith.addi %add3A_1938, %add3A_1939 : i32
      %get3A_1941 = arith.index_cast %add3A_1940 : i32 to index
      %get3A_1942 = tpu.vector_load %arg29[%get3A_1941] {strides = array<i32>} : memref<4352xf32, #tpu.memory_space<vmem>>, vector<16xf32>,
      %mul3A_1943 = vector.broadcast %reduce_max3A_758 : f32 to vector<16xf32>
      %mul3A_1944 = arith.mulf %get3A_1942, %mul3A_1943 : vector<16xf32>
      %add3A_1945 = arith.addf %add3A_1936, %mul3A_1944 : vector<16xf32>
      %add3A_1946 = arith.constant 4080 : i32
      %add3A_1947 = arith.addi %add3A_1946, %add3A_385 : i32
      %add3A_1948 = arith.constant 112 : i32
      %add3A_1949 = arith.addi %add3A_1947, %add3A_1948 : i32
      %get3A_1950 = arith.index_cast %add3A_1949 : i32 to index
      %get3A_1951 = tpu.vector_load %arg29[%get3A_1950] {strides = array<i32>} : memref<4352xf32, #tpu.memory_space<vmem>>, vector<16xf32>,
      %mul3A_1952 = vector.broadcast %reduce_max3A_765 : f32 to vector<16xf32>
      %mul3A_1953 = arith.mulf %get3A_1951, %mul3A_1952 : vector<16xf32>
      %add3A_1954 = arith.addf %add3A_1945, %mul3A_1953 : vector<16xf32>
      %mul3A_1955 = arith.mulf %add3A_1954, %select_n3A_805 : vector<16xf32>
      %swap3A_1956 = arith.constant 112 : index
      %swap3A_1957 = tpu.vector_load %arg30[%swap3A_1956] {strides = array<i32>} : memref<144xf32, #tpu.memory_space<vmem>>, vector<16xf32>,
      tpu.vector_store %arg30[%swap3A_1956], %mul3A_1955 {strides = array<i32>} : memref<144xf32, #tpu.memory_space<vmem>>, vector<16xf32>,
      %broadcast_in_dim3A_1958 = arith.constant 0.000000e+00 : f32
      %broadcast_in_dim3A_1959 = vector.broadcast %broadcast_in_dim3A_1958 : f32 to vector<16xf32>
      %scan3A_1960 = arith.constant 0 : i32
      %scan3A_1961 = arith.constant 128 : i32
      %scan3A_1962 = arith.addi %scan3A_1960, %scan3A_1961 : i32
      %scan3A_1963 = arith.constant 1 : i32
      %scan3A_1964:8 = scf.for %scan3A_2008 = %scan3A_1960 to %scan3A_1962 step %scan3A_1963 iter_args(%scan3A_2009 = %broadcast_in_dim3A_1959, %scan3A_2010 = %broadcast_in_dim3A_1959, %scan3A_2011 = %broadcast_in_dim3A_1959, %scan3A_2012 = %broadcast_in_dim3A_1959, %scan3A_2013 = %broadcast_in_dim3A_1959, %scan3A_2014 = %broadcast_in_dim3A_1959, %scan3A_2015 = %broadcast_in_dim3A_1959, %scan3A_2016 = %broadcast_in_dim3A_1959) -> (vector<16xf32>, vector<16xf32>, vector<16xf32>, vector<16xf32>, vector<16xf32>, vector<16xf32>, vector<16xf32>, vector<16xf32>)  : i32 {
        %get3A_2017 = arith.index_cast %scan3A_2008 : i32 to index
        %get3A_2018 = tpu.vector_load %arg30[%get3A_2017] {strides = array<i32>} : memref<144xf32, #tpu.memory_space<vmem>>, vector<16xf32>,
        %slice3A_2019 = vector.extract_strided_slice %get3A_2018 {offsets = [0], sizes = [1], strides = [1]} : vector<16xf32> to vector<1xf32>
        %squeeze3A_2020 = vector.extract %slice3A_2019[0] : f32 from vector<1xf32>
        %mul3A_2021 = arith.constant 128 : i32
        %mul3A_2022 = arith.muli %scan3A_2008, %mul3A_2021 : i32
        %add3A_2023 = arith.constant 0 : i32
        %add3A_2024 = arith.addi %mul3A_2022, %add3A_2023 : i32
        %get3A_2025 = arith.index_cast %add3A_2024 : i32 to index
        %get3A_2026 = tpu.vector_load %arg27[%get3A_2025] {strides = array<i32>} : memref<16384xf32, #tpu.memory_space<vmem>>, vector<16xf32>,
        %mul3A_2027 = vector.broadcast %squeeze3A_2020 : f32 to vector<16xf32>
        %mul3A_2028 = arith.mulf %mul3A_2027, %get3A_2026 : vector<16xf32>
        %add3A_2029 = arith.addf %scan3A_2009, %mul3A_2028 : vector<16xf32>
        %mul3A_2030 = arith.constant 128 : i32
        %mul3A_2031 = arith.muli %scan3A_2008, %mul3A_2030 : i32
        %add3A_2032 = arith.constant 16 : i32
        %add3A_2033 = arith.addi %mul3A_2031, %add3A_2032 : i32
        %get3A_2034 = arith.index_cast %add3A_2033 : i32 to index
        %get3A_2035 = tpu.vector_load %arg27[%get3A_2034] {strides = array<i32>} : memref<16384xf32, #tpu.memory_space<vmem>>, vector<16xf32>,
        %mul3A_2036 = vector.broadcast %squeeze3A_2020 : f32 to vector<16xf32>
        %mul3A_2037 = arith.mulf %mul3A_2036, %get3A_2035 : vector<16xf32>
        %add3A_2038 = arith.addf %scan3A_2010, %mul3A_2037 : vector<16xf32>
        %mul3A_2039 = arith.constant 128 : i32
        %mul3A_2040 = arith.muli %scan3A_2008, %mul3A_2039 : i32
        %add3A_2041 = arith.constant 32 : i32
        %add3A_2042 = arith.addi %mul3A_2040, %add3A_2041 : i32
        %get3A_2043 = arith.index_cast %add3A_2042 : i32 to index
        %get3A_2044 = tpu.vector_load %arg27[%get3A_2043] {strides = array<i32>} : memref<16384xf32, #tpu.memory_space<vmem>>, vector<16xf32>,
        %mul3A_2045 = vector.broadcast %squeeze3A_2020 : f32 to vector<16xf32>
        %mul3A_2046 = arith.mulf %mul3A_2045, %get3A_2044 : vector<16xf32>
        %add3A_2047 = arith.addf %scan3A_2011, %mul3A_2046 : vector<16xf32>
        %mul3A_2048 = arith.constant 128 : i32
        %mul3A_2049 = arith.muli %scan3A_2008, %mul3A_2048 : i32
        %add3A_2050 = arith.constant 48 : i32
        %add3A_2051 = arith.addi %mul3A_2049, %add3A_2050 : i32
        %get3A_2052 = arith.index_cast %add3A_2051 : i32 to index
        %get3A_2053 = tpu.vector_load %arg27[%get3A_2052] {strides = array<i32>} : memref<16384xf32, #tpu.memory_space<vmem>>, vector<16xf32>,
        %mul3A_2054 = vector.broadcast %squeeze3A_2020 : f32 to vector<16xf32>
        %mul3A_2055 = arith.mulf %mul3A_2054, %get3A_2053 : vector<16xf32>
        %add3A_2056 = arith.addf %scan3A_2012, %mul3A_2055 : vector<16xf32>
        %mul3A_2057 = arith.constant 128 : i32
        %mul3A_2058 = arith.muli %scan3A_2008, %mul3A_2057 : i32
        %add3A_2059 = arith.constant 64 : i32
        %add3A_2060 = arith.addi %mul3A_2058, %add3A_2059 : i32
        %get3A_2061 = arith.index_cast %add3A_2060 : i32 to index
        %get3A_2062 = tpu.vector_load %arg27[%get3A_2061] {strides = array<i32>} : memref<16384xf32, #tpu.memory_space<vmem>>, vector<16xf32>,
        %mul3A_2063 = vector.broadcast %squeeze3A_2020 : f32 to vector<16xf32>
        %mul3A_2064 = arith.mulf %mul3A_2063, %get3A_2062 : vector<16xf32>
        %add3A_2065 = arith.addf %scan3A_2013, %mul3A_2064 : vector<16xf32>
        %mul3A_2066 = arith.constant 128 : i32
        %mul3A_2067 = arith.muli %scan3A_2008, %mul3A_2066 : i32
        %add3A_2068 = arith.constant 80 : i32
        %add3A_2069 = arith.addi %mul3A_2067, %add3A_2068 : i32
        %get3A_2070 = arith.index_cast %add3A_2069 : i32 to index
        %get3A_2071 = tpu.vector_load %arg27[%get3A_2070] {strides = array<i32>} : memref<16384xf32, #tpu.memory_space<vmem>>, vector<16xf32>,
        %mul3A_2072 = vector.broadcast %squeeze3A_2020 : f32 to vector<16xf32>
        %mul3A_2073 = arith.mulf %mul3A_2072, %get3A_2071 : vector<16xf32>
        %add3A_2074 = arith.addf %scan3A_2014, %mul3A_2073 : vector<16xf32>
        %mul3A_2075 = arith.constant 128 : i32
        %mul3A_2076 = arith.muli %scan3A_2008, %mul3A_2075 : i32
        %add3A_2077 = arith.constant 96 : i32
        %add3A_2078 = arith.addi %mul3A_2076, %add3A_2077 : i32
        %get3A_2079 = arith.index_cast %add3A_2078 : i32 to index
        %get3A_2080 = tpu.vector_load %arg27[%get3A_2079] {strides = array<i32>} : memref<16384xf32, #tpu.memory_space<vmem>>, vector<16xf32>,
        %mul3A_2081 = vector.broadcast %squeeze3A_2020 : f32 to vector<16xf32>
        %mul3A_2082 = arith.mulf %mul3A_2081, %get3A_2080 : vector<16xf32>
        %add3A_2083 = arith.addf %scan3A_2015, %mul3A_2082 : vector<16xf32>
        %mul3A_2084 = arith.constant 128 : i32
        %mul3A_2085 = arith.muli %scan3A_2008, %mul3A_2084 : i32
        %add3A_2086 = arith.constant 112 : i32
        %add3A_2087 = arith.addi %mul3A_2085, %add3A_2086 : i32
        %get3A_2088 = arith.index_cast %add3A_2087 : i32 to index
        %get3A_2089 = tpu.vector_load %arg27[%get3A_2088] {strides = array<i32>} : memref<16384xf32, #tpu.memory_space<vmem>>, vector<16xf32>,
        %mul3A_2090 = vector.broadcast %squeeze3A_2020 : f32 to vector<16xf32>
        %mul3A_2091 = arith.mulf %mul3A_2090, %get3A_2089 : vector<16xf32>
        %add3A_2092 = arith.addf %scan3A_2016, %mul3A_2091 : vector<16xf32>
        scf.yield %add3A_2029, %add3A_2038, %add3A_2047, %add3A_2056, %add3A_2065, %add3A_2074, %add3A_2083, %add3A_2092 : vector<16xf32>, vector<16xf32>, vector<16xf32>, vector<16xf32>, vector<16xf32>, vector<16xf32>, vector<16xf32>, vector<16xf32>
      }
      %scan3A_1965 = arith.constant 128 : i32
      %get3A_1966 = arith.constant 0 : index
      %get3A_1967 = tpu.vector_load %arg28[%get3A_1966] {strides = array<i32>} : memref<128xf32, #tpu.memory_space<vmem>>, vector<16xf32>,
      %add3A_1968 = arith.addf %scan3A_1964#0, %get3A_1967 : vector<16xf32>
      %swap3A_1969 = arith.constant 0 : index
      %swap3A_1970 = tpu.vector_load %arg31[%swap3A_1969] {strides = array<i32>} : memref<128xf32, #tpu.memory_space<vmem>>, vector<16xf32>,
      tpu.vector_store %arg31[%swap3A_1969], %add3A_1968 {strides = array<i32>} : memref<128xf32, #tpu.memory_space<vmem>>, vector<16xf32>,
      %get3A_1971 = arith.constant 16 : index
      %get3A_1972 = tpu.vector_load %arg28[%get3A_1971] {strides = array<i32>} : memref<128xf32, #tpu.memory_space<vmem>>, vector<16xf32>,
      %add3A_1973 = arith.addf %scan3A_1964#1, %get3A_1972 : vector<16xf32>
      %swap3A_1974 = arith.constant 16 : index
      %swap3A_1975 = tpu.vector_load %arg31[%swap3A_1974] {strides = array<i32>} : memref<128xf32, #tpu.memory_space<vmem>>, vector<16xf32>,
      tpu.vector_store %arg31[%swap3A_1974], %add3A_1973 {strides = array<i32>} : memref<128xf32, #tpu.memory_space<vmem>>, vector<16xf32>,
      %get3A_1976 = arith.constant 32 : index
      %get3A_1977 = tpu.vector_load %arg28[%get3A_1976] {strides = array<i32>} : memref<128xf32, #tpu.memory_space<vmem>>, vector<16xf32>,
      %add3A_1978 = arith.addf %scan3A_1964#2, %get3A_1977 : vector<16xf32>
      %swap3A_1979 = arith.constant 32 : index
      %swap3A_1980 = tpu.vector_load %arg31[%swap3A_1979] {strides = array<i32>} : memref<128xf32, #tpu.memory_space<vmem>>, vector<16xf32>,
      tpu.vector_store %arg31[%swap3A_1979], %add3A_1978 {strides = array<i32>} : memref<128xf32, #tpu.memory_space<vmem>>, vector<16xf32>,
      %get3A_1981 = arith.constant 48 : index
      %get3A_1982 = tpu.vector_load %arg28[%get3A_1981] {strides = array<i32>} : memref<128xf32, #tpu.memory_space<vmem>>, vector<16xf32>,
      %add3A_1983 = arith.addf %scan3A_1964#3, %get3A_1982 : vector<16xf32>
      %swap3A_1984 = arith.constant 48 : index
      %swap3A_1985 = tpu.vector_load %arg31[%swap3A_1984] {strides = array<i32>} : memref<128xf32, #tpu.memory_space<vmem>>, vector<16xf32>,
      tpu.vector_store %arg31[%swap3A_1984], %add3A_1983 {strides = array<i32>} : memref<128xf32, #tpu.memory_space<vmem>>, vector<16xf32>,
      %get3A_1986 = arith.constant 64 : index
      %get3A_1987 = tpu.vector_load %arg28[%get3A_1986] {strides = array<i32>} : memref<128xf32, #tpu.memory_space<vmem>>, vector<16xf32>,
      %add3A_1988 = arith.addf %scan3A_1964#4, %get3A_1987 : vector<16xf32>
      %swap3A_1989 = arith.constant 64 : index
      %swap3A_1990 = tpu.vector_load %arg31[%swap3A_1989] {strides = array<i32>} : memref<128xf32, #tpu.memory_space<vmem>>, vector<16xf32>,
      tpu.vector_store %arg31[%swap3A_1989], %add3A_1988 {strides = array<i32>} : memref<128xf32, #tpu.memory_space<vmem>>, vector<16xf32>,
      %get3A_1991 = arith.constant 80 : index
      %get3A_1992 = tpu.vector_load %arg28[%get3A_1991] {strides = array<i32>} : memref<128xf32, #tpu.memory_space<vmem>>, vector<16xf32>,
      %add3A_1993 = arith.addf %scan3A_1964#5, %get3A_1992 : vector<16xf32>
      %swap3A_1994 = arith.constant 80 : index
      %swap3A_1995 = tpu.vector_load %arg31[%swap3A_1994] {strides = array<i32>} : memref<128xf32, #tpu.memory_space<vmem>>, vector<16xf32>,
      tpu.vector_store %arg31[%swap3A_1994], %add3A_1993 {strides = array<i32>} : memref<128xf32, #tpu.memory_space<vmem>>, vector<16xf32>,
      %get3A_1996 = arith.constant 96 : index
      %get3A_1997 = tpu.vector_load %arg28[%get3A_1996] {strides = array<i32>} : memref<128xf32, #tpu.memory_space<vmem>>, vector<16xf32>,
      %add3A_1998 = arith.addf %scan3A_1964#6, %get3A_1997 : vector<16xf32>
      %swap3A_1999 = arith.constant 96 : index
      %swap3A_2000 = tpu.vector_load %arg31[%swap3A_1999] {strides = array<i32>} : memref<128xf32, #tpu.memory_space<vmem>>, vector<16xf32>,
      tpu.vector_store %arg31[%swap3A_1999], %add3A_1998 {strides = array<i32>} : memref<128xf32, #tpu.memory_space<vmem>>, vector<16xf32>,
      %get3A_2001 = arith.constant 112 : index
      %get3A_2002 = tpu.vector_load %arg28[%get3A_2001] {strides = array<i32>} : memref<128xf32, #tpu.memory_space<vmem>>, vector<16xf32>,
      %add3A_2003 = arith.addf %scan3A_1964#7, %get3A_2002 : vector<16xf32>
      %swap3A_2004 = arith.constant 112 : index
      %swap3A_2005 = tpu.vector_load %arg31[%swap3A_2004] {strides = array<i32>} : memref<128xf32, #tpu.memory_space<vmem>>, vector<16xf32>,
      tpu.vector_store %arg31[%swap3A_2004], %add3A_2003 {strides = array<i32>} : memref<128xf32, #tpu.memory_space<vmem>>, vector<16xf32>,
      %mul3A_2006 = arith.constant 128 : i32
      %mul3A_2007 = arith.muli %arg1, %mul3A_2006 : i32
      "tpu.region"() ({
        %run_scoped3A = tpu.sem_alloc : memref<!tpu.dma_semaphore, #tpu.memory_space<semaphore_mem>>
        %dma_start3A_2008 = tpu.memref_slice %arg11[%mul3A_2007] : memref<512xf32, #tpu.memory_space<hbm>> -> memref<128xf32, #tpu.memory_space<hbm>>
        %dma_start3A_2009 = tpu.memref_slice %arg11[%mul3A_2007] : memref<512xf32, #tpu.memory_space<hbm>> -> memref<128xf32, #tpu.memory_space<hbm>>
        tpu.enqueue_dma source(%arg31 : memref<128xf32, #tpu.memory_space<vmem>>) target(%dma_start3A_2009 : memref<128xf32, #tpu.memory_space<hbm>>) target_semaphore(%run_scoped3A : memref<!tpu.dma_semaphore, #tpu.memory_space<semaphore_mem>>)
        %dma_wait3A_2010 = tpu.memref_slice %arg11[%mul3A_2007] : memref<512xf32, #tpu.memory_space<hbm>> -> memref<128xf32, #tpu.memory_space<hbm>>
        %dma_wait3A_2011 = tpu.memref_slice %arg11[%mul3A_2007] : memref<512xf32, #tpu.memory_space<hbm>> -> memref<128xf32, #tpu.memory_space<hbm>>
        tpu.wait_dma2 semaphore(%run_scoped3A : memref<!tpu.dma_semaphore, #tpu.memory_space<semaphore_mem>>) src(%arg31 : memref<128xf32, #tpu.memory_space<vmem>>) dst(%dma_wait3A_2011 : memref<128xf32, #tpu.memory_space<hbm>>)
        tpu.yield
      }) : () -> ()
    } else {
    }
    %eq3A_372 = arith.constant 2 : i32
    %eq3A_373 = arith.cmpi eq, %arg1, %eq3A_372 : i32
    %convert_element_type3A_374 = arith.extui %eq3A_373 : i1 to i32
    %cond3A_375 = arith.constant 0 : i32
    %cond3A_376 = arith.cmpi ne, %convert_element_type3A_374, %cond3A_375 : i32
    scf.if %cond3A_376 {
      "tpu.region"() ({
        %run_scoped3A = tpu.sem_alloc : memref<!tpu.dma_semaphore, #tpu.memory_space<semaphore_mem>>
        %dma_start3A_382 = arith.constant 256 : i32
        %dma_start3A_383 = tpu.memref_slice %arg11[%dma_start3A_382] : memref<512xf32, #tpu.memory_space<hbm>> -> memref<128xf32, #tpu.memory_space<hbm>>
        %dma_start3A_384 = arith.constant 256 : i32
        %dma_start3A_385 = tpu.memref_slice %arg11[%dma_start3A_384] : memref<512xf32, #tpu.memory_space<hbm>> -> memref<128xf32, #tpu.memory_space<hbm>>
        tpu.enqueue_dma source(%arg31 : memref<128xf32, #tpu.memory_space<vmem>>) target(%dma_start3A_385 : memref<128xf32, #tpu.memory_space<hbm>>) target_semaphore(%run_scoped3A : memref<!tpu.dma_semaphore, #tpu.memory_space<semaphore_mem>>)
        %dma_wait3A_386 = arith.constant 256 : i32
        %dma_wait3A_387 = tpu.memref_slice %arg11[%dma_wait3A_386] : memref<512xf32, #tpu.memory_space<hbm>> -> memref<128xf32, #tpu.memory_space<hbm>>
        %dma_wait3A_388 = arith.constant 256 : i32
        %dma_wait3A_389 = tpu.memref_slice %arg11[%dma_wait3A_388] : memref<512xf32, #tpu.memory_space<hbm>> -> memref<128xf32, #tpu.memory_space<hbm>>
        tpu.wait_dma2 semaphore(%run_scoped3A : memref<!tpu.dma_semaphore, #tpu.memory_space<semaphore_mem>>) src(%arg31 : memref<128xf32, #tpu.memory_space<vmem>>) dst(%dma_wait3A_389 : memref<128xf32, #tpu.memory_space<hbm>>)
        tpu.yield
      }) : () -> ()
    } else {
    }
    %eq3A_377 = arith.constant 3 : i32
    %eq3A_378 = arith.cmpi eq, %arg1, %eq3A_377 : i32
    %convert_element_type3A_379 = arith.extui %eq3A_378 : i1 to i32
    %cond3A_380 = arith.constant 0 : i32
    %cond3A_381 = arith.cmpi ne, %convert_element_type3A_379, %cond3A_380 : i32
    scf.if %cond3A_381 {
      "tpu.region"() ({
        %run_scoped3A = tpu.sem_alloc : memref<!tpu.dma_semaphore, #tpu.memory_space<semaphore_mem>>
        tpu.enqueue_dma source(%arg6 : memref<8xi32, #tpu.memory_space<hbm>>) target(%arg25 : memref<8xi32, #tpu.memory_space<vmem>>) target_semaphore(%run_scoped3A : memref<!tpu.dma_semaphore, #tpu.memory_space<semaphore_mem>>)
        tpu.wait_dma2 semaphore(%run_scoped3A : memref<!tpu.dma_semaphore, #tpu.memory_space<semaphore_mem>>) src(%arg6 : memref<8xi32, #tpu.memory_space<hbm>>) dst(%arg25 : memref<8xi32, #tpu.memory_space<vmem>>)
        tpu.yield
      }) : () -> ()
      %dma_start3A_382 = arith.constant 0 : i32
      %dma_start3A_383 = arith.constant 0 : i32
      %dma_start3A_384 = tpu.memref_slice %arg3[%dma_start3A_382, %dma_start3A_383] : memref<10000x128xf32, #tpu.memory_space<hbm>> -> memref<10000x128xf32, #tpu.memory_space<hbm>>
      tpu.enqueue_indirect_dma source(%dma_start3A_384 : memref<10000x128xf32, #tpu.memory_space<hbm>>) target(%arg26 : memref<8x128xf32, #tpu.memory_space<vmem>>) offsets(%arg25 : memref<8xi32, #tpu.memory_space<vmem>>) semaphore(%arg34 : memref<!tpu.dma_semaphore, #tpu.memory_space<semaphore_mem>>)
      %dma_wait3A_385 = arith.constant 0 : i32
      %dma_wait3A_386 = arith.constant 0 : i32
      %dma_wait3A_387 = tpu.memref_slice %arg3[%dma_wait3A_385, %dma_wait3A_386] : memref<10000x128xf32, #tpu.memory_space<hbm>> -> memref<10000x128xf32, #tpu.memory_space<hbm>>
      tpu.wait_indirect_dma semaphore(%arg34 : memref<!tpu.dma_semaphore, #tpu.memory_space<semaphore_mem>>) src(%dma_wait3A_387 : memref<10000x128xf32, #tpu.memory_space<hbm>>) dst(%arg26 : memref<8x128xf32, #tpu.memory_space<vmem>>)
      %get3A_388 = arith.constant 0 : i32
      %get3A_389 = arith.index_cast %get3A_388 : i32 to index
      %get3A_390 = arith.constant 0 : index
      %get3A_391 = tpu.vector_load %arg26[%get3A_389, %get3A_390] {strides = array<i32>} : memref<8x128xf32, #tpu.memory_space<vmem>>, vector<16xf32>,
      %get3A_392 = arith.constant 1 : i32
      %get3A_393 = arith.index_cast %get3A_392 : i32 to index
      %get3A_394 = arith.constant 0 : index
      %get3A_395 = tpu.vector_load %arg26[%get3A_393, %get3A_394] {strides = array<i32>} : memref<8x128xf32, #tpu.memory_space<vmem>>, vector<16xf32>,
      %add3A_396 = arith.addf %get3A_391, %get3A_395 : vector<16xf32>
      %get3A_397 = arith.constant 2 : i32
      %get3A_398 = arith.index_cast %get3A_397 : i32 to index
      %get3A_399 = arith.constant 0 : index
      %get3A_400 = tpu.vector_load %arg26[%get3A_398, %get3A_399] {strides = array<i32>} : memref<8x128xf32, #tpu.memory_space<vmem>>, vector<16xf32>,
      %add3A_401 = arith.addf %add3A_396, %get3A_400 : vector<16xf32>
      %get3A_402 = arith.constant 3 : i32
      %get3A_403 = arith.index_cast %get3A_402 : i32 to index
      %get3A_404 = arith.constant 0 : index
      %get3A_405 = tpu.vector_load %arg26[%get3A_403, %get3A_404] {strides = array<i32>} : memref<8x128xf32, #tpu.memory_space<vmem>>, vector<16xf32>,
      %add3A_406 = arith.addf %add3A_401, %get3A_405 : vector<16xf32>
      %get3A_407 = arith.constant 4 : i32
      %get3A_408 = arith.index_cast %get3A_407 : i32 to index
      %get3A_409 = arith.constant 0 : index
      %get3A_410 = tpu.vector_load %arg26[%get3A_408, %get3A_409] {strides = array<i32>} : memref<8x128xf32, #tpu.memory_space<vmem>>, vector<16xf32>,
      %add3A_411 = arith.addf %add3A_406, %get3A_410 : vector<16xf32>
      %get3A_412 = arith.constant 5 : i32
      %get3A_413 = arith.index_cast %get3A_412 : i32 to index
      %get3A_414 = arith.constant 0 : index
      %get3A_415 = tpu.vector_load %arg26[%get3A_413, %get3A_414] {strides = array<i32>} : memref<8x128xf32, #tpu.memory_space<vmem>>, vector<16xf32>,
      %add3A_416 = arith.addf %add3A_411, %get3A_415 : vector<16xf32>
      %get3A_417 = arith.constant 6 : i32
      %get3A_418 = arith.index_cast %get3A_417 : i32 to index
      %get3A_419 = arith.constant 0 : index
      %get3A_420 = tpu.vector_load %arg26[%get3A_418, %get3A_419] {strides = array<i32>} : memref<8x128xf32, #tpu.memory_space<vmem>>, vector<16xf32>,
      %add3A_421 = arith.addf %add3A_416, %get3A_420 : vector<16xf32>
      %get3A_422 = arith.constant 7 : i32
      %get3A_423 = arith.index_cast %get3A_422 : i32 to index
      %get3A_424 = arith.constant 0 : index
      %get3A_425 = tpu.vector_load %arg26[%get3A_423, %get3A_424] {strides = array<i32>} : memref<8x128xf32, #tpu.memory_space<vmem>>, vector<16xf32>,
      %add3A_426 = arith.addf %add3A_421, %get3A_425 : vector<16xf32>
      %swap3A_427 = arith.constant 0 : index
      %swap3A_428 = tpu.vector_load %arg31[%swap3A_427] {strides = array<i32>} : memref<128xf32, #tpu.memory_space<vmem>>, vector<16xf32>,
      tpu.vector_store %arg31[%swap3A_427], %add3A_426 {strides = array<i32>} : memref<128xf32, #tpu.memory_space<vmem>>, vector<16xf32>,
      %get3A_429 = arith.constant 0 : i32
      %get3A_430 = arith.index_cast %get3A_429 : i32 to index
      %get3A_431 = arith.constant 16 : index
      %get3A_432 = tpu.vector_load %arg26[%get3A_430, %get3A_431] {strides = array<i32>} : memref<8x128xf32, #tpu.memory_space<vmem>>, vector<16xf32>,
      %get3A_433 = arith.constant 1 : i32
      %get3A_434 = arith.index_cast %get3A_433 : i32 to index
      %get3A_435 = arith.constant 16 : index
      %get3A_436 = tpu.vector_load %arg26[%get3A_434, %get3A_435] {strides = array<i32>} : memref<8x128xf32, #tpu.memory_space<vmem>>, vector<16xf32>,
      %add3A_437 = arith.addf %get3A_432, %get3A_436 : vector<16xf32>
      %get3A_438 = arith.constant 2 : i32
      %get3A_439 = arith.index_cast %get3A_438 : i32 to index
      %get3A_440 = arith.constant 16 : index
      %get3A_441 = tpu.vector_load %arg26[%get3A_439, %get3A_440] {strides = array<i32>} : memref<8x128xf32, #tpu.memory_space<vmem>>, vector<16xf32>,
      %add3A_442 = arith.addf %add3A_437, %get3A_441 : vector<16xf32>
      %get3A_443 = arith.constant 3 : i32
      %get3A_444 = arith.index_cast %get3A_443 : i32 to index
      %get3A_445 = arith.constant 16 : index
      %get3A_446 = tpu.vector_load %arg26[%get3A_444, %get3A_445] {strides = array<i32>} : memref<8x128xf32, #tpu.memory_space<vmem>>, vector<16xf32>,
      %add3A_447 = arith.addf %add3A_442, %get3A_446 : vector<16xf32>
      %get3A_448 = arith.constant 4 : i32
      %get3A_449 = arith.index_cast %get3A_448 : i32 to index
      %get3A_450 = arith.constant 16 : index
      %get3A_451 = tpu.vector_load %arg26[%get3A_449, %get3A_450] {strides = array<i32>} : memref<8x128xf32, #tpu.memory_space<vmem>>, vector<16xf32>,
      %add3A_452 = arith.addf %add3A_447, %get3A_451 : vector<16xf32>
      %get3A_453 = arith.constant 5 : i32
      %get3A_454 = arith.index_cast %get3A_453 : i32 to index
      %get3A_455 = arith.constant 16 : index
      %get3A_456 = tpu.vector_load %arg26[%get3A_454, %get3A_455] {strides = array<i32>} : memref<8x128xf32, #tpu.memory_space<vmem>>, vector<16xf32>,
      %add3A_457 = arith.addf %add3A_452, %get3A_456 : vector<16xf32>
      %get3A_458 = arith.constant 6 : i32
      %get3A_459 = arith.index_cast %get3A_458 : i32 to index
      %get3A_460 = arith.constant 16 : index
      %get3A_461 = tpu.vector_load %arg26[%get3A_459, %get3A_460] {strides = array<i32>} : memref<8x128xf32, #tpu.memory_space<vmem>>, vector<16xf32>,
      %add3A_462 = arith.addf %add3A_457, %get3A_461 : vector<16xf32>
      %get3A_463 = arith.constant 7 : i32
      %get3A_464 = arith.index_cast %get3A_463 : i32 to index
      %get3A_465 = arith.constant 16 : index
      %get3A_466 = tpu.vector_load %arg26[%get3A_464, %get3A_465] {strides = array<i32>} : memref<8x128xf32, #tpu.memory_space<vmem>>, vector<16xf32>,
      %add3A_467 = arith.addf %add3A_462, %get3A_466 : vector<16xf32>
      %swap3A_468 = arith.constant 16 : index
      %swap3A_469 = tpu.vector_load %arg31[%swap3A_468] {strides = array<i32>} : memref<128xf32, #tpu.memory_space<vmem>>, vector<16xf32>,
      tpu.vector_store %arg31[%swap3A_468], %add3A_467 {strides = array<i32>} : memref<128xf32, #tpu.memory_space<vmem>>, vector<16xf32>,
      %get3A_470 = arith.constant 0 : i32
      %get3A_471 = arith.index_cast %get3A_470 : i32 to index
      %get3A_472 = arith.constant 32 : index
      %get3A_473 = tpu.vector_load %arg26[%get3A_471, %get3A_472] {strides = array<i32>} : memref<8x128xf32, #tpu.memory_space<vmem>>, vector<16xf32>,
      %get3A_474 = arith.constant 1 : i32
      %get3A_475 = arith.index_cast %get3A_474 : i32 to index
      %get3A_476 = arith.constant 32 : index
      %get3A_477 = tpu.vector_load %arg26[%get3A_475, %get3A_476] {strides = array<i32>} : memref<8x128xf32, #tpu.memory_space<vmem>>, vector<16xf32>,
      %add3A_478 = arith.addf %get3A_473, %get3A_477 : vector<16xf32>
      %get3A_479 = arith.constant 2 : i32
      %get3A_480 = arith.index_cast %get3A_479 : i32 to index
      %get3A_481 = arith.constant 32 : index
      %get3A_482 = tpu.vector_load %arg26[%get3A_480, %get3A_481] {strides = array<i32>} : memref<8x128xf32, #tpu.memory_space<vmem>>, vector<16xf32>,
      %add3A_483 = arith.addf %add3A_478, %get3A_482 : vector<16xf32>
      %get3A_484 = arith.constant 3 : i32
      %get3A_485 = arith.index_cast %get3A_484 : i32 to index
      %get3A_486 = arith.constant 32 : index
      %get3A_487 = tpu.vector_load %arg26[%get3A_485, %get3A_486] {strides = array<i32>} : memref<8x128xf32, #tpu.memory_space<vmem>>, vector<16xf32>,
      %add3A_488 = arith.addf %add3A_483, %get3A_487 : vector<16xf32>
      %get3A_489 = arith.constant 4 : i32
      %get3A_490 = arith.index_cast %get3A_489 : i32 to index
      %get3A_491 = arith.constant 32 : index
      %get3A_492 = tpu.vector_load %arg26[%get3A_490, %get3A_491] {strides = array<i32>} : memref<8x128xf32, #tpu.memory_space<vmem>>, vector<16xf32>,
      %add3A_493 = arith.addf %add3A_488, %get3A_492 : vector<16xf32>
      %get3A_494 = arith.constant 5 : i32
      %get3A_495 = arith.index_cast %get3A_494 : i32 to index
      %get3A_496 = arith.constant 32 : index
      %get3A_497 = tpu.vector_load %arg26[%get3A_495, %get3A_496] {strides = array<i32>} : memref<8x128xf32, #tpu.memory_space<vmem>>, vector<16xf32>,
      %add3A_498 = arith.addf %add3A_493, %get3A_497 : vector<16xf32>
      %get3A_499 = arith.constant 6 : i32
      %get3A_500 = arith.index_cast %get3A_499 : i32 to index
      %get3A_501 = arith.constant 32 : index
      %get3A_502 = tpu.vector_load %arg26[%get3A_500, %get3A_501] {strides = array<i32>} : memref<8x128xf32, #tpu.memory_space<vmem>>, vector<16xf32>,
      %add3A_503 = arith.addf %add3A_498, %get3A_502 : vector<16xf32>
      %get3A_504 = arith.constant 7 : i32
      %get3A_505 = arith.index_cast %get3A_504 : i32 to index
      %get3A_506 = arith.constant 32 : index
      %get3A_507 = tpu.vector_load %arg26[%get3A_505, %get3A_506] {strides = array<i32>} : memref<8x128xf32, #tpu.memory_space<vmem>>, vector<16xf32>,
      %add3A_508 = arith.addf %add3A_503, %get3A_507 : vector<16xf32>
      %swap3A_509 = arith.constant 32 : index
      %swap3A_510 = tpu.vector_load %arg31[%swap3A_509] {strides = array<i32>} : memref<128xf32, #tpu.memory_space<vmem>>, vector<16xf32>,
      tpu.vector_store %arg31[%swap3A_509], %add3A_508 {strides = array<i32>} : memref<128xf32, #tpu.memory_space<vmem>>, vector<16xf32>,
      %get3A_511 = arith.constant 0 : i32
      %get3A_512 = arith.index_cast %get3A_511 : i32 to index
      %get3A_513 = arith.constant 48 : index
      %get3A_514 = tpu.vector_load %arg26[%get3A_512, %get3A_513] {strides = array<i32>} : memref<8x128xf32, #tpu.memory_space<vmem>>, vector<16xf32>,
      %get3A_515 = arith.constant 1 : i32
      %get3A_516 = arith.index_cast %get3A_515 : i32 to index
      %get3A_517 = arith.constant 48 : index
      %get3A_518 = tpu.vector_load %arg26[%get3A_516, %get3A_517] {strides = array<i32>} : memref<8x128xf32, #tpu.memory_space<vmem>>, vector<16xf32>,
      %add3A_519 = arith.addf %get3A_514, %get3A_518 : vector<16xf32>
      %get3A_520 = arith.constant 2 : i32
      %get3A_521 = arith.index_cast %get3A_520 : i32 to index
      %get3A_522 = arith.constant 48 : index
      %get3A_523 = tpu.vector_load %arg26[%get3A_521, %get3A_522] {strides = array<i32>} : memref<8x128xf32, #tpu.memory_space<vmem>>, vector<16xf32>,
      %add3A_524 = arith.addf %add3A_519, %get3A_523 : vector<16xf32>
      %get3A_525 = arith.constant 3 : i32
      %get3A_526 = arith.index_cast %get3A_525 : i32 to index
      %get3A_527 = arith.constant 48 : index
      %get3A_528 = tpu.vector_load %arg26[%get3A_526, %get3A_527] {strides = array<i32>} : memref<8x128xf32, #tpu.memory_space<vmem>>, vector<16xf32>,
      %add3A_529 = arith.addf %add3A_524, %get3A_528 : vector<16xf32>
      %get3A_530 = arith.constant 4 : i32
      %get3A_531 = arith.index_cast %get3A_530 : i32 to index
      %get3A_532 = arith.constant 48 : index
      %get3A_533 = tpu.vector_load %arg26[%get3A_531, %get3A_532] {strides = array<i32>} : memref<8x128xf32, #tpu.memory_space<vmem>>, vector<16xf32>,
      %add3A_534 = arith.addf %add3A_529, %get3A_533 : vector<16xf32>
      %get3A_535 = arith.constant 5 : i32
      %get3A_536 = arith.index_cast %get3A_535 : i32 to index
      %get3A_537 = arith.constant 48 : index
      %get3A_538 = tpu.vector_load %arg26[%get3A_536, %get3A_537] {strides = array<i32>} : memref<8x128xf32, #tpu.memory_space<vmem>>, vector<16xf32>,
      %add3A_539 = arith.addf %add3A_534, %get3A_538 : vector<16xf32>
      %get3A_540 = arith.constant 6 : i32
      %get3A_541 = arith.index_cast %get3A_540 : i32 to index
      %get3A_542 = arith.constant 48 : index
      %get3A_543 = tpu.vector_load %arg26[%get3A_541, %get3A_542] {strides = array<i32>} : memref<8x128xf32, #tpu.memory_space<vmem>>, vector<16xf32>,
      %add3A_544 = arith.addf %add3A_539, %get3A_543 : vector<16xf32>
      %get3A_545 = arith.constant 7 : i32
      %get3A_546 = arith.index_cast %get3A_545 : i32 to index
      %get3A_547 = arith.constant 48 : index
      %get3A_548 = tpu.vector_load %arg26[%get3A_546, %get3A_547] {strides = array<i32>} : memref<8x128xf32, #tpu.memory_space<vmem>>, vector<16xf32>,
      %add3A_549 = arith.addf %add3A_544, %get3A_548 : vector<16xf32>
      %swap3A_550 = arith.constant 48 : index
      %swap3A_551 = tpu.vector_load %arg31[%swap3A_550] {strides = array<i32>} : memref<128xf32, #tpu.memory_space<vmem>>, vector<16xf32>,
      tpu.vector_store %arg31[%swap3A_550], %add3A_549 {strides = array<i32>} : memref<128xf32, #tpu.memory_space<vmem>>, vector<16xf32>,
      %get3A_552 = arith.constant 0 : i32
      %get3A_553 = arith.index_cast %get3A_552 : i32 to index
      %get3A_554 = arith.constant 64 : index
      %get3A_555 = tpu.vector_load %arg26[%get3A_553, %get3A_554] {strides = array<i32>} : memref<8x128xf32, #tpu.memory_space<vmem>>, vector<16xf32>,
      %get3A_556 = arith.constant 1 : i32
      %get3A_557 = arith.index_cast %get3A_556 : i32 to index
      %get3A_558 = arith.constant 64 : index
      %get3A_559 = tpu.vector_load %arg26[%get3A_557, %get3A_558] {strides = array<i32>} : memref<8x128xf32, #tpu.memory_space<vmem>>, vector<16xf32>,
      %add3A_560 = arith.addf %get3A_555, %get3A_559 : vector<16xf32>
      %get3A_561 = arith.constant 2 : i32
      %get3A_562 = arith.index_cast %get3A_561 : i32 to index
      %get3A_563 = arith.constant 64 : index
      %get3A_564 = tpu.vector_load %arg26[%get3A_562, %get3A_563] {strides = array<i32>} : memref<8x128xf32, #tpu.memory_space<vmem>>, vector<16xf32>,
      %add3A_565 = arith.addf %add3A_560, %get3A_564 : vector<16xf32>
      %get3A_566 = arith.constant 3 : i32
      %get3A_567 = arith.index_cast %get3A_566 : i32 to index
      %get3A_568 = arith.constant 64 : index
      %get3A_569 = tpu.vector_load %arg26[%get3A_567, %get3A_568] {strides = array<i32>} : memref<8x128xf32, #tpu.memory_space<vmem>>, vector<16xf32>,
      %add3A_570 = arith.addf %add3A_565, %get3A_569 : vector<16xf32>
      %get3A_571 = arith.constant 4 : i32
      %get3A_572 = arith.index_cast %get3A_571 : i32 to index
      %get3A_573 = arith.constant 64 : index
      %get3A_574 = tpu.vector_load %arg26[%get3A_572, %get3A_573] {strides = array<i32>} : memref<8x128xf32, #tpu.memory_space<vmem>>, vector<16xf32>,
      %add3A_575 = arith.addf %add3A_570, %get3A_574 : vector<16xf32>
      %get3A_576 = arith.constant 5 : i32
      %get3A_577 = arith.index_cast %get3A_576 : i32 to index
      %get3A_578 = arith.constant 64 : index
      %get3A_579 = tpu.vector_load %arg26[%get3A_577, %get3A_578] {strides = array<i32>} : memref<8x128xf32, #tpu.memory_space<vmem>>, vector<16xf32>,
      %add3A_580 = arith.addf %add3A_575, %get3A_579 : vector<16xf32>
      %get3A_581 = arith.constant 6 : i32
      %get3A_582 = arith.index_cast %get3A_581 : i32 to index
      %get3A_583 = arith.constant 64 : index
      %get3A_584 = tpu.vector_load %arg26[%get3A_582, %get3A_583] {strides = array<i32>} : memref<8x128xf32, #tpu.memory_space<vmem>>, vector<16xf32>,
      %add3A_585 = arith.addf %add3A_580, %get3A_584 : vector<16xf32>
      %get3A_586 = arith.constant 7 : i32
      %get3A_587 = arith.index_cast %get3A_586 : i32 to index
      %get3A_588 = arith.constant 64 : index
      %get3A_589 = tpu.vector_load %arg26[%get3A_587, %get3A_588] {strides = array<i32>} : memref<8x128xf32, #tpu.memory_space<vmem>>, vector<16xf32>,
      %add3A_590 = arith.addf %add3A_585, %get3A_589 : vector<16xf32>
      %swap3A_591 = arith.constant 64 : index
      %swap3A_592 = tpu.vector_load %arg31[%swap3A_591] {strides = array<i32>} : memref<128xf32, #tpu.memory_space<vmem>>, vector<16xf32>,
      tpu.vector_store %arg31[%swap3A_591], %add3A_590 {strides = array<i32>} : memref<128xf32, #tpu.memory_space<vmem>>, vector<16xf32>,
      %get3A_593 = arith.constant 0 : i32
      %get3A_594 = arith.index_cast %get3A_593 : i32 to index
      %get3A_595 = arith.constant 80 : index
      %get3A_596 = tpu.vector_load %arg26[%get3A_594, %get3A_595] {strides = array<i32>} : memref<8x128xf32, #tpu.memory_space<vmem>>, vector<16xf32>,
      %get3A_597 = arith.constant 1 : i32
      %get3A_598 = arith.index_cast %get3A_597 : i32 to index
      %get3A_599 = arith.constant 80 : index
      %get3A_600 = tpu.vector_load %arg26[%get3A_598, %get3A_599] {strides = array<i32>} : memref<8x128xf32, #tpu.memory_space<vmem>>, vector<16xf32>,
      %add3A_601 = arith.addf %get3A_596, %get3A_600 : vector<16xf32>
      %get3A_602 = arith.constant 2 : i32
      %get3A_603 = arith.index_cast %get3A_602 : i32 to index
      %get3A_604 = arith.constant 80 : index
      %get3A_605 = tpu.vector_load %arg26[%get3A_603, %get3A_604] {strides = array<i32>} : memref<8x128xf32, #tpu.memory_space<vmem>>, vector<16xf32>,
      %add3A_606 = arith.addf %add3A_601, %get3A_605 : vector<16xf32>
      %get3A_607 = arith.constant 3 : i32
      %get3A_608 = arith.index_cast %get3A_607 : i32 to index
      %get3A_609 = arith.constant 80 : index
      %get3A_610 = tpu.vector_load %arg26[%get3A_608, %get3A_609] {strides = array<i32>} : memref<8x128xf32, #tpu.memory_space<vmem>>, vector<16xf32>,
      %add3A_611 = arith.addf %add3A_606, %get3A_610 : vector<16xf32>
      %get3A_612 = arith.constant 4 : i32
      %get3A_613 = arith.index_cast %get3A_612 : i32 to index
      %get3A_614 = arith.constant 80 : index
      %get3A_615 = tpu.vector_load %arg26[%get3A_613, %get3A_614] {strides = array<i32>} : memref<8x128xf32, #tpu.memory_space<vmem>>, vector<16xf32>,
      %add3A_616 = arith.addf %add3A_611, %get3A_615 : vector<16xf32>
      %get3A_617 = arith.constant 5 : i32
      %get3A_618 = arith.index_cast %get3A_617 : i32 to index
      %get3A_619 = arith.constant 80 : index
      %get3A_620 = tpu.vector_load %arg26[%get3A_618, %get3A_619] {strides = array<i32>} : memref<8x128xf32, #tpu.memory_space<vmem>>, vector<16xf32>,
      %add3A_621 = arith.addf %add3A_616, %get3A_620 : vector<16xf32>
      %get3A_622 = arith.constant 6 : i32
      %get3A_623 = arith.index_cast %get3A_622 : i32 to index
      %get3A_624 = arith.constant 80 : index
      %get3A_625 = tpu.vector_load %arg26[%get3A_623, %get3A_624] {strides = array<i32>} : memref<8x128xf32, #tpu.memory_space<vmem>>, vector<16xf32>,
      %add3A_626 = arith.addf %add3A_621, %get3A_625 : vector<16xf32>
      %get3A_627 = arith.constant 7 : i32
      %get3A_628 = arith.index_cast %get3A_627 : i32 to index
      %get3A_629 = arith.constant 80 : index
      %get3A_630 = tpu.vector_load %arg26[%get3A_628, %get3A_629] {strides = array<i32>} : memref<8x128xf32, #tpu.memory_space<vmem>>, vector<16xf32>,
      %add3A_631 = arith.addf %add3A_626, %get3A_630 : vector<16xf32>
      %swap3A_632 = arith.constant 80 : index
      %swap3A_633 = tpu.vector_load %arg31[%swap3A_632] {strides = array<i32>} : memref<128xf32, #tpu.memory_space<vmem>>, vector<16xf32>,
      tpu.vector_store %arg31[%swap3A_632], %add3A_631 {strides = array<i32>} : memref<128xf32, #tpu.memory_space<vmem>>, vector<16xf32>,
      %get3A_634 = arith.constant 0 : i32
      %get3A_635 = arith.index_cast %get3A_634 : i32 to index
      %get3A_636 = arith.constant 96 : index
      %get3A_637 = tpu.vector_load %arg26[%get3A_635, %get3A_636] {strides = array<i32>} : memref<8x128xf32, #tpu.memory_space<vmem>>, vector<16xf32>,
      %get3A_638 = arith.constant 1 : i32
      %get3A_639 = arith.index_cast %get3A_638 : i32 to index
      %get3A_640 = arith.constant 96 : index
      %get3A_641 = tpu.vector_load %arg26[%get3A_639, %get3A_640] {strides = array<i32>} : memref<8x128xf32, #tpu.memory_space<vmem>>, vector<16xf32>,
      %add3A_642 = arith.addf %get3A_637, %get3A_641 : vector<16xf32>
      %get3A_643 = arith.constant 2 : i32
      %get3A_644 = arith.index_cast %get3A_643 : i32 to index
      %get3A_645 = arith.constant 96 : index
      %get3A_646 = tpu.vector_load %arg26[%get3A_644, %get3A_645] {strides = array<i32>} : memref<8x128xf32, #tpu.memory_space<vmem>>, vector<16xf32>,
      %add3A_647 = arith.addf %add3A_642, %get3A_646 : vector<16xf32>
      %get3A_648 = arith.constant 3 : i32
      %get3A_649 = arith.index_cast %get3A_648 : i32 to index
      %get3A_650 = arith.constant 96 : index
      %get3A_651 = tpu.vector_load %arg26[%get3A_649, %get3A_650] {strides = array<i32>} : memref<8x128xf32, #tpu.memory_space<vmem>>, vector<16xf32>,
      %add3A_652 = arith.addf %add3A_647, %get3A_651 : vector<16xf32>
      %get3A_653 = arith.constant 4 : i32
      %get3A_654 = arith.index_cast %get3A_653 : i32 to index
      %get3A_655 = arith.constant 96 : index
      %get3A_656 = tpu.vector_load %arg26[%get3A_654, %get3A_655] {strides = array<i32>} : memref<8x128xf32, #tpu.memory_space<vmem>>, vector<16xf32>,
      %add3A_657 = arith.addf %add3A_652, %get3A_656 : vector<16xf32>
      %get3A_658 = arith.constant 5 : i32
      %get3A_659 = arith.index_cast %get3A_658 : i32 to index
      %get3A_660 = arith.constant 96 : index
      %get3A_661 = tpu.vector_load %arg26[%get3A_659, %get3A_660] {strides = array<i32>} : memref<8x128xf32, #tpu.memory_space<vmem>>, vector<16xf32>,
      %add3A_662 = arith.addf %add3A_657, %get3A_661 : vector<16xf32>
      %get3A_663 = arith.constant 6 : i32
      %get3A_664 = arith.index_cast %get3A_663 : i32 to index
      %get3A_665 = arith.constant 96 : index
      %get3A_666 = tpu.vector_load %arg26[%get3A_664, %get3A_665] {strides = array<i32>} : memref<8x128xf32, #tpu.memory_space<vmem>>, vector<16xf32>,
      %add3A_667 = arith.addf %add3A_662, %get3A_666 : vector<16xf32>
      %get3A_668 = arith.constant 7 : i32
      %get3A_669 = arith.index_cast %get3A_668 : i32 to index
      %get3A_670 = arith.constant 96 : index
      %get3A_671 = tpu.vector_load %arg26[%get3A_669, %get3A_670] {strides = array<i32>} : memref<8x128xf32, #tpu.memory_space<vmem>>, vector<16xf32>,
      %add3A_672 = arith.addf %add3A_667, %get3A_671 : vector<16xf32>
      %swap3A_673 = arith.constant 96 : index
      %swap3A_674 = tpu.vector_load %arg31[%swap3A_673] {strides = array<i32>} : memref<128xf32, #tpu.memory_space<vmem>>, vector<16xf32>,
      tpu.vector_store %arg31[%swap3A_673], %add3A_672 {strides = array<i32>} : memref<128xf32, #tpu.memory_space<vmem>>, vector<16xf32>,
      %get3A_675 = arith.constant 0 : i32
      %get3A_676 = arith.index_cast %get3A_675 : i32 to index
      %get3A_677 = arith.constant 112 : index
      %get3A_678 = tpu.vector_load %arg26[%get3A_676, %get3A_677] {strides = array<i32>} : memref<8x128xf32, #tpu.memory_space<vmem>>, vector<16xf32>,
      %get3A_679 = arith.constant 1 : i32
      %get3A_680 = arith.index_cast %get3A_679 : i32 to index
      %get3A_681 = arith.constant 112 : index
      %get3A_682 = tpu.vector_load %arg26[%get3A_680, %get3A_681] {strides = array<i32>} : memref<8x128xf32, #tpu.memory_space<vmem>>, vector<16xf32>,
      %add3A_683 = arith.addf %get3A_678, %get3A_682 : vector<16xf32>
      %get3A_684 = arith.constant 2 : i32
      %get3A_685 = arith.index_cast %get3A_684 : i32 to index
      %get3A_686 = arith.constant 112 : index
      %get3A_687 = tpu.vector_load %arg26[%get3A_685, %get3A_686] {strides = array<i32>} : memref<8x128xf32, #tpu.memory_space<vmem>>, vector<16xf32>,
      %add3A_688 = arith.addf %add3A_683, %get3A_687 : vector<16xf32>
      %get3A_689 = arith.constant 3 : i32
      %get3A_690 = arith.index_cast %get3A_689 : i32 to index
      %get3A_691 = arith.constant 112 : index
      %get3A_692 = tpu.vector_load %arg26[%get3A_690, %get3A_691] {strides = array<i32>} : memref<8x128xf32, #tpu.memory_space<vmem>>, vector<16xf32>,
      %add3A_693 = arith.addf %add3A_688, %get3A_692 : vector<16xf32>
      %get3A_694 = arith.constant 4 : i32
      %get3A_695 = arith.index_cast %get3A_694 : i32 to index
      %get3A_696 = arith.constant 112 : index
      %get3A_697 = tpu.vector_load %arg26[%get3A_695, %get3A_696] {strides = array<i32>} : memref<8x128xf32, #tpu.memory_space<vmem>>, vector<16xf32>,
      %add3A_698 = arith.addf %add3A_693, %get3A_697 : vector<16xf32>
      %get3A_699 = arith.constant 5 : i32
      %get3A_700 = arith.index_cast %get3A_699 : i32 to index
      %get3A_701 = arith.constant 112 : index
      %get3A_702 = tpu.vector_load %arg26[%get3A_700, %get3A_701] {strides = array<i32>} : memref<8x128xf32, #tpu.memory_space<vmem>>, vector<16xf32>,
      %add3A_703 = arith.addf %add3A_698, %get3A_702 : vector<16xf32>
      %get3A_704 = arith.constant 6 : i32
      %get3A_705 = arith.index_cast %get3A_704 : i32 to index
      %get3A_706 = arith.constant 112 : index
      %get3A_707 = tpu.vector_load %arg26[%get3A_705, %get3A_706] {strides = array<i32>} : memref<8x128xf32, #tpu.memory_space<vmem>>, vector<16xf32>,
      %add3A_708 = arith.addf %add3A_703, %get3A_707 : vector<16xf32>
      %get3A_709 = arith.constant 7 : i32
      %get3A_710 = arith.index_cast %get3A_709 : i32 to index
      %get3A_711 = arith.constant 112 : index
      %get3A_712 = tpu.vector_load %arg26[%get3A_710, %get3A_711] {strides = array<i32>} : memref<8x128xf32, #tpu.memory_space<vmem>>, vector<16xf32>,
      %add3A_713 = arith.addf %add3A_708, %get3A_712 : vector<16xf32>
      %swap3A_714 = arith.constant 112 : index
      %swap3A_715 = tpu.vector_load %arg31[%swap3A_714] {strides = array<i32>} : memref<128xf32, #tpu.memory_space<vmem>>, vector<16xf32>,
      tpu.vector_store %arg31[%swap3A_714], %add3A_713 {strides = array<i32>} : memref<128xf32, #tpu.memory_space<vmem>>, vector<16xf32>,
      "tpu.region"() ({
        %run_scoped3A = tpu.sem_alloc : memref<!tpu.dma_semaphore, #tpu.memory_space<semaphore_mem>>
        %dma_start3A_716 = arith.constant 384 : i32
        %dma_start3A_717 = tpu.memref_slice %arg11[%dma_start3A_716] : memref<512xf32, #tpu.memory_space<hbm>> -> memref<128xf32, #tpu.memory_space<hbm>>
        %dma_start3A_718 = arith.constant 384 : i32
        %dma_start3A_719 = tpu.memref_slice %arg11[%dma_start3A_718] : memref<512xf32, #tpu.memory_space<hbm>> -> memref<128xf32, #tpu.memory_space<hbm>>
        tpu.enqueue_dma source(%arg31 : memref<128xf32, #tpu.memory_space<vmem>>) target(%dma_start3A_719 : memref<128xf32, #tpu.memory_space<hbm>>) target_semaphore(%run_scoped3A : memref<!tpu.dma_semaphore, #tpu.memory_space<semaphore_mem>>)
        %dma_wait3A_720 = arith.constant 384 : i32
        %dma_wait3A_721 = tpu.memref_slice %arg11[%dma_wait3A_720] : memref<512xf32, #tpu.memory_space<hbm>> -> memref<128xf32, #tpu.memory_space<hbm>>
        %dma_wait3A_722 = arith.constant 384 : i32
        %dma_wait3A_723 = tpu.memref_slice %arg11[%dma_wait3A_722] : memref<512xf32, #tpu.memory_space<hbm>> -> memref<128xf32, #tpu.memory_space<hbm>>
        tpu.wait_dma2 semaphore(%run_scoped3A : memref<!tpu.dma_semaphore, #tpu.memory_space<semaphore_mem>>) src(%arg31 : memref<128xf32, #tpu.memory_space<vmem>>) dst(%dma_wait3A_723 : memref<128xf32, #tpu.memory_space<hbm>>)
        tpu.yield
      }) : () -> ()
    } else {
    }
    return
  }
}

module attributes {stable_mosaic.version = 14 : i64} {
  func.func @_prep_body(%arg0: memref<1x128xf32, #tpu.memory_space<vmem>>, %arg1: memref<1x128xf32, #tpu.memory_space<vmem>>, %arg2: memref<1x128xf32, #tpu.memory_space<vmem>>, %arg3: memref<1x128xf32, #tpu.memory_space<vmem>>, %arg4: memref<128x128xf32, #tpu.memory_space<vmem>>, %arg5: memref<128x128xf32, #tpu.memory_space<vmem>>, %arg6: memref<4x128xf32, #tpu.memory_space<vmem>>) attributes {dimension_semantics = [], scalar_prefetch = 0 : i64, scratch_operands = 0 : i64, tpu.core_type = #tpu.core_type<tc>} {
    %get3A = arith.constant 0 : index
    %get3A_0 = arith.constant 0 : index
    %get3A_1 = vector.load %arg0[%get3A, %get3A_0] : memref<1x128xf32, #tpu.memory_space<vmem>>, vector<1x128xf32>
    %get3A_2 = arith.constant 0 : index
    %get3A_3 = arith.constant 0 : index
    %get3A_4 = vector.load %arg4[%get3A_2, %get3A_3] : memref<128x128xf32, #tpu.memory_space<vmem>>, vector<128x128xf32>
    %dot_general3A = arith.constant dense<0.000000e+00> : vector<1x128xf32>
    %dot_general3A_5 = tpu.matmul %get3A_1, %get3A_4, %dot_general3A {dimension_numbers = #tpu.dot_dimension_numbers<[1], [1], [0], [0], [0, 0, 1, 0], [], []>, transpose_lhs_hint = false} : vector<1x128xf32>, vector<128x128xf32>, vector<1x128xf32> -> vector<1x128xf32>
    %swap3A = arith.constant 0 : index
    %swap3A_6 = arith.constant 0 : index
    %swap3A_7 = vector.load %arg6[%swap3A, %swap3A_6] : memref<4x128xf32, #tpu.memory_space<vmem>>, vector<1x128xf32>
    tpu.vector_store %arg6[%swap3A, %swap3A_6], %dot_general3A_5 {strides = array<i32>} : memref<4x128xf32, #tpu.memory_space<vmem>>, vector<1x128xf32>,
    %get3A_8 = arith.constant 0 : index
    %get3A_9 = arith.constant 0 : index
    %get3A_10 = vector.load %arg1[%get3A_8, %get3A_9] : memref<1x128xf32, #tpu.memory_space<vmem>>, vector<1x128xf32>
    %get3A_11 = arith.constant 0 : index
    %get3A_12 = arith.constant 0 : index
    %get3A_13 = vector.load %arg4[%get3A_11, %get3A_12] : memref<128x128xf32, #tpu.memory_space<vmem>>, vector<128x128xf32>
    %dot_general3A_14 = arith.constant dense<0.000000e+00> : vector<1x128xf32>
    %dot_general3A_15 = tpu.matmul %get3A_10, %get3A_13, %dot_general3A_14 {dimension_numbers = #tpu.dot_dimension_numbers<[1], [1], [0], [0], [0, 0, 1, 0], [], []>, transpose_lhs_hint = false} : vector<1x128xf32>, vector<128x128xf32>, vector<1x128xf32> -> vector<1x128xf32>
    %swap3A_16 = arith.constant 1 : index
    %swap3A_17 = arith.constant 0 : index
    %swap3A_18 = vector.load %arg6[%swap3A_16, %swap3A_17] : memref<4x128xf32, #tpu.memory_space<vmem>>, vector<1x128xf32>
    tpu.vector_store %arg6[%swap3A_16, %swap3A_17], %dot_general3A_15 {strides = array<i32>} : memref<4x128xf32, #tpu.memory_space<vmem>>, vector<1x128xf32>,
    %get3A_19 = arith.constant 0 : index
    %get3A_20 = arith.constant 0 : index
    %get3A_21 = vector.load %arg2[%get3A_19, %get3A_20] : memref<1x128xf32, #tpu.memory_space<vmem>>, vector<1x128xf32>
    %get3A_22 = arith.constant 0 : index
    %get3A_23 = arith.constant 0 : index
    %get3A_24 = vector.load %arg5[%get3A_22, %get3A_23] : memref<128x128xf32, #tpu.memory_space<vmem>>, vector<128x128xf32>
    %dot_general3A_25 = arith.constant dense<0.000000e+00> : vector<1x128xf32>
    %dot_general3A_26 = tpu.matmul %get3A_21, %get3A_24, %dot_general3A_25 {dimension_numbers = #tpu.dot_dimension_numbers<[1], [1], [0], [0], [0, 0, 1, 0], [], []>, transpose_lhs_hint = false} : vector<1x128xf32>, vector<128x128xf32>, vector<1x128xf32> -> vector<1x128xf32>
    %swap3A_27 = arith.constant 2 : index
    %swap3A_28 = arith.constant 0 : index
    %swap3A_29 = vector.load %arg6[%swap3A_27, %swap3A_28] : memref<4x128xf32, #tpu.memory_space<vmem>>, vector<1x128xf32>
    tpu.vector_store %arg6[%swap3A_27, %swap3A_28], %dot_general3A_26 {strides = array<i32>} : memref<4x128xf32, #tpu.memory_space<vmem>>, vector<1x128xf32>,
    %get3A_30 = arith.constant 0 : index
    %get3A_31 = arith.constant 0 : index
    %get3A_32 = vector.load %arg3[%get3A_30, %get3A_31] : memref<1x128xf32, #tpu.memory_space<vmem>>, vector<1x128xf32>
    %get3A_33 = arith.constant 0 : index
    %get3A_34 = arith.constant 0 : index
    %get3A_35 = vector.load %arg5[%get3A_33, %get3A_34] : memref<128x128xf32, #tpu.memory_space<vmem>>, vector<128x128xf32>
    %dot_general3A_36 = arith.constant dense<0.000000e+00> : vector<1x128xf32>
    %dot_general3A_37 = tpu.matmul %get3A_32, %get3A_35, %dot_general3A_36 {dimension_numbers = #tpu.dot_dimension_numbers<[1], [1], [0], [0], [0, 0, 1, 0], [], []>, transpose_lhs_hint = false} : vector<1x128xf32>, vector<128x128xf32>, vector<1x128xf32> -> vector<1x128xf32>
    %swap3A_38 = arith.constant 3 : index
    %swap3A_39 = arith.constant 0 : index
    %swap3A_40 = vector.load %arg6[%swap3A_38, %swap3A_39] : memref<4x128xf32, #tpu.memory_space<vmem>>, vector<1x128xf32>
    tpu.vector_store %arg6[%swap3A_38, %swap3A_39], %dot_general3A_37 {strides = array<i32>} : memref<4x128xf32, #tpu.memory_space<vmem>>, vector<1x128xf32>,
    return
  }
}

</mosaic_0001>

<sc_bundles>
// kernel: kernel.4.cloned.1.call-start
scs
__scs_entry_jumppad:
0x0: {  	(pc) =	sbr.rel $0x88, $3  }
0x1: {  	(tag) =	ssettag $0x0;
	lr =	simm.s32 $0x1  }
0x2: {  	[smem:$0x3F95] =	sst lr;
	_ =	strace $0xD0000000  }
0x3: {  	_ = 	snop  }
0x4: {  	_ = 	snop  }
0x5: {  	_ = 	snop  }
0x6: {  	_ = 	snop  }
0x7: {  	_ = 	snop  }
__scs_overlays_trampoline_lowered:
0x8: {  	[smem:$0x3FA4] =	sst s0  }
0x9: {  	[smem:$0x3FA5] =	sst s1  }
0xa: {  	[smem:$0x3FA6] =	sst s2  }
0xb: {  	[smem:$0x3FA7] =	sst s3  }
0xc: {  	[smem:$0x3FA8] =	sst s4  }
0xd: {  	[smem:$0x3FA9] =	sst s5  }
0xe: {  	[smem:$0x3FAA] =	sst s6  }
0xf: {  	[smem:$0x3FAB] =	sst s7  }
0x10: {  	[smem:$0x3FAC] =	sst s8  }
0x11: {  	[smem:$0x3FAD] =	sst s9;
	s0 =	simm.s32 @!p0 $0x0  }
0x12: {  	s1 =	sld [smem:$0x3F93];
	s0 =	simm.s32 @p0 $0x1  }
0x13: {  	[smem:$0x3FAE] =	sst s0;
	s0 =	simm.s32 @!p1 $0x0  }
0x14: {  	s2 =	sld [smem:$0x3F92];
	s0 =	simm.s32 @p1 $0x1  }
0x15: {  	[smem:$0x3FAF] =	sst s0;
	s0 =	simm.s32 @!p2 $0x0  }
0x16: {  	s3 =	sld [smem:$0x3FDB];
	s0 =	simm.s32 @p2 $0x1  }
0x17: {  	s4 =	simm.s32 $0x1BF5;
	[smem:$0x3FB1] =	sst s0  }
0x18: {  	s0 =	sld [smem:$0x3F94];
	_ =	swait.ge [sflag:s4], $0x0  }
0x19: {  	s7 =	sld [smem:$0x3F95]  }
0x1a: {  	s8 =	sadd.s32 $0xFFFFE003, lr  }
0x1b: {  	s9 =	sadd.s32 $0xFFFFFEF7, lr;
	s5 =	simm.s32 $0xFFFFFFFF;
	p2 =	slt.u32 s8, $0xFFFFF086  }
0x1c: {  	p1 =	slt.u32 s9, $0xF7A;
	s5 =	simm.s32 @!p2 $0x0  }
0x1d: {  	s5 =	simm.s32 @p1 $0x1;
	p0 =	seq.s32 s7, s2  }
0x1e: {  	s7 =	smul.u32 @!p0 $0xF7A, s2;
	p2 =	seq.s32 @!p0 s5, $0x0  }
0x1f: {  	s9 =	smul.u32 $0xF7A, s1;
	s8 =	simm.s32 @!p0 $0x1BF5;
	p2 =	por !p2, p0  }
0x20: {  	[sflag:s8] =	ssyncset.s32 @!p0 $0xFFFFF086;
	s6 =	sadd.s32 @!p0 s3, s7;
	s7 =	simm.s32 @!p0 $0x108  }
0x21: {  	s3 =	sadd.s32 s3, s9;
	s6 =	sadd.s32 @!p0 $0x88, s6;
	s7 =	simm.s32 @p2 $0x1082  }
0x22: {  	[simem:s7], [sflag:s8] =	dma.local @!p0 [hbm:s6], $0xF7A  }
0x23: {  	s9 =	sor.u32 $0xD0000000, s2;
	s6 =	simm.s32 $0x108;
	_ =	swait.ge @!p0 [sflag:s8], $0x0  }
0x24: {  	s3 =	sadd.s32 $0x88, s3;
	s6 =	simm.s32 @!p1 $0x1082;
	[sflag:s4] =	ssyncset.s32 $0xFFFFF086  }
0x25: {  	[simem:s6], [sflag:s4] =	dma.local [hbm:s3], $0xF7A  }
0x26: {  	[smem:$0x3F95] =	sst s1;
	(tag) =	ssettag s2;
	_ =	strace s9  }
0x27: {  	s1 =	sld [smem:$0x3FA5]  }
0x28: {  	s2 =	sld [smem:$0x3FA6]  }
0x29: {  	s4 =	sld [smem:$0x3FA8]  }
0x2a: {  	p0 =	seq.s32 s5, $0x0;
	s5 =	sld [smem:$0x3FA9]  }
0x2b: {  	s6 =	sld [smem:$0x3FAA]  }
0x2c: {  	s7 =	sld [smem:$0x3FAB]  }
0x2d: {  	s3 =	simm.s32 $0x108;
	s8 =	sld [smem:$0x3FAC]  }
0x2e: {  	s3 =	simm.s32 @!p0 $0x1082;
	s9 =	sld [smem:$0x3FAD]  }
0x2f: {  	lr =	sadd.s32 s0, s3;
	s0 =	sld [smem:$0x3FA4]  }
0x30: {  	s3 =	sld [smem:$0x3FA7]  }
0x31: {  	[smem:$0x3FB0] =	sst s10  }
0x32: {  	s10 =	sld [smem:$0x3FAE];
	_ =	sdelay $0x3  }
0x33: {  	p0 =	seq.s32 s10, $0x1;
	s10 =	sld [smem:$0x3FB0];
	_ =	sdelay $0x3  }
0x34: {  	[smem:$0x3FB0] =	sst s10  }
0x35: {  	s10 =	sld [smem:$0x3FAF];
	_ =	sdelay $0x3  }
0x36: {  	p1 =	seq.s32 s10, $0x1;
	s10 =	sld [smem:$0x3FB0];
	_ =	sdelay $0x3  }
0x37: {  	[smem:$0x3FB0] =	sst s10  }
0x38: {  	s10 =	sld [smem:$0x3FB1]  }
0x39: {  	_ = 	snop;
	(pc) =	sbr.ind lr, $3  }
0x3a: {  	_ = 	snop  }
0x3b: {  	_ = 	snop  }
0x3c: {  	p2 =	seq.s32 s10, $0x1;
	s10 =	sld [smem:$0x3FB0]  }
0x3d: {  	_ =	shalt  }
0x3e: {  	_ =	shalt  }
0x3f: {  	_ =	shalt  }
0x40: {  	_ =	shalt  }
0x41: {  	_ =	shalt  }
0x42: {  	_ =	shalt  }
0x43: {  	_ =	shalt  }
0x44: {  	_ =	shalt  }
0x45: {  	_ =	shalt  }
0x46: {  	_ =	shalt  }
0x47: {  	_ =	shalt  }
0x48: {  	_ =	shalt  }
0x49: {  	_ =	shalt  }
0x4a: {  	_ =	shalt  }
0x4b: {  	_ =	shalt  }
0x4c: {  	_ =	shalt  }
0x4d: {  	_ =	shalt  }
0x4e: {  	_ =	shalt  }
0x4f: {  	_ =	shalt  }
0x50: {  	_ =	shalt  }
0x51: {  	_ =	shalt  }
0x52: {  	_ =	shalt  }
0x53: {  	_ =	shalt  }
0x54: {  	_ =	shalt  }
0x55: {  	_ =	shalt  }
0x56: {  	_ =	shalt  }
0x57: {  	_ =	shalt  }
0x58: {  	_ =	shalt  }
0x59: {  	_ =	shalt  }
0x5a: {  	_ =	shalt  }
0x5b: {  	_ =	shalt  }
0x5c: {  	_ =	shalt  }
0x5d: {  	_ =	shalt  }
0x5e: {  	_ =	shalt  }
0x5f: {  	_ =	shalt  }
0x60: {  	_ =	shalt  }
0x61: {  	_ =	shalt  }
0x62: {  	_ =	shalt  }
0x63: {  	_ =	shalt  }
0x64: {  	_ =	shalt  }
0x65: {  	_ =	shalt  }
0x66: {  	_ =	shalt  }
0x67: {  	_ =	shalt  }
0x68: {  	_ =	shalt  }
0x69: {  	_ =	shalt  }
0x6a: {  	_ =	shalt  }
0x6b: {  	_ =	shalt  }
0x6c: {  	_ =	shalt  }
0x6d: {  	_ =	shalt  }
0x6e: {  	_ =	shalt  }
0x6f: {  	_ =	shalt  }
0x70: {  	_ =	shalt  }
0x71: {  	_ =	shalt  }
0x72: {  	_ =	shalt  }
0x73: {  	_ =	shalt  }
0x74: {  	_ =	shalt  }
0x75: {  	_ =	shalt  }
0x76: {  	_ =	shalt  }
0x77: {  	_ =	shalt  }
0x78: {  	_ =	shalt  }
0x79: {  	_ =	shalt  }
0x7a: {  	_ =	shalt  }
0x7b: {  	_ =	shalt  }
0x7c: {  	_ =	shalt  }
0x7d: {  	_ =	shalt  }
0x7e: {  	_ =	shalt  }
0x7f: {  	_ =	shalt  }
0x80: {  	_ =	shalt  }
0x81: {  	_ =	shalt  }
0x82: {  	_ =	shalt  }
0x83: {  	_ =	shalt  }
0x84: {  	_ =	shalt  }
0x85: {  	_ =	shalt  }
0x86: {  	_ =	shalt  }
0x87: {  	_ =	shalt  }
.Lfunc_end0:
.L_simem_size_0:
called_computation_lowered:
.L_overlay_start_0:
0x88: {  	s0 =	sld [smem:$0x3FD9]  }
0x89: {  	s1 =	sld [smem:$0x3FFE];
	_ =	sdelay $0x3  }
0x8a: {  	s0 =	sadd.s32 s1, s0  }
0x8b: {  	[smem:$0x3FBC] =	sst s0  }
0x8c: {  	_ = 	snop  }
0x8d: {  	s0 =	sld [smem:$0x3FC9]  }
0x8e: {  	s16 =	sld [smem:$0x3FC6]  }
0x8f: {  	s2 =	sld [smem:$0x3FC5]  }
0x90: {  	s3 =	sld [smem:$0x3FC2]  }
0x91: {  	s4 =	sld [smem:$0x3FC1]  }
0x92: {  	s5 =	sld [smem:$0x3FBE]  }
0x93: {  	s6 =	sld [smem:$0x3FD0];
	(tm) =	ssettm $0x1  }
0x94: {  	s7 =	sld [smem:$0x3FFB];
	_ =	sdelay $0x3  }
0x95: {  	_ =	strace s7  }
0x96: {  	s7 =	sld [smem:$0x3FFC];
	_ =	sdelay $0x3  }
0x97: {  	_ =	strace s7  }
0x98: {  	s7 =	sld [smem:$0x3FFD];
	_ =	sdelay $0x3  }
0x99: {  	_ =	strace s7  }
0x9a: {  	_ =	strace $0x8FFFFFFF  }
0x9b: {  	s17 =	sld [smem:$0x3FDB];
	_ =	sdelay $0x1  }
0x9c: {  	s8 =	simm.s32 $_scs_section_size  }
0x9d: {  	s9 =	simm.s32 $_size__tile_overlayer_lowered;
	s10 =	simm.s32 $_tile_overlayer_lowered  }
0x9e: {  	s20 =	simm.s32 $0x1BFF;
	s19 =	sshll.u32 s10, $0x1;
	s7 =	sadd.s32 s8, s17  }
0x9f: {  	s11 =	simm.s32 $0x0;
	s18 =	sshll.u32 s9, $0x1;
	s9 =	sadd.s32 s19, s7  }
0xa0: {  	[timem:s11], [sflag:s20] =	dma.local [hbm:s9], s18  }
0xa1: {  	_ =	swait.ge [sflag:s20], s18  }
0xa2: {  	s8 =	ssub.s32 $0x0, s18;
	[sflag:s20] =	ssyncset.done $0x0  }
0xa3: {  	[sflag:s20] =	ssyncadd.s32 s8;
	_ =	sdelay $0x1  }
0xa4: {  	s21 =	simm.s32 $0x1B8B  }
0xa5: {  	_ =	swait.ge [sflag:s21], $0x1  }
0xa6: {  	[sflag:s21] =	ssyncset.done $0x0  }
0xa7: {  	s23 =	simm.s32 $0x1B8E;
	s22 =	sld [smem:$0x3FFE];
	[sflag:s21] =	ssyncadd.s32 $0xFFFFFFFF  }
0xa8: {  	s24 =	simm.s32 $execute0_lowered;
	[smem:$0x3FD2] =	sst s23  }
0xa9: {  	s9 =	sshll.u32 s24, $0x1;
	_ =	strace $0x80000046;
	[dreg:$0x1] =	wrdreg $0xFFFFFFFF  }
0xaa: {  	s25 =	simm.s32 $_size_execute0_lowered;
	s7 =	sadd.s32 s7, s9;
	[dreg:$0x0] =	wrdreg $0x0  }
0xab: {  	s9 =	sshll.u32 s25, $0x1;
	[dreg:$0x2] =	wrdreg s7  }
0xac: {  	[dreg:$0x3] =	wrdreg s9  }
0xad: {  	[dreg:$0x4] =	wrdreg $0xC0  }
0xae: {  	_ =	task [dreg:s11], $0x5FFFF  }
0xaf: {  	[dreg:$0x1] =	wrdreg $0xFFFFFFFF  }
0xb0: {  	[dreg:$0x0] =	wrdreg $0x60  }
0xb1: {  	[dreg:$0x2] =	wrdreg s22  }
0xb2: {  	[dreg:$0x3] =	wrdreg s0  }
0xb3: {  	[dreg:$0x4] =	wrdreg s16  }
0xb4: {  	[dreg:$0x5] =	wrdreg s2  }
0xb5: {  	[dreg:$0x6] =	wrdreg s4  }
0xb6: {  	[dreg:$0x7] =	wrdreg s3  }
0xb7: {  	[dreg:$0x8] =	wrdreg s5  }
0xb8: {  	[dreg:$0x9] =	wrdreg s6  }
0xb9: {  	[dreg:$0xa] =	wrdreg $0x9  }
0xba: {  	_ =	task.clear_ibuf [dreg:s11], $0xBFFFF;
	_ =	strace $0x90000046  }
0xbb: {  	s26 =	simm.s32 $0x9;
	_ =	strace $0x80000048  }
0xbc: {  	_ =	swait.ge [sflag:s26], $0x1  }
0xbd: {  	[sflag:s26] =	ssyncadd.s32 $0xFFFFFFFF  }
0xbe: {  	_ =	strace $0x90000048  }
0xbf: {  	_ =	sfence  }
0xc0: {  	s28 =	sld [smem:$0x0];
	_ =	sdelay $0x1  }
0xc1: {  	s29 =	srdreg.scid  }
0xc2: {  	s30 =	sshll.u32 s29, $0xD;
	s31 =	sshrl.u32 s29, $0x2  }
0xc3: {  	s1 =	sand.u32 $0x1, s29;
	s2 =	sand.u32 $0x4000, s30;
	s0 =	sadd.s32 s31, s28  }
0xc4: {  	s1 =	sor.u32 s2, s1;
	s0 =	sshll.u32 s0, $0x11  }
0xc5: {  	s0 =	sor.u32 s0, s1  }
0xc6: {  	s0 =	sadd.s32 $0x8F2B, s0  }
0xc7: {  	[sflag:s0] =	ssyncadd.remote.s32 $0x1  }
0xc8: {  	_ =	sfence.sel $0xFFFF  }
0xc9: {  	[dreg:$0x0] =	wrdreg $0xFFFFFFFF;
	(pc) =	sbr.abs _section_cstart, $3  }
0xca: {  	[dreg:$0x1] =	wrdreg $0xFFFFFFFF  }
0xcb: {  	_ =	task.clear_ibuf [dreg:s11], $0x2FFFF;
	_ =	strace $0x9FFFFFFF  }
0xcc: {  	(tm) =	ssettm $0x7FFFFFFF  }
0xcd: {  	_ =	shalt  }
tec
execute0_lowered:
.L_overlay_start_1:
0x0: {  	(tag) =	ssettag $0x1  }
0x1: {  	s7 =	rddreg [dreg:$0x0]  }
0x2: {  	s4 =	rddreg [dreg:$0x1]  }
0x3: {  	s5 =	rddreg [dreg:$0x2]  }
0x4: {  	s2 =	rddreg [dreg:$0x3]  }
0x5: {  	s6 =	rddreg [dreg:$0x4];
	s24 =	stileid.u32  }
0x6: {  	s1 =	rddreg [dreg:$0x5];
	s8 =	smul.u32 $0x4E20, s24  }
0x7: {  	s3 =	rddreg [dreg:$0x6]  }
0x8: {  	s0 =	rddreg [dreg:$0x7];
	s13 =	simm.s32 $0x0;
	s8 =	sshrl.u32 s8, $0x3  }
0x9: {  	[smem:$0x7FF] =	sst s13;
	s8 =	sadd.s32 s8, s7  }
0xa: {  	s25 =	rddreg [dreg:$0x8];
	_ =	strace $0x80000047;
	s9 =	sadd.s32 $0x1600, s8  }
0xb: {  	[tilespmem:s13], [sflag:$0x2] =	stream.linear.gather [hbm4b:s9+s13], $0x4E20, $0x38;
	[tilespmem:$0x1A680] =	vst v63  }
0xc: {  	s14 =	simm.s32 $0x4E80;
	s8 =	sadd.s32 $0xB240, s8  }
0xd: {  	[tilespmem:s14], [sflag:$0x2] =	stream.linear.gather [hbm4b:s8+s13], $0x4E20, $0x38;
	[tilespmem:$0x1A680] =	vst v63  }
0xe: {  	s18 =	simm.s32 $0x13A00;
	s19 =	simm.s32 $0x3;
	s17 =	sadd.s32 $0x15000, s7  }
0xf: {  	[tilespmem:s18], [sflag:$0x3] =	stream.linear.gather [hbm4b:s17+s13], $0x200, $0x38;
	[tilespmem:$0x1A680] =	vst v63  }
0x10: {  	_ =	swait.ge [sflag:s19], $0x200  }
0x11: {  	[sflag:s19] =	ssyncset.done $0x0  }
0x12: {  	s10 =	simm.s32 $0x13C00;
	s20 =	sadd.s32 $0x15200, s7;
	[sflag:s19] =	ssyncadd.s32 $0xFFFFFE00  }
0x13: {  	[tilespmem:s10], [sflag:$0x3] =	stream.linear.gather [hbm4b:s20+s13], $0x80, $0x38;
	[tilespmem:$0x1A680] =	vst v63  }
0x14: {  	_ =	swait.ge [sflag:s19], $0x80  }
0x15: {  	[sflag:s19] =	ssyncset.done $0x0  }
0x16: {  	[sflag:s19] =	ssyncadd.s32 $0xFFFFFF80  }
0x17: {  	v0 =	vld [tilespmem:$0x13C00];
	_ =	sdelay $0x3  }
0x18: {  	s21 =	simm.s32 $0x10  }
0x19: {  	s22 =	simm.s32 $0x13C80;
	s23 =	simm.s32 $0x13D80;
	s26 =	simm.s32 $0x1;
	[tilespmem:$0x13C80] =	vst v0  }
0x1a: {  	[tilespmem:s23], [sflag:$0x1] =	stream.indirect.gather [hbm4b:s4+s21], $0x80, s22, s21, $0xb8;
	[tilespmem:$0x1A680] =	vst v63  }
0x1b: {  	_ =	swait.ge [sflag:s26], $0x800  }
0x1c: {  	[sflag:s26] =	ssyncset.done $0x0  }
0x1d: {  	[sflag:s26] =	ssyncadd.s32 $0xFFFFF800  }
0x1e: {  	v1 =	vld [tilespmem:$0x13D80]  }
0x1f: {  	v2 =	vld [tilespmem:$0x13A80]  }
0x20: {  	v3 =	vld [tilespmem:$0x13D90]  }
0x21: {  	v4 =	vld [tilespmem:$0x13A90]  }
0x22: {  	v5 =	vld [tilespmem:$0x13DA0]  }
0x23: {  	v6 =	vld [tilespmem:$0x13AA0]  }
0x24: {  	v7 =	vld [tilespmem:$0x13DB0]  }
0x25: {  	v8 =	vld [tilespmem:$0x13AB0]  }
0x26: {  	v9 =	vld [tilespmem:$0x13DC0]  }
0x27: {  	v10 =	vld [tilespmem:$0x13AC0]  }
0x28: {  	v11 =	vld [tilespmem:$0x13B80]  }
0x29: {  	v12 =	vld [tilespmem:$0x13B90]  }
0x2a: {  	v13 =	vld [tilespmem:$0x13DD0]  }
0x2b: {  	v14 =	vld [tilespmem:$0x13BA0]  }
0x2c: {  	v15 =	vld [tilespmem:$0x13AD0]  }
0x2d: {  	v16 =	vld [tilespmem:$0x13BB0];
	v2 =	vmul.f32 v2, v1;
	v4 =	vmul.f32 v4, v3  }
0x2e: {  	v45 =	vld [tilespmem:$0x13DE0];
	v3 =	vmul.f32 v12, v3;
	v11 =	vmul.f32 v11, v1  }
0x2f: {  	v47 =	vld [tilespmem:$0x13BC0];
	v46 =	vmul.f32 v6, v5;
	v2 =	vadd.f32 v4, v2  }
0x30: {  	v48 =	vld [tilespmem:$0x13AE0];
	v5 =	vmul.f32 v14, v5;
	v3 =	vadd.f32 v3, v11  }
0x31: {  	v50 =	vld [tilespmem:$0x13BD0];
	v49 =	vmul.f32 v8, v7;
	v2 =	vadd.f32 v46, v2  }
0x32: {  	v52 =	vld [tilespmem:$0x13DF0];
	v51 =	vmul.f32 v16, v7;
	v3 =	vadd.f32 v5, v3  }
0x33: {  	v54 =	vld [tilespmem:$0x13BE0];
	v53 =	vmul.f32 v10, v9;
	v2 =	vadd.f32 v49, v2  }
0x34: {  	v56 =	vld [tilespmem:$0x13AF0];
	v55 =	vmul.f32 v47, v9;
	v3 =	vadd.f32 v51, v3  }
0x35: {  	v58 =	vld [tilespmem:$0x13BF0];
	v57 =	vmul.f32 v15, v13;
	v2 =	vadd.f32 v53, v2  }
0x36: {  	v59 =	vmul.f32 v50, v13;
	v3 =	vadd.f32 v55, v3  }
0x37: {  	v60 =	vmul.f32 v48, v45;
	v2 =	vadd.f32 v57, v2  }
0x38: {  	v61 =	vmul.f32 v54, v45;
	v3 =	vadd.f32 v59, v3  }
0x39: {  	v62 =	vmul.f32 v56, v52;
	v2 =	vadd.f32 v60, v2  }
0x3a: {  	v63 =	vmul.f32 v58, v52;
	v3 =	vadd.f32 v61, v3  }
0x3b: {  	v2 =	vadd.f32 v62, v2  }
0x3c: {  	p0 =	sne.s32 s24, $0x2;
	v3 =	vadd.f32 v63, v3  }
0x3d: {  	(xrf2) =	vadd.scan.msk.f32 $0xffff, v2;
	v2 =	vld @!p0 [tilespmem:$0x13D90]  }
0x3e: {  	(xrf2) =	vadd.scan.msk.f32 $0xffff, v3;
	v3 =	vld @!p0 [tilespmem:$0x13DA0]  }
0x3f: {  	[tilespmem:$0x1A600] =	vst @!p0 v1;
	v1 =	vld @!p0 [tilespmem:$0x13DD0]  }
0x40: {  	v4 =	vld @!p0 [tilespmem:$0x13DB0]  }
0x41: {  	v5 =	vld @!p0 [tilespmem:$0x13DC0]  }
0x42: {  	[tilespmem:$0x1A610] =	vst @!p0 v2;
	v2 =	vld @!p0 [tilespmem:$0x13DE0]  }
0x43: {  	[tilespmem:$0x1A620] =	vst @!p0 v3;
	v3 =	vld @!p0 [tilespmem:$0x13DF0]  }
0x44: {  	[tilespmem:$0x1A650] =	vst @!p0 v1  }
0x45: {  	[tilespmem:$0x1A630] =	vst @!p0 v4  }
0x46: {  	[tilespmem:$0x1A640] =	vst @!p0 v5  }
0x47: {  	v1, _, _ =	vpop (xrf2);
	[tilespmem:$0x1A660] =	vst @!p0 v2  }
0x48: {  	v2 =	vimm.f32 $0.0e+00;
	(v2sf) =	vpush v1, $0xF;
	v1, _, _ =	vpop (xrf2);
	[tilespmem:$0x1A670] =	vst @!p0 v3  }
0x49: {  	[tilespmem:$0x14D80] =	vst v2;
	(v2sf) =	vpush v1, $0xF  }
0x4a: {  	[tilespmem:$0x14D90] =	vst v2  }
0x4b: {  	[tilespmem:$0x14DA0] =	vst v2  }
0x4c: {  	[tilespmem:$0x14DB0] =	vst v2  }
0x4d: {  	[tilespmem:$0x14DC0] =	vst v2  }
0x4e: {  	[tilespmem:$0x14DD0] =	vst v2  }
0x4f: {  	[tilespmem:$0x14DE0] =	vst v2  }
0x50: {  	[tilespmem:$0x14DF0] =	vst v2  }
0x51: {  	[tilespmem:$0x14E00] =	vst v2  }
0x52: {  	s28 =	simm.s32 $0xF149F2CA;
	[tilespmem:$0x14E10] =	vst v2  }
0x53: {  	[smem:$0x0] =	sst s28;
	[tilespmem:$0x14E20] =	vst v2  }
0x54: {  	[smem:$0x1] =	sst s13;
	[tilespmem:$0x14E30] =	vst v2  }
0x55: {  	[smem:$0x2] =	sst s28;
	[tilespmem:$0x14E40] =	vst v2  }
0x56: {  	s30 =	smul.u32 $0x110, s24;
	[smem:$0x3] =	sst s13;
	[tilespmem:$0x14E50] =	vst v2  }
0x57: {  	s29 =	simm.s32 $0x2;
	[smem:$0x80] =	sst s13;
	[tilespmem:$0x14E60] =	vst v2;
	s12 =	spop (v2sf)  }
0x58: {  	s15 =	simm.s32 $0x0;
	[smem:$0x81] =	sst s13;
	[tilespmem:$0x14E70] =	vst v2;
	s10 =	spop (v2sf)  }
0x59: {  	s31 =	sshll.u32 s24, $0x4;
	s7 =	sadd.s32 $0x15400, s7;
	_ =	swait.ge [sflag:s29], $0x4E20  }
0x5a: {  	s9 =	sshrl.u32 s30, $0x3;
	p0 =	sgt.u32 s24, $0x1;
	[sflag:s29] =	ssyncset.done $0x0  }
0x5b: {  	s9 =	sadd.s32 s7, s9;
	p1 =	seq.s32 @!p0 s24, $0x0;
	[sflag:s29] =	ssyncadd.s32 $0xFFFFB1E0  }
0x5c: {  	s11 =	sadd.s32 $0x2, s9;
	p1 =	por !p1, p0;
	_ =	swait.ge [sflag:s29], $0x4E20  }
0x5d: {  	s8 =	simm.s32 @!p0 $0x15380;
	s2 =	smov.u32 @p1 s6;
	[sflag:s29] =	ssyncset.done $0x0  }
.Ltmp0:
0x5e: {  	s6 =	simm.s32 @!p0 $0x0;
	[sflag:s29] =	ssyncadd.s32 $0xFFFFB1E0;
	(pc) =	sbr.rel .LBB2_1-.Ltmp0, $4  }
0x5f: {  	[tilespmem:s8], [sflag:$0x2] =	stream.linear.gather @!p0 [hbm4b:s2+s6], $0x4000, $0x38;
	[tilespmem:$0x1A680] =	vst v63  }
0x60: {  	s26 =	sadd.s32 s0, s31;
	s1 =	smov.u32 @p1 s3;
	s3 =	simm.s32 @!p0 $0x19380  }
0x61: {  	[tilespmem:s3], [sflag:$0x2] =	stream.linear.gather @!p0 [hbm4b:s1+s6], $0x80, $0x38;
	[tilespmem:$0x1A680] =	vst v63  }
0x62: {  	v1 =	vimm.s32 $0x0;
	s8 =	sadd.s32 $0x20, s0;
	s3 =	sshll.u32 s24, $0x7;
	s6 =	sadd.s32 $0x30, s0  }
.LBB2_5:
0x63: {  	s15 =	sadd.s32 $0x1, s15  }
0x64: {  	p1 =	sne.s32 s15, $0x32  }
.Ltmp1:
0x65: {  	_ = 	snop;
	(pc) =	sbr.rel @!p1 .LBB2_6-.Ltmp1, $2  }
0x66: {  	_ =	sdelay $0x2  }
0x67: {  	s13 =	sadd.s32 $0x190, s13;
	s14 =	sadd.s32 $0x190, s14  }
.LBB2_1:
0x68: {  	s0 =	smul.u32 $0x190, s15;
	_ =	sdelay $0x1  }
0x69: {  	v2 =	vld [tilespmem:s0+$0x0]  }
0x6a: {  	v3 =	vld [tilespmem:s0+$0x4E80]  }
0x6b: {  	v4 =	vld [tilespmem:s0+$0x10]  }
0x6c: {  	v5 =	vld [tilespmem:s0+$0x4E90]  }
0x6d: {  	v6 =	vld [tilespmem:s0+$0x20]  }
0x6e: {  	v7 =	vld [tilespmem:s0+$0x4EA0]  }
0x6f: {  	vm0 =	veq.s32 v2, v0;
	vm1 =	veq.s32 v3, v0;
	v2 =	vld [tilespmem:s0+$0x30]  }
0x70: {  	vm4 =	veq.s32 v4, v0;
	v3 =	vld [tilespmem:s0+$0x4EB0];
	vm0 =	vmor vm0, vm1  }
0x71: {  	v38 =	vld [tilespmem:s0+$0x40];
	vm5 =	veq.s32 v5, v0;
	vm0 =	vmor vm0, vm4  }
0x72: {  	v39 =	vld [tilespmem:s0+$0x4EC0];
	vm6 =	veq.s32 v6, v0;
	vm0 =	vmor vm0, vm5  }
0x73: {  	v40 =	vld [tilespmem:s0+$0x50];
	vm7 =	veq.s32 v7, v0;
	vm0 =	vmor vm0, vm6  }
0x74: {  	vm0 =	vmor vm0, vm7;
	vm8 =	veq.s32 v2, v0;
	v2 =	vld [tilespmem:s0+$0x4ED0]  }
0x75: {  	vm9 =	veq.s32 v3, v0;
	v3 =	vld [tilespmem:s0+$0x60];
	vm0 =	vmor vm0, vm8  }
0x76: {  	v41 =	vld [tilespmem:s0+$0x4EE0];
	vm10 =	veq.s32 v38, v0;
	vm0 =	vmor vm0, vm9  }
0x77: {  	v42 =	vld [tilespmem:s0+$0x70];
	vm11 =	veq.s32 v39, v0;
	vm0 =	vmor vm0, vm10  }
0x78: {  	v43 =	vld [tilespmem:s0+$0x4EF0];
	s1 =	sand.u32 $0x7FF0, s0;
	vm12 =	veq.s32 v40, v0;
	vm0 =	vmor vm0, vm11  }
0x79: {  	vm0 =	vmor vm0, vm12;
	vm13 =	veq.s32 v2, v0;
	v2 =	vld [tilespmem:s1+$0x80]  }
0x7a: {  	vm14 =	veq.s32 v3, v0;
	v3 =	vld [tilespmem:s1+$0x4F00];
	vm0 =	vmor vm0, vm13  }
0x7b: {  	v44 =	vld [tilespmem:s0+$0x90];
	vm15 =	veq.s32 v41, v0;
	vm0 =	vmor vm0, vm14  }
0x7c: {  	v45 =	vld [tilespmem:s0+$0x4F10];
	vm4 =	veq.s32 v42, v0;
	vm0 =	vmor vm0, vm15  }
0x7d: {  	v46 =	vld [tilespmem:s0+$0xA0];
	vm5 =	veq.s32 v43, v0;
	vm0 =	vmor vm0, vm4  }
0x7e: {  	vm0 =	vmor vm0, vm5;
	vm6 =	veq.s32 v2, v0;
	v2 =	vld [tilespmem:s0+$0x4F20]  }
0x7f: {  	vm7 =	veq.s32 v3, v0;
	v3 =	vld [tilespmem:s0+$0xB0];
	vm0 =	vmor vm0, vm6  }
0x80: {  	v47 =	vld [tilespmem:s0+$0x4F30];
	vm8 =	veq.s32 v44, v0;
	vm0 =	vmor vm0, vm7  }
0x81: {  	v48 =	vld [tilespmem:s0+$0xC0];
	vm9 =	veq.s32 v45, v0;
	vm0 =	vmor vm0, vm8  }
0x82: {  	v49 =	vld [tilespmem:s0+$0x4F40];
	vm10 =	veq.s32 v46, v0;
	vm0 =	vmor vm0, vm9  }
0x83: {  	vm0 =	vmor vm0, vm10;
	vm11 =	veq.s32 v2, v0;
	v2 =	vld [tilespmem:s0+$0xD0]  }
0x84: {  	vm12 =	veq.s32 v3, v0;
	v3 =	vld [tilespmem:s0+$0x4F50];
	vm0 =	vmor vm0, vm11  }
0x85: {  	v50 =	vld [tilespmem:s0+$0xE0];
	vm13 =	veq.s32 v47, v0;
	vm0 =	vmor vm0, vm12  }
0x86: {  	v51 =	vld [tilespmem:s0+$0x4F60];
	vm14 =	veq.s32 v48, v0;
	vm0 =	vmor vm0, vm13  }
0x87: {  	v52 =	vld [tilespmem:s0+$0xF0];
	vm15 =	veq.s32 v49, v0;
	vm0 =	vmor vm0, vm14  }
0x88: {  	vm0 =	vmor vm0, vm15;
	vm4 =	veq.s32 v2, v0;
	v2 =	vld [tilespmem:s0+$0x4F70]  }
0x89: {  	vm5 =	veq.s32 v3, v0;
	v3 =	vld [tilespmem:s1+$0x100];
	vm0 =	vmor vm0, vm4  }
0x8a: {  	v53 =	vld [tilespmem:s1+$0x4F80];
	vm6 =	veq.s32 v50, v0;
	vm0 =	vmor vm0, vm5  }
0x8b: {  	v54 =	vld [tilespmem:s0+$0x110];
	vm7 =	veq.s32 v51, v0;
	vm0 =	vmor vm0, vm6  }
0x8c: {  	v55 =	vld [tilespmem:s0+$0x4F90];
	vm8 =	veq.s32 v52, v0;
	vm0 =	vmor vm0, vm7  }
0x8d: {  	vm0 =	vmor vm0, vm8;
	vm9 =	veq.s32 v2, v0;
	v2 =	vld [tilespmem:s0+$0x120]  }
0x8e: {  	vm10 =	veq.s32 v3, v0;
	v3 =	vld [tilespmem:s0+$0x4FA0];
	vm0 =	vmor vm0, vm9  }
0x8f: {  	v56 =	vld [tilespmem:s0+$0x130];
	vm11 =	veq.s32 v53, v0;
	vm0 =	vmor vm0, vm10  }
0x90: {  	v57 =	vld [tilespmem:s0+$0x4FB0];
	vm12 =	veq.s32 v54, v0;
	vm0 =	vmor vm0, vm11  }
0x91: {  	v58 =	vld [tilespmem:s0+$0x140];
	vm13 =	veq.s32 v55, v0;
	vm0 =	vmor vm0, vm12  }
0x92: {  	vm0 =	vmor vm0, vm13;
	vm14 =	veq.s32 v2, v0;
	v2 =	vld [tilespmem:s0+$0x4FC0]  }
0x93: {  	vm15 =	veq.s32 v3, v0;
	v3 =	vld [tilespmem:s0+$0x150];
	vm0 =	vmor vm0, vm14  }
0x94: {  	v59 =	vld [tilespmem:s0+$0x4FD0];
	vm4 =	veq.s32 v56, v0;
	vm0 =	vmor vm0, vm15  }
0x95: {  	v60 =	vld [tilespmem:s0+$0x160];
	vm5 =	veq.s32 v57, v0;
	vm0 =	vmor vm0, vm4  }
0x96: {  	v61 =	vld [tilespmem:s0+$0x4FE0];
	vm6 =	veq.s32 v58, v0;
	vm0 =	vmor vm0, vm5  }
0x97: {  	vm0 =	vmor vm0, vm6;
	vm7 =	veq.s32 v2, v0;
	v2 =	vld [tilespmem:s0+$0x170]  }
0x98: {  	vm8 =	veq.s32 v3, v0;
	v3 =	vld [tilespmem:s0+$0x4FF0];
	vm0 =	vmor vm0, vm7  }
0x99: {  	v62 =	vld [tilespmem:s1+$0x180];
	vm9 =	veq.s32 v59, v0;
	vm0 =	vmor vm0, vm8  }
0x9a: {  	v63 =	vld [tilespmem:s1+$0x5000];
	vm10 =	veq.s32 v60, v0;
	vm0 =	vmor vm0, vm9  }
0x9b: {  	vm11 =	veq.s32 v61, v0;
	vm0 =	vmor vm0, vm10  }
0x9c: {  	vm0 =	vmor vm0, vm11;
	vm12 =	veq.s32 v2, v0  }
0x9d: {  	vm13 =	veq.s32 v3, v0;
	vm0 =	vmor vm0, vm12  }
0x9e: {  	vm14 =	veq.s32 v62, v0;
	vm0 =	vmor vm0, vm13  }
0x9f: {  	vm15 =	veq.s32 v63, v0;
	vm0 =	vmor vm0, vm14  }
0xa0: {  	vm0 =	vmor vm0, vm15  }
0xa1: {  	v2 =	vsel vm0, $0x1, v1  }
0xa2: {  	(xrf0) =	vadd.scan.msk.s32 $0xffff, v2;
	_ =	sdelay $0x5  }
0xa3: {  	v2, _, _ =	vpop (xrf0)  }
0xa4: {  	(v2sf) =	vpush v2, $0xF;
	_ =	sdelay $0xe  }
0xa5: {  	s31 =	spop (v2sf)  }
0xa6: {  	p1 =	slt.s32 s31, $0x1  }
.Ltmp2:
0xa7: {  	_ = 	snop;
	(pc) =	sbr.rel @p1 .LBB2_5-.Ltmp2, $1  }
0xa8: {  	_ =	sdelay $0x3  }
0xa9: {  	v3 =	vmov s14  }
0xaa: {  	v2 =	vmov s13;
	_ =	sdelay $0x2  }
0xab: {  	s0 =	simm.s32 $0x0  }
0xac: {  	v4 =	vld.idx.msk [tilespmem:v3+s0+$0x0 ss:$0x1], $0xffff  }
0xad: {  	v5 =	vld.idx.msk [tilespmem:v2+s0+$0x0 ss:$0x1], $0xffff;
	_ =	sdelay $0x3  }
0xae: {  	vm0 =	veq.s32 v4, v0  }
0xaf: {  	vm1 =	veq.s32 v5, v0;
	v6 =	vmpcnt.ones.xlane vm0  }
0xb0: {  	v7 =	vmpcnt.ones.xlane vm1  }
0xb1: {  	(v2sf) =	vpush v6, $0x0  }
0xb2: {  	(v2sf) =	vpush v7, $0x0  }
0xb3: {  	s31 =	sld [smem:$0x80]  }
0xb4: {  	s1 =	sld [smem:$0x81];
	_ =	sdelay $0x1  }
0xb5: {  	[tilespmem:s31+$0x9D00] =	vst.msk vm0, v5  }
0xb6: {  	s2 =	simm.s32 $0x10;
	[tilespmem:s1+$0xEB80] =	vst.msk vm1, v4  }
0xb7: {  	v4 =	vld.idx.msk [tilespmem:v3+s2+$0x0 ss:$0x1], $0xffff  }
0xb8: {  	v5 =	vld.idx.msk [tilespmem:v2+s2+$0x0 ss:$0x1], $0xffff;
	_ =	sdelay $0x3  }
0xb9: {  	vm1 =	veq.s32 v4, v0  }
0xba: {  	vm0 =	veq.s32 v5, v0;
	v6 =	vmpcnt.ones.xlane vm1  }
0xbb: {  	v7 =	vmpcnt.ones.xlane vm0  }
0xbc: {  	s16 =	spop (v2sf);
	(v2sf) =	vpush v6, $0x0  }
0xbd: {  	s2 =	simm.s32 $0x80;
	s0 =	sadd.s32 s31, s16;
	s17 =	spop (v2sf);
	(v2sf) =	vpush v7, $0x0  }
0xbe: {  	s16 =	simm.s32 $0xC0;
	[tilespmem:s0+$0x9D00] =	vst.msk vm1, v5;
	[smem:$0x80] =	sst s0;
	s1 =	sadd.s32 s1, s17  }
.LBB2_3:
0xbf: {  	s17 =	sshra.s32 s2, $0x2  }
0xc0: {  	[tilespmem:s1+$0xEB80] =	vst.msk vm0, v4;
	[smem:$0x81] =	sst s1;
	s2 =	smov.u32 s16;
	s18 =	sadd.s32 $0x40, s16  }
0xc1: {  	p1 =	sne.s32 s16, $0x600;
	v4 =	vld.idx.msk [tilespmem:v3+s17+$0x0 ss:$0x1], $0xffff  }
0xc2: {  	v5 =	vld.idx.msk [tilespmem:v2+s17+$0x0 ss:$0x1], $0xffff;
	_ =	sdelay $0x4  }
0xc3: {  	vm1 =	veq.s32 v4, v0  }
0xc4: {  	vm0 =	veq.s32 v5, v0;
	v6 =	vmpcnt.ones.xlane vm1  }
.Ltmp3:
0xc5: {  	v7 =	vmpcnt.ones.xlane vm0;
	(pc) =	sbr.rel @p1 .LBB2_3-.Ltmp3, $4  }
0xc6: {  	(v2sf) =	vpush v6, $0x0  }
0xc7: {  	(v2sf) =	vpush v7, $0x0;
	s16 =	spop (v2sf)  }
0xc8: {  	s0 =	sadd.s32 s0, s16;
	s16 =	spop (v2sf)  }
0xc9: {  	[tilespmem:s0+$0x9D00] =	vst.msk vm1, v5;
	[smem:$0x80] =	sst s0;
	s1 =	sadd.s32 s1, s16;
	s16 =	smov.u32 s18  }
0xca: {  	_ =	sdelay $0x2  }
0xcb: {  	s2 =	sshra.s32 s2, $0x2;
	[tilespmem:s1+$0xEB80] =	vst.msk vm0, v4  }
0xcc: {  	v3 =	vld.idx.msk [tilespmem:v3+s2+$0x0 ss:$0x1], $0xffff  }
0xcd: {  	v2 =	vld.idx.msk [tilespmem:v2+s2+$0x0 ss:$0x1], $0xffff;
	_ =	sdelay $0x3  }
0xce: {  	vm15 =	veq.s32 v3, v0  }
0xcf: {  	vm1 =	veq.s32 v2, v0;
	v63 =	vmpcnt.ones.xlane vm15  }
0xd0: {  	v5 =	vmpcnt.ones.xlane vm1  }
0xd1: {  	(v2sf) =	vpush v63, $0x0  }
0xd2: {  	(v2sf) =	vpush v5, $0x0;
	_ =	sdelay $0xb  }
0xd3: {  	[smem:$0x81] =	sst s1;
	s23 =	spop (v2sf)  }
.Ltmp4:
0xd4: {  	s0 =	sadd.s32 s0, s23;
	s28 =	spop (v2sf);
	(pc) =	sbr.rel .LBB2_5-.Ltmp4, $4  }
0xd5: {  	[smem:$0x80] =	sst s0;
	s29 =	sadd.s32 s1, s28;
	s30 =	spop (v2sf)  }
0xd6: {  	[smem:$0x81] =	sst s29;
	s2 =	sadd.s32 s0, s30;
	s16 =	spop (v2sf)  }
0xd7: {  	[tilespmem:s0+$0x9D00] =	vst.msk vm15, v2;
	[smem:$0x80] =	sst s2;
	s31 =	sadd.s32 s29, s16  }
0xd8: {  	[tilespmem:s29+$0xEB80] =	vst.msk vm1, v3;
	[smem:$0x81] =	sst s31  }
.LBB2_6:
0xd9: {  	s0 =	sld [smem:$0x80];
	_ =	sdelay $0x2  }
0xda: {  	s1 =	sadd.s32 $0xF, s0  }
0xdb: {  	s2 =	sand.u32 $0xF, s1  }
0xdc: {  	s13 =	sshra.s32 s1, $0x1F;
	p1 =	slt.s32 s1, $0x1;
	p2 =	sne.s32 s2, $0x0  }
0xdd: {  	s31 =	sshrl.u32 s13, $0x1C;
	p1 =	por !p1, !p2  }
0xde: {  	s2 =	simm.s32 $0x1;
	s1 =	sadd.s32 s31, s1;
	p1 =	por !p1, !p1  }
0xdf: {  	s1 =	sshra.s32 s1, $0x4;
	s2 =	simm.s32 @!p1 $0x0  }
0xe0: {  	s2 =	ssub.s32 s1, s2  }
0xe1: {  	p1 =	slt.s32 s2, $0x1  }
.Ltmp5:
0xe2: {  	_ = 	snop;
	(pc) =	sbr.rel @p1 .LBB2_13-.Ltmp5, $2  }
0xe3: {  	_ =	sdelay $0x2  }
0xe4: {  	s1 =	simm.s32 $0x1  }
.Ltmp6:
0xe5: {  	(pc) =	sbr.rel .LBB2_8-.Ltmp6, $3  }
0xe6: {  	_ =	sdelay $0x1  }
0xe7: {  	s13 =	simm.s32 $0x0;
	s14 =	simm.s32 $0x10  }
0xe8: {  	v0 =	vmov s0;
	v1 =	vlaneseq.u32;
	s15 =	simm.s32 $0x13C80;
	s16 =	simm.s32 $0x13D80;
	s17 =	simm.s32 $0x0  }
.LBB2_12:
0xe9: {  	s17 =	sadd.s32 $0x1, s17  }
0xea: {  	p1 =	sne.s32 s17, s2  }
.Ltmp7:
0xeb: {  	_ = 	snop;
	(pc) =	sbr.rel @!p1 .LBB2_13-.Ltmp7, $2  }
0xec: {  	_ =	sdelay $0x2  }
0xed: {  	s13 =	sadd.s32 $0x10, s13  }
.LBB2_8:
0xee: {  	s18 =	sshll.u32 s17, $0x4  }
0xef: {  	v2 =	vld [tilespmem:s18+$0x9D00];
	_ =	sdelay $0x2  }
0xf0: {  	v3 =	vor.u32 s18, v1  }
0xf1: {  	vm0 =	vlt.s32 v3, v0  }
0xf2: {  	v2 =	vnsel vm0, $0x0, v2  }
.Ltmp8:
0xf3: {  	[tilespmem:$0x13C80] =	vst v2;
	(pc) =	sbr.rel .LBB2_9-.Ltmp8, $4  }
0xf4: {  	[tilespmem:s16], [sflag:$0x1] =	stream.indirect.gather [hbm4b:s4+s14], $0x80, s15, s14, $0xb8;
	[tilespmem:$0x1A680] =	vst v63  }
0xf5: {  	_ =	swait.ge [sflag:s1], $0x800  }
0xf6: {  	[sflag:s1] =	ssyncset.done $0x0  }
0xf7: {  	s19 =	simm.s32 $0x0;
	s18 =	simm.s32 $0x13DC0;
	[sflag:s1] =	ssyncadd.s32 $0xFFFFF800  }
.LBB2_11:
0xf8: {  	s19 =	sadd.s32 $0x1, s19  }
0xf9: {  	p1 =	sne.s32 s19, $0x10  }
.Ltmp9:
0xfa: {  	_ = 	snop;
	(pc) =	sbr.rel @!p1 .LBB2_12-.Ltmp9, $2  }
0xfb: {  	_ =	sdelay $0x2  }
0xfc: {  	s18 =	sadd.s32 $0x80, s18  }
.LBB2_9:
0xfd: {  	s20 =	sadd.s32 s19, s13  }
0xfe: {  	p1 =	sge.s32 s20, s0  }
.Ltmp10:
0xff: {  	_ = 	snop;
	(pc) =	sbr.rel @p1 .LBB2_11-.Ltmp10, $1  }
0x100: {  	_ =	sdelay $0x3  }
0x101: {  	v2 =	vld [tilespmem:s18+$0xFFFFFFC0]  }
0x102: {  	v3 =	vld [tilespmem:$0x13A00]  }
0x103: {  	v4 =	vld [tilespmem:s18+$0xFFFFFFD0]  }
0x104: {  	v5 =	vld [tilespmem:$0x13A10]  }
0x105: {  	v6 =	vld [tilespmem:s18+$0xFFFFFFE0]  }
0x106: {  	v7 =	vld [tilespmem:$0x13A20]  }
0x107: {  	v8 =	vld [tilespmem:s18+$0xFFFFFFF0]  }
0x108: {  	v9 =	vld [tilespmem:$0x13A30]  }
0x109: {  	v51 =	vld [tilespmem:s18+$0x0];
	v3 =	vmul.f32 v3, v2;
	v4 =	vmul.f32 v5, v4  }
0x10a: {  	v10 =	vld [tilespmem:$0x13A40]  }
0x10b: {  	v53 =	vld [tilespmem:s18+$0x10];
	v52 =	vmul.f32 v7, v6;
	v3 =	vadd.f32 v4, v3  }
0x10c: {  	v54 =	vld [tilespmem:$0x13A50]  }
0x10d: {  	v56 =	vld [tilespmem:s18+$0x20];
	v55 =	vmul.f32 v9, v8;
	v3 =	vadd.f32 v52, v3  }
0x10e: {  	v57 =	vld [tilespmem:$0x13A60]  }
0x10f: {  	v59 =	vld [tilespmem:s18+$0x30];
	v58 =	vmul.f32 v10, v51;
	v3 =	vadd.f32 v55, v3  }
0x110: {  	v60 =	vld [tilespmem:$0x13A70]  }
0x111: {  	v61 =	vmul.f32 v54, v53;
	v3 =	vadd.f32 v58, v3;
	_ =	sdelay $0x1  }
0x112: {  	v62 =	vmul.f32 v57, v56;
	v3 =	vadd.f32 v61, v3;
	_ =	sdelay $0x1  }
0x113: {  	v63 =	vmul.f32 v60, v59;
	v3 =	vadd.f32 v62, v3;
	_ =	sdelay $0x1  }
0x114: {  	v3 =	vadd.f32 v63, v3;
	_ =	sdelay $0x1  }
0x115: {  	(xrf2) =	vadd.scan.msk.f32 $0xffff, v3;
	_ =	sdelay $0x9  }
0x116: {  	v3, _, _ =	vpop (xrf2)  }
0x117: {  	(v2sf) =	vpush v3, $0xF;
	_ =	sdelay $0xe  }
0x118: {  	s20 =	spop (v2sf)  }
0x119: {  	s21 =	sadd.f32 s20, s12  }
0x11a: {  	s22 =	sld [smem:$0x0]  }
0x11b: {  	p1 =	sge.f32 s21, $0.0e+00;
	s20 =	smul.f32 $2.000000030e-01, s21  }
0x11c: {  	_ = 	snop  }
0x11d: {  	s20 =	smov.u32 @p1 s21  }
0x11e: {  	p1 =	sle.f32 s20, s22;
	_ =	sdelay $0x1  }
0x11f: {  	s21 =	ssub.f32 @p1 s20, s22;
	_ =	sdelay $0x1  }
0x120: {  	v3 =	vmov @p1 s21  }
0x121: {  	v3 =	vmul.f32 @p1 $1.442695020e+00, v3;
	_ =	sdelay $0x1  }
0x122: {  	v3 =	vbroadcast @p1 v3, $0x0;
	_ =	sdelay $0x1  }
0x123: {  	(erf) = vpow2.f32 @p1 v3;
	_ =	sdelay $0x8  }
0x124: {  	v3 =	vpop @p1 (erf)  }
0x125: {  	(xrf0) =	vmax.scan.msk.f32 @p1 $0xffff, v3;
	_ =	sdelay $0x5  }
0x126: {  	v4 =	vld @p1 [tilespmem:$0x14D80];
	v3, _, _ =	vpop @p1 (xrf0)  }
0x127: {  	v5 =	vbroadcast @p1 v3, $0xF;
	_ =	sdelay $0x1  }
0x128: {  	v2 =	vmul.f32 @p1 v5, v2;
	_ =	sdelay $0x1  }
0x129: {  	v2 =	vadd.f32 @p1 v4, v2;
	_ =	sdelay $0x1  }
0x12a: {  	[tilespmem:$0x14D80] =	vst @p1 v2  }
0x12b: {  	v2 =	vld @p1 [tilespmem:s18+$0xFFFFFFD0];
	_ =	sdelay $0x1  }
0x12c: {  	v4 =	vld @p1 [tilespmem:$0x14D90];
	_ =	sdelay $0x2  }
0x12d: {  	v2 =	vmul.f32 @p1 v2, v5;
	_ =	sdelay $0x1  }
0x12e: {  	v2 =	vadd.f32 @p1 v2, v4;
	_ =	sdelay $0x1  }
0x12f: {  	[tilespmem:$0x14D90] =	vst @p1 v2  }
0x130: {  	v2 =	vld @p1 [tilespmem:s18+$0xFFFFFFE0];
	_ =	sdelay $0x1  }
0x131: {  	v4 =	vld @p1 [tilespmem:$0x14DA0];
	_ =	sdelay $0x2  }
0x132: {  	v2 =	vmul.f32 @p1 v2, v5;
	_ =	sdelay $0x1  }
0x133: {  	v2 =	vadd.f32 @p1 v2, v4;
	_ =	sdelay $0x1  }
0x134: {  	[tilespmem:$0x14DA0] =	vst @p1 v2  }
0x135: {  	v2 =	vld @p1 [tilespmem:s18+$0xFFFFFFF0];
	_ =	sdelay $0x1  }
0x136: {  	v4 =	vld @p1 [tilespmem:$0x14DB0];
	_ =	sdelay $0x2  }
0x137: {  	v2 =	vmul.f32 @p1 v2, v5;
	_ =	sdelay $0x1  }
0x138: {  	v2 =	vadd.f32 @p1 v2, v4;
	_ =	sdelay $0x1  }
0x139: {  	[tilespmem:$0x14DB0] =	vst @p1 v2  }
0x13a: {  	v2 =	vld @p1 [tilespmem:s18+$0x0];
	_ =	sdelay $0x1  }
0x13b: {  	v4 =	vld @p1 [tilespmem:$0x14DC0];
	_ =	sdelay $0x2  }
0x13c: {  	v2 =	vmul.f32 @p1 v2, v5;
	_ =	sdelay $0x1  }
0x13d: {  	v2 =	vadd.f32 @p1 v2, v4;
	_ =	sdelay $0x1  }
0x13e: {  	[tilespmem:$0x14DC0] =	vst @p1 v2  }
0x13f: {  	v2 =	vld @p1 [tilespmem:s18+$0x10];
	_ =	sdelay $0x1  }
0x140: {  	v4 =	vld @p1 [tilespmem:$0x14DD0];
	_ =	sdelay $0x2  }
0x141: {  	v2 =	vmul.f32 @p1 v2, v5  }
0x142: {  	p2 =	sgt.f32 s20, s22  }
0x143: {  	v2 =	vadd.f32 @p1 v2, v4  }
0x144: {  	s21 =	ssub.f32 @p2 s22, s20  }
0x145: {  	[tilespmem:$0x14DD0] =	vst @p1 v2  }
0x146: {  	v2 =	vmov @p2 s21;
	v4 =	vld @p1 [tilespmem:s18+$0x20]  }
0x147: {  	v2 =	vmul.f32 @p2 $1.442695020e+00, v2  }
0x148: {  	v6 =	vld @p1 [tilespmem:$0x14DE0]  }
0x149: {  	v2 =	vbroadcast @p2 v2, $0x0;
	_ =	sdelay $0x1  }
0x14a: {  	(erf) = vpow2.f32 @p2 v2;
	v2 =	vmul.f32 @p1 v4, v5;
	_ =	sdelay $0x1  }
0x14b: {  	v2 =	vadd.f32 @p1 v2, v6;
	_ =	sdelay $0x1  }
0x14c: {  	[tilespmem:$0x14DE0] =	vst @p1 v2  }
0x14d: {  	v2 =	vld @p1 [tilespmem:s18+$0x30];
	_ =	sdelay $0x1  }
0x14e: {  	v4 =	vld @p1 [tilespmem:$0x14DF0];
	_ =	sdelay $0x1  }
0x14f: {  	v6 =	vpop @p2 (erf)  }
0x150: {  	(xrf0) =	vmax.scan.msk.f32 @p2 $0xffff, v6;
	v2 =	vmul.f32 @p1 v2, v5;
	_ =	sdelay $0x1  }
0x151: {  	v2 =	vadd.f32 @p1 v2, v4;
	_ =	sdelay $0x1  }
0x152: {  	v4 =	vld @p2 [tilespmem:$0x14D80]  }
0x153: {  	[tilespmem:$0x14DF0] =	vst @p1 v2  }
0x154: {  	v5 =	vld @p2 [tilespmem:s18+$0xFFFFFFC0];
	v2, _, _ =	vpop @p2 (xrf0)  }
0x155: {  	v6 =	vbroadcast @p2 v2, $0xF;
	_ =	sdelay $0x1  }
0x156: {  	v4 =	vmul.f32 @p2 v4, v6;
	_ =	sdelay $0x1  }
0x157: {  	v4 =	vadd.f32 @p2 v5, v4  }
0x158: {  	v5 =	vld @p2 [tilespmem:$0x14D90]  }
0x159: {  	[tilespmem:$0x14D80] =	vst @p2 v4  }
0x15a: {  	v4 =	vld @p2 [tilespmem:s18+$0xFFFFFFD0];
	_ =	sdelay $0x2  }
0x15b: {  	v5 =	vmul.f32 @p2 v5, v6;
	_ =	sdelay $0x1  }
0x15c: {  	v4 =	vadd.f32 @p2 v4, v5  }
0x15d: {  	v5 =	vld @p2 [tilespmem:$0x14DA0]  }
0x15e: {  	[tilespmem:$0x14D90] =	vst @p2 v4  }
0x15f: {  	v4 =	vld @p2 [tilespmem:s18+$0xFFFFFFE0];
	_ =	sdelay $0x2  }
0x160: {  	v5 =	vmul.f32 @p2 v5, v6;
	_ =	sdelay $0x1  }
0x161: {  	v4 =	vadd.f32 @p2 v4, v5  }
0x162: {  	v5 =	vld @p2 [tilespmem:$0x14DB0]  }
0x163: {  	[tilespmem:$0x14DA0] =	vst @p2 v4  }
0x164: {  	v4 =	vld @p2 [tilespmem:s18+$0xFFFFFFF0];
	_ =	sdelay $0x2  }
0x165: {  	v5 =	vmul.f32 @p2 v5, v6;
	_ =	sdelay $0x1  }
0x166: {  	v4 =	vadd.f32 @p2 v4, v5  }
0x167: {  	v5 =	vld @p2 [tilespmem:$0x14DC0]  }
0x168: {  	[tilespmem:$0x14DB0] =	vst @p2 v4  }
0x169: {  	v4 =	vld @p2 [tilespmem:s18+$0x0];
	_ =	sdelay $0x2  }
0x16a: {  	v5 =	vmul.f32 @p2 v5, v6;
	_ =	sdelay $0x1  }
0x16b: {  	v4 =	vadd.f32 @p2 v4, v5  }
0x16c: {  	v5 =	vld @p2 [tilespmem:$0x14DD0]  }
0x16d: {  	[tilespmem:$0x14DC0] =	vst @p2 v4  }
0x16e: {  	v4 =	vld @p2 [tilespmem:s18+$0x10]  }
0x16f: {  	(v2sf) =	vpush @p1 v3, $0xF  }
0x170: {  	(v2sf) =	vpush @p2 v2, $0xF  }
0x171: {  	v2 =	vmul.f32 @p2 v5, v6;
	_ =	sdelay $0x1  }
0x172: {  	v2 =	vadd.f32 @p2 v4, v2  }
0x173: {  	v3 =	vld @p2 [tilespmem:$0x14DE0]  }
0x174: {  	[tilespmem:$0x14DD0] =	vst @p2 v2  }
0x175: {  	v2 =	vld @p2 [tilespmem:s18+$0x20];
	_ =	sdelay $0x2  }
0x176: {  	v3 =	vmul.f32 @p2 v3, v6;
	_ =	sdelay $0x1  }
0x177: {  	v2 =	vadd.f32 @p2 v2, v3  }
0x178: {  	v3 =	vld @p2 [tilespmem:$0x14DF0]  }
0x179: {  	s21 =	sld [smem:$0x1];
	[tilespmem:$0x14DE0] =	vst @p2 v2  }
0x17a: {  	s22 =	spop @p1 (v2sf);
	v2 =	vld @p2 [tilespmem:s18+$0x30]  }
0x17b: {  	s23 =	spop @p2 (v2sf)  }
0x17c: {  	s22 =	sadd.f32 @p1 s22, s21;
	s21 =	smul.f32 @p2 s23, s21  }
.Ltmp11:
0x17d: {  	v3 =	vmul.f32 @p2 v3, v6;
	(pc) =	sbr.rel .LBB2_11-.Ltmp11, $4  }
0x17e: {  	[smem:$0x1] =	sst @p1 s22  }
0x17f: {  	s21 =	sadd.f32 @p2 $1.000000000e+00, s21;
	v2 =	vadd.f32 @p2 v2, v3  }
0x180: {  	[smem:$0x0] =	sst @p2 s20  }
0x181: {  	[smem:$0x1] =	sst @p2 s21;
	[tilespmem:$0x14DF0] =	vst @p2 v2  }
.LBB2_13:
0x182: {  	s0 =	sld [smem:$0x81];
	_ =	sdelay $0x2  }
0x183: {  	s2 =	sadd.s32 $0xF, s0  }
0x184: {  	s12 =	sand.u32 $0xF, s2  }
0x185: {  	s13 =	sshra.s32 s2, $0x1F;
	p1 =	slt.s32 s2, $0x1;
	p2 =	sne.s32 s12, $0x0  }
0x186: {  	s31 =	sshrl.u32 s13, $0x1C;
	p1 =	por !p1, !p2  }
0x187: {  	s2 =	sadd.s32 s31, s2;
	p1 =	por !p1, !p1  }
0x188: {  	s2 =	sshra.s32 s2, $0x4;
	s1 =	simm.s32 @!p1 $0x0  }
0x189: {  	s1 =	ssub.s32 s2, s1  }
0x18a: {  	p1 =	slt.s32 s1, $0x1  }
.Ltmp12:
0x18b: {  	_ = 	snop;
	(pc) =	sbr.rel @p1 .LBB2_20-.Ltmp12, $1  }
0x18c: {  	_ =	sdelay $0x3  }
.Ltmp13:
0x18d: {  	(pc) =	sbr.rel .LBB2_15-.Ltmp13, $3  }
0x18e: {  	_ =	sdelay $0x1  }
0x18f: {  	s2 =	simm.s32 $0x0;
	s12 =	simm.s32 $0x10;
	s13 =	simm.s32 $0x13D00  }
0x190: {  	v0 =	vmov s0;
	v1 =	vlaneseq.u32;
	s14 =	simm.s32 $0x14580;
	s15 =	simm.s32 $0x1;
	s16 =	simm.s32 $0x0  }
.LBB2_19:
0x191: {  	s16 =	sadd.s32 $0x1, s16  }
0x192: {  	p1 =	sne.s32 s16, s1  }
.Ltmp14:
0x193: {  	_ = 	snop;
	(pc) =	sbr.rel @!p1 .LBB2_20-.Ltmp14, $2  }
0x194: {  	_ =	sdelay $0x2  }
0x195: {  	s2 =	sadd.s32 $0x10, s2  }
.LBB2_15:
0x196: {  	s17 =	sshll.u32 s16, $0x4  }
0x197: {  	v2 =	vld [tilespmem:s17+$0xEB80];
	_ =	sdelay $0x2  }
0x198: {  	v3 =	vor.u32 s17, v1  }
0x199: {  	vm0 =	vlt.s32 v3, v0  }
0x19a: {  	v2 =	vnsel vm0, $0x0, v2  }
.Ltmp15:
0x19b: {  	[tilespmem:$0x13D00] =	vst v2;
	(pc) =	sbr.rel .LBB2_16-.Ltmp15, $4  }
0x19c: {  	[tilespmem:s14], [sflag:$0x1] =	stream.indirect.gather [hbm4b:s4+s12], $0x80, s13, s12, $0xb8;
	[tilespmem:$0x1A680] =	vst v63  }
0x19d: {  	_ =	swait.ge [sflag:s15], $0x800  }
0x19e: {  	[sflag:s15] =	ssyncset.done $0x0  }
0x19f: {  	s18 =	simm.s32 $0x0;
	s17 =	simm.s32 $0x145C0;
	[sflag:s15] =	ssyncadd.s32 $0xFFFFF800  }
.LBB2_18:
0x1a0: {  	s18 =	sadd.s32 $0x1, s18  }
0x1a1: {  	p1 =	sne.s32 s18, $0x10  }
.Ltmp16:
0x1a2: {  	_ = 	snop;
	(pc) =	sbr.rel @!p1 .LBB2_19-.Ltmp16, $2  }
0x1a3: {  	_ =	sdelay $0x2  }
0x1a4: {  	s17 =	sadd.s32 $0x80, s17  }
.LBB2_16:
0x1a5: {  	s19 =	sadd.s32 s18, s2  }
0x1a6: {  	p1 =	sge.s32 s19, s0  }
.Ltmp17:
0x1a7: {  	_ = 	snop;
	(pc) =	sbr.rel @p1 .LBB2_18-.Ltmp17, $1  }
0x1a8: {  	_ =	sdelay $0x3  }
0x1a9: {  	v2 =	vld [tilespmem:s17+$0xFFFFFFC0]  }
0x1aa: {  	v3 =	vld [tilespmem:$0x13B00]  }
0x1ab: {  	v4 =	vld [tilespmem:s17+$0xFFFFFFD0]  }
0x1ac: {  	v5 =	vld [tilespmem:$0x13B10]  }
0x1ad: {  	v6 =	vld [tilespmem:s17+$0xFFFFFFE0]  }
0x1ae: {  	v7 =	vld [tilespmem:$0x13B20]  }
0x1af: {  	v8 =	vld [tilespmem:s17+$0xFFFFFFF0]  }
0x1b0: {  	v9 =	vld [tilespmem:$0x13B30]  }
0x1b1: {  	v51 =	vld [tilespmem:s17+$0x0];
	v3 =	vmul.f32 v3, v2;
	v4 =	vmul.f32 v5, v4  }
0x1b2: {  	v10 =	vld [tilespmem:$0x13B40]  }
0x1b3: {  	v53 =	vld [tilespmem:s17+$0x10];
	v52 =	vmul.f32 v7, v6;
	v3 =	vadd.f32 v4, v3  }
0x1b4: {  	v54 =	vld [tilespmem:$0x13B50]  }
0x1b5: {  	v56 =	vld [tilespmem:s17+$0x20];
	v55 =	vmul.f32 v9, v8;
	v3 =	vadd.f32 v52, v3  }
0x1b6: {  	v57 =	vld [tilespmem:$0x13B60]  }
0x1b7: {  	v59 =	vld [tilespmem:s17+$0x30];
	v58 =	vmul.f32 v10, v51;
	v3 =	vadd.f32 v55, v3  }
0x1b8: {  	v60 =	vld [tilespmem:$0x13B70]  }
0x1b9: {  	v61 =	vmul.f32 v54, v53;
	v3 =	vadd.f32 v58, v3;
	_ =	sdelay $0x1  }
0x1ba: {  	v62 =	vmul.f32 v57, v56;
	v3 =	vadd.f32 v61, v3;
	_ =	sdelay $0x1  }
0x1bb: {  	v63 =	vmul.f32 v60, v59;
	v3 =	vadd.f32 v62, v3;
	_ =	sdelay $0x1  }
0x1bc: {  	v3 =	vadd.f32 v63, v3;
	_ =	sdelay $0x1  }
0x1bd: {  	(xrf2) =	vadd.scan.msk.f32 $0xffff, v3;
	_ =	sdelay $0x9  }
0x1be: {  	v3, _, _ =	vpop (xrf2)  }
0x1bf: {  	(v2sf) =	vpush v3, $0xF;
	_ =	sdelay $0xe  }
0x1c0: {  	s19 =	spop (v2sf)  }
0x1c1: {  	s20 =	sadd.f32 s19, s10  }
0x1c2: {  	s21 =	sld [smem:$0x2]  }
0x1c3: {  	p1 =	sge.f32 s20, $0.0e+00;
	s19 =	smul.f32 $2.000000030e-01, s20  }
0x1c4: {  	_ = 	snop  }
0x1c5: {  	s19 =	smov.u32 @p1 s20  }
0x1c6: {  	p1 =	sle.f32 s19, s21;
	_ =	sdelay $0x1  }
0x1c7: {  	s20 =	ssub.f32 @p1 s19, s21;
	_ =	sdelay $0x1  }
0x1c8: {  	v3 =	vmov @p1 s20  }
0x1c9: {  	v3 =	vmul.f32 @p1 $1.442695020e+00, v3;
	_ =	sdelay $0x1  }
0x1ca: {  	v3 =	vbroadcast @p1 v3, $0x0;
	_ =	sdelay $0x1  }
0x1cb: {  	(erf) = vpow2.f32 @p1 v3;
	_ =	sdelay $0x8  }
0x1cc: {  	v3 =	vpop @p1 (erf)  }
0x1cd: {  	(xrf0) =	vmax.scan.msk.f32 @p1 $0xffff, v3;
	_ =	sdelay $0x5  }
0x1ce: {  	v4 =	vld @p1 [tilespmem:$0x14E00];
	v3, _, _ =	vpop @p1 (xrf0)  }
0x1cf: {  	v5 =	vbroadcast @p1 v3, $0xF;
	_ =	sdelay $0x1  }
0x1d0: {  	v2 =	vmul.f32 @p1 v5, v2;
	_ =	sdelay $0x1  }
0x1d1: {  	v2 =	vadd.f32 @p1 v4, v2;
	_ =	sdelay $0x1  }
0x1d2: {  	[tilespmem:$0x14E00] =	vst @p1 v2  }
0x1d3: {  	v2 =	vld @p1 [tilespmem:s17+$0xFFFFFFD0];
	_ =	sdelay $0x1  }
0x1d4: {  	v4 =	vld @p1 [tilespmem:$0x14E10];
	_ =	sdelay $0x2  }
0x1d5: {  	v2 =	vmul.f32 @p1 v2, v5;
	_ =	sdelay $0x1  }
0x1d6: {  	v2 =	vadd.f32 @p1 v2, v4;
	_ =	sdelay $0x1  }
0x1d7: {  	[tilespmem:$0x14E10] =	vst @p1 v2  }
0x1d8: {  	v2 =	vld @p1 [tilespmem:s17+$0xFFFFFFE0];
	_ =	sdelay $0x1  }
0x1d9: {  	v4 =	vld @p1 [tilespmem:$0x14E20];
	_ =	sdelay $0x2  }
0x1da: {  	v2 =	vmul.f32 @p1 v2, v5;
	_ =	sdelay $0x1  }
0x1db: {  	v2 =	vadd.f32 @p1 v2, v4;
	_ =	sdelay $0x1  }
0x1dc: {  	[tilespmem:$0x14E20] =	vst @p1 v2  }
0x1dd: {  	v2 =	vld @p1 [tilespmem:s17+$0xFFFFFFF0];
	_ =	sdelay $0x1  }
0x1de: {  	v4 =	vld @p1 [tilespmem:$0x14E30];
	_ =	sdelay $0x2  }
0x1df: {  	v2 =	vmul.f32 @p1 v2, v5;
	_ =	sdelay $0x1  }
0x1e0: {  	v2 =	vadd.f32 @p1 v2, v4;
	_ =	sdelay $0x1  }
0x1e1: {  	[tilespmem:$0x14E30] =	vst @p1 v2  }
0x1e2: {  	v2 =	vld @p1 [tilespmem:s17+$0x0];
	_ =	sdelay $0x1  }
0x1e3: {  	v4 =	vld @p1 [tilespmem:$0x14E40];
	_ =	sdelay $0x2  }
0x1e4: {  	v2 =	vmul.f32 @p1 v2, v5;
	_ =	sdelay $0x1  }
0x1e5: {  	v2 =	vadd.f32 @p1 v2, v4;
	_ =	sdelay $0x1  }
0x1e6: {  	[tilespmem:$0x14E40] =	vst @p1 v2  }
0x1e7: {  	v2 =	vld @p1 [tilespmem:s17+$0x10];
	_ =	sdelay $0x1  }
0x1e8: {  	v4 =	vld @p1 [tilespmem:$0x14E50];
	_ =	sdelay $0x2  }
0x1e9: {  	v2 =	vmul.f32 @p1 v2, v5  }
0x1ea: {  	p2 =	sgt.f32 s19, s21  }
0x1eb: {  	v2 =	vadd.f32 @p1 v2, v4  }
0x1ec: {  	s20 =	ssub.f32 @p2 s21, s19  }
0x1ed: {  	[tilespmem:$0x14E50] =	vst @p1 v2  }
0x1ee: {  	v2 =	vmov @p2 s20;
	v4 =	vld @p1 [tilespmem:s17+$0x20]  }
0x1ef: {  	v2 =	vmul.f32 @p2 $1.442695020e+00, v2  }
0x1f0: {  	v6 =	vld @p1 [tilespmem:$0x14E60]  }
0x1f1: {  	v2 =	vbroadcast @p2 v2, $0x0;
	_ =	sdelay $0x1  }
0x1f2: {  	(erf) = vpow2.f32 @p2 v2;
	v2 =	vmul.f32 @p1 v4, v5;
	_ =	sdelay $0x1  }
0x1f3: {  	v2 =	vadd.f32 @p1 v2, v6;
	_ =	sdelay $0x1  }
0x1f4: {  	[tilespmem:$0x14E60] =	vst @p1 v2  }
0x1f5: {  	v2 =	vld @p1 [tilespmem:s17+$0x30];
	_ =	sdelay $0x1  }
0x1f6: {  	v4 =	vld @p1 [tilespmem:$0x14E70];
	_ =	sdelay $0x1  }
0x1f7: {  	v6 =	vpop @p2 (erf)  }
0x1f8: {  	(xrf0) =	vmax.scan.msk.f32 @p2 $0xffff, v6;
	v2 =	vmul.f32 @p1 v2, v5;
	_ =	sdelay $0x1  }
0x1f9: {  	v2 =	vadd.f32 @p1 v2, v4;
	_ =	sdelay $0x1  }
0x1fa: {  	v4 =	vld @p2 [tilespmem:$0x14E00]  }
0x1fb: {  	[tilespmem:$0x14E70] =	vst @p1 v2  }
0x1fc: {  	v5 =	vld @p2 [tilespmem:s17+$0xFFFFFFC0];
	v2, _, _ =	vpop @p2 (xrf0)  }
0x1fd: {  	v6 =	vbroadcast @p2 v2, $0xF;
	_ =	sdelay $0x1  }
0x1fe: {  	v4 =	vmul.f32 @p2 v4, v6;
	_ =	sdelay $0x1  }
0x1ff: {  	v4 =	vadd.f32 @p2 v5, v4  }
0x200: {  	v5 =	vld @p2 [tilespmem:$0x14E10]  }
0x201: {  	[tilespmem:$0x14E00] =	vst @p2 v4  }
0x202: {  	v4 =	vld @p2 [tilespmem:s17+$0xFFFFFFD0];
	_ =	sdelay $0x2  }
0x203: {  	v5 =	vmul.f32 @p2 v5, v6;
	_ =	sdelay $0x1  }
0x204: {  	v4 =	vadd.f32 @p2 v4, v5  }
0x205: {  	v5 =	vld @p2 [tilespmem:$0x14E20]  }
0x206: {  	[tilespmem:$0x14E10] =	vst @p2 v4  }
0x207: {  	v4 =	vld @p2 [tilespmem:s17+$0xFFFFFFE0];
	_ =	sdelay $0x2  }
0x208: {  	v5 =	vmul.f32 @p2 v5, v6;
	_ =	sdelay $0x1  }
0x209: {  	v4 =	vadd.f32 @p2 v4, v5  }
0x20a: {  	v5 =	vld @p2 [tilespmem:$0x14E30]  }
0x20b: {  	[tilespmem:$0x14E20] =	vst @p2 v4  }
0x20c: {  	v4 =	vld @p2 [tilespmem:s17+$0xFFFFFFF0];
	_ =	sdelay $0x2  }
0x20d: {  	v5 =	vmul.f32 @p2 v5, v6;
	_ =	sdelay $0x1  }
0x20e: {  	v4 =	vadd.f32 @p2 v4, v5  }
0x20f: {  	v5 =	vld @p2 [tilespmem:$0x14E40]  }
0x210: {  	[tilespmem:$0x14E30] =	vst @p2 v4  }
0x211: {  	v4 =	vld @p2 [tilespmem:s17+$0x0];
	_ =	sdelay $0x2  }
0x212: {  	v5 =	vmul.f32 @p2 v5, v6;
	_ =	sdelay $0x1  }
0x213: {  	v4 =	vadd.f32 @p2 v4, v5  }
0x214: {  	v5 =	vld @p2 [tilespmem:$0x14E50]  }
0x215: {  	[tilespmem:$0x14E40] =	vst @p2 v4  }
0x216: {  	v4 =	vld @p2 [tilespmem:s17+$0x10]  }
0x217: {  	(v2sf) =	vpush @p1 v3, $0xF  }
0x218: {  	(v2sf) =	vpush @p2 v2, $0xF  }
0x219: {  	v2 =	vmul.f32 @p2 v5, v6;
	_ =	sdelay $0x1  }
0x21a: {  	v2 =	vadd.f32 @p2 v4, v2  }
0x21b: {  	v3 =	vld @p2 [tilespmem:$0x14E60]  }
0x21c: {  	[tilespmem:$0x14E50] =	vst @p2 v2  }
0x21d: {  	v2 =	vld @p2 [tilespmem:s17+$0x20];
	_ =	sdelay $0x2  }
0x21e: {  	v3 =	vmul.f32 @p2 v3, v6;
	_ =	sdelay $0x1  }
0x21f: {  	v2 =	vadd.f32 @p2 v2, v3  }
0x220: {  	v3 =	vld @p2 [tilespmem:$0x14E70]  }
0x221: {  	s20 =	sld [smem:$0x3];
	[tilespmem:$0x14E60] =	vst @p2 v2  }
0x222: {  	s21 =	spop @p1 (v2sf);
	v2 =	vld @p2 [tilespmem:s17+$0x30]  }
0x223: {  	s22 =	spop @p2 (v2sf)  }
0x224: {  	s21 =	sadd.f32 @p1 s21, s20;
	s20 =	smul.f32 @p2 s22, s20  }
.Ltmp18:
0x225: {  	v3 =	vmul.f32 @p2 v3, v6;
	(pc) =	sbr.rel .LBB2_18-.Ltmp18, $4  }
0x226: {  	[smem:$0x3] =	sst @p1 s21  }
0x227: {  	s20 =	sadd.f32 @p2 $1.000000000e+00, s20;
	v2 =	vadd.f32 @p2 v2, v3  }
0x228: {  	[smem:$0x2] =	sst @p2 s19  }
0x229: {  	[smem:$0x3] =	sst @p2 s20;
	[tilespmem:$0x14E70] =	vst @p2 v2  }
.LBB2_20:
0x22a: {  	s0 =	sld [smem:$0x0];
	_ =	sdelay $0x1  }
0x22b: {  	s1 =	sld [smem:$0x1]  }
0x22c: {  	s2 =	sld [smem:$0x2];
	vm0 =	vcmask $0x300;
	v0 =	vmov s0  }
0x22d: {  	s29 =	sld [smem:$0x3];
	vm13 =	vcmask $0x704;
	v0 =	vnsel vm0, $0x0, v0  }
0x22e: {  	vm14 =	vcmask $0xB08;
	v0 =	vsel vm13, s1, v0  }
0x22f: {  	vm15 =	vcmask $0xF0C;
	v0 =	vsel vm14, s2, v0  }
0x230: {  	v0 =	vsel vm15, s29, v0  }
0x231: {  	s30 =	simm.s32 $0x14E80;
	s0 =	simm.s32 $0x0;
	s1 =	simm.s32 $0x3;
	[tilespmem:$0x14E80] =	vst v0  }
0x232: {  	[hbm4b:s9+s0] =	stream.linear.scatter [tilespmem:s30], [sflag:$0x3], $0x10, $0x38;
	[tilespmem:$0x1A680] =	vst v63  }
0x233: {  	_ =	swait.ge [sflag:s1], $0x10  }
0x234: {  	[sflag:s1] =	ssyncset.done $0x0  }
0x235: {  	s31 =	simm.s32 $0x14D80;
	[sflag:s1] =	ssyncadd.s32 $0xFFFFFFF0  }
0x236: {  	[hbm4b:s11+s0] =	stream.linear.scatter [tilespmem:s31], [sflag:$0x3], $0x100, $0x38;
	[tilespmem:$0x1A680] =	vst v63  }
.Ltmp19:
0x237: {  	_ =	swait.ge [sflag:s1], $0x100;
	(pc) =	sbr.rel @p0 .LBB2_24-.Ltmp19, $3  }
0x238: {  	[sflag:s1] =	ssyncset.done $0x0  }
0x239: {  	[sflag:s1] =	ssyncadd.s32 $0xFFFFFF00  }
0x23a: {  	[bflag:$0x0] =	sbarrier.arrive $0xFFFF;
	_ =	sdelay $0x1  }
0x23b: {  	[dreg:$0x9] =	wrdreg s26;
	s2 =	simm.s32 $0x2  }
0x23c: {  	_ =	swait.ge [sflag:s2], $0x4000  }
0x23d: {  	[sflag:s2] =	ssyncset.done $0x0  }
0x23e: {  	[sflag:s2] =	ssyncadd.s32 $0xFFFFC000  }
0x23f: {  	_ =	swait.ge [sflag:s2], $0x80  }
0x240: {  	[sflag:s2] =	ssyncset.done $0x0  }
0x241: {  	s12 =	simm.s32 $0x19400;
	[sflag:s2] =	ssyncadd.s32 $0xFFFFFF80  }
0x242: {  	[tilespmem:s12], [sflag:$0x3] =	stream.linear.gather [hbm4b:s7+s0], $0x1100, $0x38;
	[tilespmem:$0x1A680] =	vst v63  }
0x243: {  	_ =	swait.ge [sflag:s1], $0x1100  }
0x244: {  	[sflag:s1] =	ssyncset.done $0x0  }
0x245: {  	[sflag:s1] =	ssyncadd.s32 $0xFFFFEF00  }
0x246: {  	v0 =	vld [tilespmem:$0x19400];
	_ =	sdelay $0x3  }
0x247: {  	v1 =	vld [tilespmem:$0x19510]  }
0x248: {  	(v2sf) =	vpush v0, $0x0  }
0x249: {  	(v2sf) =	vpush v0, $0x2  }
0x24a: {  	(v2sf) =	vpush v0, $0x1  }
0x24b: {  	(v2sf) =	vpush v0, $0x3;
	v0 =	vld [tilespmem:$0x19620]  }
0x24c: {  	(v2sf) =	vpush v1, $0x0  }
0x24d: {  	(v2sf) =	vpush v1, $0x2  }
0x24e: {  	(v2sf) =	vpush v1, $0x1  }
0x24f: {  	(v2sf) =	vpush v1, $0x3;
	v1 =	vld [tilespmem:$0x19730]  }
0x250: {  	(v2sf) =	vpush v0, $0x0  }
0x251: {  	(v2sf) =	vpush v0, $0x2  }
0x252: {  	(v2sf) =	vpush v0, $0x1  }
0x253: {  	(v2sf) =	vpush v0, $0x3;
	v0 =	vld [tilespmem:$0x19840]  }
0x254: {  	(v2sf) =	vpush v1, $0x0  }
0x255: {  	(v2sf) =	vpush v1, $0x2  }
0x256: {  	(v2sf) =	vpush v1, $0x1  }
0x257: {  	s0 =	spop (v2sf);
	(v2sf) =	vpush v1, $0x3;
	v1 =	vld [tilespmem:$0x19950]  }
0x258: {  	s18 =	spop (v2sf);
	(v2sf) =	vpush v0, $0x0  }
0x259: {  	s13 =	spop (v2sf);
	(v2sf) =	vpush v0, $0x2  }
0x25a: {  	s14 =	spop (v2sf);
	(v2sf) =	vpush v0, $0x1  }
0x25b: {  	s1 =	spop (v2sf);
	(v2sf) =	vpush v0, $0x3;
	v0 =	vld [tilespmem:$0x19A60]  }
0x25c: {  	s17 =	spop (v2sf);
	(v2sf) =	vpush v1, $0x0  }
0x25d: {  	s15 =	spop (v2sf);
	(v2sf) =	vpush v1, $0x2  }
0x25e: {  	s16 =	spop (v2sf);
	(v2sf) =	vpush v1, $0x1  }
0x25f: {  	s2 =	spop (v2sf);
	(v2sf) =	vpush v1, $0x3;
	v1 =	vld [tilespmem:$0x19B70]  }
0x260: {  	[dreg:$0x12] =	wrdreg s16;
	s16 =	spop (v2sf);
	(v2sf) =	vpush v0, $0x0  }
0x261: {  	s4 =	spop (v2sf);
	(v2sf) =	vpush v0, $0x2  }
0x262: {  	s19 =	spop (v2sf);
	(v2sf) =	vpush v0, $0x1  }
0x263: {  	[dreg:$0xc] =	wrdreg s4;
	s4 =	spop (v2sf);
	(v2sf) =	vpush v0, $0x3;
	v0 =	vld [tilespmem:$0x19C80]  }
0x264: {  	[dreg:$0xe] =	wrdreg s15;
	s15 =	spop (v2sf);
	(v2sf) =	vpush v1, $0x0  }
0x265: {  	s5 =	spop (v2sf);
	(v2sf) =	vpush v1, $0x2  }
0x266: {  	s31 =	spop (v2sf);
	(v2sf) =	vpush v1, $0x1  }
0x267: {  	[dreg:$0xd] =	wrdreg s5;
	s5 =	spop (v2sf);
	(v2sf) =	vpush v1, $0x3;
	v1 =	vld [tilespmem:$0x19D90]  }
0x268: {  	[dreg:$0xb] =	wrdreg s14;
	s14 =	spop (v2sf);
	(v2sf) =	vpush v0, $0x0  }
0x269: {  	s6 =	spop (v2sf);
	(v2sf) =	vpush v0, $0x2  }
0x26a: {  	s29 =	spop (v2sf);
	(v2sf) =	vpush v0, $0x1  }
0x26b: {  	[dreg:$0xf] =	wrdreg s6;
	s6 =	spop (v2sf);
	(v2sf) =	vpush v0, $0x3;
	v0 =	vld [tilespmem:$0x19EA0]  }
0x26c: {  	[dreg:$0xa] =	wrdreg s13;
	s13 =	spop (v2sf);
	(v2sf) =	vpush v1, $0x0  }
0x26d: {  	s20 =	spop (v2sf);
	(v2sf) =	vpush v1, $0x2  }
0x26e: {  	s25 =	spop (v2sf);
	(v2sf) =	vpush v1, $0x1  }
0x26f: {  	s7 =	spop (v2sf);
	(v2sf) =	vpush v1, $0x3;
	v1 =	vld [tilespmem:$0x19FB0]  }
0x270: {  	(v2sf) =	vpush v0, $0x0;
	s12 =	spop (v2sf)  }
0x271: {  	(v2sf) =	vpush v0, $0x2;
	s8 =	spop (v2sf)  }
0x272: {  	(v2sf) =	vpush v0, $0x1;
	s23 =	spop (v2sf)  }
0x273: {  	(v2sf) =	vpush v0, $0x3;
	v0 =	vld [tilespmem:$0x1A0C0];
	s26 =	spop (v2sf)  }
0x274: {  	(v2sf) =	vpush v1, $0x0;
	s11 =	spop (v2sf)  }
0x275: {  	(v2sf) =	vpush v1, $0x2;
	s21 =	spop (v2sf)  }
0x276: {  	[dreg:$0x11] =	wrdreg s20;
	(v2sf) =	vpush v1, $0x1;
	s20 =	spop (v2sf)  }
0x277: {  	(v2sf) =	vpush v1, $0x3;
	s28 =	spop (v2sf)  }
0x278: {  	v1 =	vld [tilespmem:$0x1A1D0];
	(v2sf) =	vpush v0, $0x0;
	s10 =	spop (v2sf)  }
0x279: {  	(v2sf) =	vpush v0, $0x2;
	s22 =	spop (v2sf)  }
0x27a: {  	[dreg:$0x14] =	wrdreg s21;
	(v2sf) =	vpush v0, $0x1;
	s21 =	spop (v2sf)  }
0x27b: {  	s30 =	spop (v2sf)  }
0x27c: {  	(v2sf) =	vpush v0, $0x3;
	v0 =	vld [tilespmem:$0x1A2E0];
	s9 =	spop (v2sf)  }
0x27d: {  	p0 =	seq.s32 s24, $0x0;
	(v2sf) =	vpush v1, $0x0;
	s24 =	spop (v2sf)  }
0x27e: {  	[dreg:$0x15] =	wrdreg s22;
	(v2sf) =	vpush v1, $0x2;
	s22 =	spop (v2sf)  }
0x27f: {  	s18 =	smov.u32 @p0 s0;
	(v2sf) =	vpush v1, $0x1;
	s0 =	spop (v2sf)  }
0x280: {  	[dreg:$0x13] =	wrdreg s8;
	(v2sf) =	vpush v1, $0x3;
	s8 =	spop (v2sf)  }
0x281: {  	s15 =	smov.u32 @p0 s4;
	v1 =	vld [tilespmem:$0x1A3F0];
	(v2sf) =	vpush v0, $0x0;
	s4 =	spop (v2sf)  }
0x282: {  	[dreg:$0x16] =	wrdreg s24;
	(v2sf) =	vpush v0, $0x2;
	s24 =	spop (v2sf)  }
0x283: {  	s17 =	smov.u32 @p0 s1;
	(v2sf) =	vpush v0, $0x1;
	s1 =	spop (v2sf)  }
0x284: {  	s12 =	smov.u32 @p0 s7;
	s7 =	spop (v2sf)  }
0x285: {  	s14 =	smov.u32 @p0 s5;
	(v2sf) =	vpush v0, $0x3;
	s5 =	spop (v2sf)  }
0x286: {  	[dreg:$0x10] =	wrdreg s19;
	s11 =	smov.u32 @p0 s26;
	(v2sf) =	vpush v1, $0x0;
	s26 =	spop (v2sf)  }
0x287: {  	s19 =	smax.f32 s18, s17;
	s8 =	smov.u32 @p0 s0;
	(v2sf) =	vpush v1, $0x2;
	s0 =	spop (v2sf)  }
0x288: {  	s16 =	smov.u32 @p0 s2;
	[dreg:$0x18] =	wrdreg s5;
	s5 =	spop (v2sf)  }
0x289: {  	s13 =	smov.u32 @p0 s6;
	[dreg:$0x17] =	wrdreg s4;
	s6 =	spop (v2sf)  }
0x28a: {  	s5 =	smov.u32 @p0 s0;
	s0 =	smax.f32 s19, s16;
	[dreg:$0x19] =	wrdreg s6  }
0x28b: {  	s10 =	smov.u32 @p0 s28;
	s28 =	spop (v2sf);
	s0 =	smax.f32 s0, s15  }
0x28c: {  	s7 =	smov.u32 @p0 s1;
	s1 =	spop (v2sf);
	s0 =	smax.f32 s0, s14  }
0x28d: {  	s4 =	spop (v2sf);
	s0 =	smax.f32 s0, s13  }
0x28e: {  	s9 =	smov.u32 @p0 s30;
	s30 =	spop (v2sf);
	s0 =	smax.f32 s0, s12  }
0x28f: {  	[dreg:$0x1a] =	wrdreg s30;
	s30 =	spop (v2sf)  }
0x290: {  	s4 =	smov.u32 @p0 s1;
	s0 =	smax.f32 s0, s11;
	s1 =	spop (v2sf)  }
0x291: {  	s0 =	smax.f32 s0, s10;
	s6 =	spop (v2sf)  }
0x292: {  	s0 =	smax.f32 s0, s9;
	s2 =	spop (v2sf)  }
0x293: {  	s0 =	smax.f32 s0, s8;
	[dreg:$0x1b] =	wrdreg s2  }
0x294: {  	s0 =	smax.f32 s0, s7;
	s19 =	spop (v2sf)  }
0x295: {  	s6 =	smov.u32 @p0 s1;
	s0 =	smax.f32 s0, s5;
	s1 =	spop (v2sf)  }
0x296: {  	s0 =	smax.f32 s0, s4;
	s2 =	spop (v2sf)  }
0x297: {  	s0 =	smax.f32 s0, s6;
	s2 =	smov.u32 @p0 s1  }
0x298: {  	s0 =	smax.f32 s0, s2  }
0x299: {  	s18 =	ssub.f32 s18, s0  }
0x29a: {  	s17 =	ssub.f32 s17, s0  }
0x29b: {  	v0 =	vmov s18  }
0x29c: {  	v2 =	vmov s17;
	v0 =	vmul.f32 $1.442695020e+00, v0  }
0x29d: {  	s18 =	ssub.f32 s16, s0;
	v2 =	vmul.f32 $1.442695020e+00, v2  }
0x29e: {  	v0 =	vbroadcast v0, $0x0  }
0x29f: {  	s15 =	ssub.f32 s15, s0;
	v3 =	vmov s18;
	v2 =	vbroadcast v2, $0x0  }
0x2a0: {  	s14 =	ssub.f32 s14, s0;
	(erf) = vpow2.f32 v0;
	v0 =	vmul.f32 $1.442695020e+00, v3  }
0x2a1: {  	v3 =	vmov s15;
	(erf) = vpow2.f32 v2  }
0x2a2: {  	v2 =	vmov s14;
	v3 =	vmul.f32 $1.442695020e+00, v3;
	v0 =	vbroadcast v0, $0x0  }
0x2a3: {  	s16 =	ssub.f32 s13, s0;
	v2 =	vmul.f32 $1.442695020e+00, v2  }
0x2a4: {  	(erf) = vpow2.f32 v0;
	v0 =	vbroadcast v3, $0x0  }
0x2a5: {  	s17 =	ssub.f32 s12, s0;
	v3 =	vmov s16;
	v2 =	vbroadcast v2, $0x0  }
0x2a6: {  	s11 =	ssub.f32 s11, s0;
	(erf) = vpow2.f32 v0;
	v0 =	vmul.f32 $1.442695020e+00, v3  }
0x2a7: {  	v3 =	vmov s17;
	(erf) = vpow2.f32 v2  }
0x2a8: {  	v2 =	vmov s11;
	v3 =	vmul.f32 $1.442695020e+00, v3;
	v0 =	vbroadcast v0, $0x0  }
0x2a9: {  	s18 =	ssub.f32 s10, s0;
	v2 =	vmul.f32 $1.442695020e+00, v2;
	v4 =	vpop (erf)  }
0x2aa: {  	(xrf0) =	vmax.scan.msk.f32 $0xffff, v4;
	(erf) = vpow2.f32 v0;
	v0 =	vbroadcast v3, $0x0  }
0x2ab: {  	s10 =	ssub.f32 s9, s0;
	v3 =	vmov s18;
	v4 =	vpop (erf);
	v2 =	vbroadcast v2, $0x0  }
0x2ac: {  	s8 =	ssub.f32 s8, s0;
	(xrf0) =	vmax.scan.msk.f32 $0xffff, v4;
	(erf) = vpow2.f32 v0;
	v0 =	vmul.f32 $1.442695020e+00, v3  }
0x2ad: {  	v3 =	vmov s10;
	v4 =	vpop (erf);
	(erf) = vpow2.f32 v2  }
0x2ae: {  	v2 =	vmov s8;
	v3 =	vmul.f32 $1.442695020e+00, v3;
	v0 =	vbroadcast v0, $0x0  }
0x2af: {  	(v2sf) =	vpush v1, $0x1;
	s11 =	ssub.f32 s7, s0;
	(xrf0) =	vmax.scan.msk.f32 $0xffff, v4;
	v2 =	vmul.f32 $1.442695020e+00, v2;
	v4 =	vpop (erf)  }
0x2b0: {  	(v2sf) =	vpush v1, $0x3;
	s12 =	ssub.f32 s5, s0;
	v5, _, _ =	vpop (xrf0);
	(erf) = vpow2.f32 v0;
	v0 =	vbroadcast v3, $0x0  }
0x2b1: {  	(xrf0) =	vmax.scan.msk.f32 $0xffff, v4;
	v3 =	vmov s11;
	v1 =	vpop (erf);
	v2 =	vbroadcast v2, $0x0;
	(v2sf) =	vpush v5, $0xF  }
0x2b2: {  	s4 =	ssub.f32 s4, s0;
	v4, _, _ =	vpop (xrf0);
	(xrf0) =	vmax.scan.msk.f32 $0xffff, v1;
	v1 =	vmov s12;
	(erf) = vpow2.f32 v0;
	v0 =	vmul.f32 $1.442695020e+00, v3  }
0x2b3: {  	(v2sf) =	vpush v4, $0xF;
	v1 =	vmul.f32 $1.442695020e+00, v1  }
0x2b4: {  	v3 =	vpop (erf);
	(erf) = vpow2.f32 v2;
	v2 =	vmov s4;
	v0 =	vbroadcast v0, $0x0  }
0x2b5: {  	s13 =	ssub.f32 s6, s0;
	v6, _, _ =	vpop (xrf0);
	(xrf0) =	vmax.scan.msk.f32 $0xffff, v3;
	v2 =	vmul.f32 $1.442695020e+00, v2  }
0x2b6: {  	(v2sf) =	vpush v6, $0xF;
	v3 =	vpop (erf);
	(erf) = vpow2.f32 v0;
	v0 =	vbroadcast v1, $0x0  }
0x2b7: {  	s0 =	ssub.f32 s2, s0;
	v7, _, _ =	vpop (xrf0);
	(xrf0) =	vmax.scan.msk.f32 $0xffff, v3;
	v1 =	vmov s13;
	v2 =	vbroadcast v2, $0x0  }
0x2b8: {  	v3 =	vpop (erf);
	(v2sf) =	vpush v7, $0xF;
	(erf) = vpow2.f32 v0;
	v0 =	vmul.f32 $1.442695020e+00, v1  }
0x2b9: {  	v8, _, _ =	vpop (xrf0);
	(xrf0) =	vmax.scan.msk.f32 $0xffff, v3;
	v1 =	vmov s0  }
0x2ba: {  	(v2sf) =	vpush v8, $0xF;
	v3 =	vpop (erf);
	v1 =	vmul.f32 $1.442695020e+00, v1;
	v0 =	vbroadcast v0, $0x0  }
0x2bb: {  	(erf) = vpow2.f32 v2;
	v9, _, _ =	vpop (xrf0);
	(xrf0) =	vmax.scan.msk.f32 $0xffff, v3  }
0x2bc: {  	(v2sf) =	vpush v9, $0xF;
	v2 =	vpop (erf);
	(erf) = vpow2.f32 v0;
	v0 =	vbroadcast v1, $0x0  }
0x2bd: {  	v10, _, _ =	vpop (xrf0);
	(xrf0) =	vmax.scan.msk.f32 $0xffff, v2  }
0x2be: {  	s5 =	rddreg [dreg:$0x12];
	(v2sf) =	vpush v10, $0xF;
	v1 =	vpop (erf)  }
0x2bf: {  	s4 =	rddreg [dreg:$0xb];
	v11, _, _ =	vpop (xrf0);
	(xrf0) =	vmax.scan.msk.f32 $0xffff, v1;
	(erf) = vpow2.f32 v0  }
0x2c0: {  	s1 =	spop (v2sf);
	s0 =	rddreg [dreg:$0xa];
	(v2sf) =	vpush v11, $0xF;
	v0 =	vpop (erf)  }
0x2c1: {  	s6 =	rddreg [dreg:$0x10];
	s4 =	smov.u32 @p0 s0;
	s0 =	spop (v2sf);
	v12, _, _ =	vpop (xrf0);
	(xrf0) =	vmax.scan.msk.f32 $0xffff, v0  }
0x2c2: {  	s2 =	rddreg [dreg:$0xe];
	s14 =	spop (v2sf);
	v0 =	vpop (erf);
	(v2sf) =	vpush v12, $0xF  }
0x2c3: {  	s5 =	smov.u32 @p0 s2;
	s2 =	smul.f32 s14, s4;
	s15 =	spop (v2sf);
	v13, _, _ =	vpop (xrf0);
	(xrf0) =	vmax.scan.msk.f32 $0xffff, v0  }
0x2c4: {  	s4 =	smul.f32 s15, s5;
	v0 =	vpop (erf);
	s5 =	rddreg [dreg:$0xc];
	(v2sf) =	vpush v13, $0xF  }
0x2c5: {  	s6 =	smov.u32 @p0 s5;
	s5 =	rddreg [dreg:$0xd];
	v14, _, _ =	vpop (xrf0);
	(xrf0) =	vmax.scan.msk.f32 $0xffff, v0;
	s16 =	spop (v2sf)  }
0x2c6: {  	s2 =	sadd.f32 s4, s2;
	s17 =	smul.f32 s16, s6;
	v0 =	vpop (erf);
	(v2sf) =	vpush v14, $0xF  }
0x2c7: {  	s31 =	smov.u32 @p0 s5;
	s5 =	rddreg [dreg:$0xf];
	s18 =	spop (v2sf);
	v15, _, _ =	vpop (xrf0);
	(xrf0) =	vmax.scan.msk.f32 $0xffff, v0  }
0x2c8: {  	s2 =	sadd.f32 s2, s17;
	s31 =	smul.f32 s18, s31;
	v0 =	vpop (erf);
	(v2sf) =	vpush v15, $0xF  }
0x2c9: {  	v3 =	vld [tilespmem:s3+$0x19520];
	s29 =	smov.u32 @p0 s5;
	s5 =	rddreg [dreg:$0x11];
	s6 =	spop (v2sf);
	v16, _, _ =	vpop (xrf0);
	(xrf0) =	vmax.scan.msk.f32 $0xffff, v0  }
0x2ca: {  	v2 =	vld [tilespmem:s3+$0x19410];
	s7 =	smul.f32 s6, s29;
	s2 =	sadd.f32 s2, s31;
	(v2sf) =	vpush v16, $0xF  }
0x2cb: {  	s25 =	smov.u32 @p0 s5;
	s5 =	rddreg [dreg:$0x13];
	v17, _, _ =	vpop (xrf0);
	s8 =	spop (v2sf)  }
0x2cc: {  	v1 =	vbroadcast v4, $0xF;
	v0 =	vbroadcast v5, $0xF;
	v5 =	vld [tilespmem:s3+$0x19630];
	s2 =	sadd.f32 s2, s7;
	s9 =	smul.f32 s8, s25;
	(v2sf) =	vpush v17, $0xF  }
0x2cd: {  	s23 =	smov.u32 @p0 s5;
	s5 =	rddreg [dreg:$0x14];
	s10 =	spop (v2sf);
	v18, _, _ =	vpop (xrf0)  }
0x2ce: {  	v20 =	vld [tilespmem:s3+$0x19740];
	v3 =	vmul.f32 v1, v3;
	s2 =	sadd.f32 s2, s9;
	s11 =	smul.f32 s10, s23;
	(v2sf) =	vpush v18, $0xF  }
0x2cf: {  	s20 =	smov.u32 @p0 s5;
	s5 =	rddreg [dreg:$0x15];
	v4 =	vmul.f32 v0, v2;
	v2 =	vbroadcast v6, $0xF;
	s12 =	spop (v2sf);
	v19, _, _ =	vpop (xrf0)  }
0x2d0: {  	v6 =	vld [tilespmem:s3+$0x19850];
	s13 =	smul.f32 s12, s20;
	s2 =	sadd.f32 s2, s11;
	(v2sf) =	vpush v19, $0xF  }
0x2d1: {  	s21 =	smov.u32 @p0 s5;
	s5 =	rddreg [dreg:$0x16];
	v4 =	vadd.f32 v3, v4;
	v3 =	vbroadcast v7, $0xF;
	v5 =	vmul.f32 v2, v5;
	s14 =	spop (v2sf)  }
0x2d2: {  	v7 =	vld [tilespmem:s3+$0x19960];
	s2 =	sadd.f32 s2, s13;
	s15 =	smul.f32 s14, s21  }
0x2d3: {  	s22 =	smov.u32 @p0 s5;
	s5 =	rddreg [dreg:$0x17];
	v20 =	vmul.f32 v3, v20;
	v5 =	vadd.f32 v4, v5;
	v4 =	vbroadcast v8, $0xF;
	s16 =	spop (v2sf)  }
0x2d4: {  	v8 =	vld [tilespmem:s3+$0x19A70];
	s2 =	sadd.f32 s2, s15;
	s17 =	smul.f32 s16, s22  }
0x2d5: {  	s24 =	smov.u32 @p0 s5;
	s5 =	rddreg [dreg:$0x18];
	v20 =	vadd.f32 v5, v20;
	v6 =	vmul.f32 v4, v6;
	v5 =	vbroadcast v9, $0xF;
	s18 =	spop (v2sf)  }
0x2d6: {  	v9 =	vld [tilespmem:s3+$0x19B80];
	s2 =	sadd.f32 s2, s17;
	s20 =	smul.f32 s18, s24  }
0x2d7: {  	s26 =	smov.u32 @p0 s5;
	s5 =	rddreg [dreg:$0x19];
	v20 =	vadd.f32 v20, v6;
	v7 =	vmul.f32 v5, v7;
	v6 =	vbroadcast v10, $0xF;
	s21 =	spop (v2sf)  }
0x2d8: {  	v10 =	vld [tilespmem:s3+$0x19C90];
	s2 =	sadd.f32 s2, s20;
	s22 =	smul.f32 s21, s26  }
0x2d9: {  	s28 =	smov.u32 @p0 s5;
	s5 =	rddreg [dreg:$0x1a];
	v20 =	vadd.f32 v20, v7;
	v8 =	vmul.f32 v6, v8;
	v7 =	vbroadcast v11, $0xF;
	s23 =	spop (v2sf)  }
0x2da: {  	v11 =	vld [tilespmem:s3+$0x19DA0];
	s24 =	smul.f32 s23, s28;
	s2 =	sadd.f32 s2, s22  }
0x2db: {  	s30 =	smov.u32 @p0 s5;
	s5 =	rddreg [dreg:$0x1b];
	v20 =	vadd.f32 v20, v8;
	v9 =	vmul.f32 v7, v9;
	v8 =	vbroadcast v12, $0xF;
	s25 =	spop (v2sf)  }
0x2dc: {  	v12 =	vld [tilespmem:s3+$0x19EB0];
	s26 =	smul.f32 s25, s30;
	s2 =	sadd.f32 s2, s24  }
0x2dd: {  	s19 =	smov.u32 @p0 s5;
	v20 =	vadd.f32 v20, v9;
	v10 =	vmul.f32 v8, v10;
	v9 =	vbroadcast v13, $0xF;
	s28 =	spop (v2sf)  }
0x2de: {  	s2 =	sadd.f32 s2, s26;
	s29 =	smul.f32 s28, s19  }
0x2df: {  	s0 =	smov.u32 @p0 s1;
	v13 =	vld [tilespmem:s3+$0x19FC0];
	v20 =	vadd.f32 v20, v10;
	v11 =	vmul.f32 v9, v11;
	v10 =	vbroadcast v14, $0xF;
	s30 =	spop (v2sf)  }
0x2e0: {  	s0 =	smul.f32 s30, s0;
	s2 =	sadd.f32 s2, s29  }
0x2e1: {  	v14 =	vld [tilespmem:s3+$0x1A0D0];
	v20 =	vadd.f32 v20, v11;
	v12 =	vmul.f32 v10, v12  }
0x2e2: {  	v11 =	vbroadcast v15, $0xF;
	s0 =	sadd.f32 s2, s0  }
0x2e3: {  	v15 =	vld [tilespmem:s3+$0x1A1E0];
	v20 =	vadd.f32 v20, v12  }
0x2e4: {  	v13 =	vmul.f32 v13, v11;
	v12 =	vbroadcast v16, $0xF;
	v21 =	vmov s0  }
0x2e5: {  	v16 =	vld [tilespmem:s3+$0x1A2F0];
	(erf) = vrcp.f32 v21  }
0x2e6: {  	v20 =	vadd.f32 v20, v13;
	v14 =	vmul.f32 v14, v12;
	v13 =	vbroadcast v17, $0xF  }
0x2e7: {  	v17 =	vld [tilespmem:s3+$0x1A400]  }
0x2e8: {  	v20 =	vadd.f32 v20, v14;
	v15 =	vmul.f32 v15, v13;
	v14 =	vbroadcast v18, $0xF;
	_ =	sdelay $0x1  }
0x2e9: {  	v47 =	vadd.f32 v20, v15;
	v16 =	vmul.f32 v16, v14;
	v15 =	vbroadcast v19, $0xF;
	_ =	sdelay $0x1  }
0x2ea: {  	v16 =	vadd.f32 v47, v16;
	v17 =	vmul.f32 v17, v15;
	_ =	sdelay $0x1  }
0x2eb: {  	vm0 =	vgt.f32 v21, $0.0e+00;
	v17 =	vadd.f32 v16, v17;
	v48 =	vpop (erf)  }
0x2ec: {  	v16 =	vnsel vm0, $0x0, v48  }
0x2ed: {  	v17 =	vmul.f32 v16, v17;
	_ =	sdelay $0x1  }
0x2ee: {  	[tilespmem:$0x1A500] =	vst v17  }
0x2ef: {  	v17 =	vld [tilespmem:s3+$0x19420]  }
0x2f0: {  	v49 =	vld [tilespmem:s3+$0x19530];
	_ =	sdelay $0x1  }
0x2f1: {  	v50 =	vld [tilespmem:s3+$0x19640];
	_ =	sdelay $0x1  }
0x2f2: {  	v51 =	vld [tilespmem:s3+$0x19750]  }
0x2f3: {  	v17 =	vmul.f32 v17, v0;
	v18 =	vmul.f32 v49, v1  }
0x2f4: {  	v52 =	vld [tilespmem:s3+$0x19860]  }
0x2f5: {  	v53 =	vmul.f32 v50, v2;
	v17 =	vadd.f32 v18, v17  }
0x2f6: {  	v54 =	vld [tilespmem:s3+$0x19970]  }
0x2f7: {  	v55 =	vmul.f32 v51, v3;
	v17 =	vadd.f32 v53, v17  }
0x2f8: {  	v56 =	vld [tilespmem:s3+$0x19A80]  }
0x2f9: {  	v57 =	vmul.f32 v52, v4;
	v17 =	vadd.f32 v55, v17  }
0x2fa: {  	v58 =	vld [tilespmem:s3+$0x19B90]  }
0x2fb: {  	v59 =	vmul.f32 v54, v5;
	v17 =	vadd.f32 v57, v17  }
0x2fc: {  	v60 =	vld [tilespmem:s3+$0x19CA0]  }
0x2fd: {  	v61 =	vmul.f32 v56, v6;
	v17 =	vadd.f32 v59, v17  }
0x2fe: {  	v62 =	vld [tilespmem:s3+$0x19DB0]  }
0x2ff: {  	v63 =	vmul.f32 v58, v7;
	v17 =	vadd.f32 v61, v17  }
0x300: {  	v24 =	vld [tilespmem:s3+$0x19EC0]  }
0x301: {  	v25 =	vmul.f32 v60, v8;
	v17 =	vadd.f32 v63, v17  }
0x302: {  	v26 =	vld [tilespmem:s3+$0x19FD0]  }
0x303: {  	v27 =	vmul.f32 v62, v9;
	v17 =	vadd.f32 v25, v17  }
0x304: {  	v28 =	vld [tilespmem:s3+$0x1A0E0]  }
0x305: {  	v29 =	vmul.f32 v24, v10;
	v17 =	vadd.f32 v27, v17  }
0x306: {  	v30 =	vld [tilespmem:s3+$0x1A1F0]  }
0x307: {  	v31 =	vmul.f32 v26, v11;
	v17 =	vadd.f32 v29, v17  }
0x308: {  	v32 =	vld [tilespmem:s3+$0x1A300]  }
0x309: {  	v33 =	vmul.f32 v28, v12;
	v17 =	vadd.f32 v31, v17  }
0x30a: {  	v34 =	vld [tilespmem:s3+$0x1A410]  }
0x30b: {  	v35 =	vmul.f32 v30, v13;
	v17 =	vadd.f32 v33, v17;
	_ =	sdelay $0x1  }
0x30c: {  	v36 =	vmul.f32 v32, v14;
	v17 =	vadd.f32 v35, v17;
	_ =	sdelay $0x1  }
0x30d: {  	v37 =	vmul.f32 v34, v15;
	v17 =	vadd.f32 v36, v17;
	_ =	sdelay $0x1  }
0x30e: {  	v17 =	vadd.f32 v37, v17;
	_ =	sdelay $0x1  }
0x30f: {  	v17 =	vmul.f32 v17, v16;
	_ =	sdelay $0x1  }
0x310: {  	[tilespmem:$0x1A510] =	vst v17  }
0x311: {  	v17 =	vld [tilespmem:s3+$0x19430]  }
0x312: {  	v38 =	vld [tilespmem:s3+$0x19540];
	_ =	sdelay $0x1  }
0x313: {  	v39 =	vld [tilespmem:s3+$0x19650];
	_ =	sdelay $0x1  }
0x314: {  	v40 =	vld [tilespmem:s3+$0x19760]  }
0x315: {  	v17 =	vmul.f32 v17, v0;
	v18 =	vmul.f32 v38, v1  }
0x316: {  	v41 =	vld [tilespmem:s3+$0x19870]  }
0x317: {  	v42 =	vmul.f32 v39, v2;
	v17 =	vadd.f32 v18, v17  }
0x318: {  	v43 =	vld [tilespmem:s3+$0x19980]  }
0x319: {  	v44 =	vmul.f32 v40, v3;
	v17 =	vadd.f32 v42, v17  }
0x31a: {  	v45 =	vld [tilespmem:s3+$0x19A90]  }
0x31b: {  	v46 =	vmul.f32 v41, v4;
	v17 =	vadd.f32 v44, v17  }
0x31c: {  	v47 =	vld [tilespmem:s3+$0x19BA0]  }
0x31d: {  	v48 =	vmul.f32 v43, v5;
	v17 =	vadd.f32 v46, v17  }
0x31e: {  	v49 =	vld [tilespmem:s3+$0x19CB0]  }
0x31f: {  	v50 =	vmul.f32 v45, v6;
	v17 =	vadd.f32 v48, v17  }
0x320: {  	v51 =	vld [tilespmem:s3+$0x19DC0]  }
0x321: {  	v52 =	vmul.f32 v47, v7;
	v17 =	vadd.f32 v50, v17  }
0x322: {  	v53 =	vld [tilespmem:s3+$0x19ED0]  }
0x323: {  	v54 =	vmul.f32 v49, v8;
	v17 =	vadd.f32 v52, v17  }
0x324: {  	v55 =	vld [tilespmem:s3+$0x19FE0]  }
0x325: {  	v56 =	vmul.f32 v51, v9;
	v17 =	vadd.f32 v54, v17  }
0x326: {  	v57 =	vld [tilespmem:s3+$0x1A0F0]  }
0x327: {  	v58 =	vmul.f32 v53, v10;
	v17 =	vadd.f32 v56, v17  }
0x328: {  	v59 =	vld [tilespmem:s3+$0x1A200]  }
0x329: {  	v60 =	vmul.f32 v55, v11;
	v17 =	vadd.f32 v58, v17  }
0x32a: {  	v61 =	vld [tilespmem:s3+$0x1A310]  }
0x32b: {  	v62 =	vmul.f32 v57, v12;
	v17 =	vadd.f32 v60, v17  }
0x32c: {  	v63 =	vld [tilespmem:s3+$0x1A420]  }
0x32d: {  	v22 =	vmul.f32 v59, v13;
	v17 =	vadd.f32 v62, v17;
	_ =	sdelay $0x1  }
0x32e: {  	v23 =	vmul.f32 v61, v14;
	v17 =	vadd.f32 v22, v17;
	_ =	sdelay $0x1  }
0x32f: {  	v24 =	vmul.f32 v63, v15;
	v17 =	vadd.f32 v23, v17;
	_ =	sdelay $0x1  }
0x330: {  	v17 =	vadd.f32 v24, v17;
	_ =	sdelay $0x1  }
0x331: {  	v17 =	vmul.f32 v17, v16;
	_ =	sdelay $0x1  }
0x332: {  	[tilespmem:$0x1A520] =	vst v17  }
0x333: {  	v17 =	vld [tilespmem:s3+$0x19440]  }
0x334: {  	v25 =	vld [tilespmem:s3+$0x19550];
	_ =	sdelay $0x1  }
0x335: {  	v26 =	vld [tilespmem:s3+$0x19660];
	_ =	sdelay $0x1  }
0x336: {  	v27 =	vld [tilespmem:s3+$0x19770]  }
0x337: {  	v17 =	vmul.f32 v17, v0;
	v18 =	vmul.f32 v25, v1  }
0x338: {  	v28 =	vld [tilespmem:s3+$0x19880]  }
0x339: {  	v29 =	vmul.f32 v26, v2;
	v17 =	vadd.f32 v18, v17  }
0x33a: {  	v30 =	vld [tilespmem:s3+$0x19990]  }
0x33b: {  	v31 =	vmul.f32 v27, v3;
	v17 =	vadd.f32 v29, v17  }
0x33c: {  	v32 =	vld [tilespmem:s3+$0x19AA0]  }
0x33d: {  	v33 =	vmul.f32 v28, v4;
	v17 =	vadd.f32 v31, v17  }
0x33e: {  	v34 =	vld [tilespmem:s3+$0x19BB0]  }
0x33f: {  	v35 =	vmul.f32 v30, v5;
	v17 =	vadd.f32 v33, v17  }
0x340: {  	v36 =	vld [tilespmem:s3+$0x19CC0]  }
0x341: {  	v37 =	vmul.f32 v32, v6;
	v17 =	vadd.f32 v35, v17  }
0x342: {  	v38 =	vld [tilespmem:s3+$0x19DD0]  }
0x343: {  	v39 =	vmul.f32 v34, v7;
	v17 =	vadd.f32 v37, v17  }
0x344: {  	v40 =	vld [tilespmem:s3+$0x19EE0]  }
0x345: {  	v41 =	vmul.f32 v36, v8;
	v17 =	vadd.f32 v39, v17  }
0x346: {  	v42 =	vld [tilespmem:s3+$0x19FF0]  }
0x347: {  	v43 =	vmul.f32 v38, v9;
	v17 =	vadd.f32 v41, v17  }
0x348: {  	v44 =	vld [tilespmem:s3+$0x1A100]  }
0x349: {  	v45 =	vmul.f32 v40, v10;
	v17 =	vadd.f32 v43, v17  }
0x34a: {  	v46 =	vld [tilespmem:s3+$0x1A210]  }
0x34b: {  	v47 =	vmul.f32 v42, v11;
	v17 =	vadd.f32 v45, v17  }
0x34c: {  	v48 =	vld [tilespmem:s3+$0x1A320]  }
0x34d: {  	v49 =	vmul.f32 v44, v12;
	v17 =	vadd.f32 v47, v17  }
0x34e: {  	v50 =	vld [tilespmem:s3+$0x1A430]  }
0x34f: {  	v51 =	vmul.f32 v46, v13;
	v17 =	vadd.f32 v49, v17;
	_ =	sdelay $0x1  }
0x350: {  	v52 =	vmul.f32 v48, v14;
	v17 =	vadd.f32 v51, v17;
	_ =	sdelay $0x1  }
0x351: {  	v53 =	vmul.f32 v50, v15;
	v17 =	vadd.f32 v52, v17;
	_ =	sdelay $0x1  }
0x352: {  	v17 =	vadd.f32 v53, v17;
	_ =	sdelay $0x1  }
0x353: {  	v17 =	vmul.f32 v17, v16;
	_ =	sdelay $0x1  }
0x354: {  	[tilespmem:$0x1A530] =	vst v17  }
0x355: {  	v17 =	vld [tilespmem:s3+$0x19450]  }
0x356: {  	v54 =	vld [tilespmem:s3+$0x19560];
	_ =	sdelay $0x1  }
0x357: {  	v55 =	vld [tilespmem:s3+$0x19670];
	_ =	sdelay $0x1  }
0x358: {  	v56 =	vld [tilespmem:s3+$0x19780]  }
0x359: {  	v17 =	vmul.f32 v17, v0;
	v18 =	vmul.f32 v54, v1  }
0x35a: {  	v57 =	vld [tilespmem:s3+$0x19890]  }
0x35b: {  	v58 =	vmul.f32 v55, v2;
	v17 =	vadd.f32 v18, v17  }
0x35c: {  	v59 =	vld [tilespmem:s3+$0x199A0]  }
0x35d: {  	v60 =	vmul.f32 v56, v3;
	v17 =	vadd.f32 v58, v17  }
0x35e: {  	v61 =	vld [tilespmem:s3+$0x19AB0]  }
0x35f: {  	v62 =	vmul.f32 v57, v4;
	v17 =	vadd.f32 v60, v17  }
0x360: {  	v63 =	vld [tilespmem:s3+$0x19BC0]  }
0x361: {  	v24 =	vmul.f32 v59, v5;
	v17 =	vadd.f32 v62, v17  }
0x362: {  	v25 =	vld [tilespmem:s3+$0x19CD0]  }
0x363: {  	v26 =	vmul.f32 v61, v6;
	v17 =	vadd.f32 v24, v17  }
0x364: {  	v27 =	vld [tilespmem:s3+$0x19DE0]  }
0x365: {  	v28 =	vmul.f32 v63, v7;
	v17 =	vadd.f32 v26, v17  }
0x366: {  	v29 =	vld [tilespmem:s3+$0x19EF0]  }
0x367: {  	v30 =	vmul.f32 v25, v8;
	v17 =	vadd.f32 v28, v17  }
0x368: {  	v31 =	vld [tilespmem:s3+$0x1A000]  }
0x369: {  	v32 =	vmul.f32 v27, v9;
	v17 =	vadd.f32 v30, v17  }
0x36a: {  	v33 =	vld [tilespmem:s3+$0x1A110]  }
0x36b: {  	v34 =	vmul.f32 v29, v10;
	v17 =	vadd.f32 v32, v17  }
0x36c: {  	v35 =	vld [tilespmem:s3+$0x1A220]  }
0x36d: {  	v36 =	vmul.f32 v31, v11;
	v17 =	vadd.f32 v34, v17  }
0x36e: {  	v37 =	vld [tilespmem:s3+$0x1A330]  }
0x36f: {  	v38 =	vmul.f32 v33, v12;
	v17 =	vadd.f32 v36, v17  }
0x370: {  	v39 =	vld [tilespmem:s3+$0x1A440]  }
0x371: {  	v40 =	vmul.f32 v35, v13;
	v17 =	vadd.f32 v38, v17;
	_ =	sdelay $0x1  }
0x372: {  	v41 =	vmul.f32 v37, v14;
	v17 =	vadd.f32 v40, v17;
	_ =	sdelay $0x1  }
0x373: {  	v42 =	vmul.f32 v39, v15;
	v17 =	vadd.f32 v41, v17;
	_ =	sdelay $0x1  }
0x374: {  	v17 =	vadd.f32 v42, v17;
	_ =	sdelay $0x1  }
0x375: {  	v17 =	vmul.f32 v17, v16;
	_ =	sdelay $0x1  }
0x376: {  	[tilespmem:$0x1A540] =	vst v17  }
0x377: {  	v17 =	vld [tilespmem:s3+$0x19460]  }
0x378: {  	v43 =	vld [tilespmem:s3+$0x19570];
	_ =	sdelay $0x1  }
0x379: {  	v44 =	vld [tilespmem:s3+$0x19680];
	_ =	sdelay $0x1  }
0x37a: {  	v45 =	vld [tilespmem:s3+$0x19790]  }
0x37b: {  	v17 =	vmul.f32 v17, v0;
	v18 =	vmul.f32 v43, v1  }
0x37c: {  	v46 =	vld [tilespmem:s3+$0x198A0]  }
0x37d: {  	v47 =	vmul.f32 v44, v2;
	v17 =	vadd.f32 v18, v17  }
0x37e: {  	v48 =	vld [tilespmem:s3+$0x199B0]  }
0x37f: {  	v49 =	vmul.f32 v45, v3;
	v17 =	vadd.f32 v47, v17  }
0x380: {  	v50 =	vld [tilespmem:s3+$0x19AC0]  }
0x381: {  	v51 =	vmul.f32 v46, v4;
	v17 =	vadd.f32 v49, v17  }
0x382: {  	v52 =	vld [tilespmem:s3+$0x19BD0]  }
0x383: {  	v53 =	vmul.f32 v48, v5;
	v17 =	vadd.f32 v51, v17  }
0x384: {  	v54 =	vld [tilespmem:s3+$0x19CE0]  }
0x385: {  	v55 =	vmul.f32 v50, v6;
	v17 =	vadd.f32 v53, v17  }
0x386: {  	v56 =	vld [tilespmem:s3+$0x19DF0]  }
0x387: {  	v57 =	vmul.f32 v52, v7;
	v17 =	vadd.f32 v55, v17  }
0x388: {  	v58 =	vld [tilespmem:s3+$0x19F00]  }
0x389: {  	v59 =	vmul.f32 v54, v8;
	v17 =	vadd.f32 v57, v17  }
0x38a: {  	v60 =	vld [tilespmem:s3+$0x1A010]  }
0x38b: {  	v61 =	vmul.f32 v56, v9;
	v17 =	vadd.f32 v59, v17  }
0x38c: {  	v62 =	vld [tilespmem:s3+$0x1A120]  }
0x38d: {  	v63 =	vmul.f32 v58, v10;
	v17 =	vadd.f32 v61, v17  }
0x38e: {  	v24 =	vld [tilespmem:s3+$0x1A230]  }
0x38f: {  	v25 =	vmul.f32 v60, v11;
	v17 =	vadd.f32 v63, v17  }
0x390: {  	v26 =	vld [tilespmem:s3+$0x1A340]  }
0x391: {  	v27 =	vmul.f32 v62, v12;
	v17 =	vadd.f32 v25, v17  }
0x392: {  	v28 =	vld [tilespmem:s3+$0x1A450]  }
0x393: {  	v29 =	vmul.f32 v24, v13;
	v17 =	vadd.f32 v27, v17;
	_ =	sdelay $0x1  }
0x394: {  	v30 =	vmul.f32 v26, v14;
	v17 =	vadd.f32 v29, v17;
	_ =	sdelay $0x1  }
0x395: {  	v31 =	vmul.f32 v28, v15;
	v17 =	vadd.f32 v30, v17;
	_ =	sdelay $0x1  }
0x396: {  	v17 =	vadd.f32 v31, v17;
	_ =	sdelay $0x1  }
0x397: {  	v17 =	vmul.f32 v17, v16;
	_ =	sdelay $0x1  }
0x398: {  	[tilespmem:$0x1A550] =	vst v17  }
0x399: {  	v17 =	vld [tilespmem:s3+$0x19470]  }
0x39a: {  	v32 =	vld [tilespmem:s3+$0x19580];
	_ =	sdelay $0x1  }
0x39b: {  	v33 =	vld [tilespmem:s3+$0x19690];
	_ =	sdelay $0x1  }
0x39c: {  	v34 =	vld [tilespmem:s3+$0x197A0]  }
0x39d: {  	v17 =	vmul.f32 v17, v0;
	v18 =	vmul.f32 v32, v1  }
0x39e: {  	v35 =	vld [tilespmem:s3+$0x198B0]  }
0x39f: {  	v36 =	vmul.f32 v33, v2;
	v17 =	vadd.f32 v18, v17  }
0x3a0: {  	v37 =	vld [tilespmem:s3+$0x199C0]  }
0x3a1: {  	v38 =	vmul.f32 v34, v3;
	v17 =	vadd.f32 v36, v17  }
0x3a2: {  	v39 =	vld [tilespmem:s3+$0x19AD0]  }
0x3a3: {  	v40 =	vmul.f32 v35, v4;
	v17 =	vadd.f32 v38, v17  }
0x3a4: {  	v41 =	vld [tilespmem:s3+$0x19BE0]  }
0x3a5: {  	v42 =	vmul.f32 v37, v5;
	v17 =	vadd.f32 v40, v17  }
0x3a6: {  	v43 =	vld [tilespmem:s3+$0x19CF0]  }
0x3a7: {  	v44 =	vmul.f32 v39, v6;
	v17 =	vadd.f32 v42, v17  }
0x3a8: {  	v45 =	vld [tilespmem:s3+$0x19E00]  }
0x3a9: {  	v46 =	vmul.f32 v41, v7;
	v17 =	vadd.f32 v44, v17  }
0x3aa: {  	v47 =	vld [tilespmem:s3+$0x19F10]  }
0x3ab: {  	v48 =	vmul.f32 v43, v8;
	v17 =	vadd.f32 v46, v17  }
0x3ac: {  	v49 =	vld [tilespmem:s3+$0x1A020]  }
0x3ad: {  	v50 =	vmul.f32 v45, v9;
	v17 =	vadd.f32 v48, v17  }
0x3ae: {  	v51 =	vld [tilespmem:s3+$0x1A130]  }
0x3af: {  	v52 =	vmul.f32 v47, v10;
	v17 =	vadd.f32 v50, v17  }
0x3b0: {  	v53 =	vld [tilespmem:s3+$0x1A240]  }
0x3b1: {  	v54 =	vmul.f32 v49, v11;
	v17 =	vadd.f32 v52, v17  }
0x3b2: {  	v55 =	vld [tilespmem:s3+$0x1A350]  }
0x3b3: {  	v56 =	vmul.f32 v51, v12;
	v17 =	vadd.f32 v54, v17  }
0x3b4: {  	v57 =	vld [tilespmem:s3+$0x1A460]  }
0x3b5: {  	v58 =	vmul.f32 v53, v13;
	v17 =	vadd.f32 v56, v17;
	_ =	sdelay $0x1  }
0x3b6: {  	v59 =	vmul.f32 v55, v14;
	v17 =	vadd.f32 v58, v17;
	_ =	sdelay $0x1  }
0x3b7: {  	v60 =	vmul.f32 v57, v15;
	v17 =	vadd.f32 v59, v17;
	_ =	sdelay $0x1  }
0x3b8: {  	v17 =	vadd.f32 v60, v17;
	_ =	sdelay $0x1  }
0x3b9: {  	v17 =	vmul.f32 v17, v16;
	_ =	sdelay $0x1  }
0x3ba: {  	[tilespmem:$0x1A560] =	vst v17  }
0x3bb: {  	v17 =	vld [tilespmem:s3+$0x19480]  }
0x3bc: {  	v61 =	vld [tilespmem:s3+$0x19590];
	_ =	sdelay $0x1  }
0x3bd: {  	v62 =	vld [tilespmem:s3+$0x196A0];
	_ =	sdelay $0x1  }
0x3be: {  	v63 =	vld [tilespmem:s3+$0x197B0]  }
0x3bf: {  	v0 =	vmul.f32 v17, v0;
	v1 =	vmul.f32 v61, v1  }
0x3c0: {  	v17 =	vld [tilespmem:s3+$0x198C0]  }
0x3c1: {  	v0 =	vadd.f32 v1, v0;
	v1 =	vmul.f32 v62, v2  }
0x3c2: {  	v2 =	vld [tilespmem:s3+$0x199D0]  }
0x3c3: {  	v0 =	vadd.f32 v1, v0;
	v1 =	vmul.f32 v63, v3  }
0x3c4: {  	v3 =	vld [tilespmem:s3+$0x19AE0]  }
0x3c5: {  	v0 =	vadd.f32 v1, v0;
	v1 =	vmul.f32 v17, v4  }
0x3c6: {  	v4 =	vld [tilespmem:s3+$0x19BF0]  }
0x3c7: {  	v0 =	vadd.f32 v1, v0;
	v1 =	vmul.f32 v2, v5  }
0x3c8: {  	v2 =	vld [tilespmem:s3+$0x19D00]  }
0x3c9: {  	v0 =	vadd.f32 v1, v0;
	v1 =	vmul.f32 v3, v6  }
0x3ca: {  	v3 =	vld [tilespmem:s3+$0x19E10]  }
0x3cb: {  	v0 =	vadd.f32 v1, v0;
	v1 =	vmul.f32 v4, v7  }
0x3cc: {  	v4 =	vld [tilespmem:s3+$0x19F20]  }
0x3cd: {  	v0 =	vadd.f32 v1, v0;
	v1 =	vmul.f32 v2, v8  }
0x3ce: {  	v2 =	vld [tilespmem:s3+$0x1A030]  }
0x3cf: {  	v0 =	vadd.f32 v1, v0;
	v1 =	vmul.f32 v3, v9  }
0x3d0: {  	v3 =	vld [tilespmem:s3+$0x1A140]  }
0x3d1: {  	v0 =	vadd.f32 v1, v0;
	v1 =	vmul.f32 v4, v10  }
0x3d2: {  	v4 =	vld [tilespmem:s3+$0x1A250]  }
0x3d3: {  	v0 =	vadd.f32 v1, v0;
	v1 =	vmul.f32 v2, v11  }
0x3d4: {  	v2 =	vld [tilespmem:s3+$0x1A360]  }
0x3d5: {  	v0 =	vadd.f32 v1, v0;
	v1 =	vmul.f32 v3, v12  }
0x3d6: {  	v3 =	vld [tilespmem:s3+$0x1A470]  }
0x3d7: {  	v0 =	vadd.f32 v1, v0;
	v1 =	vmul.f32 v4, v13;
	_ =	sdelay $0x1  }
0x3d8: {  	v0 =	vadd.f32 v1, v0;
	v1 =	vmul.f32 v2, v14;
	_ =	sdelay $0x1  }
0x3d9: {  	v0 =	vadd.f32 v1, v0;
	v1 =	vmul.f32 v3, v15;
	_ =	sdelay $0x1  }
0x3da: {  	v0 =	vadd.f32 v1, v0;
	_ =	sdelay $0x1  }
0x3db: {  	v0 =	vmul.f32 v0, v16;
	_ =	sdelay $0x1  }
0x3dc: {  	s31 =	simm.s32 $0x0;
	[tilespmem:$0x1A570] =	vst v0  }
0x3dd: {  	s0 =	simm.s32 $0x153C0;
	v1 =	vld.msk [tilespmem:s31+$0x1A500 ss:$0x0], $0xffff  }
0x3de: {  	v0 =	vld [tilespmem:s0+$0x30]  }
0x3df: {  	v2 =	vld [tilespmem:s0+$0xFFFFFFC0]  }
0x3e0: {  	v3 =	vld [tilespmem:s0+$0xFFFFFFD0];
	_ =	sdelay $0x1  }
0x3e1: {  	v12 =	vld [tilespmem:s0+$0xFFFFFFE0]  }
0x3e2: {  	v5 =	vimm.f32 $0.0e+00;
	v6 =	vimm.f32 $0.0e+00;
	v11 =	vld [tilespmem:s0+$0xFFFFFFF0]  }
0x3e3: {  	v7 =	vimm.f32 $0.0e+00;
	v8 =	vimm.f32 $0.0e+00;
	v9 =	vld [tilespmem:s0+$0x0];
	v0 =	vmul.f32 v0, v1  }
0x3e4: {  	v4 =	vimm.f32 $0.0e+00;
	v10 =	vld [tilespmem:s0+$0x10];
	v15 =	vmul.f32 v2, v1;
	v14 =	vmul.f32 v3, v1  }
0x3e5: {  	s1 =	simm.s32 $0x8;
	s2 =	simm.s32 $0x1;
	v13 =	vld [tilespmem:s0+$0x20];
	v3 =	vimm.f32 $0.0e+00;
	v2 =	vimm.f32 $0.0e+00;
	v0 =	vadd.f32 v0, v4  }
.LBB2_22:
0x3e6: {  	p0 =	sne.s32 s1, $0x1FC;
	v16 =	vld.msk [tilespmem:s2+$0x1A500 ss:$0x0], $0xffff;
	v4 =	vadd.f32 v15, v4;
	v12 =	vmul.f32 v12, v1;
	s0 =	sadd.s32 $0x80, s0  }
0x3e7: {  	v15 =	vld [tilespmem:s0+$0x30];
	v7 =	vadd.f32 v14, v7;
	v11 =	vmul.f32 v11, v1  }
0x3e8: {  	v14 =	vld [tilespmem:s0+$0xFFFFFFC0];
	v8 =	vadd.f32 v12, v8;
	v9 =	vmul.f32 v9, v1  }
0x3e9: {  	v17 =	vld [tilespmem:s0+$0xFFFFFFD0];
	v5 =	vadd.f32 v11, v5;
	v10 =	vmul.f32 v10, v1  }
.Ltmp20:
0x3ea: {  	v12 =	vld [tilespmem:s0+$0xFFFFFFE0];
	v6 =	vadd.f32 v9, v6;
	v13 =	vmul.f32 v13, v1;
	(pc) =	sbr.rel @p0 .LBB2_22-.Ltmp20, $4  }
0x3eb: {  	v11 =	vld [tilespmem:s0+$0xFFFFFFF0];
	v3 =	vadd.f32 v10, v3  }
0x3ec: {  	v1 =	vmov v16;
	v9 =	vld [tilespmem:s0+$0x0];
	v18 =	vmul.f32 v15, v16;
	v2 =	vadd.f32 v13, v2  }
0x3ed: {  	v15 =	vmul.f32 v14, v1;
	v10 =	vld [tilespmem:s0+$0x10]  }
0x3ee: {  	s2 =	sshra.s32 s1, $0x2;
	s1 =	sadd.s32 $0x4, s1;
	v14 =	vmul.f32 v17, v1;
	v13 =	vld [tilespmem:s0+$0x20];
	v0 =	vadd.f32 v18, v0  }
0x3ef: {  	v16 =	vld.msk [tilespmem:s2+$0x1A500 ss:$0x0], $0xffff  }
0x3f0: {  	v46 =	vld [tilespmem:$0x19380]  }
0x3f1: {  	v48 =	vld [tilespmem:$0x19390]  }
0x3f2: {  	v50 =	vld [tilespmem:$0x193A0]  }
0x3f3: {  	s0 =	sadd.s32 $0x80, s0;
	v52 =	vld [tilespmem:$0x193B0]  }
0x3f4: {  	v18 =	vld [tilespmem:s0+$0xFFFFFFC0]  }
0x3f5: {  	v19 =	vld [tilespmem:s0+$0xFFFFFFD0]  }
0x3f6: {  	v12 =	vmul.f32 v12, v1;
	v20 =	vld [tilespmem:s0+$0xFFFFFFE0]  }
0x3f7: {  	v4 =	vadd.f32 v15, v4;
	v22 =	vld [tilespmem:s0+$0x0];
	v11 =	vmul.f32 v11, v1  }
0x3f8: {  	v21 =	vld [tilespmem:s0+$0xFFFFFFF0];
	v7 =	vadd.f32 v14, v7;
	v8 =	vadd.f32 v12, v8;
	v9 =	vmul.f32 v9, v1  }
0x3f9: {  	v45 =	vld [tilespmem:s0+$0x20];
	v5 =	vadd.f32 v11, v5;
	v10 =	vmul.f32 v10, v1;
	v47 =	vmul.f32 v18, v16  }
0x3fa: {  	v23 =	vld [tilespmem:s0+$0x10];
	v6 =	vadd.f32 v9, v6;
	v1 =	vmul.f32 v13, v1;
	v49 =	vmul.f32 v19, v16  }
0x3fb: {  	v54 =	vld [tilespmem:$0x193C0];
	v3 =	vadd.f32 v10, v3;
	v51 =	vmul.f32 v20, v16;
	v4 =	vadd.f32 v47, v4  }
0x3fc: {  	v17 =	vld [tilespmem:s0+$0x30];
	v1 =	vadd.f32 v1, v2;
	v55 =	vmul.f32 v22, v16;
	v2 =	vadd.f32 v49, v7  }
0x3fd: {  	v58 =	vld [tilespmem:$0x193E0];
	v53 =	vmul.f32 v21, v16;
	v8 =	vadd.f32 v51, v8;
	v4 =	vadd.f32 v46, v4  }
0x3fe: {  	v56 =	vld [tilespmem:$0x193D0];
	v59 =	vmul.f32 v45, v16;
	v6 =	vadd.f32 v55, v6;
	v2 =	vadd.f32 v48, v2  }
0x3ff: {  	v57 =	vmul.f32 v23, v16;
	v5 =	vadd.f32 v53, v5;
	v60 =	vadd.f32 v50, v8;
	[tilespmem:$0x1A600] =	vst v4  }
0x400: {  	v61 =	vld [tilespmem:$0x193F0];
	v1 =	vadd.f32 v59, v1;
	v63 =	vadd.f32 v54, v6;
	[tilespmem:$0x1A610] =	vst v2  }
.Ltmp21:
0x401: {  	v62 =	vmul.f32 v17, v16;
	v3 =	vadd.f32 v57, v3;
	v2 =	vadd.f32 v52, v5;
	[tilespmem:$0x1A620] =	vst v60;
	(pc) =	sbr.rel .LBB2_27-.Ltmp21, $4  }
0x402: {  	v1 =	vadd.f32 v58, v1;
	[tilespmem:$0x1A640] =	vst v63  }
0x403: {  	v0 =	vadd.f32 v62, v0;
	[tilespmem:$0x1A630] =	vst v2;
	v2 =	vadd.f32 v56, v3  }
0x404: {  	s25 =	rddreg [dreg:$0x8];
	[tilespmem:$0x1A660] =	vst v1  }
0x405: {  	s24 =	stileid.u32;
	s8 =	rddreg [dreg:$0x9];
	v0 =	vadd.f32 v61, v0;
	[tilespmem:$0x1A650] =	vst v2  }
.LBB2_24:
0x406: {  	p0 =	seq.s32 s24, $0x2  }
.Ltmp22:
0x407: {  	_ = 	snop;
	(pc) =	sbr.rel @p0 .LBB2_28-.Ltmp22, $1  }
0x408: {  	_ =	sdelay $0x3  }
0x409: {  	p0 =	sne.s32 s24, $0x3  }
.Ltmp23:
0x40a: {  	_ = 	snop;
	(pc) =	sbr.rel @p0 .LBB2_29-.Ltmp23, $1  }
0x40b: {  	_ =	sdelay $0x3  }
0x40c: {  	s0 =	simm.s32 $0x0;
	s1 =	simm.s32 $0x14F00;
	s29 =	simm.s32 $0x3  }
0x40d: {  	[tilespmem:s1], [sflag:$0x3] =	stream.linear.gather [hbm4b:s5+s0], $0x80, $0x38;
	[tilespmem:$0x1A680] =	vst v63  }
0x40e: {  	_ =	swait.ge [sflag:s29], $0x80  }
0x40f: {  	s30 =	simm.s32 $0x8;
	[sflag:s29] =	ssyncset.done $0x0  }
0x410: {  	s2 =	simm.s32 $0x14F80;
	s31 =	simm.s32 $0x1;
	[sflag:s29] =	ssyncadd.s32 $0xFFFFFF80  }
0x411: {  	[tilespmem:s2], [sflag:$0x1] =	stream.indirect.gather [hbm4b:s4+s30], $0x80, s1, s30, $0xb8;
	[tilespmem:$0x1A680] =	vst v63  }
0x412: {  	_ =	swait.ge [sflag:s31], $0x400  }
0x413: {  	[sflag:s31] =	ssyncset.done $0x0  }
0x414: {  	[sflag:s31] =	ssyncadd.s32 $0xFFFFFC00  }
0x415: {  	v0 =	vld [tilespmem:$0x14F80]  }
0x416: {  	v1 =	vld [tilespmem:$0x15000]  }
0x417: {  	v2 =	vld [tilespmem:$0x15080]  }
0x418: {  	v3 =	vld [tilespmem:$0x15100]  }
0x419: {  	v4 =	vld [tilespmem:$0x15180]  }
0x41a: {  	v5 =	vld [tilespmem:$0x15200]  }
0x41b: {  	v6 =	vld [tilespmem:$0x15280]  }
0x41c: {  	v7 =	vld [tilespmem:$0x15300]  }
0x41d: {  	v8 =	vld [tilespmem:$0x14F90]  }
0x41e: {  	v9 =	vld [tilespmem:$0x15010]  }
0x41f: {  	v10 =	vld [tilespmem:$0x15090]  }
0x420: {  	v11 =	vld [tilespmem:$0x15110]  }
0x421: {  	v12 =	vld [tilespmem:$0x15190]  }
0x422: {  	v13 =	vld [tilespmem:$0x15210]  }
0x423: {  	v14 =	vld [tilespmem:$0x15290]  }
0x424: {  	v15 =	vld [tilespmem:$0x15310]  }
0x425: {  	v16 =	vld [tilespmem:$0x14FA0]  }
0x426: {  	v17 =	vld [tilespmem:$0x15020]  }
0x427: {  	v18 =	vld [tilespmem:$0x150A0]  }
0x428: {  	v19 =	vld [tilespmem:$0x15120]  }
0x429: {  	v20 =	vld [tilespmem:$0x151A0]  }
0x42a: {  	v21 =	vld [tilespmem:$0x15220]  }
0x42b: {  	v22 =	vld [tilespmem:$0x152A0]  }
0x42c: {  	v23 =	vld [tilespmem:$0x15320]  }
0x42d: {  	v24 =	vld [tilespmem:$0x14FB0]  }
0x42e: {  	v25 =	vld [tilespmem:$0x15030]  }
0x42f: {  	v26 =	vld [tilespmem:$0x150B0]  }
0x430: {  	v27 =	vld [tilespmem:$0x15130]  }
0x431: {  	v28 =	vld [tilespmem:$0x151B0]  }
0x432: {  	v29 =	vld [tilespmem:$0x15230]  }
0x433: {  	v30 =	vld [tilespmem:$0x152B0]  }
0x434: {  	v31 =	vld [tilespmem:$0x15330]  }
0x435: {  	v32 =	vld [tilespmem:$0x14FC0]  }
0x436: {  	v33 =	vld [tilespmem:$0x15040]  }
0x437: {  	v34 =	vld [tilespmem:$0x150C0]  }
0x438: {  	v35 =	vld [tilespmem:$0x15140]  }
0x439: {  	v49 =	vld [tilespmem:$0x14FF0]  }
0x43a: {  	v51 =	vld [tilespmem:$0x15070]  }
0x43b: {  	v62 =	vld [tilespmem:$0x14FD0]  }
0x43c: {  	v39 =	vld [tilespmem:$0x15050]  }
0x43d: {  	v36 =	vld [tilespmem:$0x151C0];
	v0 =	vadd.f32 v1, v0;
	v63 =	vadd.f32 v17, v16  }
0x43e: {  	v37 =	vld [tilespmem:$0x15240];
	v40 =	vadd.f32 v25, v24;
	v50 =	vadd.f32 v33, v32  }
0x43f: {  	v38 =	vld [tilespmem:$0x15340];
	v56 =	vadd.f32 v51, v49;
	v0 =	vadd.f32 v2, v0  }
0x440: {  	v41 =	vld [tilespmem:$0x15150];
	v2 =	vadd.f32 v9, v8;
	v9 =	vadd.f32 v18, v63  }
0x441: {  	v42 =	vld [tilespmem:$0x151D0];
	v8 =	vadd.f32 v39, v62;
	v0 =	vadd.f32 v3, v0  }
0x442: {  	v2 =	vadd.f32 v10, v2;
	v3 =	vld [tilespmem:$0x150D0];
	v9 =	vadd.f32 v19, v9  }
0x443: {  	v43 =	vld [tilespmem:$0x15250];
	v10 =	vadd.f32 v26, v40;
	v0 =	vadd.f32 v4, v0  }
0x444: {  	v46 =	vld [tilespmem:$0x14FE0];
	v2 =	vadd.f32 v11, v2;
	v9 =	vadd.f32 v20, v9  }
0x445: {  	v47 =	vld [tilespmem:$0x15060];
	v10 =	vadd.f32 v27, v10;
	v0 =	vadd.f32 v5, v0  }
0x446: {  	v44 =	vld [tilespmem:$0x152D0];
	v2 =	vadd.f32 v12, v2;
	v9 =	vadd.f32 v21, v9  }
0x447: {  	v45 =	vld [tilespmem:$0x15350];
	v10 =	vadd.f32 v28, v10;
	v3 =	vadd.f32 v3, v8  }
0x448: {  	v48 =	vld [tilespmem:$0x150E0];
	v0 =	vadd.f32 v6, v0;
	v2 =	vadd.f32 v13, v2  }
0x449: {  	v52 =	vld [tilespmem:$0x15160];
	v9 =	vadd.f32 v22, v9;
	v10 =	vadd.f32 v29, v10  }
0x44a: {  	v53 =	vld [tilespmem:$0x150F0];
	v6 =	vadd.f32 v47, v46;
	v2 =	vadd.f32 v14, v2  }
0x44b: {  	v54 =	vld [tilespmem:$0x151E0];
	v3 =	vadd.f32 v41, v3;
	v0 =	vadd.f32 v7, v0  }
0x44c: {  	v55 =	vld [tilespmem:$0x15170];
	v2 =	vadd.f32 v15, v2;
	v15 =	vadd.f32 v34, v50  }
0x44d: {  	v57 =	vld [tilespmem:$0x15260];
	v9 =	vadd.f32 v23, v9;
	v10 =	vadd.f32 v30, v10  }
0x44e: {  	v58 =	vld [tilespmem:$0x151F0];
	v6 =	vadd.f32 v48, v6;
	v15 =	vadd.f32 v35, v15  }
0x44f: {  	v1 =	vld [tilespmem:$0x152C0];
	v7 =	vadd.f32 v53, v56;
	v3 =	vadd.f32 v42, v3  }
0x450: {  	v60 =	vld [tilespmem:$0x15270];
	v6 =	vadd.f32 v52, v6;
	v15 =	vadd.f32 v36, v15  }
0x451: {  	v59 =	vld [tilespmem:$0x152E0];
	v10 =	vadd.f32 v31, v10;
	v7 =	vadd.f32 v55, v7  }
0x452: {  	v61 =	vld [tilespmem:$0x15360];
	v6 =	vadd.f32 v54, v6;
	v15 =	vadd.f32 v37, v15  }
0x453: {  	v62 =	vld [tilespmem:$0x152F0];
	v3 =	vadd.f32 v43, v3;
	v63 =	vadd.f32 v58, v7  }
0x454: {  	[tilespmem:$0x1A600] =	vst v0;
	v0 =	vadd.f32 v57, v6;
	v1 =	vadd.f32 v1, v15  }
0x455: {  	[tilespmem:$0x1A610] =	vst v2;
	v2 =	vadd.f32 v44, v3;
	v3 =	vld [tilespmem:$0x15370];
	v4 =	vadd.f32 v60, v63  }
0x456: {  	[tilespmem:$0x1A620] =	vst v9;
	v0 =	vadd.f32 v59, v0;
	v1 =	vadd.f32 v38, v1  }
0x457: {  	[tilespmem:$0x1A630] =	vst v10;
	v2 =	vadd.f32 v45, v2  }
0x458: {  	v0 =	vadd.f32 v61, v0;
	[tilespmem:$0x1A640] =	vst v1;
	v1 =	vadd.f32 v62, v4  }
0x459: {  	[tilespmem:$0x1A650] =	vst v2  }
0x45a: {  	s8 =	smov.u32 s6;
	[tilespmem:$0x1A660] =	vst v0;
	v0 =	vadd.f32 v3, v1  }
.LBB2_27:
0x45b: {  	_ = 	snop  }
0x45c: {  	[tilespmem:$0x1A670] =	vst v0  }
.LBB2_28:
0x45d: {  	s0 =	simm.s32 $0x0;
	s1 =	simm.s32 $0x1A600;
	s31 =	simm.s32 $0x3  }
0x45e: {  	[hbm4b:s8+s0] =	stream.linear.scatter [tilespmem:s1], [sflag:$0x3], $0x80, $0x38;
	[tilespmem:$0x1A680] =	vst v63  }
0x45f: {  	_ =	swait.ge [sflag:s31], $0x80  }
0x460: {  	[sflag:s31] =	ssyncset.done $0x0  }
0x461: {  	[sflag:s31] =	ssyncadd.s32 $0xFFFFFF80  }
.LBB2_29:
0x462: {  	_ =	sfence.sel $0x180000  }
0x463: {  	[bflag:$0x0] =	sbarrier.arrive $0xFFFF  }
0x464: {  	p0 =	sne.s32 s24, $0x0;
	_ =	strace $0x90000047  }
0x465: {  	s0 =	sadd.s32 @!p0 $0x100000, s25;
	[bflag:$0x2] =	sbarrier.arrive $0xFFFF  }
0x466: {  	[sflag:s0] =	ssyncadd.tile.s32 @!p0 $0x1;
	_ =	shalt  }
.Lfunc_end2:
_tile_overlayer_lowered:
.L_overlay_start_2:
0x467: {  	(tag) =	ssettag $0x2  }
0x468: {  	s0 =	rddreg [dreg:$0x0];
	s2 =	stileid.u32  }
0x469: {  	s1 =	rddreg [dreg:$0x1];
	p0 =	sne.s32 s2, $0x0  }
0x46a: {  	s3 =	rddreg [dreg:$0x2];
	[bflag:$0x3] =	sbarrier.arrive $0xFFFF;
	s2 =	simm.s32 @!p0 $0x1C03  }
0x46b: {  	[timem:s3], [sflag:s2] =	dma.local @!p0 [hbm:s0], s1  }
0x46c: {  	s0 =	simm.s32 @!p0 $0x3  }
0x46d: {  	_ =	swait.ge @!p0 [sflag:s0], s1  }
0x46e: {  	s1 =	ssub.s32 @!p0 $0x0, s1;
	[sflag:s0] =	ssyncset.done @!p0 $0x0  }
0x46f: {  	[sflag:s0] =	ssyncadd.s32 @!p0 s1  }
0x470: {  	[bflag:$0x3] =	sbarrier.arrive $0xFFFF  }
0x471: {  	_ =	shalt  }

</sc_bundles>
